<compile_context>
chip_gen: v7x
topology: tpu7x:2x2x1
jax: 0.10.2.dev20260603
libtpu: 0.0.44.dev20260713+nightly
codegen_flags: <defaults>
</compile_context>

<pallas_src>
import jax
import numpy as np
import jax.numpy as jnp
from jax import lax
from jax.experimental import pallas as pl
from jax.experimental.pallas import tpu as pltpu
from jax.experimental.pallas import tpu_sc as plsc

D_MODEL = 768
B = 4
S = 4096
EPS = 1e-12
NW = 32
P_PER_W = S // NW
G = 32
NCHUNK = (P_PER_W // G) * B
NJ = D_MODEL // 16


_GDN = lax.GatherDimensionNumbers(
    offset_dims=(), collapsed_slice_dims=(0,), start_index_map=(0,))


def _lane_perm(x, sh):
    perm = lax.iota(jnp.int32, 16) ^ sh
    return lax.gather(x, perm[:, None], _GDN, slice_sizes=(1,),
                      mode=lax.GatherScatterMode.PROMISE_IN_BOUNDS)


def _ln_tokens(rows_v, hbase, pos_v, pbase, g_v, b_v):

    @plsc.parallel_loop(0, G, 1, unroll=1)
    def token_body(t):
        r = hbase + t
        p = pbase + t
        acc = jnp.zeros((16,), jnp.float32)
        acc2 = jnp.zeros((16,), jnp.float32)
        for j in range(NJ):
            sl = pl.ds(j * 16, 16)
            x = rows_v[r, sl] + pos_v[p, sl]
            rows_v[r, sl] = x
            acc = acc + x
            acc2 = acc2 + x * x
        for sh in (8, 4, 2, 1):
            acc = acc + _lane_perm(acc, sh)
            acc2 = acc2 + _lane_perm(acc2, sh)
        mean_v = acc * (1.0 / D_MODEL)
        v = acc2 * (1.0 / D_MODEL) - mean_v * mean_v + EPS
        iv = plsc.bitcast(v, jnp.int32)
        iv = 0x5F3759DF - (iv >> 1)
        y = plsc.bitcast(iv, jnp.float32)
        half_v = 0.5 * v
        for _n in range(3):
            y = y * (1.5 - half_v * y * y)
        for j in range(NJ):
            sl = pl.ds(j * 16, 16)
            x = rows_v[r, sl]
            rows_v[r, sl] = (x - mean_v) * y * g_v[sl] + b_v[sl]


def _sc_body(ids_hbm, wt_hbm, pt_hbm, g_hbm, b_hbm, out_hbm,
             idx_all, rows_v, pos_v, g_v, b_v, gsem, ssem):
    wid = lax.axis_index("s") * 2 + lax.axis_index("c")
    p0 = wid * P_PER_W
    pltpu.sync_copy(g_hbm, g_v)
    pltpu.sync_copy(b_hbm, b_v)
    for bb in range(B):
        pltpu.sync_copy(ids_hbm.at[pl.ds(bb * S + p0, P_PER_W)],
                        idx_all.at[pl.ds(bb * P_PER_W, P_PER_W)])

    def idx_off(c):
        return (c % B) * P_PER_W + (c // B) * G

    def tok_of(c):
        return (c % B) * S + p0 + (c // B) * G

    def start_gather(c):
        half = (c % 2) * G
        src = wt_hbm.at[idx_all.at[pl.ds(idx_off(c), G)]]
        pltpu.make_async_copy(src, rows_v.at[pl.ds(half, G)], gsem).start()

    def wait_rows(sem):
        pltpu.make_async_copy(wt_hbm.at[idx_all.at[pl.ds(0, G)]],
                              rows_v.at[pl.ds(0, G)], sem).wait()

    def start_store(c):
        half = (c % 2) * G
        pltpu.make_async_copy(rows_v.at[pl.ds(half, G)],
                              out_hbm.at[pl.ds(tok_of(c), G)], ssem).start()

    start_gather(0)

    def run_chunks():
        def chunk_body(c, _):
            hbase = (c % 2) * G

            @pl.when(c + 1 < NCHUNK)
            def _():
                @pl.when(c >= 1)
                def _():
                    wait_rows(ssem)

                start_gather(c + 1)

            wait_rows(gsem)

            @pl.when(lax.rem(c, B) == 0)
            def _():
                pltpu.sync_copy(pt_hbm.at[pl.ds(p0 + (c // B) * G, G)], pos_v)

            _ln_tokens(rows_v, hbase, pos_v, 0, g_v, b_v)
            start_store(c)
            return 0

        lax.fori_loop(0, NCHUNK, chunk_body, 0)

    run_chunks()
    wait_rows(ssem)
    wait_rows(ssem)


@jax.jit
def _run(ids_flat, word_table, pos_table, gamma, beta):
    mesh = plsc.VectorSubcoreMesh(core_axis_name="c", subcore_axis_name="s", num_cores=2, num_subcores=16)
    k = pl.kernel(
        _sc_body,
        out_type=jax.ShapeDtypeStruct((B * S, D_MODEL), jnp.float32),
        mesh=mesh,
        compiler_params=pltpu.CompilerParams(needs_layout_passes=False),
        scratch_types=[
            pltpu.VMEM((B * P_PER_W,), jnp.int32),
            pltpu.VMEM((2 * G, D_MODEL), jnp.float32),
            pltpu.VMEM((G, D_MODEL), jnp.float32),
            pltpu.VMEM((D_MODEL,), jnp.float32),
            pltpu.VMEM((D_MODEL,), jnp.float32),
            pltpu.SemaphoreType.DMA,
            pltpu.SemaphoreType.DMA,
        ],
    )
    return k(ids_flat, word_table, pos_table, gamma, beta)


def kernel(input_ids, word_table, pos_table, gamma, beta):
    ids_flat = jnp.reshape(input_ids.astype(jnp.int32), (B * S,))
    out = _run(ids_flat, word_table, pos_table, gamma, beta)
    return jnp.reshape(out, (B, S, D_MODEL))

# --- scband reference (transcript-rebuilt; emitter-appended) ---
"""Pipeline reference for scband-embeddings-31430570672306 (READ-ONLY COPY).

The authoritative reference and input builder live on the scoring server;
editing this copy changes nothing except your own understanding.
"""

import jax, jax.numpy as jnp
import numpy as np

D_MODEL = 768
VOCAB = 100000
MAX_POS = 4096
B = 4
S = 4096
EPS = 1e-12


def _sinusoidal(nb_p, dim):
    p = np.arange(nb_p, dtype=np.float64)[:, None]
    j = np.arange(dim, dtype=np.float64)[None, :]
    theta = p / np.power(10000.0, 2.0 * np.floor(j / 2.0) / dim)
    E = np.zeros((nb_p, dim), dtype=np.float32)
    E[:, 0::2] = np.sin(theta[:, 0::2])
    E[:, 1::2] = np.cos(theta[:, 1::2])
    return jnp.asarray(E)


def setup_inputs(seed: int = 0) -> dict:
    key = jax.random.key(seed)
    k1, k2 = jax.random.split(key, 2)
    input_ids = jax.random.randint(k1, (B, S), 0, VOCAB, dtype=jnp.int64 if jax.config.jax_enable_x64 else jnp.int32)
    word_table = jax.random.normal(k2, (VOCAB, D_MODEL), dtype=jnp.float32) * 0.02
    # padding_idx=1 row initialized to zeros like nn.Embedding(padding_idx=1)
    word_table = word_table.at[1].set(0.0)
    pos_table = _sinusoidal(MAX_POS, D_MODEL)
    gamma = jnp.ones((D_MODEL,), dtype=jnp.float32)
    beta = jnp.zeros((D_MODEL,), dtype=jnp.float32)
    return {"input_ids": input_ids, "word_table": word_table, "pos_table": pos_table, "gamma": gamma, "beta": beta}


def reference(input_ids, word_table, pos_table, gamma, beta):
    seq_length = input_ids.shape[1]
    position_ids = jnp.arange(seq_length, dtype=input_ids.dtype)
    position_ids = jnp.broadcast_to(position_ids[None, :], input_ids.shape)
    word_embeddings = jnp.take(word_table, input_ids, axis=0)
    position_embeddings = jnp.take(pos_table, position_ids, axis=0)
    embeddings = word_embeddings + position_embeddings
    mean = jnp.mean(embeddings, axis=-1, keepdims=True)
    var = jnp.mean(jnp.square(embeddings - mean), axis=-1, keepdims=True)
    normed = (embeddings - mean) / jnp.sqrt(var + EPS)
    out = normed * gamma + beta
    return out

if __name__ == "__main__":
    import jax
    _d = setup_inputs()
    print(jax.jit(kernel)(*tuple(_d.values())))

</pallas_src>

<mosaic_0001>
#map = affine_map<(d0, d1) -> (0)>
#map1 = affine_map<(d0, d1) -> (0, 0)>
module attributes {stable_mosaic.version = 14 : i64} {
  func.func @_sc_body(%arg0: i32, %arg1: i32, %arg2: memref<16384xi32, #tpu.memory_space<hbm>>, %arg3: memref<100000x768xf32, #tpu.memory_space<hbm>>, %arg4: memref<4096x768xf32, #tpu.memory_space<hbm>>, %arg5: memref<768xf32, #tpu.memory_space<hbm>>, %arg6: memref<768xf32, #tpu.memory_space<hbm>>, %arg7: memref<16384x768xf32, #tpu.memory_space<hbm>>, %arg8: memref<512xi32, #tpu.memory_space<vmem>>, %arg9: memref<64x768xf32, #tpu.memory_space<vmem>>, %arg10: memref<32x768xf32, #tpu.memory_space<vmem>>, %arg11: memref<768xf32, #tpu.memory_space<vmem>>, %arg12: memref<768xf32, #tpu.memory_space<vmem>>, %arg13: memref<!tpu.dma_semaphore, #tpu.memory_space<semaphore_mem>>, %arg14: memref<!tpu.dma_semaphore, #tpu.memory_space<semaphore_mem>>) attributes {dimension_semantics = [#tpu.dimension_semantics<core_parallel>, #tpu.dimension_semantics<subcore_parallel>], iteration_bounds = array<i64: 2, 16>, scalar_prefetch = 0 : i64, scratch_operands = 7 : i64, tpu.core_type = #tpu.core_type<sc_vector_subcore>, window_params = [{transform_indices = #map}, {transform_indices = #map1}, {transform_indices = #map1}, {transform_indices = #map}, {transform_indices = #map}, {transform_indices = #map1}]} {
    %mul3A = arith.constant 2 : i32
    %mul3A_0 = arith.muli %arg1, %mul3A : i32
    %add3A = arith.addi %mul3A_0, %arg0 : i32
    %mul3A_1 = arith.constant 128 : i32
    %mul3A_2 = arith.muli %add3A, %mul3A_1 : i32
    "tpu.region"() ({
      %run_scoped3A = tpu.sem_alloc : memref<!tpu.dma_semaphore, #tpu.memory_space<semaphore_mem>>
      tpu.enqueue_dma source(%arg5 : memref<768xf32, #tpu.memory_space<hbm>>) target(%arg11 : memref<768xf32, #tpu.memory_space<vmem>>) target_semaphore(%run_scoped3A : memref<!tpu.dma_semaphore, #tpu.memory_space<semaphore_mem>>)
      tpu.wait_dma2 semaphore(%run_scoped3A : memref<!tpu.dma_semaphore, #tpu.memory_space<semaphore_mem>>) src(%arg5 : memref<768xf32, #tpu.memory_space<hbm>>) dst(%arg11 : memref<768xf32, #tpu.memory_space<vmem>>)
      tpu.yield
    }) : () -> ()
    "tpu.region"() ({
      %run_scoped3A = tpu.sem_alloc : memref<!tpu.dma_semaphore, #tpu.memory_space<semaphore_mem>>
      tpu.enqueue_dma source(%arg6 : memref<768xf32, #tpu.memory_space<hbm>>) target(%arg12 : memref<768xf32, #tpu.memory_space<vmem>>) target_semaphore(%run_scoped3A : memref<!tpu.dma_semaphore, #tpu.memory_space<semaphore_mem>>)
      tpu.wait_dma2 semaphore(%run_scoped3A : memref<!tpu.dma_semaphore, #tpu.memory_space<semaphore_mem>>) src(%arg6 : memref<768xf32, #tpu.memory_space<hbm>>) dst(%arg12 : memref<768xf32, #tpu.memory_space<vmem>>)
      tpu.yield
    }) : () -> ()
    %add3A_3 = arith.constant 0 : i32
    %add3A_4 = arith.addi %add3A_3, %mul3A_2 : i32
    "tpu.region"() ({
      %run_scoped3A = tpu.sem_alloc : memref<!tpu.dma_semaphore, #tpu.memory_space<semaphore_mem>>
      %dma_start3A_39 = arith.constant 0 : i32
      %dma_start3A_40 = tpu.memref_slice %arg8[%dma_start3A_39] : memref<512xi32, #tpu.memory_space<vmem>> -> memref<128xi32, #tpu.memory_space<vmem>>
      %dma_start3A_41 = tpu.memref_slice %arg2[%add3A_4] : memref<16384xi32, #tpu.memory_space<hbm>> -> memref<128xi32, #tpu.memory_space<hbm>>
      %dma_start3A_42 = arith.constant 0 : i32
      %dma_start3A_43 = tpu.memref_slice %arg8[%dma_start3A_42] : memref<512xi32, #tpu.memory_space<vmem>> -> memref<128xi32, #tpu.memory_space<vmem>>
      %dma_start3A_44 = tpu.memref_slice %arg2[%add3A_4] : memref<16384xi32, #tpu.memory_space<hbm>> -> memref<128xi32, #tpu.memory_space<hbm>>
      tpu.enqueue_dma source(%dma_start3A_44 : memref<128xi32, #tpu.memory_space<hbm>>) target(%dma_start3A_43 : memref<128xi32, #tpu.memory_space<vmem>>) target_semaphore(%run_scoped3A : memref<!tpu.dma_semaphore, #tpu.memory_space<semaphore_mem>>)
      %dma_wait3A_45 = arith.constant 0 : i32
      %dma_wait3A_46 = tpu.memref_slice %arg8[%dma_wait3A_45] : memref<512xi32, #tpu.memory_space<vmem>> -> memref<128xi32, #tpu.memory_space<vmem>>
      %dma_wait3A_47 = tpu.memref_slice %arg2[%add3A_4] : memref<16384xi32, #tpu.memory_space<hbm>> -> memref<128xi32, #tpu.memory_space<hbm>>
      %dma_wait3A_48 = arith.constant 0 : i32
      %dma_wait3A_49 = tpu.memref_slice %arg8[%dma_wait3A_48] : memref<512xi32, #tpu.memory_space<vmem>> -> memref<128xi32, #tpu.memory_space<vmem>>
      %dma_wait3A_50 = tpu.memref_slice %arg2[%add3A_4] : memref<16384xi32, #tpu.memory_space<hbm>> -> memref<128xi32, #tpu.memory_space<hbm>>
      tpu.wait_dma2 semaphore(%run_scoped3A : memref<!tpu.dma_semaphore, #tpu.memory_space<semaphore_mem>>) src(%dma_wait3A_50 : memref<128xi32, #tpu.memory_space<hbm>>) dst(%dma_wait3A_49 : memref<128xi32, #tpu.memory_space<vmem>>)
      tpu.yield
    }) : () -> ()
    %add3A_5 = arith.constant 4096 : i32
    %add3A_6 = arith.addi %add3A_5, %mul3A_2 : i32
    "tpu.region"() ({
      %run_scoped3A = tpu.sem_alloc : memref<!tpu.dma_semaphore, #tpu.memory_space<semaphore_mem>>
      %dma_start3A_39 = arith.constant 128 : i32
      %dma_start3A_40 = tpu.memref_slice %arg8[%dma_start3A_39] : memref<512xi32, #tpu.memory_space<vmem>> -> memref<128xi32, #tpu.memory_space<vmem>>
      %dma_start3A_41 = tpu.memref_slice %arg2[%add3A_6] : memref<16384xi32, #tpu.memory_space<hbm>> -> memref<128xi32, #tpu.memory_space<hbm>>
      %dma_start3A_42 = arith.constant 128 : i32
      %dma_start3A_43 = tpu.memref_slice %arg8[%dma_start3A_42] : memref<512xi32, #tpu.memory_space<vmem>> -> memref<128xi32, #tpu.memory_space<vmem>>
      %dma_start3A_44 = tpu.memref_slice %arg2[%add3A_6] : memref<16384xi32, #tpu.memory_space<hbm>> -> memref<128xi32, #tpu.memory_space<hbm>>
      tpu.enqueue_dma source(%dma_start3A_44 : memref<128xi32, #tpu.memory_space<hbm>>) target(%dma_start3A_43 : memref<128xi32, #tpu.memory_space<vmem>>) target_semaphore(%run_scoped3A : memref<!tpu.dma_semaphore, #tpu.memory_space<semaphore_mem>>)
      %dma_wait3A_45 = arith.constant 128 : i32
      %dma_wait3A_46 = tpu.memref_slice %arg8[%dma_wait3A_45] : memref<512xi32, #tpu.memory_space<vmem>> -> memref<128xi32, #tpu.memory_space<vmem>>
      %dma_wait3A_47 = tpu.memref_slice %arg2[%add3A_6] : memref<16384xi32, #tpu.memory_space<hbm>> -> memref<128xi32, #tpu.memory_space<hbm>>
      %dma_wait3A_48 = arith.constant 128 : i32
      %dma_wait3A_49 = tpu.memref_slice %arg8[%dma_wait3A_48] : memref<512xi32, #tpu.memory_space<vmem>> -> memref<128xi32, #tpu.memory_space<vmem>>
      %dma_wait3A_50 = tpu.memref_slice %arg2[%add3A_6] : memref<16384xi32, #tpu.memory_space<hbm>> -> memref<128xi32, #tpu.memory_space<hbm>>
      tpu.wait_dma2 semaphore(%run_scoped3A : memref<!tpu.dma_semaphore, #tpu.memory_space<semaphore_mem>>) src(%dma_wait3A_50 : memref<128xi32, #tpu.memory_space<hbm>>) dst(%dma_wait3A_49 : memref<128xi32, #tpu.memory_space<vmem>>)
      tpu.yield
    }) : () -> ()
    %add3A_7 = arith.constant 8192 : i32
    %add3A_8 = arith.addi %add3A_7, %mul3A_2 : i32
    "tpu.region"() ({
      %run_scoped3A = tpu.sem_alloc : memref<!tpu.dma_semaphore, #tpu.memory_space<semaphore_mem>>
      %dma_start3A_39 = arith.constant 256 : i32
      %dma_start3A_40 = tpu.memref_slice %arg8[%dma_start3A_39] : memref<512xi32, #tpu.memory_space<vmem>> -> memref<128xi32, #tpu.memory_space<vmem>>
      %dma_start3A_41 = tpu.memref_slice %arg2[%add3A_8] : memref<16384xi32, #tpu.memory_space<hbm>> -> memref<128xi32, #tpu.memory_space<hbm>>
      %dma_start3A_42 = arith.constant 256 : i32
      %dma_start3A_43 = tpu.memref_slice %arg8[%dma_start3A_42] : memref<512xi32, #tpu.memory_space<vmem>> -> memref<128xi32, #tpu.memory_space<vmem>>
      %dma_start3A_44 = tpu.memref_slice %arg2[%add3A_8] : memref<16384xi32, #tpu.memory_space<hbm>> -> memref<128xi32, #tpu.memory_space<hbm>>
      tpu.enqueue_dma source(%dma_start3A_44 : memref<128xi32, #tpu.memory_space<hbm>>) target(%dma_start3A_43 : memref<128xi32, #tpu.memory_space<vmem>>) target_semaphore(%run_scoped3A : memref<!tpu.dma_semaphore, #tpu.memory_space<semaphore_mem>>)
      %dma_wait3A_45 = arith.constant 256 : i32
      %dma_wait3A_46 = tpu.memref_slice %arg8[%dma_wait3A_45] : memref<512xi32, #tpu.memory_space<vmem>> -> memref<128xi32, #tpu.memory_space<vmem>>
      %dma_wait3A_47 = tpu.memref_slice %arg2[%add3A_8] : memref<16384xi32, #tpu.memory_space<hbm>> -> memref<128xi32, #tpu.memory_space<hbm>>
      %dma_wait3A_48 = arith.constant 256 : i32
      %dma_wait3A_49 = tpu.memref_slice %arg8[%dma_wait3A_48] : memref<512xi32, #tpu.memory_space<vmem>> -> memref<128xi32, #tpu.memory_space<vmem>>
      %dma_wait3A_50 = tpu.memref_slice %arg2[%add3A_8] : memref<16384xi32, #tpu.memory_space<hbm>> -> memref<128xi32, #tpu.memory_space<hbm>>
      tpu.wait_dma2 semaphore(%run_scoped3A : memref<!tpu.dma_semaphore, #tpu.memory_space<semaphore_mem>>) src(%dma_wait3A_50 : memref<128xi32, #tpu.memory_space<hbm>>) dst(%dma_wait3A_49 : memref<128xi32, #tpu.memory_space<vmem>>)
      tpu.yield
    }) : () -> ()
    %add3A_9 = arith.constant 12288 : i32
    %add3A_10 = arith.addi %add3A_9, %mul3A_2 : i32
    "tpu.region"() ({
      %run_scoped3A = tpu.sem_alloc : memref<!tpu.dma_semaphore, #tpu.memory_space<semaphore_mem>>
      %dma_start3A_39 = arith.constant 384 : i32
      %dma_start3A_40 = tpu.memref_slice %arg8[%dma_start3A_39] : memref<512xi32, #tpu.memory_space<vmem>> -> memref<128xi32, #tpu.memory_space<vmem>>
      %dma_start3A_41 = tpu.memref_slice %arg2[%add3A_10] : memref<16384xi32, #tpu.memory_space<hbm>> -> memref<128xi32, #tpu.memory_space<hbm>>
      %dma_start3A_42 = arith.constant 384 : i32
      %dma_start3A_43 = tpu.memref_slice %arg8[%dma_start3A_42] : memref<512xi32, #tpu.memory_space<vmem>> -> memref<128xi32, #tpu.memory_space<vmem>>
      %dma_start3A_44 = tpu.memref_slice %arg2[%add3A_10] : memref<16384xi32, #tpu.memory_space<hbm>> -> memref<128xi32, #tpu.memory_space<hbm>>
      tpu.enqueue_dma source(%dma_start3A_44 : memref<128xi32, #tpu.memory_space<hbm>>) target(%dma_start3A_43 : memref<128xi32, #tpu.memory_space<vmem>>) target_semaphore(%run_scoped3A : memref<!tpu.dma_semaphore, #tpu.memory_space<semaphore_mem>>)
      %dma_wait3A_45 = arith.constant 384 : i32
      %dma_wait3A_46 = tpu.memref_slice %arg8[%dma_wait3A_45] : memref<512xi32, #tpu.memory_space<vmem>> -> memref<128xi32, #tpu.memory_space<vmem>>
      %dma_wait3A_47 = tpu.memref_slice %arg2[%add3A_10] : memref<16384xi32, #tpu.memory_space<hbm>> -> memref<128xi32, #tpu.memory_space<hbm>>
      %dma_wait3A_48 = arith.constant 384 : i32
      %dma_wait3A_49 = tpu.memref_slice %arg8[%dma_wait3A_48] : memref<512xi32, #tpu.memory_space<vmem>> -> memref<128xi32, #tpu.memory_space<vmem>>
      %dma_wait3A_50 = tpu.memref_slice %arg2[%add3A_10] : memref<16384xi32, #tpu.memory_space<hbm>> -> memref<128xi32, #tpu.memory_space<hbm>>
      tpu.wait_dma2 semaphore(%run_scoped3A : memref<!tpu.dma_semaphore, #tpu.memory_space<semaphore_mem>>) src(%dma_wait3A_50 : memref<128xi32, #tpu.memory_space<hbm>>) dst(%dma_wait3A_49 : memref<128xi32, #tpu.memory_space<vmem>>)
      tpu.yield
    }) : () -> ()
    %dma_start3A = arith.constant 0 : i32
    %dma_start3A_11 = arith.constant 0 : i32
    %dma_start3A_12 = tpu.memref_slice %arg9[%dma_start3A, %dma_start3A_11] : memref<64x768xf32, #tpu.memory_space<vmem>> -> memref<32x768xf32, #tpu.memory_space<vmem>>
    %dma_start3A_13 = arith.constant 0 : i32
    %dma_start3A_14 = tpu.memref_slice %arg8[%dma_start3A_13] : memref<512xi32, #tpu.memory_space<vmem>> -> memref<32xi32, #tpu.memory_space<vmem>>
    %dma_start3A_15 = arith.constant 0 : i32
    %dma_start3A_16 = arith.constant 0 : i32
    %dma_start3A_17 = tpu.memref_slice %arg3[%dma_start3A_15, %dma_start3A_16] : memref<100000x768xf32, #tpu.memory_space<hbm>> -> memref<100000x768xf32, #tpu.memory_space<hbm>>
    tpu.enqueue_indirect_dma source(%dma_start3A_17 : memref<100000x768xf32, #tpu.memory_space<hbm>>) target(%dma_start3A_12 : memref<32x768xf32, #tpu.memory_space<vmem>>) offsets(%dma_start3A_14 : memref<32xi32, #tpu.memory_space<vmem>>) semaphore(%arg13 : memref<!tpu.dma_semaphore, #tpu.memory_space<semaphore_mem>>)
    %scan3A = arith.constant 0 : i32
    %scan3A_18 = arith.constant 0 : i32
    %scan3A_19 = arith.constant 16 : i32
    %scan3A_20 = arith.addi %scan3A_18, %scan3A_19 : i32
    %scan3A_21 = arith.constant 1 : i32
    %scan3A_22 = scf.for %scan3A_39 = %scan3A_18 to %scan3A_20 step %scan3A_21 iter_args(%scan3A_40 = %scan3A) -> (i32)  : i32 {
      %jit3A = arith.constant 2 : i32
      %eq3A = arith.constant 0 : i32
      %eq3A_41 = arith.cmpi eq, %jit3A, %eq3A : i32
      %jit3A_42 = arith.constant 1 : i32
      %select_n3A = arith.select %eq3A_41, %jit3A_42, %jit3A : i32
      %rem3A = arith.remsi %scan3A_39, %select_n3A : i32
      %ne3A = arith.constant 0 : i32
      %ne3A_43 = arith.cmpi ne, %rem3A, %ne3A : i32
      %lt3A = arith.constant 0 : i32
      %lt3A_44 = arith.cmpi slt, %rem3A, %lt3A : i32
      %lt3A_45 = arith.constant 0 : i32
      %lt3A_46 = arith.cmpi slt, %select_n3A, %lt3A_45 : i32
      %ne3A_47 = arith.xori %lt3A_44, %lt3A_46 : i1
      %and3A = arith.andi %ne3A_47, %ne3A_43 : i1
      %add3A_48 = arith.addi %rem3A, %select_n3A : i32
      %select_n3A_49 = arith.select %and3A, %add3A_48, %rem3A : i32
      %mul3A_50 = arith.constant 32 : i32
      %mul3A_51 = arith.muli %select_n3A_49, %mul3A_50 : i32
      %add3A_52 = arith.constant 1 : i32
      %add3A_53 = arith.addi %scan3A_39, %add3A_52 : i32
      %lt3A_54 = arith.constant 16 : i32
      %lt3A_55 = arith.cmpi slt, %add3A_53, %lt3A_54 : i32
      %convert_element_type3A = arith.extui %lt3A_55 : i1 to i32
      %cond3A = arith.constant 0 : i32
      %cond3A_56 = arith.cmpi ne, %convert_element_type3A, %cond3A : i32
      scf.if %cond3A_56 {
        %ge3A = arith.constant 1 : i32
        %ge3A_144 = arith.cmpi sge, %scan3A_39, %ge3A : i32
        %convert_element_type3A_145 = arith.extui %ge3A_144 : i1 to i32
        %cond3A_146 = arith.constant 0 : i32
        %cond3A_147 = arith.cmpi ne, %convert_element_type3A_145, %cond3A_146 : i32
        scf.if %cond3A_147 {
          %dma_wait3A_219 = arith.constant 0 : i32
          %dma_wait3A_220 = arith.constant 0 : i32
          %dma_wait3A_221 = tpu.memref_slice %arg9[%dma_wait3A_219, %dma_wait3A_220] : memref<64x768xf32, #tpu.memory_space<vmem>> -> memref<32x768xf32, #tpu.memory_space<vmem>>
          %dma_wait3A_222 = arith.constant 0 : i32
          %dma_wait3A_223 = tpu.memref_slice %arg8[%dma_wait3A_222] : memref<512xi32, #tpu.memory_space<vmem>> -> memref<32xi32, #tpu.memory_space<vmem>>
          %dma_wait3A_224 = arith.constant 0 : i32
          %dma_wait3A_225 = arith.constant 0 : i32
          %dma_wait3A_226 = tpu.memref_slice %arg3[%dma_wait3A_224, %dma_wait3A_225] : memref<100000x768xf32, #tpu.memory_space<hbm>> -> memref<100000x768xf32, #tpu.memory_space<hbm>>
          tpu.wait_indirect_dma semaphore(%arg14 : memref<!tpu.dma_semaphore, #tpu.memory_space<semaphore_mem>>) src(%dma_wait3A_226 : memref<100000x768xf32, #tpu.memory_space<hbm>>) dst(%dma_wait3A_221 : memref<32x768xf32, #tpu.memory_space<vmem>>)
        } else {
        }
        %add3A_148 = arith.constant 1 : i32
        %add3A_149 = arith.addi %scan3A_39, %add3A_148 : i32
        %jit3A_150 = arith.constant 2 : i32
        %eq3A_151 = arith.constant 0 : i32
        %eq3A_152 = arith.cmpi eq, %jit3A_150, %eq3A_151 : i32
        %jit3A_153 = arith.constant 1 : i32
        %select_n3A_154 = arith.select %eq3A_152, %jit3A_153, %jit3A_150 : i32
        %rem3A_155 = arith.remsi %add3A_149, %select_n3A_154 : i32
        %ne3A_156 = arith.constant 0 : i32
        %ne3A_157 = arith.cmpi ne, %rem3A_155, %ne3A_156 : i32
        %lt3A_158 = arith.constant 0 : i32
        %lt3A_159 = arith.cmpi slt, %rem3A_155, %lt3A_158 : i32
        %lt3A_160 = arith.constant 0 : i32
        %lt3A_161 = arith.cmpi slt, %select_n3A_154, %lt3A_160 : i32
        %ne3A_162 = arith.xori %lt3A_159, %lt3A_161 : i1
        %and3A_163 = arith.andi %ne3A_162, %ne3A_157 : i1
        %add3A_164 = arith.addi %rem3A_155, %select_n3A_154 : i32
        %select_n3A_165 = arith.select %and3A_163, %add3A_164, %rem3A_155 : i32
        %mul3A_166 = arith.constant 32 : i32
        %mul3A_167 = arith.muli %select_n3A_165, %mul3A_166 : i32
        %jit3A_168 = arith.constant 4 : i32
        %eq3A_169 = arith.constant 0 : i32
        %eq3A_170 = arith.cmpi eq, %jit3A_168, %eq3A_169 : i32
        %jit3A_171 = arith.constant 1 : i32
        %select_n3A_172 = arith.select %eq3A_170, %jit3A_171, %jit3A_168 : i32
        %rem3A_173 = arith.remsi %add3A_149, %select_n3A_172 : i32
        %ne3A_174 = arith.constant 0 : i32
        %ne3A_175 = arith.cmpi ne, %rem3A_173, %ne3A_174 : i32
        %lt3A_176 = arith.constant 0 : i32
        %lt3A_177 = arith.cmpi slt, %rem3A_173, %lt3A_176 : i32
        %lt3A_178 = arith.constant 0 : i32
        %lt3A_179 = arith.cmpi slt, %select_n3A_172, %lt3A_178 : i32
        %ne3A_180 = arith.xori %lt3A_177, %lt3A_179 : i1
        %and3A_181 = arith.andi %ne3A_180, %ne3A_175 : i1
        %add3A_182 = arith.addi %rem3A_173, %select_n3A_172 : i32
        %select_n3A_183 = arith.select %and3A_181, %add3A_182, %rem3A_173 : i32
        %mul3A_184 = arith.constant 128 : i32
        %mul3A_185 = arith.muli %select_n3A_183, %mul3A_184 : i32
        %jit3A_186 = arith.constant 4 : i32
        %div3A_187 = arith.divsi %add3A_149, %jit3A_186 : i32
        %sign3A_188 = arith.constant 0 : i32
        %sign3A_189 = arith.cmpi sgt, %add3A_149, %sign3A_188 : i32
        %sign3A_190 = arith.extui %sign3A_189 : i1 to i32
        %sign3A_191 = arith.constant 0 : i32
        %sign3A_192 = arith.cmpi slt, %add3A_149, %sign3A_191 : i32
        %sign3A_193 = arith.extui %sign3A_192 : i1 to i32
        %sign3A_194 = arith.subi %sign3A_190, %sign3A_193 : i32
        %sign3A_195 = arith.constant 0 : i32
        %sign3A_196 = arith.cmpi sgt, %jit3A_186, %sign3A_195 : i32
        %sign3A_197 = arith.extui %sign3A_196 : i1 to i32
        %sign3A_198 = arith.constant 0 : i32
        %sign3A_199 = arith.cmpi slt, %jit3A_186, %sign3A_198 : i32
        %sign3A_200 = arith.extui %sign3A_199 : i1 to i32
        %sign3A_201 = arith.subi %sign3A_197, %sign3A_200 : i32
        %ne3A_202 = arith.cmpi ne, %sign3A_194, %sign3A_201 : i32
        %rem3A_203 = arith.remsi %add3A_149, %jit3A_186 : i32
        %ne3A_204 = arith.constant 0 : i32
        %ne3A_205 = arith.cmpi ne, %rem3A_203, %ne3A_204 : i32
        %and3A_206 = arith.andi %ne3A_202, %ne3A_205 : i1
        %sub3A_207 = arith.constant 1 : i32
        %sub3A_208 = arith.subi %div3A_187, %sub3A_207 : i32
        %select_n3A_209 = arith.select %and3A_206, %sub3A_208, %div3A_187 : i32
        %mul3A_210 = arith.constant 32 : i32
        %mul3A_211 = arith.muli %select_n3A_209, %mul3A_210 : i32
        %add3A_212 = arith.addi %mul3A_185, %mul3A_211 : i32
        %dma_start3A_213 = arith.constant 0 : i32
        %dma_start3A_214 = tpu.memref_slice %arg9[%mul3A_167, %dma_start3A_213] : memref<64x768xf32, #tpu.memory_space<vmem>> -> memref<32x768xf32, #tpu.memory_space<vmem>>
        %dma_start3A_215 = tpu.memref_slice %arg8[%add3A_212] : memref<512xi32, #tpu.memory_space<vmem>> -> memref<32xi32, #tpu.memory_space<vmem>>
        %dma_start3A_216 = arith.constant 0 : i32
        %dma_start3A_217 = arith.constant 0 : i32
        %dma_start3A_218 = tpu.memref_slice %arg3[%dma_start3A_216, %dma_start3A_217] : memref<100000x768xf32, #tpu.memory_space<hbm>> -> memref<100000x768xf32, #tpu.memory_space<hbm>>
        tpu.enqueue_indirect_dma source(%dma_start3A_218 : memref<100000x768xf32, #tpu.memory_space<hbm>>) target(%dma_start3A_214 : memref<32x768xf32, #tpu.memory_space<vmem>>) offsets(%dma_start3A_215 : memref<32xi32, #tpu.memory_space<vmem>>) semaphore(%arg13 : memref<!tpu.dma_semaphore, #tpu.memory_space<semaphore_mem>>)
      } else {
      }
      %dma_wait3A_57 = arith.constant 0 : i32
      %dma_wait3A_58 = arith.constant 0 : i32
      %dma_wait3A_59 = tpu.memref_slice %arg9[%dma_wait3A_57, %dma_wait3A_58] : memref<64x768xf32, #tpu.memory_space<vmem>> -> memref<32x768xf32, #tpu.memory_space<vmem>>
      %dma_wait3A_60 = arith.constant 0 : i32
      %dma_wait3A_61 = tpu.memref_slice %arg8[%dma_wait3A_60] : memref<512xi32, #tpu.memory_space<vmem>> -> memref<32xi32, #tpu.memory_space<vmem>>
      %dma_wait3A_62 = arith.constant 0 : i32
      %dma_wait3A_63 = arith.constant 0 : i32
      %dma_wait3A_64 = tpu.memref_slice %arg3[%dma_wait3A_62, %dma_wait3A_63] : memref<100000x768xf32, #tpu.memory_space<hbm>> -> memref<100000x768xf32, #tpu.memory_space<hbm>>
      tpu.wait_indirect_dma semaphore(%arg13 : memref<!tpu.dma_semaphore, #tpu.memory_space<semaphore_mem>>) src(%dma_wait3A_64 : memref<100000x768xf32, #tpu.memory_space<hbm>>) dst(%dma_wait3A_59 : memref<32x768xf32, #tpu.memory_space<vmem>>)
      %rem3A_65 = arith.constant 4 : i32
      %rem3A_66 = arith.remsi %scan3A_39, %rem3A_65 : i32
      %eq3A_67 = arith.constant 0 : i32
      %eq3A_68 = arith.cmpi eq, %rem3A_66, %eq3A_67 : i32
      %convert_element_type3A_69 = arith.extui %eq3A_68 : i1 to i32
      %cond3A_70 = arith.constant 0 : i32
      %cond3A_71 = arith.cmpi ne, %convert_element_type3A_69, %cond3A_70 : i32
      scf.if %cond3A_71 {
        %jit3A_144 = arith.constant 4 : i32
        %div3A_145 = arith.divsi %scan3A_39, %jit3A_144 : i32
        %sign3A_146 = arith.constant 0 : i32
        %sign3A_147 = arith.cmpi sgt, %scan3A_39, %sign3A_146 : i32
        %sign3A_148 = arith.extui %sign3A_147 : i1 to i32
        %sign3A_149 = arith.constant 0 : i32
        %sign3A_150 = arith.cmpi slt, %scan3A_39, %sign3A_149 : i32
        %sign3A_151 = arith.extui %sign3A_150 : i1 to i32
        %sign3A_152 = arith.subi %sign3A_148, %sign3A_151 : i32
        %sign3A_153 = arith.constant 0 : i32
        %sign3A_154 = arith.cmpi sgt, %jit3A_144, %sign3A_153 : i32
        %sign3A_155 = arith.extui %sign3A_154 : i1 to i32
        %sign3A_156 = arith.constant 0 : i32
        %sign3A_157 = arith.cmpi slt, %jit3A_144, %sign3A_156 : i32
        %sign3A_158 = arith.extui %sign3A_157 : i1 to i32
        %sign3A_159 = arith.subi %sign3A_155, %sign3A_158 : i32
        %ne3A_160 = arith.cmpi ne, %sign3A_152, %sign3A_159 : i32
        %rem3A_161 = arith.remsi %scan3A_39, %jit3A_144 : i32
        %ne3A_162 = arith.constant 0 : i32
        %ne3A_163 = arith.cmpi ne, %rem3A_161, %ne3A_162 : i32
        %and3A_164 = arith.andi %ne3A_160, %ne3A_163 : i1
        %sub3A_165 = arith.constant 1 : i32
        %sub3A_166 = arith.subi %div3A_145, %sub3A_165 : i32
        %select_n3A_167 = arith.select %and3A_164, %sub3A_166, %div3A_145 : i32
        %mul3A_168 = arith.constant 32 : i32
        %mul3A_169 = arith.muli %select_n3A_167, %mul3A_168 : i32
        %add3A_170 = arith.addi %mul3A_2, %mul3A_169 : i32
        "tpu.region"() ({
          %run_scoped3A = tpu.sem_alloc : memref<!tpu.dma_semaphore, #tpu.memory_space<semaphore_mem>>
          %dma_start3A_171 = arith.constant 0 : i32
          %dma_start3A_172 = tpu.memref_slice %arg4[%add3A_170, %dma_start3A_171] : memref<4096x768xf32, #tpu.memory_space<hbm>> -> memref<32x768xf32, #tpu.memory_space<hbm>>
          %dma_start3A_173 = arith.constant 0 : i32
          %dma_start3A_174 = tpu.memref_slice %arg4[%add3A_170, %dma_start3A_173] : memref<4096x768xf32, #tpu.memory_space<hbm>> -> memref<32x768xf32, #tpu.memory_space<hbm>>
          tpu.enqueue_dma source(%dma_start3A_174 : memref<32x768xf32, #tpu.memory_space<hbm>>) target(%arg10 : memref<32x768xf32, #tpu.memory_space<vmem>>) target_semaphore(%run_scoped3A : memref<!tpu.dma_semaphore, #tpu.memory_space<semaphore_mem>>)
          %dma_wait3A_175 = arith.constant 0 : i32
          %dma_wait3A_176 = tpu.memref_slice %arg4[%add3A_170, %dma_wait3A_175] : memref<4096x768xf32, #tpu.memory_space<hbm>> -> memref<32x768xf32, #tpu.memory_space<hbm>>
          %dma_wait3A_177 = arith.constant 0 : i32
          %dma_wait3A_178 = tpu.memref_slice %arg4[%add3A_170, %dma_wait3A_177] : memref<4096x768xf32, #tpu.memory_space<hbm>> -> memref<32x768xf32, #tpu.memory_space<hbm>>
          tpu.wait_dma2 semaphore(%run_scoped3A : memref<!tpu.dma_semaphore, #tpu.memory_space<semaphore_mem>>) src(%dma_wait3A_178 : memref<32x768xf32, #tpu.memory_space<hbm>>) dst(%arg10 : memref<32x768xf32, #tpu.memory_space<vmem>>)
          tpu.yield
        }) : () -> ()
      } else {
      }
      %parallel_loop3A = arith.constant 0 : i32
      %parallel_loop3A_72 = arith.constant 32 : i32
      %parallel_loop3A_73 = arith.constant 1 : i32
      scf.for %parallel_loop3A_144 = %parallel_loop3A to %parallel_loop3A_72 step %parallel_loop3A_73  : i32 {
        %parallel_loop3A_145 = arith.addi %mul3A_51, %parallel_loop3A_144 : i32
        %parallel_loop3A_146 = arith.constant 0 : i32
        %parallel_loop3A_147 = arith.addi %parallel_loop3A_146, %parallel_loop3A_144 : i32
        %parallel_loop3A_148 = arith.constant 0.000000e+00 : f32
        %parallel_loop3A_149 = vector.broadcast %parallel_loop3A_148 : f32 to vector<16xf32>
        %parallel_loop3A_150 = arith.constant 0.000000e+00 : f32
        %parallel_loop3A_151 = vector.broadcast %parallel_loop3A_150 : f32 to vector<16xf32>
        %parallel_loop3A_152 = arith.index_cast %parallel_loop3A_145 : i32 to index
        %parallel_loop3A_153 = arith.constant 0 : index
        %parallel_loop3A_154 = tpu.vector_load %arg9[%parallel_loop3A_152, %parallel_loop3A_153] {strides = array<i32>} : memref<64x768xf32, #tpu.memory_space<vmem>>, vector<16xf32>,
        %parallel_loop3A_155 = arith.index_cast %parallel_loop3A_147 : i32 to index
        %parallel_loop3A_156 = arith.constant 0 : index
        %parallel_loop3A_157 = tpu.vector_load %arg10[%parallel_loop3A_155, %parallel_loop3A_156] {strides = array<i32>} : memref<32x768xf32, #tpu.memory_space<vmem>>, vector<16xf32>,
        %parallel_loop3A_158 = arith.addf %parallel_loop3A_154, %parallel_loop3A_157 : vector<16xf32>
        %parallel_loop3A_159 = arith.index_cast %parallel_loop3A_145 : i32 to index
        %parallel_loop3A_160 = arith.constant 0 : index
        %parallel_loop3A_161 = tpu.vector_load %arg9[%parallel_loop3A_159, %parallel_loop3A_160] {strides = array<i32>} : memref<64x768xf32, #tpu.memory_space<vmem>>, vector<16xf32>,
        tpu.vector_store %arg9[%parallel_loop3A_159, %parallel_loop3A_160], %parallel_loop3A_158 {strides = array<i32>} : memref<64x768xf32, #tpu.memory_space<vmem>>, vector<16xf32>,
        %parallel_loop3A_162 = arith.addf %parallel_loop3A_149, %parallel_loop3A_158 : vector<16xf32>
        %parallel_loop3A_163 = arith.mulf %parallel_loop3A_158, %parallel_loop3A_158 : vector<16xf32>
        %parallel_loop3A_164 = arith.addf %parallel_loop3A_151, %parallel_loop3A_163 : vector<16xf32>
        %parallel_loop3A_165 = arith.index_cast %parallel_loop3A_145 : i32 to index
        %parallel_loop3A_166 = arith.constant 16 : index
        %parallel_loop3A_167 = tpu.vector_load %arg9[%parallel_loop3A_165, %parallel_loop3A_166] {strides = array<i32>} : memref<64x768xf32, #tpu.memory_space<vmem>>, vector<16xf32>,
        %parallel_loop3A_168 = arith.index_cast %parallel_loop3A_147 : i32 to index
        %parallel_loop3A_169 = arith.constant 16 : index
        %parallel_loop3A_170 = tpu.vector_load %arg10[%parallel_loop3A_168, %parallel_loop3A_169] {strides = array<i32>} : memref<32x768xf32, #tpu.memory_space<vmem>>, vector<16xf32>,
        %parallel_loop3A_171 = arith.addf %parallel_loop3A_167, %parallel_loop3A_170 : vector<16xf32>
        %parallel_loop3A_172 = arith.index_cast %parallel_loop3A_145 : i32 to index
        %parallel_loop3A_173 = arith.constant 16 : index
        %parallel_loop3A_174 = tpu.vector_load %arg9[%parallel_loop3A_172, %parallel_loop3A_173] {strides = array<i32>} : memref<64x768xf32, #tpu.memory_space<vmem>>, vector<16xf32>,
        tpu.vector_store %arg9[%parallel_loop3A_172, %parallel_loop3A_173], %parallel_loop3A_171 {strides = array<i32>} : memref<64x768xf32, #tpu.memory_space<vmem>>, vector<16xf32>,
        %parallel_loop3A_175 = arith.addf %parallel_loop3A_162, %parallel_loop3A_171 : vector<16xf32>
        %parallel_loop3A_176 = arith.mulf %parallel_loop3A_171, %parallel_loop3A_171 : vector<16xf32>
        %parallel_loop3A_177 = arith.addf %parallel_loop3A_164, %parallel_loop3A_176 : vector<16xf32>
        %parallel_loop3A_178 = arith.index_cast %parallel_loop3A_145 : i32 to index
        %parallel_loop3A_179 = arith.constant 32 : index
        %parallel_loop3A_180 = tpu.vector_load %arg9[%parallel_loop3A_178, %parallel_loop3A_179] {strides = array<i32>} : memref<64x768xf32, #tpu.memory_space<vmem>>, vector<16xf32>,
        %parallel_loop3A_181 = arith.index_cast %parallel_loop3A_147 : i32 to index
        %parallel_loop3A_182 = arith.constant 32 : index
        %parallel_loop3A_183 = tpu.vector_load %arg10[%parallel_loop3A_181, %parallel_loop3A_182] {strides = array<i32>} : memref<32x768xf32, #tpu.memory_space<vmem>>, vector<16xf32>,
        %parallel_loop3A_184 = arith.addf %parallel_loop3A_180, %parallel_loop3A_183 : vector<16xf32>
        %parallel_loop3A_185 = arith.index_cast %parallel_loop3A_145 : i32 to index
        %parallel_loop3A_186 = arith.constant 32 : index
        %parallel_loop3A_187 = tpu.vector_load %arg9[%parallel_loop3A_185, %parallel_loop3A_186] {strides = array<i32>} : memref<64x768xf32, #tpu.memory_space<vmem>>, vector<16xf32>,
        tpu.vector_store %arg9[%parallel_loop3A_185, %parallel_loop3A_186], %parallel_loop3A_184 {strides = array<i32>} : memref<64x768xf32, #tpu.memory_space<vmem>>, vector<16xf32>,
        %parallel_loop3A_188 = arith.addf %parallel_loop3A_175, %parallel_loop3A_184 : vector<16xf32>
        %parallel_loop3A_189 = arith.mulf %parallel_loop3A_184, %parallel_loop3A_184 : vector<16xf32>
        %parallel_loop3A_190 = arith.addf %parallel_loop3A_177, %parallel_loop3A_189 : vector<16xf32>
        %parallel_loop3A_191 = arith.index_cast %parallel_loop3A_145 : i32 to index
        %parallel_loop3A_192 = arith.constant 48 : index
        %parallel_loop3A_193 = tpu.vector_load %arg9[%parallel_loop3A_191, %parallel_loop3A_192] {strides = array<i32>} : memref<64x768xf32, #tpu.memory_space<vmem>>, vector<16xf32>,
        %parallel_loop3A_194 = arith.index_cast %parallel_loop3A_147 : i32 to index
        %parallel_loop3A_195 = arith.constant 48 : index
        %parallel_loop3A_196 = tpu.vector_load %arg10[%parallel_loop3A_194, %parallel_loop3A_195] {strides = array<i32>} : memref<32x768xf32, #tpu.memory_space<vmem>>, vector<16xf32>,
        %parallel_loop3A_197 = arith.addf %parallel_loop3A_193, %parallel_loop3A_196 : vector<16xf32>
        %parallel_loop3A_198 = arith.index_cast %parallel_loop3A_145 : i32 to index
        %parallel_loop3A_199 = arith.constant 48 : index
        %parallel_loop3A_200 = tpu.vector_load %arg9[%parallel_loop3A_198, %parallel_loop3A_199] {strides = array<i32>} : memref<64x768xf32, #tpu.memory_space<vmem>>, vector<16xf32>,
        tpu.vector_store %arg9[%parallel_loop3A_198, %parallel_loop3A_199], %parallel_loop3A_197 {strides = array<i32>} : memref<64x768xf32, #tpu.memory_space<vmem>>, vector<16xf32>,
        %parallel_loop3A_201 = arith.addf %parallel_loop3A_188, %parallel_loop3A_197 : vector<16xf32>
        %parallel_loop3A_202 = arith.mulf %parallel_loop3A_197, %parallel_loop3A_197 : vector<16xf32>
        %parallel_loop3A_203 = arith.addf %parallel_loop3A_190, %parallel_loop3A_202 : vector<16xf32>
        %parallel_loop3A_204 = arith.index_cast %parallel_loop3A_145 : i32 to index
        %parallel_loop3A_205 = arith.constant 64 : index
        %parallel_loop3A_206 = tpu.vector_load %arg9[%parallel_loop3A_204, %parallel_loop3A_205] {strides = array<i32>} : memref<64x768xf32, #tpu.memory_space<vmem>>, vector<16xf32>,
        %parallel_loop3A_207 = arith.index_cast %parallel_loop3A_147 : i32 to index
        %parallel_loop3A_208 = arith.constant 64 : index
        %parallel_loop3A_209 = tpu.vector_load %arg10[%parallel_loop3A_207, %parallel_loop3A_208] {strides = array<i32>} : memref<32x768xf32, #tpu.memory_space<vmem>>, vector<16xf32>,
        %parallel_loop3A_210 = arith.addf %parallel_loop3A_206, %parallel_loop3A_209 : vector<16xf32>
        %parallel_loop3A_211 = arith.index_cast %parallel_loop3A_145 : i32 to index
        %parallel_loop3A_212 = arith.constant 64 : index
        %parallel_loop3A_213 = tpu.vector_load %arg9[%parallel_loop3A_211, %parallel_loop3A_212] {strides = array<i32>} : memref<64x768xf32, #tpu.memory_space<vmem>>, vector<16xf32>,
        tpu.vector_store %arg9[%parallel_loop3A_211, %parallel_loop3A_212], %parallel_loop3A_210 {strides = array<i32>} : memref<64x768xf32, #tpu.memory_space<vmem>>, vector<16xf32>,
        %parallel_loop3A_214 = arith.addf %parallel_loop3A_201, %parallel_loop3A_210 : vector<16xf32>
        %parallel_loop3A_215 = arith.mulf %parallel_loop3A_210, %parallel_loop3A_210 : vector<16xf32>
        %parallel_loop3A_216 = arith.addf %parallel_loop3A_203, %parallel_loop3A_215 : vector<16xf32>
        %parallel_loop3A_217 = arith.index_cast %parallel_loop3A_145 : i32 to index
        %parallel_loop3A_218 = arith.constant 80 : index
        %parallel_loop3A_219 = tpu.vector_load %arg9[%parallel_loop3A_217, %parallel_loop3A_218] {strides = array<i32>} : memref<64x768xf32, #tpu.memory_space<vmem>>, vector<16xf32>,
        %parallel_loop3A_220 = arith.index_cast %parallel_loop3A_147 : i32 to index
        %parallel_loop3A_221 = arith.constant 80 : index
        %parallel_loop3A_222 = tpu.vector_load %arg10[%parallel_loop3A_220, %parallel_loop3A_221] {strides = array<i32>} : memref<32x768xf32, #tpu.memory_space<vmem>>, vector<16xf32>,
        %parallel_loop3A_223 = arith.addf %parallel_loop3A_219, %parallel_loop3A_222 : vector<16xf32>
        %parallel_loop3A_224 = arith.index_cast %parallel_loop3A_145 : i32 to index
        %parallel_loop3A_225 = arith.constant 80 : index
        %parallel_loop3A_226 = tpu.vector_load %arg9[%parallel_loop3A_224, %parallel_loop3A_225] {strides = array<i32>} : memref<64x768xf32, #tpu.memory_space<vmem>>, vector<16xf32>,
        tpu.vector_store %arg9[%parallel_loop3A_224, %parallel_loop3A_225], %parallel_loop3A_223 {strides = array<i32>} : memref<64x768xf32, #tpu.memory_space<vmem>>, vector<16xf32>,
        %parallel_loop3A_227 = arith.addf %parallel_loop3A_214, %parallel_loop3A_223 : vector<16xf32>
        %parallel_loop3A_228 = arith.mulf %parallel_loop3A_223, %parallel_loop3A_223 : vector<16xf32>
        %parallel_loop3A_229 = arith.addf %parallel_loop3A_216, %parallel_loop3A_228 : vector<16xf32>
        %parallel_loop3A_230 = arith.index_cast %parallel_loop3A_145 : i32 to index
        %parallel_loop3A_231 = arith.constant 96 : index
        %parallel_loop3A_232 = tpu.vector_load %arg9[%parallel_loop3A_230, %parallel_loop3A_231] {strides = array<i32>} : memref<64x768xf32, #tpu.memory_space<vmem>>, vector<16xf32>,
        %parallel_loop3A_233 = arith.index_cast %parallel_loop3A_147 : i32 to index
        %parallel_loop3A_234 = arith.constant 96 : index
        %parallel_loop3A_235 = tpu.vector_load %arg10[%parallel_loop3A_233, %parallel_loop3A_234] {strides = array<i32>} : memref<32x768xf32, #tpu.memory_space<vmem>>, vector<16xf32>,
        %parallel_loop3A_236 = arith.addf %parallel_loop3A_232, %parallel_loop3A_235 : vector<16xf32>
        %parallel_loop3A_237 = arith.index_cast %parallel_loop3A_145 : i32 to index
        %parallel_loop3A_238 = arith.constant 96 : index
        %parallel_loop3A_239 = tpu.vector_load %arg9[%parallel_loop3A_237, %parallel_loop3A_238] {strides = array<i32>} : memref<64x768xf32, #tpu.memory_space<vmem>>, vector<16xf32>,
        tpu.vector_store %arg9[%parallel_loop3A_237, %parallel_loop3A_238], %parallel_loop3A_236 {strides = array<i32>} : memref<64x768xf32, #tpu.memory_space<vmem>>, vector<16xf32>,
        %parallel_loop3A_240 = arith.addf %parallel_loop3A_227, %parallel_loop3A_236 : vector<16xf32>
        %parallel_loop3A_241 = arith.mulf %parallel_loop3A_236, %parallel_loop3A_236 : vector<16xf32>
        %parallel_loop3A_242 = arith.addf %parallel_loop3A_229, %parallel_loop3A_241 : vector<16xf32>
        %parallel_loop3A_243 = arith.index_cast %parallel_loop3A_145 : i32 to index
        %parallel_loop3A_244 = arith.constant 112 : index
        %parallel_loop3A_245 = tpu.vector_load %arg9[%parallel_loop3A_243, %parallel_loop3A_244] {strides = array<i32>} : memref<64x768xf32, #tpu.memory_space<vmem>>, vector<16xf32>,
        %parallel_loop3A_246 = arith.index_cast %parallel_loop3A_147 : i32 to index
        %parallel_loop3A_247 = arith.constant 112 : index
        %parallel_loop3A_248 = tpu.vector_load %arg10[%parallel_loop3A_246, %parallel_loop3A_247] {strides = array<i32>} : memref<32x768xf32, #tpu.memory_space<vmem>>, vector<16xf32>,
        %parallel_loop3A_249 = arith.addf %parallel_loop3A_245, %parallel_loop3A_248 : vector<16xf32>
        %parallel_loop3A_250 = arith.index_cast %parallel_loop3A_145 : i32 to index
        %parallel_loop3A_251 = arith.constant 112 : index
        %parallel_loop3A_252 = tpu.vector_load %arg9[%parallel_loop3A_250, %parallel_loop3A_251] {strides = array<i32>} : memref<64x768xf32, #tpu.memory_space<vmem>>, vector<16xf32>,
        tpu.vector_store %arg9[%parallel_loop3A_250, %parallel_loop3A_251], %parallel_loop3A_249 {strides = array<i32>} : memref<64x768xf32, #tpu.memory_space<vmem>>, vector<16xf32>,
        %parallel_loop3A_253 = arith.addf %parallel_loop3A_240, %parallel_loop3A_249 : vector<16xf32>
        %parallel_loop3A_254 = arith.mulf %parallel_loop3A_249, %parallel_loop3A_249 : vector<16xf32>
        %parallel_loop3A_255 = arith.addf %parallel_loop3A_242, %parallel_loop3A_254 : vector<16xf32>
        %parallel_loop3A_256 = arith.index_cast %parallel_loop3A_145 : i32 to index
        %parallel_loop3A_257 = arith.constant 128 : index
        %parallel_loop3A_258 = tpu.vector_load %arg9[%parallel_loop3A_256, %parallel_loop3A_257] {strides = array<i32>} : memref<64x768xf32, #tpu.memory_space<vmem>>, vector<16xf32>,
        %parallel_loop3A_259 = arith.index_cast %parallel_loop3A_147 : i32 to index
        %parallel_loop3A_260 = arith.constant 128 : index
        %parallel_loop3A_261 = tpu.vector_load %arg10[%parallel_loop3A_259, %parallel_loop3A_260] {strides = array<i32>} : memref<32x768xf32, #tpu.memory_space<vmem>>, vector<16xf32>,
        %parallel_loop3A_262 = arith.addf %parallel_loop3A_258, %parallel_loop3A_261 : vector<16xf32>
        %parallel_loop3A_263 = arith.index_cast %parallel_loop3A_145 : i32 to index
        %parallel_loop3A_264 = arith.constant 128 : index
        %parallel_loop3A_265 = tpu.vector_load %arg9[%parallel_loop3A_263, %parallel_loop3A_264] {strides = array<i32>} : memref<64x768xf32, #tpu.memory_space<vmem>>, vector<16xf32>,
        tpu.vector_store %arg9[%parallel_loop3A_263, %parallel_loop3A_264], %parallel_loop3A_262 {strides = array<i32>} : memref<64x768xf32, #tpu.memory_space<vmem>>, vector<16xf32>,
        %parallel_loop3A_266 = arith.addf %parallel_loop3A_253, %parallel_loop3A_262 : vector<16xf32>
        %parallel_loop3A_267 = arith.mulf %parallel_loop3A_262, %parallel_loop3A_262 : vector<16xf32>
        %parallel_loop3A_268 = arith.addf %parallel_loop3A_255, %parallel_loop3A_267 : vector<16xf32>
        %parallel_loop3A_269 = arith.index_cast %parallel_loop3A_145 : i32 to index
        %parallel_loop3A_270 = arith.constant 144 : index
        %parallel_loop3A_271 = tpu.vector_load %arg9[%parallel_loop3A_269, %parallel_loop3A_270] {strides = array<i32>} : memref<64x768xf32, #tpu.memory_space<vmem>>, vector<16xf32>,
        %parallel_loop3A_272 = arith.index_cast %parallel_loop3A_147 : i32 to index
        %parallel_loop3A_273 = arith.constant 144 : index
        %parallel_loop3A_274 = tpu.vector_load %arg10[%parallel_loop3A_272, %parallel_loop3A_273] {strides = array<i32>} : memref<32x768xf32, #tpu.memory_space<vmem>>, vector<16xf32>,
        %parallel_loop3A_275 = arith.addf %parallel_loop3A_271, %parallel_loop3A_274 : vector<16xf32>
        %parallel_loop3A_276 = arith.index_cast %parallel_loop3A_145 : i32 to index
        %parallel_loop3A_277 = arith.constant 144 : index
        %parallel_loop3A_278 = tpu.vector_load %arg9[%parallel_loop3A_276, %parallel_loop3A_277] {strides = array<i32>} : memref<64x768xf32, #tpu.memory_space<vmem>>, vector<16xf32>,
        tpu.vector_store %arg9[%parallel_loop3A_276, %parallel_loop3A_277], %parallel_loop3A_275 {strides = array<i32>} : memref<64x768xf32, #tpu.memory_space<vmem>>, vector<16xf32>,
        %parallel_loop3A_279 = arith.addf %parallel_loop3A_266, %parallel_loop3A_275 : vector<16xf32>
        %parallel_loop3A_280 = arith.mulf %parallel_loop3A_275, %parallel_loop3A_275 : vector<16xf32>
        %parallel_loop3A_281 = arith.addf %parallel_loop3A_268, %parallel_loop3A_280 : vector<16xf32>
        %parallel_loop3A_282 = arith.index_cast %parallel_loop3A_145 : i32 to index
        %parallel_loop3A_283 = arith.constant 160 : index
        %parallel_loop3A_284 = tpu.vector_load %arg9[%parallel_loop3A_282, %parallel_loop3A_283] {strides = array<i32>} : memref<64x768xf32, #tpu.memory_space<vmem>>, vector<16xf32>,
        %parallel_loop3A_285 = arith.index_cast %parallel_loop3A_147 : i32 to index
        %parallel_loop3A_286 = arith.constant 160 : index
        %parallel_loop3A_287 = tpu.vector_load %arg10[%parallel_loop3A_285, %parallel_loop3A_286] {strides = array<i32>} : memref<32x768xf32, #tpu.memory_space<vmem>>, vector<16xf32>,
        %parallel_loop3A_288 = arith.addf %parallel_loop3A_284, %parallel_loop3A_287 : vector<16xf32>
        %parallel_loop3A_289 = arith.index_cast %parallel_loop3A_145 : i32 to index
        %parallel_loop3A_290 = arith.constant 160 : index
        %parallel_loop3A_291 = tpu.vector_load %arg9[%parallel_loop3A_289, %parallel_loop3A_290] {strides = array<i32>} : memref<64x768xf32, #tpu.memory_space<vmem>>, vector<16xf32>,
        tpu.vector_store %arg9[%parallel_loop3A_289, %parallel_loop3A_290], %parallel_loop3A_288 {strides = array<i32>} : memref<64x768xf32, #tpu.memory_space<vmem>>, vector<16xf32>,
        %parallel_loop3A_292 = arith.addf %parallel_loop3A_279, %parallel_loop3A_288 : vector<16xf32>
        %parallel_loop3A_293 = arith.mulf %parallel_loop3A_288, %parallel_loop3A_288 : vector<16xf32>
        %parallel_loop3A_294 = arith.addf %parallel_loop3A_281, %parallel_loop3A_293 : vector<16xf32>
        %parallel_loop3A_295 = arith.index_cast %parallel_loop3A_145 : i32 to index
        %parallel_loop3A_296 = arith.constant 176 : index
        %parallel_loop3A_297 = tpu.vector_load %arg9[%parallel_loop3A_295, %parallel_loop3A_296] {strides = array<i32>} : memref<64x768xf32, #tpu.memory_space<vmem>>, vector<16xf32>,
        %parallel_loop3A_298 = arith.index_cast %parallel_loop3A_147 : i32 to index
        %parallel_loop3A_299 = arith.constant 176 : index
        %parallel_loop3A_300 = tpu.vector_load %arg10[%parallel_loop3A_298, %parallel_loop3A_299] {strides = array<i32>} : memref<32x768xf32, #tpu.memory_space<vmem>>, vector<16xf32>,
        %parallel_loop3A_301 = arith.addf %parallel_loop3A_297, %parallel_loop3A_300 : vector<16xf32>
        %parallel_loop3A_302 = arith.index_cast %parallel_loop3A_145 : i32 to index
        %parallel_loop3A_303 = arith.constant 176 : index
        %parallel_loop3A_304 = tpu.vector_load %arg9[%parallel_loop3A_302, %parallel_loop3A_303] {strides = array<i32>} : memref<64x768xf32, #tpu.memory_space<vmem>>, vector<16xf32>,
        tpu.vector_store %arg9[%parallel_loop3A_302, %parallel_loop3A_303], %parallel_loop3A_301 {strides = array<i32>} : memref<64x768xf32, #tpu.memory_space<vmem>>, vector<16xf32>,
        %parallel_loop3A_305 = arith.addf %parallel_loop3A_292, %parallel_loop3A_301 : vector<16xf32>
        %parallel_loop3A_306 = arith.mulf %parallel_loop3A_301, %parallel_loop3A_301 : vector<16xf32>
        %parallel_loop3A_307 = arith.addf %parallel_loop3A_294, %parallel_loop3A_306 : vector<16xf32>
        %parallel_loop3A_308 = arith.index_cast %parallel_loop3A_145 : i32 to index
        %parallel_loop3A_309 = arith.constant 192 : index
        %parallel_loop3A_310 = tpu.vector_load %arg9[%parallel_loop3A_308, %parallel_loop3A_309] {strides = array<i32>} : memref<64x768xf32, #tpu.memory_space<vmem>>, vector<16xf32>,
        %parallel_loop3A_311 = arith.index_cast %parallel_loop3A_147 : i32 to index
        %parallel_loop3A_312 = arith.constant 192 : index
        %parallel_loop3A_313 = tpu.vector_load %arg10[%parallel_loop3A_311, %parallel_loop3A_312] {strides = array<i32>} : memref<32x768xf32, #tpu.memory_space<vmem>>, vector<16xf32>,
        %parallel_loop3A_314 = arith.addf %parallel_loop3A_310, %parallel_loop3A_313 : vector<16xf32>
        %parallel_loop3A_315 = arith.index_cast %parallel_loop3A_145 : i32 to index
        %parallel_loop3A_316 = arith.constant 192 : index
        %parallel_loop3A_317 = tpu.vector_load %arg9[%parallel_loop3A_315, %parallel_loop3A_316] {strides = array<i32>} : memref<64x768xf32, #tpu.memory_space<vmem>>, vector<16xf32>,
        tpu.vector_store %arg9[%parallel_loop3A_315, %parallel_loop3A_316], %parallel_loop3A_314 {strides = array<i32>} : memref<64x768xf32, #tpu.memory_space<vmem>>, vector<16xf32>,
        %parallel_loop3A_318 = arith.addf %parallel_loop3A_305, %parallel_loop3A_314 : vector<16xf32>
        %parallel_loop3A_319 = arith.mulf %parallel_loop3A_314, %parallel_loop3A_314 : vector<16xf32>
        %parallel_loop3A_320 = arith.addf %parallel_loop3A_307, %parallel_loop3A_319 : vector<16xf32>
        %parallel_loop3A_321 = arith.index_cast %parallel_loop3A_145 : i32 to index
        %parallel_loop3A_322 = arith.constant 208 : index
        %parallel_loop3A_323 = tpu.vector_load %arg9[%parallel_loop3A_321, %parallel_loop3A_322] {strides = array<i32>} : memref<64x768xf32, #tpu.memory_space<vmem>>, vector<16xf32>,
        %parallel_loop3A_324 = arith.index_cast %parallel_loop3A_147 : i32 to index
        %parallel_loop3A_325 = arith.constant 208 : index
        %parallel_loop3A_326 = tpu.vector_load %arg10[%parallel_loop3A_324, %parallel_loop3A_325] {strides = array<i32>} : memref<32x768xf32, #tpu.memory_space<vmem>>, vector<16xf32>,
        %parallel_loop3A_327 = arith.addf %parallel_loop3A_323, %parallel_loop3A_326 : vector<16xf32>
        %parallel_loop3A_328 = arith.index_cast %parallel_loop3A_145 : i32 to index
        %parallel_loop3A_329 = arith.constant 208 : index
        %parallel_loop3A_330 = tpu.vector_load %arg9[%parallel_loop3A_328, %parallel_loop3A_329] {strides = array<i32>} : memref<64x768xf32, #tpu.memory_space<vmem>>, vector<16xf32>,
        tpu.vector_store %arg9[%parallel_loop3A_328, %parallel_loop3A_329], %parallel_loop3A_327 {strides = array<i32>} : memref<64x768xf32, #tpu.memory_space<vmem>>, vector<16xf32>,
        %parallel_loop3A_331 = arith.addf %parallel_loop3A_318, %parallel_loop3A_327 : vector<16xf32>
        %parallel_loop3A_332 = arith.mulf %parallel_loop3A_327, %parallel_loop3A_327 : vector<16xf32>
        %parallel_loop3A_333 = arith.addf %parallel_loop3A_320, %parallel_loop3A_332 : vector<16xf32>
        %parallel_loop3A_334 = arith.index_cast %parallel_loop3A_145 : i32 to index
        %parallel_loop3A_335 = arith.constant 224 : index
        %parallel_loop3A_336 = tpu.vector_load %arg9[%parallel_loop3A_334, %parallel_loop3A_335] {strides = array<i32>} : memref<64x768xf32, #tpu.memory_space<vmem>>, vector<16xf32>,
        %parallel_loop3A_337 = arith.index_cast %parallel_loop3A_147 : i32 to index
        %parallel_loop3A_338 = arith.constant 224 : index
        %parallel_loop3A_339 = tpu.vector_load %arg10[%parallel_loop3A_337, %parallel_loop3A_338] {strides = array<i32>} : memref<32x768xf32, #tpu.memory_space<vmem>>, vector<16xf32>,
        %parallel_loop3A_340 = arith.addf %parallel_loop3A_336, %parallel_loop3A_339 : vector<16xf32>
        %parallel_loop3A_341 = arith.index_cast %parallel_loop3A_145 : i32 to index
        %parallel_loop3A_342 = arith.constant 224 : index
        %parallel_loop3A_343 = tpu.vector_load %arg9[%parallel_loop3A_341, %parallel_loop3A_342] {strides = array<i32>} : memref<64x768xf32, #tpu.memory_space<vmem>>, vector<16xf32>,
        tpu.vector_store %arg9[%parallel_loop3A_341, %parallel_loop3A_342], %parallel_loop3A_340 {strides = array<i32>} : memref<64x768xf32, #tpu.memory_space<vmem>>, vector<16xf32>,
        %parallel_loop3A_344 = arith.addf %parallel_loop3A_331, %parallel_loop3A_340 : vector<16xf32>
        %parallel_loop3A_345 = arith.mulf %parallel_loop3A_340, %parallel_loop3A_340 : vector<16xf32>
        %parallel_loop3A_346 = arith.addf %parallel_loop3A_333, %parallel_loop3A_345 : vector<16xf32>
        %parallel_loop3A_347 = arith.index_cast %parallel_loop3A_145 : i32 to index
        %parallel_loop3A_348 = arith.constant 240 : index
        %parallel_loop3A_349 = tpu.vector_load %arg9[%parallel_loop3A_347, %parallel_loop3A_348] {strides = array<i32>} : memref<64x768xf32, #tpu.memory_space<vmem>>, vector<16xf32>,
        %parallel_loop3A_350 = arith.index_cast %parallel_loop3A_147 : i32 to index
        %parallel_loop3A_351 = arith.constant 240 : index
        %parallel_loop3A_352 = tpu.vector_load %arg10[%parallel_loop3A_350, %parallel_loop3A_351] {strides = array<i32>} : memref<32x768xf32, #tpu.memory_space<vmem>>, vector<16xf32>,
        %parallel_loop3A_353 = arith.addf %parallel_loop3A_349, %parallel_loop3A_352 : vector<16xf32>
        %parallel_loop3A_354 = arith.index_cast %parallel_loop3A_145 : i32 to index
        %parallel_loop3A_355 = arith.constant 240 : index
        %parallel_loop3A_356 = tpu.vector_load %arg9[%parallel_loop3A_354, %parallel_loop3A_355] {strides = array<i32>} : memref<64x768xf32, #tpu.memory_space<vmem>>, vector<16xf32>,
        tpu.vector_store %arg9[%parallel_loop3A_354, %parallel_loop3A_355], %parallel_loop3A_353 {strides = array<i32>} : memref<64x768xf32, #tpu.memory_space<vmem>>, vector<16xf32>,
        %parallel_loop3A_357 = arith.addf %parallel_loop3A_344, %parallel_loop3A_353 : vector<16xf32>
        %parallel_loop3A_358 = arith.mulf %parallel_loop3A_353, %parallel_loop3A_353 : vector<16xf32>
        %parallel_loop3A_359 = arith.addf %parallel_loop3A_346, %parallel_loop3A_358 : vector<16xf32>
        %parallel_loop3A_360 = arith.index_cast %parallel_loop3A_145 : i32 to index
        %parallel_loop3A_361 = arith.constant 256 : index
        %parallel_loop3A_362 = tpu.vector_load %arg9[%parallel_loop3A_360, %parallel_loop3A_361] {strides = array<i32>} : memref<64x768xf32, #tpu.memory_space<vmem>>, vector<16xf32>,
        %parallel_loop3A_363 = arith.index_cast %parallel_loop3A_147 : i32 to index
        %parallel_loop3A_364 = arith.constant 256 : index
        %parallel_loop3A_365 = tpu.vector_load %arg10[%parallel_loop3A_363, %parallel_loop3A_364] {strides = array<i32>} : memref<32x768xf32, #tpu.memory_space<vmem>>, vector<16xf32>,
        %parallel_loop3A_366 = arith.addf %parallel_loop3A_362, %parallel_loop3A_365 : vector<16xf32>
        %parallel_loop3A_367 = arith.index_cast %parallel_loop3A_145 : i32 to index
        %parallel_loop3A_368 = arith.constant 256 : index
        %parallel_loop3A_369 = tpu.vector_load %arg9[%parallel_loop3A_367, %parallel_loop3A_368] {strides = array<i32>} : memref<64x768xf32, #tpu.memory_space<vmem>>, vector<16xf32>,
        tpu.vector_store %arg9[%parallel_loop3A_367, %parallel_loop3A_368], %parallel_loop3A_366 {strides = array<i32>} : memref<64x768xf32, #tpu.memory_space<vmem>>, vector<16xf32>,
        %parallel_loop3A_370 = arith.addf %parallel_loop3A_357, %parallel_loop3A_366 : vector<16xf32>
        %parallel_loop3A_371 = arith.mulf %parallel_loop3A_366, %parallel_loop3A_366 : vector<16xf32>
        %parallel_loop3A_372 = arith.addf %parallel_loop3A_359, %parallel_loop3A_371 : vector<16xf32>
        %parallel_loop3A_373 = arith.index_cast %parallel_loop3A_145 : i32 to index
        %parallel_loop3A_374 = arith.constant 272 : index
        %parallel_loop3A_375 = tpu.vector_load %arg9[%parallel_loop3A_373, %parallel_loop3A_374] {strides = array<i32>} : memref<64x768xf32, #tpu.memory_space<vmem>>, vector<16xf32>,
        %parallel_loop3A_376 = arith.index_cast %parallel_loop3A_147 : i32 to index
        %parallel_loop3A_377 = arith.constant 272 : index
        %parallel_loop3A_378 = tpu.vector_load %arg10[%parallel_loop3A_376, %parallel_loop3A_377] {strides = array<i32>} : memref<32x768xf32, #tpu.memory_space<vmem>>, vector<16xf32>,
        %parallel_loop3A_379 = arith.addf %parallel_loop3A_375, %parallel_loop3A_378 : vector<16xf32>
        %parallel_loop3A_380 = arith.index_cast %parallel_loop3A_145 : i32 to index
        %parallel_loop3A_381 = arith.constant 272 : index
        %parallel_loop3A_382 = tpu.vector_load %arg9[%parallel_loop3A_380, %parallel_loop3A_381] {strides = array<i32>} : memref<64x768xf32, #tpu.memory_space<vmem>>, vector<16xf32>,
        tpu.vector_store %arg9[%parallel_loop3A_380, %parallel_loop3A_381], %parallel_loop3A_379 {strides = array<i32>} : memref<64x768xf32, #tpu.memory_space<vmem>>, vector<16xf32>,
        %parallel_loop3A_383 = arith.addf %parallel_loop3A_370, %parallel_loop3A_379 : vector<16xf32>
        %parallel_loop3A_384 = arith.mulf %parallel_loop3A_379, %parallel_loop3A_379 : vector<16xf32>
        %parallel_loop3A_385 = arith.addf %parallel_loop3A_372, %parallel_loop3A_384 : vector<16xf32>
        %parallel_loop3A_386 = arith.index_cast %parallel_loop3A_145 : i32 to index
        %parallel_loop3A_387 = arith.constant 288 : index
        %parallel_loop3A_388 = tpu.vector_load %arg9[%parallel_loop3A_386, %parallel_loop3A_387] {strides = array<i32>} : memref<64x768xf32, #tpu.memory_space<vmem>>, vector<16xf32>,
        %parallel_loop3A_389 = arith.index_cast %parallel_loop3A_147 : i32 to index
        %parallel_loop3A_390 = arith.constant 288 : index
        %parallel_loop3A_391 = tpu.vector_load %arg10[%parallel_loop3A_389, %parallel_loop3A_390] {strides = array<i32>} : memref<32x768xf32, #tpu.memory_space<vmem>>, vector<16xf32>,
        %parallel_loop3A_392 = arith.addf %parallel_loop3A_388, %parallel_loop3A_391 : vector<16xf32>
        %parallel_loop3A_393 = arith.index_cast %parallel_loop3A_145 : i32 to index
        %parallel_loop3A_394 = arith.constant 288 : index
        %parallel_loop3A_395 = tpu.vector_load %arg9[%parallel_loop3A_393, %parallel_loop3A_394] {strides = array<i32>} : memref<64x768xf32, #tpu.memory_space<vmem>>, vector<16xf32>,
        tpu.vector_store %arg9[%parallel_loop3A_393, %parallel_loop3A_394], %parallel_loop3A_392 {strides = array<i32>} : memref<64x768xf32, #tpu.memory_space<vmem>>, vector<16xf32>,
        %parallel_loop3A_396 = arith.addf %parallel_loop3A_383, %parallel_loop3A_392 : vector<16xf32>
        %parallel_loop3A_397 = arith.mulf %parallel_loop3A_392, %parallel_loop3A_392 : vector<16xf32>
        %parallel_loop3A_398 = arith.addf %parallel_loop3A_385, %parallel_loop3A_397 : vector<16xf32>
        %parallel_loop3A_399 = arith.index_cast %parallel_loop3A_145 : i32 to index
        %parallel_loop3A_400 = arith.constant 304 : index
        %parallel_loop3A_401 = tpu.vector_load %arg9[%parallel_loop3A_399, %parallel_loop3A_400] {strides = array<i32>} : memref<64x768xf32, #tpu.memory_space<vmem>>, vector<16xf32>,
        %parallel_loop3A_402 = arith.index_cast %parallel_loop3A_147 : i32 to index
        %parallel_loop3A_403 = arith.constant 304 : index
        %parallel_loop3A_404 = tpu.vector_load %arg10[%parallel_loop3A_402, %parallel_loop3A_403] {strides = array<i32>} : memref<32x768xf32, #tpu.memory_space<vmem>>, vector<16xf32>,
        %parallel_loop3A_405 = arith.addf %parallel_loop3A_401, %parallel_loop3A_404 : vector<16xf32>
        %parallel_loop3A_406 = arith.index_cast %parallel_loop3A_145 : i32 to index
        %parallel_loop3A_407 = arith.constant 304 : index
        %parallel_loop3A_408 = tpu.vector_load %arg9[%parallel_loop3A_406, %parallel_loop3A_407] {strides = array<i32>} : memref<64x768xf32, #tpu.memory_space<vmem>>, vector<16xf32>,
        tpu.vector_store %arg9[%parallel_loop3A_406, %parallel_loop3A_407], %parallel_loop3A_405 {strides = array<i32>} : memref<64x768xf32, #tpu.memory_space<vmem>>, vector<16xf32>,
        %parallel_loop3A_409 = arith.addf %parallel_loop3A_396, %parallel_loop3A_405 : vector<16xf32>
        %parallel_loop3A_410 = arith.mulf %parallel_loop3A_405, %parallel_loop3A_405 : vector<16xf32>
        %parallel_loop3A_411 = arith.addf %parallel_loop3A_398, %parallel_loop3A_410 : vector<16xf32>
        %parallel_loop3A_412 = arith.index_cast %parallel_loop3A_145 : i32 to index
        %parallel_loop3A_413 = arith.constant 320 : index
        %parallel_loop3A_414 = tpu.vector_load %arg9[%parallel_loop3A_412, %parallel_loop3A_413] {strides = array<i32>} : memref<64x768xf32, #tpu.memory_space<vmem>>, vector<16xf32>,
        %parallel_loop3A_415 = arith.index_cast %parallel_loop3A_147 : i32 to index
        %parallel_loop3A_416 = arith.constant 320 : index
        %parallel_loop3A_417 = tpu.vector_load %arg10[%parallel_loop3A_415, %parallel_loop3A_416] {strides = array<i32>} : memref<32x768xf32, #tpu.memory_space<vmem>>, vector<16xf32>,
        %parallel_loop3A_418 = arith.addf %parallel_loop3A_414, %parallel_loop3A_417 : vector<16xf32>
        %parallel_loop3A_419 = arith.index_cast %parallel_loop3A_145 : i32 to index
        %parallel_loop3A_420 = arith.constant 320 : index
        %parallel_loop3A_421 = tpu.vector_load %arg9[%parallel_loop3A_419, %parallel_loop3A_420] {strides = array<i32>} : memref<64x768xf32, #tpu.memory_space<vmem>>, vector<16xf32>,
        tpu.vector_store %arg9[%parallel_loop3A_419, %parallel_loop3A_420], %parallel_loop3A_418 {strides = array<i32>} : memref<64x768xf32, #tpu.memory_space<vmem>>, vector<16xf32>,
        %parallel_loop3A_422 = arith.addf %parallel_loop3A_409, %parallel_loop3A_418 : vector<16xf32>
        %parallel_loop3A_423 = arith.mulf %parallel_loop3A_418, %parallel_loop3A_418 : vector<16xf32>
        %parallel_loop3A_424 = arith.addf %parallel_loop3A_411, %parallel_loop3A_423 : vector<16xf32>
        %parallel_loop3A_425 = arith.index_cast %parallel_loop3A_145 : i32 to index
        %parallel_loop3A_426 = arith.constant 336 : index
        %parallel_loop3A_427 = tpu.vector_load %arg9[%parallel_loop3A_425, %parallel_loop3A_426] {strides = array<i32>} : memref<64x768xf32, #tpu.memory_space<vmem>>, vector<16xf32>,
        %parallel_loop3A_428 = arith.index_cast %parallel_loop3A_147 : i32 to index
        %parallel_loop3A_429 = arith.constant 336 : index
        %parallel_loop3A_430 = tpu.vector_load %arg10[%parallel_loop3A_428, %parallel_loop3A_429] {strides = array<i32>} : memref<32x768xf32, #tpu.memory_space<vmem>>, vector<16xf32>,
        %parallel_loop3A_431 = arith.addf %parallel_loop3A_427, %parallel_loop3A_430 : vector<16xf32>
        %parallel_loop3A_432 = arith.index_cast %parallel_loop3A_145 : i32 to index
        %parallel_loop3A_433 = arith.constant 336 : index
        %parallel_loop3A_434 = tpu.vector_load %arg9[%parallel_loop3A_432, %parallel_loop3A_433] {strides = array<i32>} : memref<64x768xf32, #tpu.memory_space<vmem>>, vector<16xf32>,
        tpu.vector_store %arg9[%parallel_loop3A_432, %parallel_loop3A_433], %parallel_loop3A_431 {strides = array<i32>} : memref<64x768xf32, #tpu.memory_space<vmem>>, vector<16xf32>,
        %parallel_loop3A_435 = arith.addf %parallel_loop3A_422, %parallel_loop3A_431 : vector<16xf32>
        %parallel_loop3A_436 = arith.mulf %parallel_loop3A_431, %parallel_loop3A_431 : vector<16xf32>
        %parallel_loop3A_437 = arith.addf %parallel_loop3A_424, %parallel_loop3A_436 : vector<16xf32>
        %parallel_loop3A_438 = arith.index_cast %parallel_loop3A_145 : i32 to index
        %parallel_loop3A_439 = arith.constant 352 : index
        %parallel_loop3A_440 = tpu.vector_load %arg9[%parallel_loop3A_438, %parallel_loop3A_439] {strides = array<i32>} : memref<64x768xf32, #tpu.memory_space<vmem>>, vector<16xf32>,
        %parallel_loop3A_441 = arith.index_cast %parallel_loop3A_147 : i32 to index
        %parallel_loop3A_442 = arith.constant 352 : index
        %parallel_loop3A_443 = tpu.vector_load %arg10[%parallel_loop3A_441, %parallel_loop3A_442] {strides = array<i32>} : memref<32x768xf32, #tpu.memory_space<vmem>>, vector<16xf32>,
        %parallel_loop3A_444 = arith.addf %parallel_loop3A_440, %parallel_loop3A_443 : vector<16xf32>
        %parallel_loop3A_445 = arith.index_cast %parallel_loop3A_145 : i32 to index
        %parallel_loop3A_446 = arith.constant 352 : index
        %parallel_loop3A_447 = tpu.vector_load %arg9[%parallel_loop3A_445, %parallel_loop3A_446] {strides = array<i32>} : memref<64x768xf32, #tpu.memory_space<vmem>>, vector<16xf32>,
        tpu.vector_store %arg9[%parallel_loop3A_445, %parallel_loop3A_446], %parallel_loop3A_444 {strides = array<i32>} : memref<64x768xf32, #tpu.memory_space<vmem>>, vector<16xf32>,
        %parallel_loop3A_448 = arith.addf %parallel_loop3A_435, %parallel_loop3A_444 : vector<16xf32>
        %parallel_loop3A_449 = arith.mulf %parallel_loop3A_444, %parallel_loop3A_444 : vector<16xf32>
        %parallel_loop3A_450 = arith.addf %parallel_loop3A_437, %parallel_loop3A_449 : vector<16xf32>
        %parallel_loop3A_451 = arith.index_cast %parallel_loop3A_145 : i32 to index
        %parallel_loop3A_452 = arith.constant 368 : index
        %parallel_loop3A_453 = tpu.vector_load %arg9[%parallel_loop3A_451, %parallel_loop3A_452] {strides = array<i32>} : memref<64x768xf32, #tpu.memory_space<vmem>>, vector<16xf32>,
        %parallel_loop3A_454 = arith.index_cast %parallel_loop3A_147 : i32 to index
        %parallel_loop3A_455 = arith.constant 368 : index
        %parallel_loop3A_456 = tpu.vector_load %arg10[%parallel_loop3A_454, %parallel_loop3A_455] {strides = array<i32>} : memref<32x768xf32, #tpu.memory_space<vmem>>, vector<16xf32>,
        %parallel_loop3A_457 = arith.addf %parallel_loop3A_453, %parallel_loop3A_456 : vector<16xf32>
        %parallel_loop3A_458 = arith.index_cast %parallel_loop3A_145 : i32 to index
        %parallel_loop3A_459 = arith.constant 368 : index
        %parallel_loop3A_460 = tpu.vector_load %arg9[%parallel_loop3A_458, %parallel_loop3A_459] {strides = array<i32>} : memref<64x768xf32, #tpu.memory_space<vmem>>, vector<16xf32>,
        tpu.vector_store %arg9[%parallel_loop3A_458, %parallel_loop3A_459], %parallel_loop3A_457 {strides = array<i32>} : memref<64x768xf32, #tpu.memory_space<vmem>>, vector<16xf32>,
        %parallel_loop3A_461 = arith.addf %parallel_loop3A_448, %parallel_loop3A_457 : vector<16xf32>
        %parallel_loop3A_462 = arith.mulf %parallel_loop3A_457, %parallel_loop3A_457 : vector<16xf32>
        %parallel_loop3A_463 = arith.addf %parallel_loop3A_450, %parallel_loop3A_462 : vector<16xf32>
        %parallel_loop3A_464 = arith.index_cast %parallel_loop3A_145 : i32 to index
        %parallel_loop3A_465 = arith.constant 384 : index
        %parallel_loop3A_466 = tpu.vector_load %arg9[%parallel_loop3A_464, %parallel_loop3A_465] {strides = array<i32>} : memref<64x768xf32, #tpu.memory_space<vmem>>, vector<16xf32>,
        %parallel_loop3A_467 = arith.index_cast %parallel_loop3A_147 : i32 to index
        %parallel_loop3A_468 = arith.constant 384 : index
        %parallel_loop3A_469 = tpu.vector_load %arg10[%parallel_loop3A_467, %parallel_loop3A_468] {strides = array<i32>} : memref<32x768xf32, #tpu.memory_space<vmem>>, vector<16xf32>,
        %parallel_loop3A_470 = arith.addf %parallel_loop3A_466, %parallel_loop3A_469 : vector<16xf32>
        %parallel_loop3A_471 = arith.index_cast %parallel_loop3A_145 : i32 to index
        %parallel_loop3A_472 = arith.constant 384 : index
        %parallel_loop3A_473 = tpu.vector_load %arg9[%parallel_loop3A_471, %parallel_loop3A_472] {strides = array<i32>} : memref<64x768xf32, #tpu.memory_space<vmem>>, vector<16xf32>,
        tpu.vector_store %arg9[%parallel_loop3A_471, %parallel_loop3A_472], %parallel_loop3A_470 {strides = array<i32>} : memref<64x768xf32, #tpu.memory_space<vmem>>, vector<16xf32>,
        %parallel_loop3A_474 = arith.addf %parallel_loop3A_461, %parallel_loop3A_470 : vector<16xf32>
        %parallel_loop3A_475 = arith.mulf %parallel_loop3A_470, %parallel_loop3A_470 : vector<16xf32>
        %parallel_loop3A_476 = arith.addf %parallel_loop3A_463, %parallel_loop3A_475 : vector<16xf32>
        %parallel_loop3A_477 = arith.index_cast %parallel_loop3A_145 : i32 to index
        %parallel_loop3A_478 = arith.constant 400 : index
        %parallel_loop3A_479 = tpu.vector_load %arg9[%parallel_loop3A_477, %parallel_loop3A_478] {strides = array<i32>} : memref<64x768xf32, #tpu.memory_space<vmem>>, vector<16xf32>,
        %parallel_loop3A_480 = arith.index_cast %parallel_loop3A_147 : i32 to index
        %parallel_loop3A_481 = arith.constant 400 : index
        %parallel_loop3A_482 = tpu.vector_load %arg10[%parallel_loop3A_480, %parallel_loop3A_481] {strides = array<i32>} : memref<32x768xf32, #tpu.memory_space<vmem>>, vector<16xf32>,
        %parallel_loop3A_483 = arith.addf %parallel_loop3A_479, %parallel_loop3A_482 : vector<16xf32>
        %parallel_loop3A_484 = arith.index_cast %parallel_loop3A_145 : i32 to index
        %parallel_loop3A_485 = arith.constant 400 : index
        %parallel_loop3A_486 = tpu.vector_load %arg9[%parallel_loop3A_484, %parallel_loop3A_485] {strides = array<i32>} : memref<64x768xf32, #tpu.memory_space<vmem>>, vector<16xf32>,
        tpu.vector_store %arg9[%parallel_loop3A_484, %parallel_loop3A_485], %parallel_loop3A_483 {strides = array<i32>} : memref<64x768xf32, #tpu.memory_space<vmem>>, vector<16xf32>,
        %parallel_loop3A_487 = arith.addf %parallel_loop3A_474, %parallel_loop3A_483 : vector<16xf32>
        %parallel_loop3A_488 = arith.mulf %parallel_loop3A_483, %parallel_loop3A_483 : vector<16xf32>
        %parallel_loop3A_489 = arith.addf %parallel_loop3A_476, %parallel_loop3A_488 : vector<16xf32>
        %parallel_loop3A_490 = arith.index_cast %parallel_loop3A_145 : i32 to index
        %parallel_loop3A_491 = arith.constant 416 : index
        %parallel_loop3A_492 = tpu.vector_load %arg9[%parallel_loop3A_490, %parallel_loop3A_491] {strides = array<i32>} : memref<64x768xf32, #tpu.memory_space<vmem>>, vector<16xf32>,
        %parallel_loop3A_493 = arith.index_cast %parallel_loop3A_147 : i32 to index
        %parallel_loop3A_494 = arith.constant 416 : index
        %parallel_loop3A_495 = tpu.vector_load %arg10[%parallel_loop3A_493, %parallel_loop3A_494] {strides = array<i32>} : memref<32x768xf32, #tpu.memory_space<vmem>>, vector<16xf32>,
        %parallel_loop3A_496 = arith.addf %parallel_loop3A_492, %parallel_loop3A_495 : vector<16xf32>
        %parallel_loop3A_497 = arith.index_cast %parallel_loop3A_145 : i32 to index
        %parallel_loop3A_498 = arith.constant 416 : index
        %parallel_loop3A_499 = tpu.vector_load %arg9[%parallel_loop3A_497, %parallel_loop3A_498] {strides = array<i32>} : memref<64x768xf32, #tpu.memory_space<vmem>>, vector<16xf32>,
        tpu.vector_store %arg9[%parallel_loop3A_497, %parallel_loop3A_498], %parallel_loop3A_496 {strides = array<i32>} : memref<64x768xf32, #tpu.memory_space<vmem>>, vector<16xf32>,
        %parallel_loop3A_500 = arith.addf %parallel_loop3A_487, %parallel_loop3A_496 : vector<16xf32>
        %parallel_loop3A_501 = arith.mulf %parallel_loop3A_496, %parallel_loop3A_496 : vector<16xf32>
        %parallel_loop3A_502 = arith.addf %parallel_loop3A_489, %parallel_loop3A_501 : vector<16xf32>
        %parallel_loop3A_503 = arith.index_cast %parallel_loop3A_145 : i32 to index
        %parallel_loop3A_504 = arith.constant 432 : index
        %parallel_loop3A_505 = tpu.vector_load %arg9[%parallel_loop3A_503, %parallel_loop3A_504] {strides = array<i32>} : memref<64x768xf32, #tpu.memory_space<vmem>>, vector<16xf32>,
        %parallel_loop3A_506 = arith.index_cast %parallel_loop3A_147 : i32 to index
        %parallel_loop3A_507 = arith.constant 432 : index
        %parallel_loop3A_508 = tpu.vector_load %arg10[%parallel_loop3A_506, %parallel_loop3A_507] {strides = array<i32>} : memref<32x768xf32, #tpu.memory_space<vmem>>, vector<16xf32>,
        %parallel_loop3A_509 = arith.addf %parallel_loop3A_505, %parallel_loop3A_508 : vector<16xf32>
        %parallel_loop3A_510 = arith.index_cast %parallel_loop3A_145 : i32 to index
        %parallel_loop3A_511 = arith.constant 432 : index
        %parallel_loop3A_512 = tpu.vector_load %arg9[%parallel_loop3A_510, %parallel_loop3A_511] {strides = array<i32>} : memref<64x768xf32, #tpu.memory_space<vmem>>, vector<16xf32>,
        tpu.vector_store %arg9[%parallel_loop3A_510, %parallel_loop3A_511], %parallel_loop3A_509 {strides = array<i32>} : memref<64x768xf32, #tpu.memory_space<vmem>>, vector<16xf32>,
        %parallel_loop3A_513 = arith.addf %parallel_loop3A_500, %parallel_loop3A_509 : vector<16xf32>
        %parallel_loop3A_514 = arith.mulf %parallel_loop3A_509, %parallel_loop3A_509 : vector<16xf32>
        %parallel_loop3A_515 = arith.addf %parallel_loop3A_502, %parallel_loop3A_514 : vector<16xf32>
        %parallel_loop3A_516 = arith.index_cast %parallel_loop3A_145 : i32 to index
        %parallel_loop3A_517 = arith.constant 448 : index
        %parallel_loop3A_518 = tpu.vector_load %arg9[%parallel_loop3A_516, %parallel_loop3A_517] {strides = array<i32>} : memref<64x768xf32, #tpu.memory_space<vmem>>, vector<16xf32>,
        %parallel_loop3A_519 = arith.index_cast %parallel_loop3A_147 : i32 to index
        %parallel_loop3A_520 = arith.constant 448 : index
        %parallel_loop3A_521 = tpu.vector_load %arg10[%parallel_loop3A_519, %parallel_loop3A_520] {strides = array<i32>} : memref<32x768xf32, #tpu.memory_space<vmem>>, vector<16xf32>,
        %parallel_loop3A_522 = arith.addf %parallel_loop3A_518, %parallel_loop3A_521 : vector<16xf32>
        %parallel_loop3A_523 = arith.index_cast %parallel_loop3A_145 : i32 to index
        %parallel_loop3A_524 = arith.constant 448 : index
        %parallel_loop3A_525 = tpu.vector_load %arg9[%parallel_loop3A_523, %parallel_loop3A_524] {strides = array<i32>} : memref<64x768xf32, #tpu.memory_space<vmem>>, vector<16xf32>,
        tpu.vector_store %arg9[%parallel_loop3A_523, %parallel_loop3A_524], %parallel_loop3A_522 {strides = array<i32>} : memref<64x768xf32, #tpu.memory_space<vmem>>, vector<16xf32>,
        %parallel_loop3A_526 = arith.addf %parallel_loop3A_513, %parallel_loop3A_522 : vector<16xf32>
        %parallel_loop3A_527 = arith.mulf %parallel_loop3A_522, %parallel_loop3A_522 : vector<16xf32>
        %parallel_loop3A_528 = arith.addf %parallel_loop3A_515, %parallel_loop3A_527 : vector<16xf32>
        %parallel_loop3A_529 = arith.index_cast %parallel_loop3A_145 : i32 to index
        %parallel_loop3A_530 = arith.constant 464 : index
        %parallel_loop3A_531 = tpu.vector_load %arg9[%parallel_loop3A_529, %parallel_loop3A_530] {strides = array<i32>} : memref<64x768xf32, #tpu.memory_space<vmem>>, vector<16xf32>,
        %parallel_loop3A_532 = arith.index_cast %parallel_loop3A_147 : i32 to index
        %parallel_loop3A_533 = arith.constant 464 : index
        %parallel_loop3A_534 = tpu.vector_load %arg10[%parallel_loop3A_532, %parallel_loop3A_533] {strides = array<i32>} : memref<32x768xf32, #tpu.memory_space<vmem>>, vector<16xf32>,
        %parallel_loop3A_535 = arith.addf %parallel_loop3A_531, %parallel_loop3A_534 : vector<16xf32>
        %parallel_loop3A_536 = arith.index_cast %parallel_loop3A_145 : i32 to index
        %parallel_loop3A_537 = arith.constant 464 : index
        %parallel_loop3A_538 = tpu.vector_load %arg9[%parallel_loop3A_536, %parallel_loop3A_537] {strides = array<i32>} : memref<64x768xf32, #tpu.memory_space<vmem>>, vector<16xf32>,
        tpu.vector_store %arg9[%parallel_loop3A_536, %parallel_loop3A_537], %parallel_loop3A_535 {strides = array<i32>} : memref<64x768xf32, #tpu.memory_space<vmem>>, vector<16xf32>,
        %parallel_loop3A_539 = arith.addf %parallel_loop3A_526, %parallel_loop3A_535 : vector<16xf32>
        %parallel_loop3A_540 = arith.mulf %parallel_loop3A_535, %parallel_loop3A_535 : vector<16xf32>
        %parallel_loop3A_541 = arith.addf %parallel_loop3A_528, %parallel_loop3A_540 : vector<16xf32>
        %parallel_loop3A_542 = arith.index_cast %parallel_loop3A_145 : i32 to index
        %parallel_loop3A_543 = arith.constant 480 : index
        %parallel_loop3A_544 = tpu.vector_load %arg9[%parallel_loop3A_542, %parallel_loop3A_543] {strides = array<i32>} : memref<64x768xf32, #tpu.memory_space<vmem>>, vector<16xf32>,
        %parallel_loop3A_545 = arith.index_cast %parallel_loop3A_147 : i32 to index
        %parallel_loop3A_546 = arith.constant 480 : index
        %parallel_loop3A_547 = tpu.vector_load %arg10[%parallel_loop3A_545, %parallel_loop3A_546] {strides = array<i32>} : memref<32x768xf32, #tpu.memory_space<vmem>>, vector<16xf32>,
        %parallel_loop3A_548 = arith.addf %parallel_loop3A_544, %parallel_loop3A_547 : vector<16xf32>
        %parallel_loop3A_549 = arith.index_cast %parallel_loop3A_145 : i32 to index
        %parallel_loop3A_550 = arith.constant 480 : index
        %parallel_loop3A_551 = tpu.vector_load %arg9[%parallel_loop3A_549, %parallel_loop3A_550] {strides = array<i32>} : memref<64x768xf32, #tpu.memory_space<vmem>>, vector<16xf32>,
        tpu.vector_store %arg9[%parallel_loop3A_549, %parallel_loop3A_550], %parallel_loop3A_548 {strides = array<i32>} : memref<64x768xf32, #tpu.memory_space<vmem>>, vector<16xf32>,
        %parallel_loop3A_552 = arith.addf %parallel_loop3A_539, %parallel_loop3A_548 : vector<16xf32>
        %parallel_loop3A_553 = arith.mulf %parallel_loop3A_548, %parallel_loop3A_548 : vector<16xf32>
        %parallel_loop3A_554 = arith.addf %parallel_loop3A_541, %parallel_loop3A_553 : vector<16xf32>
        %parallel_loop3A_555 = arith.index_cast %parallel_loop3A_145 : i32 to index
        %parallel_loop3A_556 = arith.constant 496 : index
        %parallel_loop3A_557 = tpu.vector_load %arg9[%parallel_loop3A_555, %parallel_loop3A_556] {strides = array<i32>} : memref<64x768xf32, #tpu.memory_space<vmem>>, vector<16xf32>,
        %parallel_loop3A_558 = arith.index_cast %parallel_loop3A_147 : i32 to index
        %parallel_loop3A_559 = arith.constant 496 : index
        %parallel_loop3A_560 = tpu.vector_load %arg10[%parallel_loop3A_558, %parallel_loop3A_559] {strides = array<i32>} : memref<32x768xf32, #tpu.memory_space<vmem>>, vector<16xf32>,
        %parallel_loop3A_561 = arith.addf %parallel_loop3A_557, %parallel_loop3A_560 : vector<16xf32>
        %parallel_loop3A_562 = arith.index_cast %parallel_loop3A_145 : i32 to index
        %parallel_loop3A_563 = arith.constant 496 : index
        %parallel_loop3A_564 = tpu.vector_load %arg9[%parallel_loop3A_562, %parallel_loop3A_563] {strides = array<i32>} : memref<64x768xf32, #tpu.memory_space<vmem>>, vector<16xf32>,
        tpu.vector_store %arg9[%parallel_loop3A_562, %parallel_loop3A_563], %parallel_loop3A_561 {strides = array<i32>} : memref<64x768xf32, #tpu.memory_space<vmem>>, vector<16xf32>,
        %parallel_loop3A_565 = arith.addf %parallel_loop3A_552, %parallel_loop3A_561 : vector<16xf32>
        %parallel_loop3A_566 = arith.mulf %parallel_loop3A_561, %parallel_loop3A_561 : vector<16xf32>
        %parallel_loop3A_567 = arith.addf %parallel_loop3A_554, %parallel_loop3A_566 : vector<16xf32>
        %parallel_loop3A_568 = arith.index_cast %parallel_loop3A_145 : i32 to index
        %parallel_loop3A_569 = arith.constant 512 : index
        %parallel_loop3A_570 = tpu.vector_load %arg9[%parallel_loop3A_568, %parallel_loop3A_569] {strides = array<i32>} : memref<64x768xf32, #tpu.memory_space<vmem>>, vector<16xf32>,
        %parallel_loop3A_571 = arith.index_cast %parallel_loop3A_147 : i32 to index
        %parallel_loop3A_572 = arith.constant 512 : index
        %parallel_loop3A_573 = tpu.vector_load %arg10[%parallel_loop3A_571, %parallel_loop3A_572] {strides = array<i32>} : memref<32x768xf32, #tpu.memory_space<vmem>>, vector<16xf32>,
        %parallel_loop3A_574 = arith.addf %parallel_loop3A_570, %parallel_loop3A_573 : vector<16xf32>
        %parallel_loop3A_575 = arith.index_cast %parallel_loop3A_145 : i32 to index
        %parallel_loop3A_576 = arith.constant 512 : index
        %parallel_loop3A_577 = tpu.vector_load %arg9[%parallel_loop3A_575, %parallel_loop3A_576] {strides = array<i32>} : memref<64x768xf32, #tpu.memory_space<vmem>>, vector<16xf32>,
        tpu.vector_store %arg9[%parallel_loop3A_575, %parallel_loop3A_576], %parallel_loop3A_574 {strides = array<i32>} : memref<64x768xf32, #tpu.memory_space<vmem>>, vector<16xf32>,
        %parallel_loop3A_578 = arith.addf %parallel_loop3A_565, %parallel_loop3A_574 : vector<16xf32>
        %parallel_loop3A_579 = arith.mulf %parallel_loop3A_574, %parallel_loop3A_574 : vector<16xf32>
        %parallel_loop3A_580 = arith.addf %parallel_loop3A_567, %parallel_loop3A_579 : vector<16xf32>
        %parallel_loop3A_581 = arith.index_cast %parallel_loop3A_145 : i32 to index
        %parallel_loop3A_582 = arith.constant 528 : index
        %parallel_loop3A_583 = tpu.vector_load %arg9[%parallel_loop3A_581, %parallel_loop3A_582] {strides = array<i32>} : memref<64x768xf32, #tpu.memory_space<vmem>>, vector<16xf32>,
        %parallel_loop3A_584 = arith.index_cast %parallel_loop3A_147 : i32 to index
        %parallel_loop3A_585 = arith.constant 528 : index
        %parallel_loop3A_586 = tpu.vector_load %arg10[%parallel_loop3A_584, %parallel_loop3A_585] {strides = array<i32>} : memref<32x768xf32, #tpu.memory_space<vmem>>, vector<16xf32>,
        %parallel_loop3A_587 = arith.addf %parallel_loop3A_583, %parallel_loop3A_586 : vector<16xf32>
        %parallel_loop3A_588 = arith.index_cast %parallel_loop3A_145 : i32 to index
        %parallel_loop3A_589 = arith.constant 528 : index
        %parallel_loop3A_590 = tpu.vector_load %arg9[%parallel_loop3A_588, %parallel_loop3A_589] {strides = array<i32>} : memref<64x768xf32, #tpu.memory_space<vmem>>, vector<16xf32>,
        tpu.vector_store %arg9[%parallel_loop3A_588, %parallel_loop3A_589], %parallel_loop3A_587 {strides = array<i32>} : memref<64x768xf32, #tpu.memory_space<vmem>>, vector<16xf32>,
        %parallel_loop3A_591 = arith.addf %parallel_loop3A_578, %parallel_loop3A_587 : vector<16xf32>
        %parallel_loop3A_592 = arith.mulf %parallel_loop3A_587, %parallel_loop3A_587 : vector<16xf32>
        %parallel_loop3A_593 = arith.addf %parallel_loop3A_580, %parallel_loop3A_592 : vector<16xf32>
        %parallel_loop3A_594 = arith.index_cast %parallel_loop3A_145 : i32 to index
        %parallel_loop3A_595 = arith.constant 544 : index
        %parallel_loop3A_596 = tpu.vector_load %arg9[%parallel_loop3A_594, %parallel_loop3A_595] {strides = array<i32>} : memref<64x768xf32, #tpu.memory_space<vmem>>, vector<16xf32>,
        %parallel_loop3A_597 = arith.index_cast %parallel_loop3A_147 : i32 to index
        %parallel_loop3A_598 = arith.constant 544 : index
        %parallel_loop3A_599 = tpu.vector_load %arg10[%parallel_loop3A_597, %parallel_loop3A_598] {strides = array<i32>} : memref<32x768xf32, #tpu.memory_space<vmem>>, vector<16xf32>,
        %parallel_loop3A_600 = arith.addf %parallel_loop3A_596, %parallel_loop3A_599 : vector<16xf32>
        %parallel_loop3A_601 = arith.index_cast %parallel_loop3A_145 : i32 to index
        %parallel_loop3A_602 = arith.constant 544 : index
        %parallel_loop3A_603 = tpu.vector_load %arg9[%parallel_loop3A_601, %parallel_loop3A_602] {strides = array<i32>} : memref<64x768xf32, #tpu.memory_space<vmem>>, vector<16xf32>,
        tpu.vector_store %arg9[%parallel_loop3A_601, %parallel_loop3A_602], %parallel_loop3A_600 {strides = array<i32>} : memref<64x768xf32, #tpu.memory_space<vmem>>, vector<16xf32>,
        %parallel_loop3A_604 = arith.addf %parallel_loop3A_591, %parallel_loop3A_600 : vector<16xf32>
        %parallel_loop3A_605 = arith.mulf %parallel_loop3A_600, %parallel_loop3A_600 : vector<16xf32>
        %parallel_loop3A_606 = arith.addf %parallel_loop3A_593, %parallel_loop3A_605 : vector<16xf32>
        %parallel_loop3A_607 = arith.index_cast %parallel_loop3A_145 : i32 to index
        %parallel_loop3A_608 = arith.constant 560 : index
        %parallel_loop3A_609 = tpu.vector_load %arg9[%parallel_loop3A_607, %parallel_loop3A_608] {strides = array<i32>} : memref<64x768xf32, #tpu.memory_space<vmem>>, vector<16xf32>,
        %parallel_loop3A_610 = arith.index_cast %parallel_loop3A_147 : i32 to index
        %parallel_loop3A_611 = arith.constant 560 : index
        %parallel_loop3A_612 = tpu.vector_load %arg10[%parallel_loop3A_610, %parallel_loop3A_611] {strides = array<i32>} : memref<32x768xf32, #tpu.memory_space<vmem>>, vector<16xf32>,
        %parallel_loop3A_613 = arith.addf %parallel_loop3A_609, %parallel_loop3A_612 : vector<16xf32>
        %parallel_loop3A_614 = arith.index_cast %parallel_loop3A_145 : i32 to index
        %parallel_loop3A_615 = arith.constant 560 : index
        %parallel_loop3A_616 = tpu.vector_load %arg9[%parallel_loop3A_614, %parallel_loop3A_615] {strides = array<i32>} : memref<64x768xf32, #tpu.memory_space<vmem>>, vector<16xf32>,
        tpu.vector_store %arg9[%parallel_loop3A_614, %parallel_loop3A_615], %parallel_loop3A_613 {strides = array<i32>} : memref<64x768xf32, #tpu.memory_space<vmem>>, vector<16xf32>,
        %parallel_loop3A_617 = arith.addf %parallel_loop3A_604, %parallel_loop3A_613 : vector<16xf32>
        %parallel_loop3A_618 = arith.mulf %parallel_loop3A_613, %parallel_loop3A_613 : vector<16xf32>
        %parallel_loop3A_619 = arith.addf %parallel_loop3A_606, %parallel_loop3A_618 : vector<16xf32>
        %parallel_loop3A_620 = arith.index_cast %parallel_loop3A_145 : i32 to index
        %parallel_loop3A_621 = arith.constant 576 : index
        %parallel_loop3A_622 = tpu.vector_load %arg9[%parallel_loop3A_620, %parallel_loop3A_621] {strides = array<i32>} : memref<64x768xf32, #tpu.memory_space<vmem>>, vector<16xf32>,
        %parallel_loop3A_623 = arith.index_cast %parallel_loop3A_147 : i32 to index
        %parallel_loop3A_624 = arith.constant 576 : index
        %parallel_loop3A_625 = tpu.vector_load %arg10[%parallel_loop3A_623, %parallel_loop3A_624] {strides = array<i32>} : memref<32x768xf32, #tpu.memory_space<vmem>>, vector<16xf32>,
        %parallel_loop3A_626 = arith.addf %parallel_loop3A_622, %parallel_loop3A_625 : vector<16xf32>
        %parallel_loop3A_627 = arith.index_cast %parallel_loop3A_145 : i32 to index
        %parallel_loop3A_628 = arith.constant 576 : index
        %parallel_loop3A_629 = tpu.vector_load %arg9[%parallel_loop3A_627, %parallel_loop3A_628] {strides = array<i32>} : memref<64x768xf32, #tpu.memory_space<vmem>>, vector<16xf32>,
        tpu.vector_store %arg9[%parallel_loop3A_627, %parallel_loop3A_628], %parallel_loop3A_626 {strides = array<i32>} : memref<64x768xf32, #tpu.memory_space<vmem>>, vector<16xf32>,
        %parallel_loop3A_630 = arith.addf %parallel_loop3A_617, %parallel_loop3A_626 : vector<16xf32>
        %parallel_loop3A_631 = arith.mulf %parallel_loop3A_626, %parallel_loop3A_626 : vector<16xf32>
        %parallel_loop3A_632 = arith.addf %parallel_loop3A_619, %parallel_loop3A_631 : vector<16xf32>
        %parallel_loop3A_633 = arith.index_cast %parallel_loop3A_145 : i32 to index
        %parallel_loop3A_634 = arith.constant 592 : index
        %parallel_loop3A_635 = tpu.vector_load %arg9[%parallel_loop3A_633, %parallel_loop3A_634] {strides = array<i32>} : memref<64x768xf32, #tpu.memory_space<vmem>>, vector<16xf32>,
        %parallel_loop3A_636 = arith.index_cast %parallel_loop3A_147 : i32 to index
        %parallel_loop3A_637 = arith.constant 592 : index
        %parallel_loop3A_638 = tpu.vector_load %arg10[%parallel_loop3A_636, %parallel_loop3A_637] {strides = array<i32>} : memref<32x768xf32, #tpu.memory_space<vmem>>, vector<16xf32>,
        %parallel_loop3A_639 = arith.addf %parallel_loop3A_635, %parallel_loop3A_638 : vector<16xf32>
        %parallel_loop3A_640 = arith.index_cast %parallel_loop3A_145 : i32 to index
        %parallel_loop3A_641 = arith.constant 592 : index
        %parallel_loop3A_642 = tpu.vector_load %arg9[%parallel_loop3A_640, %parallel_loop3A_641] {strides = array<i32>} : memref<64x768xf32, #tpu.memory_space<vmem>>, vector<16xf32>,
        tpu.vector_store %arg9[%parallel_loop3A_640, %parallel_loop3A_641], %parallel_loop3A_639 {strides = array<i32>} : memref<64x768xf32, #tpu.memory_space<vmem>>, vector<16xf32>,
        %parallel_loop3A_643 = arith.addf %parallel_loop3A_630, %parallel_loop3A_639 : vector<16xf32>
        %parallel_loop3A_644 = arith.mulf %parallel_loop3A_639, %parallel_loop3A_639 : vector<16xf32>
        %parallel_loop3A_645 = arith.addf %parallel_loop3A_632, %parallel_loop3A_644 : vector<16xf32>
        %parallel_loop3A_646 = arith.index_cast %parallel_loop3A_145 : i32 to index
        %parallel_loop3A_647 = arith.constant 608 : index
        %parallel_loop3A_648 = tpu.vector_load %arg9[%parallel_loop3A_646, %parallel_loop3A_647] {strides = array<i32>} : memref<64x768xf32, #tpu.memory_space<vmem>>, vector<16xf32>,
        %parallel_loop3A_649 = arith.index_cast %parallel_loop3A_147 : i32 to index
        %parallel_loop3A_650 = arith.constant 608 : index
        %parallel_loop3A_651 = tpu.vector_load %arg10[%parallel_loop3A_649, %parallel_loop3A_650] {strides = array<i32>} : memref<32x768xf32, #tpu.memory_space<vmem>>, vector<16xf32>,
        %parallel_loop3A_652 = arith.addf %parallel_loop3A_648, %parallel_loop3A_651 : vector<16xf32>
        %parallel_loop3A_653 = arith.index_cast %parallel_loop3A_145 : i32 to index
        %parallel_loop3A_654 = arith.constant 608 : index
        %parallel_loop3A_655 = tpu.vector_load %arg9[%parallel_loop3A_653, %parallel_loop3A_654] {strides = array<i32>} : memref<64x768xf32, #tpu.memory_space<vmem>>, vector<16xf32>,
        tpu.vector_store %arg9[%parallel_loop3A_653, %parallel_loop3A_654], %parallel_loop3A_652 {strides = array<i32>} : memref<64x768xf32, #tpu.memory_space<vmem>>, vector<16xf32>,
        %parallel_loop3A_656 = arith.addf %parallel_loop3A_643, %parallel_loop3A_652 : vector<16xf32>
        %parallel_loop3A_657 = arith.mulf %parallel_loop3A_652, %parallel_loop3A_652 : vector<16xf32>
        %parallel_loop3A_658 = arith.addf %parallel_loop3A_645, %parallel_loop3A_657 : vector<16xf32>
        %parallel_loop3A_659 = arith.index_cast %parallel_loop3A_145 : i32 to index
        %parallel_loop3A_660 = arith.constant 624 : index
        %parallel_loop3A_661 = tpu.vector_load %arg9[%parallel_loop3A_659, %parallel_loop3A_660] {strides = array<i32>} : memref<64x768xf32, #tpu.memory_space<vmem>>, vector<16xf32>,
        %parallel_loop3A_662 = arith.index_cast %parallel_loop3A_147 : i32 to index
        %parallel_loop3A_663 = arith.constant 624 : index
        %parallel_loop3A_664 = tpu.vector_load %arg10[%parallel_loop3A_662, %parallel_loop3A_663] {strides = array<i32>} : memref<32x768xf32, #tpu.memory_space<vmem>>, vector<16xf32>,
        %parallel_loop3A_665 = arith.addf %parallel_loop3A_661, %parallel_loop3A_664 : vector<16xf32>
        %parallel_loop3A_666 = arith.index_cast %parallel_loop3A_145 : i32 to index
        %parallel_loop3A_667 = arith.constant 624 : index
        %parallel_loop3A_668 = tpu.vector_load %arg9[%parallel_loop3A_666, %parallel_loop3A_667] {strides = array<i32>} : memref<64x768xf32, #tpu.memory_space<vmem>>, vector<16xf32>,
        tpu.vector_store %arg9[%parallel_loop3A_666, %parallel_loop3A_667], %parallel_loop3A_665 {strides = array<i32>} : memref<64x768xf32, #tpu.memory_space<vmem>>, vector<16xf32>,
        %parallel_loop3A_669 = arith.addf %parallel_loop3A_656, %parallel_loop3A_665 : vector<16xf32>
        %parallel_loop3A_670 = arith.mulf %parallel_loop3A_665, %parallel_loop3A_665 : vector<16xf32>
        %parallel_loop3A_671 = arith.addf %parallel_loop3A_658, %parallel_loop3A_670 : vector<16xf32>
        %parallel_loop3A_672 = arith.index_cast %parallel_loop3A_145 : i32 to index
        %parallel_loop3A_673 = arith.constant 640 : index
        %parallel_loop3A_674 = tpu.vector_load %arg9[%parallel_loop3A_672, %parallel_loop3A_673] {strides = array<i32>} : memref<64x768xf32, #tpu.memory_space<vmem>>, vector<16xf32>,
        %parallel_loop3A_675 = arith.index_cast %parallel_loop3A_147 : i32 to index
        %parallel_loop3A_676 = arith.constant 640 : index
        %parallel_loop3A_677 = tpu.vector_load %arg10[%parallel_loop3A_675, %parallel_loop3A_676] {strides = array<i32>} : memref<32x768xf32, #tpu.memory_space<vmem>>, vector<16xf32>,
        %parallel_loop3A_678 = arith.addf %parallel_loop3A_674, %parallel_loop3A_677 : vector<16xf32>
        %parallel_loop3A_679 = arith.index_cast %parallel_loop3A_145 : i32 to index
        %parallel_loop3A_680 = arith.constant 640 : index
        %parallel_loop3A_681 = tpu.vector_load %arg9[%parallel_loop3A_679, %parallel_loop3A_680] {strides = array<i32>} : memref<64x768xf32, #tpu.memory_space<vmem>>, vector<16xf32>,
        tpu.vector_store %arg9[%parallel_loop3A_679, %parallel_loop3A_680], %parallel_loop3A_678 {strides = array<i32>} : memref<64x768xf32, #tpu.memory_space<vmem>>, vector<16xf32>,
        %parallel_loop3A_682 = arith.addf %parallel_loop3A_669, %parallel_loop3A_678 : vector<16xf32>
        %parallel_loop3A_683 = arith.mulf %parallel_loop3A_678, %parallel_loop3A_678 : vector<16xf32>
        %parallel_loop3A_684 = arith.addf %parallel_loop3A_671, %parallel_loop3A_683 : vector<16xf32>
        %parallel_loop3A_685 = arith.index_cast %parallel_loop3A_145 : i32 to index
        %parallel_loop3A_686 = arith.constant 656 : index
        %parallel_loop3A_687 = tpu.vector_load %arg9[%parallel_loop3A_685, %parallel_loop3A_686] {strides = array<i32>} : memref<64x768xf32, #tpu.memory_space<vmem>>, vector<16xf32>,
        %parallel_loop3A_688 = arith.index_cast %parallel_loop3A_147 : i32 to index
        %parallel_loop3A_689 = arith.constant 656 : index
        %parallel_loop3A_690 = tpu.vector_load %arg10[%parallel_loop3A_688, %parallel_loop3A_689] {strides = array<i32>} : memref<32x768xf32, #tpu.memory_space<vmem>>, vector<16xf32>,
        %parallel_loop3A_691 = arith.addf %parallel_loop3A_687, %parallel_loop3A_690 : vector<16xf32>
        %parallel_loop3A_692 = arith.index_cast %parallel_loop3A_145 : i32 to index
        %parallel_loop3A_693 = arith.constant 656 : index
        %parallel_loop3A_694 = tpu.vector_load %arg9[%parallel_loop3A_692, %parallel_loop3A_693] {strides = array<i32>} : memref<64x768xf32, #tpu.memory_space<vmem>>, vector<16xf32>,
        tpu.vector_store %arg9[%parallel_loop3A_692, %parallel_loop3A_693], %parallel_loop3A_691 {strides = array<i32>} : memref<64x768xf32, #tpu.memory_space<vmem>>, vector<16xf32>,
        %parallel_loop3A_695 = arith.addf %parallel_loop3A_682, %parallel_loop3A_691 : vector<16xf32>
        %parallel_loop3A_696 = arith.mulf %parallel_loop3A_691, %parallel_loop3A_691 : vector<16xf32>
        %parallel_loop3A_697 = arith.addf %parallel_loop3A_684, %parallel_loop3A_696 : vector<16xf32>
        %parallel_loop3A_698 = arith.index_cast %parallel_loop3A_145 : i32 to index
        %parallel_loop3A_699 = arith.constant 672 : index
        %parallel_loop3A_700 = tpu.vector_load %arg9[%parallel_loop3A_698, %parallel_loop3A_699] {strides = array<i32>} : memref<64x768xf32, #tpu.memory_space<vmem>>, vector<16xf32>,
        %parallel_loop3A_701 = arith.index_cast %parallel_loop3A_147 : i32 to index
        %parallel_loop3A_702 = arith.constant 672 : index
        %parallel_loop3A_703 = tpu.vector_load %arg10[%parallel_loop3A_701, %parallel_loop3A_702] {strides = array<i32>} : memref<32x768xf32, #tpu.memory_space<vmem>>, vector<16xf32>,
        %parallel_loop3A_704 = arith.addf %parallel_loop3A_700, %parallel_loop3A_703 : vector<16xf32>
        %parallel_loop3A_705 = arith.index_cast %parallel_loop3A_145 : i32 to index
        %parallel_loop3A_706 = arith.constant 672 : index
        %parallel_loop3A_707 = tpu.vector_load %arg9[%parallel_loop3A_705, %parallel_loop3A_706] {strides = array<i32>} : memref<64x768xf32, #tpu.memory_space<vmem>>, vector<16xf32>,
        tpu.vector_store %arg9[%parallel_loop3A_705, %parallel_loop3A_706], %parallel_loop3A_704 {strides = array<i32>} : memref<64x768xf32, #tpu.memory_space<vmem>>, vector<16xf32>,
        %parallel_loop3A_708 = arith.addf %parallel_loop3A_695, %parallel_loop3A_704 : vector<16xf32>
        %parallel_loop3A_709 = arith.mulf %parallel_loop3A_704, %parallel_loop3A_704 : vector<16xf32>
        %parallel_loop3A_710 = arith.addf %parallel_loop3A_697, %parallel_loop3A_709 : vector<16xf32>
        %parallel_loop3A_711 = arith.index_cast %parallel_loop3A_145 : i32 to index
        %parallel_loop3A_712 = arith.constant 688 : index
        %parallel_loop3A_713 = tpu.vector_load %arg9[%parallel_loop3A_711, %parallel_loop3A_712] {strides = array<i32>} : memref<64x768xf32, #tpu.memory_space<vmem>>, vector<16xf32>,
        %parallel_loop3A_714 = arith.index_cast %parallel_loop3A_147 : i32 to index
        %parallel_loop3A_715 = arith.constant 688 : index
        %parallel_loop3A_716 = tpu.vector_load %arg10[%parallel_loop3A_714, %parallel_loop3A_715] {strides = array<i32>} : memref<32x768xf32, #tpu.memory_space<vmem>>, vector<16xf32>,
        %parallel_loop3A_717 = arith.addf %parallel_loop3A_713, %parallel_loop3A_716 : vector<16xf32>
        %parallel_loop3A_718 = arith.index_cast %parallel_loop3A_145 : i32 to index
        %parallel_loop3A_719 = arith.constant 688 : index
        %parallel_loop3A_720 = tpu.vector_load %arg9[%parallel_loop3A_718, %parallel_loop3A_719] {strides = array<i32>} : memref<64x768xf32, #tpu.memory_space<vmem>>, vector<16xf32>,
        tpu.vector_store %arg9[%parallel_loop3A_718, %parallel_loop3A_719], %parallel_loop3A_717 {strides = array<i32>} : memref<64x768xf32, #tpu.memory_space<vmem>>, vector<16xf32>,
        %parallel_loop3A_721 = arith.addf %parallel_loop3A_708, %parallel_loop3A_717 : vector<16xf32>
        %parallel_loop3A_722 = arith.mulf %parallel_loop3A_717, %parallel_loop3A_717 : vector<16xf32>
        %parallel_loop3A_723 = arith.addf %parallel_loop3A_710, %parallel_loop3A_722 : vector<16xf32>
        %parallel_loop3A_724 = arith.index_cast %parallel_loop3A_145 : i32 to index
        %parallel_loop3A_725 = arith.constant 704 : index
        %parallel_loop3A_726 = tpu.vector_load %arg9[%parallel_loop3A_724, %parallel_loop3A_725] {strides = array<i32>} : memref<64x768xf32, #tpu.memory_space<vmem>>, vector<16xf32>,
        %parallel_loop3A_727 = arith.index_cast %parallel_loop3A_147 : i32 to index
        %parallel_loop3A_728 = arith.constant 704 : index
        %parallel_loop3A_729 = tpu.vector_load %arg10[%parallel_loop3A_727, %parallel_loop3A_728] {strides = array<i32>} : memref<32x768xf32, #tpu.memory_space<vmem>>, vector<16xf32>,
        %parallel_loop3A_730 = arith.addf %parallel_loop3A_726, %parallel_loop3A_729 : vector<16xf32>
        %parallel_loop3A_731 = arith.index_cast %parallel_loop3A_145 : i32 to index
        %parallel_loop3A_732 = arith.constant 704 : index
        %parallel_loop3A_733 = tpu.vector_load %arg9[%parallel_loop3A_731, %parallel_loop3A_732] {strides = array<i32>} : memref<64x768xf32, #tpu.memory_space<vmem>>, vector<16xf32>,
        tpu.vector_store %arg9[%parallel_loop3A_731, %parallel_loop3A_732], %parallel_loop3A_730 {strides = array<i32>} : memref<64x768xf32, #tpu.memory_space<vmem>>, vector<16xf32>,
        %parallel_loop3A_734 = arith.addf %parallel_loop3A_721, %parallel_loop3A_730 : vector<16xf32>
        %parallel_loop3A_735 = arith.mulf %parallel_loop3A_730, %parallel_loop3A_730 : vector<16xf32>
        %parallel_loop3A_736 = arith.addf %parallel_loop3A_723, %parallel_loop3A_735 : vector<16xf32>
        %parallel_loop3A_737 = arith.index_cast %parallel_loop3A_145 : i32 to index
        %parallel_loop3A_738 = arith.constant 720 : index
        %parallel_loop3A_739 = tpu.vector_load %arg9[%parallel_loop3A_737, %parallel_loop3A_738] {strides = array<i32>} : memref<64x768xf32, #tpu.memory_space<vmem>>, vector<16xf32>,
        %parallel_loop3A_740 = arith.index_cast %parallel_loop3A_147 : i32 to index
        %parallel_loop3A_741 = arith.constant 720 : index
        %parallel_loop3A_742 = tpu.vector_load %arg10[%parallel_loop3A_740, %parallel_loop3A_741] {strides = array<i32>} : memref<32x768xf32, #tpu.memory_space<vmem>>, vector<16xf32>,
        %parallel_loop3A_743 = arith.addf %parallel_loop3A_739, %parallel_loop3A_742 : vector<16xf32>
        %parallel_loop3A_744 = arith.index_cast %parallel_loop3A_145 : i32 to index
        %parallel_loop3A_745 = arith.constant 720 : index
        %parallel_loop3A_746 = tpu.vector_load %arg9[%parallel_loop3A_744, %parallel_loop3A_745] {strides = array<i32>} : memref<64x768xf32, #tpu.memory_space<vmem>>, vector<16xf32>,
        tpu.vector_store %arg9[%parallel_loop3A_744, %parallel_loop3A_745], %parallel_loop3A_743 {strides = array<i32>} : memref<64x768xf32, #tpu.memory_space<vmem>>, vector<16xf32>,
        %parallel_loop3A_747 = arith.addf %parallel_loop3A_734, %parallel_loop3A_743 : vector<16xf32>
        %parallel_loop3A_748 = arith.mulf %parallel_loop3A_743, %parallel_loop3A_743 : vector<16xf32>
        %parallel_loop3A_749 = arith.addf %parallel_loop3A_736, %parallel_loop3A_748 : vector<16xf32>
        %parallel_loop3A_750 = arith.index_cast %parallel_loop3A_145 : i32 to index
        %parallel_loop3A_751 = arith.constant 736 : index
        %parallel_loop3A_752 = tpu.vector_load %arg9[%parallel_loop3A_750, %parallel_loop3A_751] {strides = array<i32>} : memref<64x768xf32, #tpu.memory_space<vmem>>, vector<16xf32>,
        %parallel_loop3A_753 = arith.index_cast %parallel_loop3A_147 : i32 to index
        %parallel_loop3A_754 = arith.constant 736 : index
        %parallel_loop3A_755 = tpu.vector_load %arg10[%parallel_loop3A_753, %parallel_loop3A_754] {strides = array<i32>} : memref<32x768xf32, #tpu.memory_space<vmem>>, vector<16xf32>,
        %parallel_loop3A_756 = arith.addf %parallel_loop3A_752, %parallel_loop3A_755 : vector<16xf32>
        %parallel_loop3A_757 = arith.index_cast %parallel_loop3A_145 : i32 to index
        %parallel_loop3A_758 = arith.constant 736 : index
        %parallel_loop3A_759 = tpu.vector_load %arg9[%parallel_loop3A_757, %parallel_loop3A_758] {strides = array<i32>} : memref<64x768xf32, #tpu.memory_space<vmem>>, vector<16xf32>,
        tpu.vector_store %arg9[%parallel_loop3A_757, %parallel_loop3A_758], %parallel_loop3A_756 {strides = array<i32>} : memref<64x768xf32, #tpu.memory_space<vmem>>, vector<16xf32>,
        %parallel_loop3A_760 = arith.addf %parallel_loop3A_747, %parallel_loop3A_756 : vector<16xf32>
        %parallel_loop3A_761 = arith.mulf %parallel_loop3A_756, %parallel_loop3A_756 : vector<16xf32>
        %parallel_loop3A_762 = arith.addf %parallel_loop3A_749, %parallel_loop3A_761 : vector<16xf32>
        %parallel_loop3A_763 = arith.index_cast %parallel_loop3A_145 : i32 to index
        %parallel_loop3A_764 = arith.constant 752 : index
        %parallel_loop3A_765 = tpu.vector_load %arg9[%parallel_loop3A_763, %parallel_loop3A_764] {strides = array<i32>} : memref<64x768xf32, #tpu.memory_space<vmem>>, vector<16xf32>,
        %parallel_loop3A_766 = arith.index_cast %parallel_loop3A_147 : i32 to index
        %parallel_loop3A_767 = arith.constant 752 : index
        %parallel_loop3A_768 = tpu.vector_load %arg10[%parallel_loop3A_766, %parallel_loop3A_767] {strides = array<i32>} : memref<32x768xf32, #tpu.memory_space<vmem>>, vector<16xf32>,
        %parallel_loop3A_769 = arith.addf %parallel_loop3A_765, %parallel_loop3A_768 : vector<16xf32>
        %parallel_loop3A_770 = arith.index_cast %parallel_loop3A_145 : i32 to index
        %parallel_loop3A_771 = arith.constant 752 : index
        %parallel_loop3A_772 = tpu.vector_load %arg9[%parallel_loop3A_770, %parallel_loop3A_771] {strides = array<i32>} : memref<64x768xf32, #tpu.memory_space<vmem>>, vector<16xf32>,
        tpu.vector_store %arg9[%parallel_loop3A_770, %parallel_loop3A_771], %parallel_loop3A_769 {strides = array<i32>} : memref<64x768xf32, #tpu.memory_space<vmem>>, vector<16xf32>,
        %parallel_loop3A_773 = arith.addf %parallel_loop3A_760, %parallel_loop3A_769 : vector<16xf32>
        %parallel_loop3A_774 = arith.mulf %parallel_loop3A_769, %parallel_loop3A_769 : vector<16xf32>
        %parallel_loop3A_775 = arith.addf %parallel_loop3A_762, %parallel_loop3A_774 : vector<16xf32>
        %parallel_loop3A_776 = tpu.iota {dimensions = array<i32: 0>} : vector<16xi32>
        %parallel_loop3A_777 = arith.constant 8 : i32
        %parallel_loop3A_778 = vector.broadcast %parallel_loop3A_777 : i32 to vector<16xi32>
        %parallel_loop3A_779 = arith.xori %parallel_loop3A_776, %parallel_loop3A_778 : vector<16xi32>
        %parallel_loop3A_780 = vector.shape_cast %parallel_loop3A_779 : vector<16xi32> to vector<16x1xi32>
        %parallel_loop3A_781 = vector.shape_cast %parallel_loop3A_780 : vector<16x1xi32> to vector<16xi32>
        %parallel_loop3A_782 = tpu.dynamic_gather %parallel_loop3A_773[%parallel_loop3A_781] in [0] : vector<16xf32>, vector<16xi32> -> vector<16xf32>
        %parallel_loop3A_783 = arith.addf %parallel_loop3A_773, %parallel_loop3A_782 : vector<16xf32>
        %parallel_loop3A_784 = tpu.iota {dimensions = array<i32: 0>} : vector<16xi32>
        %parallel_loop3A_785 = arith.constant 8 : i32
        %parallel_loop3A_786 = vector.broadcast %parallel_loop3A_785 : i32 to vector<16xi32>
        %parallel_loop3A_787 = arith.xori %parallel_loop3A_784, %parallel_loop3A_786 : vector<16xi32>
        %parallel_loop3A_788 = vector.shape_cast %parallel_loop3A_787 : vector<16xi32> to vector<16x1xi32>
        %parallel_loop3A_789 = vector.shape_cast %parallel_loop3A_788 : vector<16x1xi32> to vector<16xi32>
        %parallel_loop3A_790 = tpu.dynamic_gather %parallel_loop3A_775[%parallel_loop3A_789] in [0] : vector<16xf32>, vector<16xi32> -> vector<16xf32>
        %parallel_loop3A_791 = arith.addf %parallel_loop3A_775, %parallel_loop3A_790 : vector<16xf32>
        %parallel_loop3A_792 = tpu.iota {dimensions = array<i32: 0>} : vector<16xi32>
        %parallel_loop3A_793 = arith.constant 4 : i32
        %parallel_loop3A_794 = vector.broadcast %parallel_loop3A_793 : i32 to vector<16xi32>
        %parallel_loop3A_795 = arith.xori %parallel_loop3A_792, %parallel_loop3A_794 : vector<16xi32>
        %parallel_loop3A_796 = vector.shape_cast %parallel_loop3A_795 : vector<16xi32> to vector<16x1xi32>
        %parallel_loop3A_797 = vector.shape_cast %parallel_loop3A_796 : vector<16x1xi32> to vector<16xi32>
        %parallel_loop3A_798 = tpu.dynamic_gather %parallel_loop3A_783[%parallel_loop3A_797] in [0] : vector<16xf32>, vector<16xi32> -> vector<16xf32>
        %parallel_loop3A_799 = arith.addf %parallel_loop3A_783, %parallel_loop3A_798 : vector<16xf32>
        %parallel_loop3A_800 = tpu.iota {dimensions = array<i32: 0>} : vector<16xi32>
        %parallel_loop3A_801 = arith.constant 4 : i32
        %parallel_loop3A_802 = vector.broadcast %parallel_loop3A_801 : i32 to vector<16xi32>
        %parallel_loop3A_803 = arith.xori %parallel_loop3A_800, %parallel_loop3A_802 : vector<16xi32>
        %parallel_loop3A_804 = vector.shape_cast %parallel_loop3A_803 : vector<16xi32> to vector<16x1xi32>
        %parallel_loop3A_805 = vector.shape_cast %parallel_loop3A_804 : vector<16x1xi32> to vector<16xi32>
        %parallel_loop3A_806 = tpu.dynamic_gather %parallel_loop3A_791[%parallel_loop3A_805] in [0] : vector<16xf32>, vector<16xi32> -> vector<16xf32>
        %parallel_loop3A_807 = arith.addf %parallel_loop3A_791, %parallel_loop3A_806 : vector<16xf32>
        %parallel_loop3A_808 = tpu.iota {dimensions = array<i32: 0>} : vector<16xi32>
        %parallel_loop3A_809 = arith.constant 2 : i32
        %parallel_loop3A_810 = vector.broadcast %parallel_loop3A_809 : i32 to vector<16xi32>
        %parallel_loop3A_811 = arith.xori %parallel_loop3A_808, %parallel_loop3A_810 : vector<16xi32>
        %parallel_loop3A_812 = vector.shape_cast %parallel_loop3A_811 : vector<16xi32> to vector<16x1xi32>
        %parallel_loop3A_813 = vector.shape_cast %parallel_loop3A_812 : vector<16x1xi32> to vector<16xi32>
        %parallel_loop3A_814 = tpu.dynamic_gather %parallel_loop3A_799[%parallel_loop3A_813] in [0] : vector<16xf32>, vector<16xi32> -> vector<16xf32>
        %parallel_loop3A_815 = arith.addf %parallel_loop3A_799, %parallel_loop3A_814 : vector<16xf32>
        %parallel_loop3A_816 = tpu.iota {dimensions = array<i32: 0>} : vector<16xi32>
        %parallel_loop3A_817 = arith.constant 2 : i32
        %parallel_loop3A_818 = vector.broadcast %parallel_loop3A_817 : i32 to vector<16xi32>
        %parallel_loop3A_819 = arith.xori %parallel_loop3A_816, %parallel_loop3A_818 : vector<16xi32>
        %parallel_loop3A_820 = vector.shape_cast %parallel_loop3A_819 : vector<16xi32> to vector<16x1xi32>
        %parallel_loop3A_821 = vector.shape_cast %parallel_loop3A_820 : vector<16x1xi32> to vector<16xi32>
        %parallel_loop3A_822 = tpu.dynamic_gather %parallel_loop3A_807[%parallel_loop3A_821] in [0] : vector<16xf32>, vector<16xi32> -> vector<16xf32>
        %parallel_loop3A_823 = arith.addf %parallel_loop3A_807, %parallel_loop3A_822 : vector<16xf32>
        %parallel_loop3A_824 = tpu.iota {dimensions = array<i32: 0>} : vector<16xi32>
        %parallel_loop3A_825 = arith.constant 1 : i32
        %parallel_loop3A_826 = vector.broadcast %parallel_loop3A_825 : i32 to vector<16xi32>
        %parallel_loop3A_827 = arith.xori %parallel_loop3A_824, %parallel_loop3A_826 : vector<16xi32>
        %parallel_loop3A_828 = vector.shape_cast %parallel_loop3A_827 : vector<16xi32> to vector<16x1xi32>
        %parallel_loop3A_829 = vector.shape_cast %parallel_loop3A_828 : vector<16x1xi32> to vector<16xi32>
        %parallel_loop3A_830 = tpu.dynamic_gather %parallel_loop3A_815[%parallel_loop3A_829] in [0] : vector<16xf32>, vector<16xi32> -> vector<16xf32>
        %parallel_loop3A_831 = arith.addf %parallel_loop3A_815, %parallel_loop3A_830 : vector<16xf32>
        %parallel_loop3A_832 = tpu.iota {dimensions = array<i32: 0>} : vector<16xi32>
        %parallel_loop3A_833 = arith.constant 1 : i32
        %parallel_loop3A_834 = vector.broadcast %parallel_loop3A_833 : i32 to vector<16xi32>
        %parallel_loop3A_835 = arith.xori %parallel_loop3A_832, %parallel_loop3A_834 : vector<16xi32>
        %parallel_loop3A_836 = vector.shape_cast %parallel_loop3A_835 : vector<16xi32> to vector<16x1xi32>
        %parallel_loop3A_837 = vector.shape_cast %parallel_loop3A_836 : vector<16x1xi32> to vector<16xi32>
        %parallel_loop3A_838 = tpu.dynamic_gather %parallel_loop3A_823[%parallel_loop3A_837] in [0] : vector<16xf32>, vector<16xi32> -> vector<16xf32>
        %parallel_loop3A_839 = arith.addf %parallel_loop3A_823, %parallel_loop3A_838 : vector<16xf32>
        %parallel_loop3A_840 = arith.constant 0.00130208337 : f32
        %parallel_loop3A_841 = vector.broadcast %parallel_loop3A_840 : f32 to vector<16xf32>
        %parallel_loop3A_842 = arith.mulf %parallel_loop3A_831, %parallel_loop3A_841 : vector<16xf32>
        %parallel_loop3A_843 = arith.constant 0.00130208337 : f32
        %parallel_loop3A_844 = vector.broadcast %parallel_loop3A_843 : f32 to vector<16xf32>
        %parallel_loop3A_845 = arith.mulf %parallel_loop3A_839, %parallel_loop3A_844 : vector<16xf32>
        %parallel_loop3A_846 = arith.mulf %parallel_loop3A_842, %parallel_loop3A_842 : vector<16xf32>
        %parallel_loop3A_847 = arith.subf %parallel_loop3A_845, %parallel_loop3A_846 : vector<16xf32>
        %parallel_loop3A_848 = arith.constant 9.99999996E-13 : f32
        %parallel_loop3A_849 = vector.broadcast %parallel_loop3A_848 : f32 to vector<16xf32>
        %parallel_loop3A_850 = arith.addf %parallel_loop3A_847, %parallel_loop3A_849 : vector<16xf32>
        %parallel_loop3A_851 = vector.bitcast %parallel_loop3A_850 : vector<16xf32> to vector<16xi32>
        %parallel_loop3A_852 = arith.constant 1 : i32
        %parallel_loop3A_853 = vector.broadcast %parallel_loop3A_852 : i32 to vector<16xi32>
        %parallel_loop3A_854 = arith.shrsi %parallel_loop3A_851, %parallel_loop3A_853 : vector<16xi32>
        %parallel_loop3A_855 = arith.constant 1597463007 : i32
        %parallel_loop3A_856 = vector.broadcast %parallel_loop3A_855 : i32 to vector<16xi32>
        %parallel_loop3A_857 = arith.subi %parallel_loop3A_856, %parallel_loop3A_854 : vector<16xi32>
        %parallel_loop3A_858 = vector.bitcast %parallel_loop3A_857 : vector<16xi32> to vector<16xf32>
        %parallel_loop3A_859 = arith.constant 5.000000e-01 : f32
        %parallel_loop3A_860 = vector.broadcast %parallel_loop3A_859 : f32 to vector<16xf32>
        %parallel_loop3A_861 = arith.mulf %parallel_loop3A_860, %parallel_loop3A_850 : vector<16xf32>
        %parallel_loop3A_862 = arith.mulf %parallel_loop3A_861, %parallel_loop3A_858 : vector<16xf32>
        %parallel_loop3A_863 = arith.mulf %parallel_loop3A_862, %parallel_loop3A_858 : vector<16xf32>
        %parallel_loop3A_864 = arith.constant 1.500000e+00 : f32
        %parallel_loop3A_865 = vector.broadcast %parallel_loop3A_864 : f32 to vector<16xf32>
        %parallel_loop3A_866 = arith.subf %parallel_loop3A_865, %parallel_loop3A_863 : vector<16xf32>
        %parallel_loop3A_867 = arith.mulf %parallel_loop3A_858, %parallel_loop3A_866 : vector<16xf32>
        %parallel_loop3A_868 = arith.mulf %parallel_loop3A_861, %parallel_loop3A_867 : vector<16xf32>
        %parallel_loop3A_869 = arith.mulf %parallel_loop3A_868, %parallel_loop3A_867 : vector<16xf32>
        %parallel_loop3A_870 = arith.constant 1.500000e+00 : f32
        %parallel_loop3A_871 = vector.broadcast %parallel_loop3A_870 : f32 to vector<16xf32>
        %parallel_loop3A_872 = arith.subf %parallel_loop3A_871, %parallel_loop3A_869 : vector<16xf32>
        %parallel_loop3A_873 = arith.mulf %parallel_loop3A_867, %parallel_loop3A_872 : vector<16xf32>
        %parallel_loop3A_874 = arith.mulf %parallel_loop3A_861, %parallel_loop3A_873 : vector<16xf32>
        %parallel_loop3A_875 = arith.mulf %parallel_loop3A_874, %parallel_loop3A_873 : vector<16xf32>
        %parallel_loop3A_876 = arith.constant 1.500000e+00 : f32
        %parallel_loop3A_877 = vector.broadcast %parallel_loop3A_876 : f32 to vector<16xf32>
        %parallel_loop3A_878 = arith.subf %parallel_loop3A_877, %parallel_loop3A_875 : vector<16xf32>
        %parallel_loop3A_879 = arith.mulf %parallel_loop3A_873, %parallel_loop3A_878 : vector<16xf32>
        %parallel_loop3A_880 = arith.index_cast %parallel_loop3A_145 : i32 to index
        %parallel_loop3A_881 = arith.constant 0 : index
        %parallel_loop3A_882 = tpu.vector_load %arg9[%parallel_loop3A_880, %parallel_loop3A_881] {strides = array<i32>} : memref<64x768xf32, #tpu.memory_space<vmem>>, vector<16xf32>,
        %parallel_loop3A_883 = arith.subf %parallel_loop3A_882, %parallel_loop3A_842 : vector<16xf32>
        %parallel_loop3A_884 = arith.mulf %parallel_loop3A_883, %parallel_loop3A_879 : vector<16xf32>
        %parallel_loop3A_885 = arith.constant 0 : index
        %parallel_loop3A_886 = tpu.vector_load %arg11[%parallel_loop3A_885] {strides = array<i32>} : memref<768xf32, #tpu.memory_space<vmem>>, vector<16xf32>,
        %parallel_loop3A_887 = arith.mulf %parallel_loop3A_884, %parallel_loop3A_886 : vector<16xf32>
        %parallel_loop3A_888 = arith.constant 0 : index
        %parallel_loop3A_889 = tpu.vector_load %arg12[%parallel_loop3A_888] {strides = array<i32>} : memref<768xf32, #tpu.memory_space<vmem>>, vector<16xf32>,
        %parallel_loop3A_890 = arith.addf %parallel_loop3A_887, %parallel_loop3A_889 : vector<16xf32>
        %parallel_loop3A_891 = arith.index_cast %parallel_loop3A_145 : i32 to index
        %parallel_loop3A_892 = arith.constant 0 : index
        %parallel_loop3A_893 = tpu.vector_load %arg9[%parallel_loop3A_891, %parallel_loop3A_892] {strides = array<i32>} : memref<64x768xf32, #tpu.memory_space<vmem>>, vector<16xf32>,
        tpu.vector_store %arg9[%parallel_loop3A_891, %parallel_loop3A_892], %parallel_loop3A_890 {strides = array<i32>} : memref<64x768xf32, #tpu.memory_space<vmem>>, vector<16xf32>,
        %parallel_loop3A_894 = arith.index_cast %parallel_loop3A_145 : i32 to index
        %parallel_loop3A_895 = arith.constant 16 : index
        %parallel_loop3A_896 = tpu.vector_load %arg9[%parallel_loop3A_894, %parallel_loop3A_895] {strides = array<i32>} : memref<64x768xf32, #tpu.memory_space<vmem>>, vector<16xf32>,
        %parallel_loop3A_897 = arith.subf %parallel_loop3A_896, %parallel_loop3A_842 : vector<16xf32>
        %parallel_loop3A_898 = arith.mulf %parallel_loop3A_897, %parallel_loop3A_879 : vector<16xf32>
        %parallel_loop3A_899 = arith.constant 16 : index
        %parallel_loop3A_900 = tpu.vector_load %arg11[%parallel_loop3A_899] {strides = array<i32>} : memref<768xf32, #tpu.memory_space<vmem>>, vector<16xf32>,
        %parallel_loop3A_901 = arith.mulf %parallel_loop3A_898, %parallel_loop3A_900 : vector<16xf32>
        %parallel_loop3A_902 = arith.constant 16 : index
        %parallel_loop3A_903 = tpu.vector_load %arg12[%parallel_loop3A_902] {strides = array<i32>} : memref<768xf32, #tpu.memory_space<vmem>>, vector<16xf32>,
        %parallel_loop3A_904 = arith.addf %parallel_loop3A_901, %parallel_loop3A_903 : vector<16xf32>
        %parallel_loop3A_905 = arith.index_cast %parallel_loop3A_145 : i32 to index
        %parallel_loop3A_906 = arith.constant 16 : index
        %parallel_loop3A_907 = tpu.vector_load %arg9[%parallel_loop3A_905, %parallel_loop3A_906] {strides = array<i32>} : memref<64x768xf32, #tpu.memory_space<vmem>>, vector<16xf32>,
        tpu.vector_store %arg9[%parallel_loop3A_905, %parallel_loop3A_906], %parallel_loop3A_904 {strides = array<i32>} : memref<64x768xf32, #tpu.memory_space<vmem>>, vector<16xf32>,
        %parallel_loop3A_908 = arith.index_cast %parallel_loop3A_145 : i32 to index
        %parallel_loop3A_909 = arith.constant 32 : index
        %parallel_loop3A_910 = tpu.vector_load %arg9[%parallel_loop3A_908, %parallel_loop3A_909] {strides = array<i32>} : memref<64x768xf32, #tpu.memory_space<vmem>>, vector<16xf32>,
        %parallel_loop3A_911 = arith.subf %parallel_loop3A_910, %parallel_loop3A_842 : vector<16xf32>
        %parallel_loop3A_912 = arith.mulf %parallel_loop3A_911, %parallel_loop3A_879 : vector<16xf32>
        %parallel_loop3A_913 = arith.constant 32 : index
        %parallel_loop3A_914 = tpu.vector_load %arg11[%parallel_loop3A_913] {strides = array<i32>} : memref<768xf32, #tpu.memory_space<vmem>>, vector<16xf32>,
        %parallel_loop3A_915 = arith.mulf %parallel_loop3A_912, %parallel_loop3A_914 : vector<16xf32>
        %parallel_loop3A_916 = arith.constant 32 : index
        %parallel_loop3A_917 = tpu.vector_load %arg12[%parallel_loop3A_916] {strides = array<i32>} : memref<768xf32, #tpu.memory_space<vmem>>, vector<16xf32>,
        %parallel_loop3A_918 = arith.addf %parallel_loop3A_915, %parallel_loop3A_917 : vector<16xf32>
        %parallel_loop3A_919 = arith.index_cast %parallel_loop3A_145 : i32 to index
        %parallel_loop3A_920 = arith.constant 32 : index
        %parallel_loop3A_921 = tpu.vector_load %arg9[%parallel_loop3A_919, %parallel_loop3A_920] {strides = array<i32>} : memref<64x768xf32, #tpu.memory_space<vmem>>, vector<16xf32>,
        tpu.vector_store %arg9[%parallel_loop3A_919, %parallel_loop3A_920], %parallel_loop3A_918 {strides = array<i32>} : memref<64x768xf32, #tpu.memory_space<vmem>>, vector<16xf32>,
        %parallel_loop3A_922 = arith.index_cast %parallel_loop3A_145 : i32 to index
        %parallel_loop3A_923 = arith.constant 48 : index
        %parallel_loop3A_924 = tpu.vector_load %arg9[%parallel_loop3A_922, %parallel_loop3A_923] {strides = array<i32>} : memref<64x768xf32, #tpu.memory_space<vmem>>, vector<16xf32>,
        %parallel_loop3A_925 = arith.subf %parallel_loop3A_924, %parallel_loop3A_842 : vector<16xf32>
        %parallel_loop3A_926 = arith.mulf %parallel_loop3A_925, %parallel_loop3A_879 : vector<16xf32>
        %parallel_loop3A_927 = arith.constant 48 : index
        %parallel_loop3A_928 = tpu.vector_load %arg11[%parallel_loop3A_927] {strides = array<i32>} : memref<768xf32, #tpu.memory_space<vmem>>, vector<16xf32>,
        %parallel_loop3A_929 = arith.mulf %parallel_loop3A_926, %parallel_loop3A_928 : vector<16xf32>
        %parallel_loop3A_930 = arith.constant 48 : index
        %parallel_loop3A_931 = tpu.vector_load %arg12[%parallel_loop3A_930] {strides = array<i32>} : memref<768xf32, #tpu.memory_space<vmem>>, vector<16xf32>,
        %parallel_loop3A_932 = arith.addf %parallel_loop3A_929, %parallel_loop3A_931 : vector<16xf32>
        %parallel_loop3A_933 = arith.index_cast %parallel_loop3A_145 : i32 to index
        %parallel_loop3A_934 = arith.constant 48 : index
        %parallel_loop3A_935 = tpu.vector_load %arg9[%parallel_loop3A_933, %parallel_loop3A_934] {strides = array<i32>} : memref<64x768xf32, #tpu.memory_space<vmem>>, vector<16xf32>,
        tpu.vector_store %arg9[%parallel_loop3A_933, %parallel_loop3A_934], %parallel_loop3A_932 {strides = array<i32>} : memref<64x768xf32, #tpu.memory_space<vmem>>, vector<16xf32>,
        %parallel_loop3A_936 = arith.index_cast %parallel_loop3A_145 : i32 to index
        %parallel_loop3A_937 = arith.constant 64 : index
        %parallel_loop3A_938 = tpu.vector_load %arg9[%parallel_loop3A_936, %parallel_loop3A_937] {strides = array<i32>} : memref<64x768xf32, #tpu.memory_space<vmem>>, vector<16xf32>,
        %parallel_loop3A_939 = arith.subf %parallel_loop3A_938, %parallel_loop3A_842 : vector<16xf32>
        %parallel_loop3A_940 = arith.mulf %parallel_loop3A_939, %parallel_loop3A_879 : vector<16xf32>
        %parallel_loop3A_941 = arith.constant 64 : index
        %parallel_loop3A_942 = tpu.vector_load %arg11[%parallel_loop3A_941] {strides = array<i32>} : memref<768xf32, #tpu.memory_space<vmem>>, vector<16xf32>,
        %parallel_loop3A_943 = arith.mulf %parallel_loop3A_940, %parallel_loop3A_942 : vector<16xf32>
        %parallel_loop3A_944 = arith.constant 64 : index
        %parallel_loop3A_945 = tpu.vector_load %arg12[%parallel_loop3A_944] {strides = array<i32>} : memref<768xf32, #tpu.memory_space<vmem>>, vector<16xf32>,
        %parallel_loop3A_946 = arith.addf %parallel_loop3A_943, %parallel_loop3A_945 : vector<16xf32>
        %parallel_loop3A_947 = arith.index_cast %parallel_loop3A_145 : i32 to index
        %parallel_loop3A_948 = arith.constant 64 : index
        %parallel_loop3A_949 = tpu.vector_load %arg9[%parallel_loop3A_947, %parallel_loop3A_948] {strides = array<i32>} : memref<64x768xf32, #tpu.memory_space<vmem>>, vector<16xf32>,
        tpu.vector_store %arg9[%parallel_loop3A_947, %parallel_loop3A_948], %parallel_loop3A_946 {strides = array<i32>} : memref<64x768xf32, #tpu.memory_space<vmem>>, vector<16xf32>,
        %parallel_loop3A_950 = arith.index_cast %parallel_loop3A_145 : i32 to index
        %parallel_loop3A_951 = arith.constant 80 : index
        %parallel_loop3A_952 = tpu.vector_load %arg9[%parallel_loop3A_950, %parallel_loop3A_951] {strides = array<i32>} : memref<64x768xf32, #tpu.memory_space<vmem>>, vector<16xf32>,
        %parallel_loop3A_953 = arith.subf %parallel_loop3A_952, %parallel_loop3A_842 : vector<16xf32>
        %parallel_loop3A_954 = arith.mulf %parallel_loop3A_953, %parallel_loop3A_879 : vector<16xf32>
        %parallel_loop3A_955 = arith.constant 80 : index
        %parallel_loop3A_956 = tpu.vector_load %arg11[%parallel_loop3A_955] {strides = array<i32>} : memref<768xf32, #tpu.memory_space<vmem>>, vector<16xf32>,
        %parallel_loop3A_957 = arith.mulf %parallel_loop3A_954, %parallel_loop3A_956 : vector<16xf32>
        %parallel_loop3A_958 = arith.constant 80 : index
        %parallel_loop3A_959 = tpu.vector_load %arg12[%parallel_loop3A_958] {strides = array<i32>} : memref<768xf32, #tpu.memory_space<vmem>>, vector<16xf32>,
        %parallel_loop3A_960 = arith.addf %parallel_loop3A_957, %parallel_loop3A_959 : vector<16xf32>
        %parallel_loop3A_961 = arith.index_cast %parallel_loop3A_145 : i32 to index
        %parallel_loop3A_962 = arith.constant 80 : index
        %parallel_loop3A_963 = tpu.vector_load %arg9[%parallel_loop3A_961, %parallel_loop3A_962] {strides = array<i32>} : memref<64x768xf32, #tpu.memory_space<vmem>>, vector<16xf32>,
        tpu.vector_store %arg9[%parallel_loop3A_961, %parallel_loop3A_962], %parallel_loop3A_960 {strides = array<i32>} : memref<64x768xf32, #tpu.memory_space<vmem>>, vector<16xf32>,
        %parallel_loop3A_964 = arith.index_cast %parallel_loop3A_145 : i32 to index
        %parallel_loop3A_965 = arith.constant 96 : index
        %parallel_loop3A_966 = tpu.vector_load %arg9[%parallel_loop3A_964, %parallel_loop3A_965] {strides = array<i32>} : memref<64x768xf32, #tpu.memory_space<vmem>>, vector<16xf32>,
        %parallel_loop3A_967 = arith.subf %parallel_loop3A_966, %parallel_loop3A_842 : vector<16xf32>
        %parallel_loop3A_968 = arith.mulf %parallel_loop3A_967, %parallel_loop3A_879 : vector<16xf32>
        %parallel_loop3A_969 = arith.constant 96 : index
        %parallel_loop3A_970 = tpu.vector_load %arg11[%parallel_loop3A_969] {strides = array<i32>} : memref<768xf32, #tpu.memory_space<vmem>>, vector<16xf32>,
        %parallel_loop3A_971 = arith.mulf %parallel_loop3A_968, %parallel_loop3A_970 : vector<16xf32>
        %parallel_loop3A_972 = arith.constant 96 : index
        %parallel_loop3A_973 = tpu.vector_load %arg12[%parallel_loop3A_972] {strides = array<i32>} : memref<768xf32, #tpu.memory_space<vmem>>, vector<16xf32>,
        %parallel_loop3A_974 = arith.addf %parallel_loop3A_971, %parallel_loop3A_973 : vector<16xf32>
        %parallel_loop3A_975 = arith.index_cast %parallel_loop3A_145 : i32 to index
        %parallel_loop3A_976 = arith.constant 96 : index
        %parallel_loop3A_977 = tpu.vector_load %arg9[%parallel_loop3A_975, %parallel_loop3A_976] {strides = array<i32>} : memref<64x768xf32, #tpu.memory_space<vmem>>, vector<16xf32>,
        tpu.vector_store %arg9[%parallel_loop3A_975, %parallel_loop3A_976], %parallel_loop3A_974 {strides = array<i32>} : memref<64x768xf32, #tpu.memory_space<vmem>>, vector<16xf32>,
        %parallel_loop3A_978 = arith.index_cast %parallel_loop3A_145 : i32 to index
        %parallel_loop3A_979 = arith.constant 112 : index
        %parallel_loop3A_980 = tpu.vector_load %arg9[%parallel_loop3A_978, %parallel_loop3A_979] {strides = array<i32>} : memref<64x768xf32, #tpu.memory_space<vmem>>, vector<16xf32>,
        %parallel_loop3A_981 = arith.subf %parallel_loop3A_980, %parallel_loop3A_842 : vector<16xf32>
        %parallel_loop3A_982 = arith.mulf %parallel_loop3A_981, %parallel_loop3A_879 : vector<16xf32>
        %parallel_loop3A_983 = arith.constant 112 : index
        %parallel_loop3A_984 = tpu.vector_load %arg11[%parallel_loop3A_983] {strides = array<i32>} : memref<768xf32, #tpu.memory_space<vmem>>, vector<16xf32>,
        %parallel_loop3A_985 = arith.mulf %parallel_loop3A_982, %parallel_loop3A_984 : vector<16xf32>
        %parallel_loop3A_986 = arith.constant 112 : index
        %parallel_loop3A_987 = tpu.vector_load %arg12[%parallel_loop3A_986] {strides = array<i32>} : memref<768xf32, #tpu.memory_space<vmem>>, vector<16xf32>,
        %parallel_loop3A_988 = arith.addf %parallel_loop3A_985, %parallel_loop3A_987 : vector<16xf32>
        %parallel_loop3A_989 = arith.index_cast %parallel_loop3A_145 : i32 to index
        %parallel_loop3A_990 = arith.constant 112 : index
        %parallel_loop3A_991 = tpu.vector_load %arg9[%parallel_loop3A_989, %parallel_loop3A_990] {strides = array<i32>} : memref<64x768xf32, #tpu.memory_space<vmem>>, vector<16xf32>,
        tpu.vector_store %arg9[%parallel_loop3A_989, %parallel_loop3A_990], %parallel_loop3A_988 {strides = array<i32>} : memref<64x768xf32, #tpu.memory_space<vmem>>, vector<16xf32>,
        %parallel_loop3A_992 = arith.index_cast %parallel_loop3A_145 : i32 to index
        %parallel_loop3A_993 = arith.constant 128 : index
        %parallel_loop3A_994 = tpu.vector_load %arg9[%parallel_loop3A_992, %parallel_loop3A_993] {strides = array<i32>} : memref<64x768xf32, #tpu.memory_space<vmem>>, vector<16xf32>,
        %parallel_loop3A_995 = arith.subf %parallel_loop3A_994, %parallel_loop3A_842 : vector<16xf32>
        %parallel_loop3A_996 = arith.mulf %parallel_loop3A_995, %parallel_loop3A_879 : vector<16xf32>
        %parallel_loop3A_997 = arith.constant 128 : index
        %parallel_loop3A_998 = tpu.vector_load %arg11[%parallel_loop3A_997] {strides = array<i32>} : memref<768xf32, #tpu.memory_space<vmem>>, vector<16xf32>,
        %parallel_loop3A_999 = arith.mulf %parallel_loop3A_996, %parallel_loop3A_998 : vector<16xf32>
        %parallel_loop3A_1000 = arith.constant 128 : index
        %parallel_loop3A_1001 = tpu.vector_load %arg12[%parallel_loop3A_1000] {strides = array<i32>} : memref<768xf32, #tpu.memory_space<vmem>>, vector<16xf32>,
        %parallel_loop3A_1002 = arith.addf %parallel_loop3A_999, %parallel_loop3A_1001 : vector<16xf32>
        %parallel_loop3A_1003 = arith.index_cast %parallel_loop3A_145 : i32 to index
        %parallel_loop3A_1004 = arith.constant 128 : index
        %parallel_loop3A_1005 = tpu.vector_load %arg9[%parallel_loop3A_1003, %parallel_loop3A_1004] {strides = array<i32>} : memref<64x768xf32, #tpu.memory_space<vmem>>, vector<16xf32>,
        tpu.vector_store %arg9[%parallel_loop3A_1003, %parallel_loop3A_1004], %parallel_loop3A_1002 {strides = array<i32>} : memref<64x768xf32, #tpu.memory_space<vmem>>, vector<16xf32>,
        %parallel_loop3A_1006 = arith.index_cast %parallel_loop3A_145 : i32 to index
        %parallel_loop3A_1007 = arith.constant 144 : index
        %parallel_loop3A_1008 = tpu.vector_load %arg9[%parallel_loop3A_1006, %parallel_loop3A_1007] {strides = array<i32>} : memref<64x768xf32, #tpu.memory_space<vmem>>, vector<16xf32>,
        %parallel_loop3A_1009 = arith.subf %parallel_loop3A_1008, %parallel_loop3A_842 : vector<16xf32>
        %parallel_loop3A_1010 = arith.mulf %parallel_loop3A_1009, %parallel_loop3A_879 : vector<16xf32>
        %parallel_loop3A_1011 = arith.constant 144 : index
        %parallel_loop3A_1012 = tpu.vector_load %arg11[%parallel_loop3A_1011] {strides = array<i32>} : memref<768xf32, #tpu.memory_space<vmem>>, vector<16xf32>,
        %parallel_loop3A_1013 = arith.mulf %parallel_loop3A_1010, %parallel_loop3A_1012 : vector<16xf32>
        %parallel_loop3A_1014 = arith.constant 144 : index
        %parallel_loop3A_1015 = tpu.vector_load %arg12[%parallel_loop3A_1014] {strides = array<i32>} : memref<768xf32, #tpu.memory_space<vmem>>, vector<16xf32>,
        %parallel_loop3A_1016 = arith.addf %parallel_loop3A_1013, %parallel_loop3A_1015 : vector<16xf32>
        %parallel_loop3A_1017 = arith.index_cast %parallel_loop3A_145 : i32 to index
        %parallel_loop3A_1018 = arith.constant 144 : index
        %parallel_loop3A_1019 = tpu.vector_load %arg9[%parallel_loop3A_1017, %parallel_loop3A_1018] {strides = array<i32>} : memref<64x768xf32, #tpu.memory_space<vmem>>, vector<16xf32>,
        tpu.vector_store %arg9[%parallel_loop3A_1017, %parallel_loop3A_1018], %parallel_loop3A_1016 {strides = array<i32>} : memref<64x768xf32, #tpu.memory_space<vmem>>, vector<16xf32>,
        %parallel_loop3A_1020 = arith.index_cast %parallel_loop3A_145 : i32 to index
        %parallel_loop3A_1021 = arith.constant 160 : index
        %parallel_loop3A_1022 = tpu.vector_load %arg9[%parallel_loop3A_1020, %parallel_loop3A_1021] {strides = array<i32>} : memref<64x768xf32, #tpu.memory_space<vmem>>, vector<16xf32>,
        %parallel_loop3A_1023 = arith.subf %parallel_loop3A_1022, %parallel_loop3A_842 : vector<16xf32>
        %parallel_loop3A_1024 = arith.mulf %parallel_loop3A_1023, %parallel_loop3A_879 : vector<16xf32>
        %parallel_loop3A_1025 = arith.constant 160 : index
        %parallel_loop3A_1026 = tpu.vector_load %arg11[%parallel_loop3A_1025] {strides = array<i32>} : memref<768xf32, #tpu.memory_space<vmem>>, vector<16xf32>,
        %parallel_loop3A_1027 = arith.mulf %parallel_loop3A_1024, %parallel_loop3A_1026 : vector<16xf32>
        %parallel_loop3A_1028 = arith.constant 160 : index
        %parallel_loop3A_1029 = tpu.vector_load %arg12[%parallel_loop3A_1028] {strides = array<i32>} : memref<768xf32, #tpu.memory_space<vmem>>, vector<16xf32>,
        %parallel_loop3A_1030 = arith.addf %parallel_loop3A_1027, %parallel_loop3A_1029 : vector<16xf32>
        %parallel_loop3A_1031 = arith.index_cast %parallel_loop3A_145 : i32 to index
        %parallel_loop3A_1032 = arith.constant 160 : index
        %parallel_loop3A_1033 = tpu.vector_load %arg9[%parallel_loop3A_1031, %parallel_loop3A_1032] {strides = array<i32>} : memref<64x768xf32, #tpu.memory_space<vmem>>, vector<16xf32>,
        tpu.vector_store %arg9[%parallel_loop3A_1031, %parallel_loop3A_1032], %parallel_loop3A_1030 {strides = array<i32>} : memref<64x768xf32, #tpu.memory_space<vmem>>, vector<16xf32>,
        %parallel_loop3A_1034 = arith.index_cast %parallel_loop3A_145 : i32 to index
        %parallel_loop3A_1035 = arith.constant 176 : index
        %parallel_loop3A_1036 = tpu.vector_load %arg9[%parallel_loop3A_1034, %parallel_loop3A_1035] {strides = array<i32>} : memref<64x768xf32, #tpu.memory_space<vmem>>, vector<16xf32>,
        %parallel_loop3A_1037 = arith.subf %parallel_loop3A_1036, %parallel_loop3A_842 : vector<16xf32>
        %parallel_loop3A_1038 = arith.mulf %parallel_loop3A_1037, %parallel_loop3A_879 : vector<16xf32>
        %parallel_loop3A_1039 = arith.constant 176 : index
        %parallel_loop3A_1040 = tpu.vector_load %arg11[%parallel_loop3A_1039] {strides = array<i32>} : memref<768xf32, #tpu.memory_space<vmem>>, vector<16xf32>,
        %parallel_loop3A_1041 = arith.mulf %parallel_loop3A_1038, %parallel_loop3A_1040 : vector<16xf32>
        %parallel_loop3A_1042 = arith.constant 176 : index
        %parallel_loop3A_1043 = tpu.vector_load %arg12[%parallel_loop3A_1042] {strides = array<i32>} : memref<768xf32, #tpu.memory_space<vmem>>, vector<16xf32>,
        %parallel_loop3A_1044 = arith.addf %parallel_loop3A_1041, %parallel_loop3A_1043 : vector<16xf32>
        %parallel_loop3A_1045 = arith.index_cast %parallel_loop3A_145 : i32 to index
        %parallel_loop3A_1046 = arith.constant 176 : index
        %parallel_loop3A_1047 = tpu.vector_load %arg9[%parallel_loop3A_1045, %parallel_loop3A_1046] {strides = array<i32>} : memref<64x768xf32, #tpu.memory_space<vmem>>, vector<16xf32>,
        tpu.vector_store %arg9[%parallel_loop3A_1045, %parallel_loop3A_1046], %parallel_loop3A_1044 {strides = array<i32>} : memref<64x768xf32, #tpu.memory_space<vmem>>, vector<16xf32>,
        %parallel_loop3A_1048 = arith.index_cast %parallel_loop3A_145 : i32 to index
        %parallel_loop3A_1049 = arith.constant 192 : index
        %parallel_loop3A_1050 = tpu.vector_load %arg9[%parallel_loop3A_1048, %parallel_loop3A_1049] {strides = array<i32>} : memref<64x768xf32, #tpu.memory_space<vmem>>, vector<16xf32>,
        %parallel_loop3A_1051 = arith.subf %parallel_loop3A_1050, %parallel_loop3A_842 : vector<16xf32>
        %parallel_loop3A_1052 = arith.mulf %parallel_loop3A_1051, %parallel_loop3A_879 : vector<16xf32>
        %parallel_loop3A_1053 = arith.constant 192 : index
        %parallel_loop3A_1054 = tpu.vector_load %arg11[%parallel_loop3A_1053] {strides = array<i32>} : memref<768xf32, #tpu.memory_space<vmem>>, vector<16xf32>,
        %parallel_loop3A_1055 = arith.mulf %parallel_loop3A_1052, %parallel_loop3A_1054 : vector<16xf32>
        %parallel_loop3A_1056 = arith.constant 192 : index
        %parallel_loop3A_1057 = tpu.vector_load %arg12[%parallel_loop3A_1056] {strides = array<i32>} : memref<768xf32, #tpu.memory_space<vmem>>, vector<16xf32>,
        %parallel_loop3A_1058 = arith.addf %parallel_loop3A_1055, %parallel_loop3A_1057 : vector<16xf32>
        %parallel_loop3A_1059 = arith.index_cast %parallel_loop3A_145 : i32 to index
        %parallel_loop3A_1060 = arith.constant 192 : index
        %parallel_loop3A_1061 = tpu.vector_load %arg9[%parallel_loop3A_1059, %parallel_loop3A_1060] {strides = array<i32>} : memref<64x768xf32, #tpu.memory_space<vmem>>, vector<16xf32>,
        tpu.vector_store %arg9[%parallel_loop3A_1059, %parallel_loop3A_1060], %parallel_loop3A_1058 {strides = array<i32>} : memref<64x768xf32, #tpu.memory_space<vmem>>, vector<16xf32>,
        %parallel_loop3A_1062 = arith.index_cast %parallel_loop3A_145 : i32 to index
        %parallel_loop3A_1063 = arith.constant 208 : index
        %parallel_loop3A_1064 = tpu.vector_load %arg9[%parallel_loop3A_1062, %parallel_loop3A_1063] {strides = array<i32>} : memref<64x768xf32, #tpu.memory_space<vmem>>, vector<16xf32>,
        %parallel_loop3A_1065 = arith.subf %parallel_loop3A_1064, %parallel_loop3A_842 : vector<16xf32>
        %parallel_loop3A_1066 = arith.mulf %parallel_loop3A_1065, %parallel_loop3A_879 : vector<16xf32>
        %parallel_loop3A_1067 = arith.constant 208 : index
        %parallel_loop3A_1068 = tpu.vector_load %arg11[%parallel_loop3A_1067] {strides = array<i32>} : memref<768xf32, #tpu.memory_space<vmem>>, vector<16xf32>,
        %parallel_loop3A_1069 = arith.mulf %parallel_loop3A_1066, %parallel_loop3A_1068 : vector<16xf32>
        %parallel_loop3A_1070 = arith.constant 208 : index
        %parallel_loop3A_1071 = tpu.vector_load %arg12[%parallel_loop3A_1070] {strides = array<i32>} : memref<768xf32, #tpu.memory_space<vmem>>, vector<16xf32>,
        %parallel_loop3A_1072 = arith.addf %parallel_loop3A_1069, %parallel_loop3A_1071 : vector<16xf32>
        %parallel_loop3A_1073 = arith.index_cast %parallel_loop3A_145 : i32 to index
        %parallel_loop3A_1074 = arith.constant 208 : index
        %parallel_loop3A_1075 = tpu.vector_load %arg9[%parallel_loop3A_1073, %parallel_loop3A_1074] {strides = array<i32>} : memref<64x768xf32, #tpu.memory_space<vmem>>, vector<16xf32>,
        tpu.vector_store %arg9[%parallel_loop3A_1073, %parallel_loop3A_1074], %parallel_loop3A_1072 {strides = array<i32>} : memref<64x768xf32, #tpu.memory_space<vmem>>, vector<16xf32>,
        %parallel_loop3A_1076 = arith.index_cast %parallel_loop3A_145 : i32 to index
        %parallel_loop3A_1077 = arith.constant 224 : index
        %parallel_loop3A_1078 = tpu.vector_load %arg9[%parallel_loop3A_1076, %parallel_loop3A_1077] {strides = array<i32>} : memref<64x768xf32, #tpu.memory_space<vmem>>, vector<16xf32>,
        %parallel_loop3A_1079 = arith.subf %parallel_loop3A_1078, %parallel_loop3A_842 : vector<16xf32>
        %parallel_loop3A_1080 = arith.mulf %parallel_loop3A_1079, %parallel_loop3A_879 : vector<16xf32>
        %parallel_loop3A_1081 = arith.constant 224 : index
        %parallel_loop3A_1082 = tpu.vector_load %arg11[%parallel_loop3A_1081] {strides = array<i32>} : memref<768xf32, #tpu.memory_space<vmem>>, vector<16xf32>,
        %parallel_loop3A_1083 = arith.mulf %parallel_loop3A_1080, %parallel_loop3A_1082 : vector<16xf32>
        %parallel_loop3A_1084 = arith.constant 224 : index
        %parallel_loop3A_1085 = tpu.vector_load %arg12[%parallel_loop3A_1084] {strides = array<i32>} : memref<768xf32, #tpu.memory_space<vmem>>, vector<16xf32>,
        %parallel_loop3A_1086 = arith.addf %parallel_loop3A_1083, %parallel_loop3A_1085 : vector<16xf32>
        %parallel_loop3A_1087 = arith.index_cast %parallel_loop3A_145 : i32 to index
        %parallel_loop3A_1088 = arith.constant 224 : index
        %parallel_loop3A_1089 = tpu.vector_load %arg9[%parallel_loop3A_1087, %parallel_loop3A_1088] {strides = array<i32>} : memref<64x768xf32, #tpu.memory_space<vmem>>, vector<16xf32>,
        tpu.vector_store %arg9[%parallel_loop3A_1087, %parallel_loop3A_1088], %parallel_loop3A_1086 {strides = array<i32>} : memref<64x768xf32, #tpu.memory_space<vmem>>, vector<16xf32>,
        %parallel_loop3A_1090 = arith.index_cast %parallel_loop3A_145 : i32 to index
        %parallel_loop3A_1091 = arith.constant 240 : index
        %parallel_loop3A_1092 = tpu.vector_load %arg9[%parallel_loop3A_1090, %parallel_loop3A_1091] {strides = array<i32>} : memref<64x768xf32, #tpu.memory_space<vmem>>, vector<16xf32>,
        %parallel_loop3A_1093 = arith.subf %parallel_loop3A_1092, %parallel_loop3A_842 : vector<16xf32>
        %parallel_loop3A_1094 = arith.mulf %parallel_loop3A_1093, %parallel_loop3A_879 : vector<16xf32>
        %parallel_loop3A_1095 = arith.constant 240 : index
        %parallel_loop3A_1096 = tpu.vector_load %arg11[%parallel_loop3A_1095] {strides = array<i32>} : memref<768xf32, #tpu.memory_space<vmem>>, vector<16xf32>,
        %parallel_loop3A_1097 = arith.mulf %parallel_loop3A_1094, %parallel_loop3A_1096 : vector<16xf32>
        %parallel_loop3A_1098 = arith.constant 240 : index
        %parallel_loop3A_1099 = tpu.vector_load %arg12[%parallel_loop3A_1098] {strides = array<i32>} : memref<768xf32, #tpu.memory_space<vmem>>, vector<16xf32>,
        %parallel_loop3A_1100 = arith.addf %parallel_loop3A_1097, %parallel_loop3A_1099 : vector<16xf32>
        %parallel_loop3A_1101 = arith.index_cast %parallel_loop3A_145 : i32 to index
        %parallel_loop3A_1102 = arith.constant 240 : index
        %parallel_loop3A_1103 = tpu.vector_load %arg9[%parallel_loop3A_1101, %parallel_loop3A_1102] {strides = array<i32>} : memref<64x768xf32, #tpu.memory_space<vmem>>, vector<16xf32>,
        tpu.vector_store %arg9[%parallel_loop3A_1101, %parallel_loop3A_1102], %parallel_loop3A_1100 {strides = array<i32>} : memref<64x768xf32, #tpu.memory_space<vmem>>, vector<16xf32>,
        %parallel_loop3A_1104 = arith.index_cast %parallel_loop3A_145 : i32 to index
        %parallel_loop3A_1105 = arith.constant 256 : index
        %parallel_loop3A_1106 = tpu.vector_load %arg9[%parallel_loop3A_1104, %parallel_loop3A_1105] {strides = array<i32>} : memref<64x768xf32, #tpu.memory_space<vmem>>, vector<16xf32>,
        %parallel_loop3A_1107 = arith.subf %parallel_loop3A_1106, %parallel_loop3A_842 : vector<16xf32>
        %parallel_loop3A_1108 = arith.mulf %parallel_loop3A_1107, %parallel_loop3A_879 : vector<16xf32>
        %parallel_loop3A_1109 = arith.constant 256 : index
        %parallel_loop3A_1110 = tpu.vector_load %arg11[%parallel_loop3A_1109] {strides = array<i32>} : memref<768xf32, #tpu.memory_space<vmem>>, vector<16xf32>,
        %parallel_loop3A_1111 = arith.mulf %parallel_loop3A_1108, %parallel_loop3A_1110 : vector<16xf32>
        %parallel_loop3A_1112 = arith.constant 256 : index
        %parallel_loop3A_1113 = tpu.vector_load %arg12[%parallel_loop3A_1112] {strides = array<i32>} : memref<768xf32, #tpu.memory_space<vmem>>, vector<16xf32>,
        %parallel_loop3A_1114 = arith.addf %parallel_loop3A_1111, %parallel_loop3A_1113 : vector<16xf32>
        %parallel_loop3A_1115 = arith.index_cast %parallel_loop3A_145 : i32 to index
        %parallel_loop3A_1116 = arith.constant 256 : index
        %parallel_loop3A_1117 = tpu.vector_load %arg9[%parallel_loop3A_1115, %parallel_loop3A_1116] {strides = array<i32>} : memref<64x768xf32, #tpu.memory_space<vmem>>, vector<16xf32>,
        tpu.vector_store %arg9[%parallel_loop3A_1115, %parallel_loop3A_1116], %parallel_loop3A_1114 {strides = array<i32>} : memref<64x768xf32, #tpu.memory_space<vmem>>, vector<16xf32>,
        %parallel_loop3A_1118 = arith.index_cast %parallel_loop3A_145 : i32 to index
        %parallel_loop3A_1119 = arith.constant 272 : index
        %parallel_loop3A_1120 = tpu.vector_load %arg9[%parallel_loop3A_1118, %parallel_loop3A_1119] {strides = array<i32>} : memref<64x768xf32, #tpu.memory_space<vmem>>, vector<16xf32>,
        %parallel_loop3A_1121 = arith.subf %parallel_loop3A_1120, %parallel_loop3A_842 : vector<16xf32>
        %parallel_loop3A_1122 = arith.mulf %parallel_loop3A_1121, %parallel_loop3A_879 : vector<16xf32>
        %parallel_loop3A_1123 = arith.constant 272 : index
        %parallel_loop3A_1124 = tpu.vector_load %arg11[%parallel_loop3A_1123] {strides = array<i32>} : memref<768xf32, #tpu.memory_space<vmem>>, vector<16xf32>,
        %parallel_loop3A_1125 = arith.mulf %parallel_loop3A_1122, %parallel_loop3A_1124 : vector<16xf32>
        %parallel_loop3A_1126 = arith.constant 272 : index
        %parallel_loop3A_1127 = tpu.vector_load %arg12[%parallel_loop3A_1126] {strides = array<i32>} : memref<768xf32, #tpu.memory_space<vmem>>, vector<16xf32>,
        %parallel_loop3A_1128 = arith.addf %parallel_loop3A_1125, %parallel_loop3A_1127 : vector<16xf32>
        %parallel_loop3A_1129 = arith.index_cast %parallel_loop3A_145 : i32 to index
        %parallel_loop3A_1130 = arith.constant 272 : index
        %parallel_loop3A_1131 = tpu.vector_load %arg9[%parallel_loop3A_1129, %parallel_loop3A_1130] {strides = array<i32>} : memref<64x768xf32, #tpu.memory_space<vmem>>, vector<16xf32>,
        tpu.vector_store %arg9[%parallel_loop3A_1129, %parallel_loop3A_1130], %parallel_loop3A_1128 {strides = array<i32>} : memref<64x768xf32, #tpu.memory_space<vmem>>, vector<16xf32>,
        %parallel_loop3A_1132 = arith.index_cast %parallel_loop3A_145 : i32 to index
        %parallel_loop3A_1133 = arith.constant 288 : index
        %parallel_loop3A_1134 = tpu.vector_load %arg9[%parallel_loop3A_1132, %parallel_loop3A_1133] {strides = array<i32>} : memref<64x768xf32, #tpu.memory_space<vmem>>, vector<16xf32>,
        %parallel_loop3A_1135 = arith.subf %parallel_loop3A_1134, %parallel_loop3A_842 : vector<16xf32>
        %parallel_loop3A_1136 = arith.mulf %parallel_loop3A_1135, %parallel_loop3A_879 : vector<16xf32>
        %parallel_loop3A_1137 = arith.constant 288 : index
        %parallel_loop3A_1138 = tpu.vector_load %arg11[%parallel_loop3A_1137] {strides = array<i32>} : memref<768xf32, #tpu.memory_space<vmem>>, vector<16xf32>,
        %parallel_loop3A_1139 = arith.mulf %parallel_loop3A_1136, %parallel_loop3A_1138 : vector<16xf32>
        %parallel_loop3A_1140 = arith.constant 288 : index
        %parallel_loop3A_1141 = tpu.vector_load %arg12[%parallel_loop3A_1140] {strides = array<i32>} : memref<768xf32, #tpu.memory_space<vmem>>, vector<16xf32>,
        %parallel_loop3A_1142 = arith.addf %parallel_loop3A_1139, %parallel_loop3A_1141 : vector<16xf32>
        %parallel_loop3A_1143 = arith.index_cast %parallel_loop3A_145 : i32 to index
        %parallel_loop3A_1144 = arith.constant 288 : index
        %parallel_loop3A_1145 = tpu.vector_load %arg9[%parallel_loop3A_1143, %parallel_loop3A_1144] {strides = array<i32>} : memref<64x768xf32, #tpu.memory_space<vmem>>, vector<16xf32>,
        tpu.vector_store %arg9[%parallel_loop3A_1143, %parallel_loop3A_1144], %parallel_loop3A_1142 {strides = array<i32>} : memref<64x768xf32, #tpu.memory_space<vmem>>, vector<16xf32>,
        %parallel_loop3A_1146 = arith.index_cast %parallel_loop3A_145 : i32 to index
        %parallel_loop3A_1147 = arith.constant 304 : index
        %parallel_loop3A_1148 = tpu.vector_load %arg9[%parallel_loop3A_1146, %parallel_loop3A_1147] {strides = array<i32>} : memref<64x768xf32, #tpu.memory_space<vmem>>, vector<16xf32>,
        %parallel_loop3A_1149 = arith.subf %parallel_loop3A_1148, %parallel_loop3A_842 : vector<16xf32>
        %parallel_loop3A_1150 = arith.mulf %parallel_loop3A_1149, %parallel_loop3A_879 : vector<16xf32>
        %parallel_loop3A_1151 = arith.constant 304 : index
        %parallel_loop3A_1152 = tpu.vector_load %arg11[%parallel_loop3A_1151] {strides = array<i32>} : memref<768xf32, #tpu.memory_space<vmem>>, vector<16xf32>,
        %parallel_loop3A_1153 = arith.mulf %parallel_loop3A_1150, %parallel_loop3A_1152 : vector<16xf32>
        %parallel_loop3A_1154 = arith.constant 304 : index
        %parallel_loop3A_1155 = tpu.vector_load %arg12[%parallel_loop3A_1154] {strides = array<i32>} : memref<768xf32, #tpu.memory_space<vmem>>, vector<16xf32>,
        %parallel_loop3A_1156 = arith.addf %parallel_loop3A_1153, %parallel_loop3A_1155 : vector<16xf32>
        %parallel_loop3A_1157 = arith.index_cast %parallel_loop3A_145 : i32 to index
        %parallel_loop3A_1158 = arith.constant 304 : index
        %parallel_loop3A_1159 = tpu.vector_load %arg9[%parallel_loop3A_1157, %parallel_loop3A_1158] {strides = array<i32>} : memref<64x768xf32, #tpu.memory_space<vmem>>, vector<16xf32>,
        tpu.vector_store %arg9[%parallel_loop3A_1157, %parallel_loop3A_1158], %parallel_loop3A_1156 {strides = array<i32>} : memref<64x768xf32, #tpu.memory_space<vmem>>, vector<16xf32>,
        %parallel_loop3A_1160 = arith.index_cast %parallel_loop3A_145 : i32 to index
        %parallel_loop3A_1161 = arith.constant 320 : index
        %parallel_loop3A_1162 = tpu.vector_load %arg9[%parallel_loop3A_1160, %parallel_loop3A_1161] {strides = array<i32>} : memref<64x768xf32, #tpu.memory_space<vmem>>, vector<16xf32>,
        %parallel_loop3A_1163 = arith.subf %parallel_loop3A_1162, %parallel_loop3A_842 : vector<16xf32>
        %parallel_loop3A_1164 = arith.mulf %parallel_loop3A_1163, %parallel_loop3A_879 : vector<16xf32>
        %parallel_loop3A_1165 = arith.constant 320 : index
        %parallel_loop3A_1166 = tpu.vector_load %arg11[%parallel_loop3A_1165] {strides = array<i32>} : memref<768xf32, #tpu.memory_space<vmem>>, vector<16xf32>,
        %parallel_loop3A_1167 = arith.mulf %parallel_loop3A_1164, %parallel_loop3A_1166 : vector<16xf32>
        %parallel_loop3A_1168 = arith.constant 320 : index
        %parallel_loop3A_1169 = tpu.vector_load %arg12[%parallel_loop3A_1168] {strides = array<i32>} : memref<768xf32, #tpu.memory_space<vmem>>, vector<16xf32>,
        %parallel_loop3A_1170 = arith.addf %parallel_loop3A_1167, %parallel_loop3A_1169 : vector<16xf32>
        %parallel_loop3A_1171 = arith.index_cast %parallel_loop3A_145 : i32 to index
        %parallel_loop3A_1172 = arith.constant 320 : index
        %parallel_loop3A_1173 = tpu.vector_load %arg9[%parallel_loop3A_1171, %parallel_loop3A_1172] {strides = array<i32>} : memref<64x768xf32, #tpu.memory_space<vmem>>, vector<16xf32>,
        tpu.vector_store %arg9[%parallel_loop3A_1171, %parallel_loop3A_1172], %parallel_loop3A_1170 {strides = array<i32>} : memref<64x768xf32, #tpu.memory_space<vmem>>, vector<16xf32>,
        %parallel_loop3A_1174 = arith.index_cast %parallel_loop3A_145 : i32 to index
        %parallel_loop3A_1175 = arith.constant 336 : index
        %parallel_loop3A_1176 = tpu.vector_load %arg9[%parallel_loop3A_1174, %parallel_loop3A_1175] {strides = array<i32>} : memref<64x768xf32, #tpu.memory_space<vmem>>, vector<16xf32>,
        %parallel_loop3A_1177 = arith.subf %parallel_loop3A_1176, %parallel_loop3A_842 : vector<16xf32>
        %parallel_loop3A_1178 = arith.mulf %parallel_loop3A_1177, %parallel_loop3A_879 : vector<16xf32>
        %parallel_loop3A_1179 = arith.constant 336 : index
        %parallel_loop3A_1180 = tpu.vector_load %arg11[%parallel_loop3A_1179] {strides = array<i32>} : memref<768xf32, #tpu.memory_space<vmem>>, vector<16xf32>,
        %parallel_loop3A_1181 = arith.mulf %parallel_loop3A_1178, %parallel_loop3A_1180 : vector<16xf32>
        %parallel_loop3A_1182 = arith.constant 336 : index
        %parallel_loop3A_1183 = tpu.vector_load %arg12[%parallel_loop3A_1182] {strides = array<i32>} : memref<768xf32, #tpu.memory_space<vmem>>, vector<16xf32>,
        %parallel_loop3A_1184 = arith.addf %parallel_loop3A_1181, %parallel_loop3A_1183 : vector<16xf32>
        %parallel_loop3A_1185 = arith.index_cast %parallel_loop3A_145 : i32 to index
        %parallel_loop3A_1186 = arith.constant 336 : index
        %parallel_loop3A_1187 = tpu.vector_load %arg9[%parallel_loop3A_1185, %parallel_loop3A_1186] {strides = array<i32>} : memref<64x768xf32, #tpu.memory_space<vmem>>, vector<16xf32>,
        tpu.vector_store %arg9[%parallel_loop3A_1185, %parallel_loop3A_1186], %parallel_loop3A_1184 {strides = array<i32>} : memref<64x768xf32, #tpu.memory_space<vmem>>, vector<16xf32>,
        %parallel_loop3A_1188 = arith.index_cast %parallel_loop3A_145 : i32 to index
        %parallel_loop3A_1189 = arith.constant 352 : index
        %parallel_loop3A_1190 = tpu.vector_load %arg9[%parallel_loop3A_1188, %parallel_loop3A_1189] {strides = array<i32>} : memref<64x768xf32, #tpu.memory_space<vmem>>, vector<16xf32>,
        %parallel_loop3A_1191 = arith.subf %parallel_loop3A_1190, %parallel_loop3A_842 : vector<16xf32>
        %parallel_loop3A_1192 = arith.mulf %parallel_loop3A_1191, %parallel_loop3A_879 : vector<16xf32>
        %parallel_loop3A_1193 = arith.constant 352 : index
        %parallel_loop3A_1194 = tpu.vector_load %arg11[%parallel_loop3A_1193] {strides = array<i32>} : memref<768xf32, #tpu.memory_space<vmem>>, vector<16xf32>,
        %parallel_loop3A_1195 = arith.mulf %parallel_loop3A_1192, %parallel_loop3A_1194 : vector<16xf32>
        %parallel_loop3A_1196 = arith.constant 352 : index
        %parallel_loop3A_1197 = tpu.vector_load %arg12[%parallel_loop3A_1196] {strides = array<i32>} : memref<768xf32, #tpu.memory_space<vmem>>, vector<16xf32>,
        %parallel_loop3A_1198 = arith.addf %parallel_loop3A_1195, %parallel_loop3A_1197 : vector<16xf32>
        %parallel_loop3A_1199 = arith.index_cast %parallel_loop3A_145 : i32 to index
        %parallel_loop3A_1200 = arith.constant 352 : index
        %parallel_loop3A_1201 = tpu.vector_load %arg9[%parallel_loop3A_1199, %parallel_loop3A_1200] {strides = array<i32>} : memref<64x768xf32, #tpu.memory_space<vmem>>, vector<16xf32>,
        tpu.vector_store %arg9[%parallel_loop3A_1199, %parallel_loop3A_1200], %parallel_loop3A_1198 {strides = array<i32>} : memref<64x768xf32, #tpu.memory_space<vmem>>, vector<16xf32>,
        %parallel_loop3A_1202 = arith.index_cast %parallel_loop3A_145 : i32 to index
        %parallel_loop3A_1203 = arith.constant 368 : index
        %parallel_loop3A_1204 = tpu.vector_load %arg9[%parallel_loop3A_1202, %parallel_loop3A_1203] {strides = array<i32>} : memref<64x768xf32, #tpu.memory_space<vmem>>, vector<16xf32>,
        %parallel_loop3A_1205 = arith.subf %parallel_loop3A_1204, %parallel_loop3A_842 : vector<16xf32>
        %parallel_loop3A_1206 = arith.mulf %parallel_loop3A_1205, %parallel_loop3A_879 : vector<16xf32>
        %parallel_loop3A_1207 = arith.constant 368 : index
        %parallel_loop3A_1208 = tpu.vector_load %arg11[%parallel_loop3A_1207] {strides = array<i32>} : memref<768xf32, #tpu.memory_space<vmem>>, vector<16xf32>,
        %parallel_loop3A_1209 = arith.mulf %parallel_loop3A_1206, %parallel_loop3A_1208 : vector<16xf32>
        %parallel_loop3A_1210 = arith.constant 368 : index
        %parallel_loop3A_1211 = tpu.vector_load %arg12[%parallel_loop3A_1210] {strides = array<i32>} : memref<768xf32, #tpu.memory_space<vmem>>, vector<16xf32>,
        %parallel_loop3A_1212 = arith.addf %parallel_loop3A_1209, %parallel_loop3A_1211 : vector<16xf32>
        %parallel_loop3A_1213 = arith.index_cast %parallel_loop3A_145 : i32 to index
        %parallel_loop3A_1214 = arith.constant 368 : index
        %parallel_loop3A_1215 = tpu.vector_load %arg9[%parallel_loop3A_1213, %parallel_loop3A_1214] {strides = array<i32>} : memref<64x768xf32, #tpu.memory_space<vmem>>, vector<16xf32>,
        tpu.vector_store %arg9[%parallel_loop3A_1213, %parallel_loop3A_1214], %parallel_loop3A_1212 {strides = array<i32>} : memref<64x768xf32, #tpu.memory_space<vmem>>, vector<16xf32>,
        %parallel_loop3A_1216 = arith.index_cast %parallel_loop3A_145 : i32 to index
        %parallel_loop3A_1217 = arith.constant 384 : index
        %parallel_loop3A_1218 = tpu.vector_load %arg9[%parallel_loop3A_1216, %parallel_loop3A_1217] {strides = array<i32>} : memref<64x768xf32, #tpu.memory_space<vmem>>, vector<16xf32>,
        %parallel_loop3A_1219 = arith.subf %parallel_loop3A_1218, %parallel_loop3A_842 : vector<16xf32>
        %parallel_loop3A_1220 = arith.mulf %parallel_loop3A_1219, %parallel_loop3A_879 : vector<16xf32>
        %parallel_loop3A_1221 = arith.constant 384 : index
        %parallel_loop3A_1222 = tpu.vector_load %arg11[%parallel_loop3A_1221] {strides = array<i32>} : memref<768xf32, #tpu.memory_space<vmem>>, vector<16xf32>,
        %parallel_loop3A_1223 = arith.mulf %parallel_loop3A_1220, %parallel_loop3A_1222 : vector<16xf32>
        %parallel_loop3A_1224 = arith.constant 384 : index
        %parallel_loop3A_1225 = tpu.vector_load %arg12[%parallel_loop3A_1224] {strides = array<i32>} : memref<768xf32, #tpu.memory_space<vmem>>, vector<16xf32>,
        %parallel_loop3A_1226 = arith.addf %parallel_loop3A_1223, %parallel_loop3A_1225 : vector<16xf32>
        %parallel_loop3A_1227 = arith.index_cast %parallel_loop3A_145 : i32 to index
        %parallel_loop3A_1228 = arith.constant 384 : index
        %parallel_loop3A_1229 = tpu.vector_load %arg9[%parallel_loop3A_1227, %parallel_loop3A_1228] {strides = array<i32>} : memref<64x768xf32, #tpu.memory_space<vmem>>, vector<16xf32>,
        tpu.vector_store %arg9[%parallel_loop3A_1227, %parallel_loop3A_1228], %parallel_loop3A_1226 {strides = array<i32>} : memref<64x768xf32, #tpu.memory_space<vmem>>, vector<16xf32>,
        %parallel_loop3A_1230 = arith.index_cast %parallel_loop3A_145 : i32 to index
        %parallel_loop3A_1231 = arith.constant 400 : index
        %parallel_loop3A_1232 = tpu.vector_load %arg9[%parallel_loop3A_1230, %parallel_loop3A_1231] {strides = array<i32>} : memref<64x768xf32, #tpu.memory_space<vmem>>, vector<16xf32>,
        %parallel_loop3A_1233 = arith.subf %parallel_loop3A_1232, %parallel_loop3A_842 : vector<16xf32>
        %parallel_loop3A_1234 = arith.mulf %parallel_loop3A_1233, %parallel_loop3A_879 : vector<16xf32>
        %parallel_loop3A_1235 = arith.constant 400 : index
        %parallel_loop3A_1236 = tpu.vector_load %arg11[%parallel_loop3A_1235] {strides = array<i32>} : memref<768xf32, #tpu.memory_space<vmem>>, vector<16xf32>,
        %parallel_loop3A_1237 = arith.mulf %parallel_loop3A_1234, %parallel_loop3A_1236 : vector<16xf32>
        %parallel_loop3A_1238 = arith.constant 400 : index
        %parallel_loop3A_1239 = tpu.vector_load %arg12[%parallel_loop3A_1238] {strides = array<i32>} : memref<768xf32, #tpu.memory_space<vmem>>, vector<16xf32>,
        %parallel_loop3A_1240 = arith.addf %parallel_loop3A_1237, %parallel_loop3A_1239 : vector<16xf32>
        %parallel_loop3A_1241 = arith.index_cast %parallel_loop3A_145 : i32 to index
        %parallel_loop3A_1242 = arith.constant 400 : index
        %parallel_loop3A_1243 = tpu.vector_load %arg9[%parallel_loop3A_1241, %parallel_loop3A_1242] {strides = array<i32>} : memref<64x768xf32, #tpu.memory_space<vmem>>, vector<16xf32>,
        tpu.vector_store %arg9[%parallel_loop3A_1241, %parallel_loop3A_1242], %parallel_loop3A_1240 {strides = array<i32>} : memref<64x768xf32, #tpu.memory_space<vmem>>, vector<16xf32>,
        %parallel_loop3A_1244 = arith.index_cast %parallel_loop3A_145 : i32 to index
        %parallel_loop3A_1245 = arith.constant 416 : index
        %parallel_loop3A_1246 = tpu.vector_load %arg9[%parallel_loop3A_1244, %parallel_loop3A_1245] {strides = array<i32>} : memref<64x768xf32, #tpu.memory_space<vmem>>, vector<16xf32>,
        %parallel_loop3A_1247 = arith.subf %parallel_loop3A_1246, %parallel_loop3A_842 : vector<16xf32>
        %parallel_loop3A_1248 = arith.mulf %parallel_loop3A_1247, %parallel_loop3A_879 : vector<16xf32>
        %parallel_loop3A_1249 = arith.constant 416 : index
        %parallel_loop3A_1250 = tpu.vector_load %arg11[%parallel_loop3A_1249] {strides = array<i32>} : memref<768xf32, #tpu.memory_space<vmem>>, vector<16xf32>,
        %parallel_loop3A_1251 = arith.mulf %parallel_loop3A_1248, %parallel_loop3A_1250 : vector<16xf32>
        %parallel_loop3A_1252 = arith.constant 416 : index
        %parallel_loop3A_1253 = tpu.vector_load %arg12[%parallel_loop3A_1252] {strides = array<i32>} : memref<768xf32, #tpu.memory_space<vmem>>, vector<16xf32>,
        %parallel_loop3A_1254 = arith.addf %parallel_loop3A_1251, %parallel_loop3A_1253 : vector<16xf32>
        %parallel_loop3A_1255 = arith.index_cast %parallel_loop3A_145 : i32 to index
        %parallel_loop3A_1256 = arith.constant 416 : index
        %parallel_loop3A_1257 = tpu.vector_load %arg9[%parallel_loop3A_1255, %parallel_loop3A_1256] {strides = array<i32>} : memref<64x768xf32, #tpu.memory_space<vmem>>, vector<16xf32>,
        tpu.vector_store %arg9[%parallel_loop3A_1255, %parallel_loop3A_1256], %parallel_loop3A_1254 {strides = array<i32>} : memref<64x768xf32, #tpu.memory_space<vmem>>, vector<16xf32>,
        %parallel_loop3A_1258 = arith.index_cast %parallel_loop3A_145 : i32 to index
        %parallel_loop3A_1259 = arith.constant 432 : index
        %parallel_loop3A_1260 = tpu.vector_load %arg9[%parallel_loop3A_1258, %parallel_loop3A_1259] {strides = array<i32>} : memref<64x768xf32, #tpu.memory_space<vmem>>, vector<16xf32>,
        %parallel_loop3A_1261 = arith.subf %parallel_loop3A_1260, %parallel_loop3A_842 : vector<16xf32>
        %parallel_loop3A_1262 = arith.mulf %parallel_loop3A_1261, %parallel_loop3A_879 : vector<16xf32>
        %parallel_loop3A_1263 = arith.constant 432 : index
        %parallel_loop3A_1264 = tpu.vector_load %arg11[%parallel_loop3A_1263] {strides = array<i32>} : memref<768xf32, #tpu.memory_space<vmem>>, vector<16xf32>,
        %parallel_loop3A_1265 = arith.mulf %parallel_loop3A_1262, %parallel_loop3A_1264 : vector<16xf32>
        %parallel_loop3A_1266 = arith.constant 432 : index
        %parallel_loop3A_1267 = tpu.vector_load %arg12[%parallel_loop3A_1266] {strides = array<i32>} : memref<768xf32, #tpu.memory_space<vmem>>, vector<16xf32>,
        %parallel_loop3A_1268 = arith.addf %parallel_loop3A_1265, %parallel_loop3A_1267 : vector<16xf32>
        %parallel_loop3A_1269 = arith.index_cast %parallel_loop3A_145 : i32 to index
        %parallel_loop3A_1270 = arith.constant 432 : index
        %parallel_loop3A_1271 = tpu.vector_load %arg9[%parallel_loop3A_1269, %parallel_loop3A_1270] {strides = array<i32>} : memref<64x768xf32, #tpu.memory_space<vmem>>, vector<16xf32>,
        tpu.vector_store %arg9[%parallel_loop3A_1269, %parallel_loop3A_1270], %parallel_loop3A_1268 {strides = array<i32>} : memref<64x768xf32, #tpu.memory_space<vmem>>, vector<16xf32>,
        %parallel_loop3A_1272 = arith.index_cast %parallel_loop3A_145 : i32 to index
        %parallel_loop3A_1273 = arith.constant 448 : index
        %parallel_loop3A_1274 = tpu.vector_load %arg9[%parallel_loop3A_1272, %parallel_loop3A_1273] {strides = array<i32>} : memref<64x768xf32, #tpu.memory_space<vmem>>, vector<16xf32>,
        %parallel_loop3A_1275 = arith.subf %parallel_loop3A_1274, %parallel_loop3A_842 : vector<16xf32>
        %parallel_loop3A_1276 = arith.mulf %parallel_loop3A_1275, %parallel_loop3A_879 : vector<16xf32>
        %parallel_loop3A_1277 = arith.constant 448 : index
        %parallel_loop3A_1278 = tpu.vector_load %arg11[%parallel_loop3A_1277] {strides = array<i32>} : memref<768xf32, #tpu.memory_space<vmem>>, vector<16xf32>,
        %parallel_loop3A_1279 = arith.mulf %parallel_loop3A_1276, %parallel_loop3A_1278 : vector<16xf32>
        %parallel_loop3A_1280 = arith.constant 448 : index
        %parallel_loop3A_1281 = tpu.vector_load %arg12[%parallel_loop3A_1280] {strides = array<i32>} : memref<768xf32, #tpu.memory_space<vmem>>, vector<16xf32>,
        %parallel_loop3A_1282 = arith.addf %parallel_loop3A_1279, %parallel_loop3A_1281 : vector<16xf32>
        %parallel_loop3A_1283 = arith.index_cast %parallel_loop3A_145 : i32 to index
        %parallel_loop3A_1284 = arith.constant 448 : index
        %parallel_loop3A_1285 = tpu.vector_load %arg9[%parallel_loop3A_1283, %parallel_loop3A_1284] {strides = array<i32>} : memref<64x768xf32, #tpu.memory_space<vmem>>, vector<16xf32>,
        tpu.vector_store %arg9[%parallel_loop3A_1283, %parallel_loop3A_1284], %parallel_loop3A_1282 {strides = array<i32>} : memref<64x768xf32, #tpu.memory_space<vmem>>, vector<16xf32>,
        %parallel_loop3A_1286 = arith.index_cast %parallel_loop3A_145 : i32 to index
        %parallel_loop3A_1287 = arith.constant 464 : index
        %parallel_loop3A_1288 = tpu.vector_load %arg9[%parallel_loop3A_1286, %parallel_loop3A_1287] {strides = array<i32>} : memref<64x768xf32, #tpu.memory_space<vmem>>, vector<16xf32>,
        %parallel_loop3A_1289 = arith.subf %parallel_loop3A_1288, %parallel_loop3A_842 : vector<16xf32>
        %parallel_loop3A_1290 = arith.mulf %parallel_loop3A_1289, %parallel_loop3A_879 : vector<16xf32>
        %parallel_loop3A_1291 = arith.constant 464 : index
        %parallel_loop3A_1292 = tpu.vector_load %arg11[%parallel_loop3A_1291] {strides = array<i32>} : memref<768xf32, #tpu.memory_space<vmem>>, vector<16xf32>,
        %parallel_loop3A_1293 = arith.mulf %parallel_loop3A_1290, %parallel_loop3A_1292 : vector<16xf32>
        %parallel_loop3A_1294 = arith.constant 464 : index
        %parallel_loop3A_1295 = tpu.vector_load %arg12[%parallel_loop3A_1294] {strides = array<i32>} : memref<768xf32, #tpu.memory_space<vmem>>, vector<16xf32>,
        %parallel_loop3A_1296 = arith.addf %parallel_loop3A_1293, %parallel_loop3A_1295 : vector<16xf32>
        %parallel_loop3A_1297 = arith.index_cast %parallel_loop3A_145 : i32 to index
        %parallel_loop3A_1298 = arith.constant 464 : index
        %parallel_loop3A_1299 = tpu.vector_load %arg9[%parallel_loop3A_1297, %parallel_loop3A_1298] {strides = array<i32>} : memref<64x768xf32, #tpu.memory_space<vmem>>, vector<16xf32>,
        tpu.vector_store %arg9[%parallel_loop3A_1297, %parallel_loop3A_1298], %parallel_loop3A_1296 {strides = array<i32>} : memref<64x768xf32, #tpu.memory_space<vmem>>, vector<16xf32>,
        %parallel_loop3A_1300 = arith.index_cast %parallel_loop3A_145 : i32 to index
        %parallel_loop3A_1301 = arith.constant 480 : index
        %parallel_loop3A_1302 = tpu.vector_load %arg9[%parallel_loop3A_1300, %parallel_loop3A_1301] {strides = array<i32>} : memref<64x768xf32, #tpu.memory_space<vmem>>, vector<16xf32>,
        %parallel_loop3A_1303 = arith.subf %parallel_loop3A_1302, %parallel_loop3A_842 : vector<16xf32>
        %parallel_loop3A_1304 = arith.mulf %parallel_loop3A_1303, %parallel_loop3A_879 : vector<16xf32>
        %parallel_loop3A_1305 = arith.constant 480 : index
        %parallel_loop3A_1306 = tpu.vector_load %arg11[%parallel_loop3A_1305] {strides = array<i32>} : memref<768xf32, #tpu.memory_space<vmem>>, vector<16xf32>,
        %parallel_loop3A_1307 = arith.mulf %parallel_loop3A_1304, %parallel_loop3A_1306 : vector<16xf32>
        %parallel_loop3A_1308 = arith.constant 480 : index
        %parallel_loop3A_1309 = tpu.vector_load %arg12[%parallel_loop3A_1308] {strides = array<i32>} : memref<768xf32, #tpu.memory_space<vmem>>, vector<16xf32>,
        %parallel_loop3A_1310 = arith.addf %parallel_loop3A_1307, %parallel_loop3A_1309 : vector<16xf32>
        %parallel_loop3A_1311 = arith.index_cast %parallel_loop3A_145 : i32 to index
        %parallel_loop3A_1312 = arith.constant 480 : index
        %parallel_loop3A_1313 = tpu.vector_load %arg9[%parallel_loop3A_1311, %parallel_loop3A_1312] {strides = array<i32>} : memref<64x768xf32, #tpu.memory_space<vmem>>, vector<16xf32>,
        tpu.vector_store %arg9[%parallel_loop3A_1311, %parallel_loop3A_1312], %parallel_loop3A_1310 {strides = array<i32>} : memref<64x768xf32, #tpu.memory_space<vmem>>, vector<16xf32>,
        %parallel_loop3A_1314 = arith.index_cast %parallel_loop3A_145 : i32 to index
        %parallel_loop3A_1315 = arith.constant 496 : index
        %parallel_loop3A_1316 = tpu.vector_load %arg9[%parallel_loop3A_1314, %parallel_loop3A_1315] {strides = array<i32>} : memref<64x768xf32, #tpu.memory_space<vmem>>, vector<16xf32>,
        %parallel_loop3A_1317 = arith.subf %parallel_loop3A_1316, %parallel_loop3A_842 : vector<16xf32>
        %parallel_loop3A_1318 = arith.mulf %parallel_loop3A_1317, %parallel_loop3A_879 : vector<16xf32>
        %parallel_loop3A_1319 = arith.constant 496 : index
        %parallel_loop3A_1320 = tpu.vector_load %arg11[%parallel_loop3A_1319] {strides = array<i32>} : memref<768xf32, #tpu.memory_space<vmem>>, vector<16xf32>,
        %parallel_loop3A_1321 = arith.mulf %parallel_loop3A_1318, %parallel_loop3A_1320 : vector<16xf32>
        %parallel_loop3A_1322 = arith.constant 496 : index
        %parallel_loop3A_1323 = tpu.vector_load %arg12[%parallel_loop3A_1322] {strides = array<i32>} : memref<768xf32, #tpu.memory_space<vmem>>, vector<16xf32>,
        %parallel_loop3A_1324 = arith.addf %parallel_loop3A_1321, %parallel_loop3A_1323 : vector<16xf32>
        %parallel_loop3A_1325 = arith.index_cast %parallel_loop3A_145 : i32 to index
        %parallel_loop3A_1326 = arith.constant 496 : index
        %parallel_loop3A_1327 = tpu.vector_load %arg9[%parallel_loop3A_1325, %parallel_loop3A_1326] {strides = array<i32>} : memref<64x768xf32, #tpu.memory_space<vmem>>, vector<16xf32>,
        tpu.vector_store %arg9[%parallel_loop3A_1325, %parallel_loop3A_1326], %parallel_loop3A_1324 {strides = array<i32>} : memref<64x768xf32, #tpu.memory_space<vmem>>, vector<16xf32>,
        %parallel_loop3A_1328 = arith.index_cast %parallel_loop3A_145 : i32 to index
        %parallel_loop3A_1329 = arith.constant 512 : index
        %parallel_loop3A_1330 = tpu.vector_load %arg9[%parallel_loop3A_1328, %parallel_loop3A_1329] {strides = array<i32>} : memref<64x768xf32, #tpu.memory_space<vmem>>, vector<16xf32>,
        %parallel_loop3A_1331 = arith.subf %parallel_loop3A_1330, %parallel_loop3A_842 : vector<16xf32>
        %parallel_loop3A_1332 = arith.mulf %parallel_loop3A_1331, %parallel_loop3A_879 : vector<16xf32>
        %parallel_loop3A_1333 = arith.constant 512 : index
        %parallel_loop3A_1334 = tpu.vector_load %arg11[%parallel_loop3A_1333] {strides = array<i32>} : memref<768xf32, #tpu.memory_space<vmem>>, vector<16xf32>,
        %parallel_loop3A_1335 = arith.mulf %parallel_loop3A_1332, %parallel_loop3A_1334 : vector<16xf32>
        %parallel_loop3A_1336 = arith.constant 512 : index
        %parallel_loop3A_1337 = tpu.vector_load %arg12[%parallel_loop3A_1336] {strides = array<i32>} : memref<768xf32, #tpu.memory_space<vmem>>, vector<16xf32>,
        %parallel_loop3A_1338 = arith.addf %parallel_loop3A_1335, %parallel_loop3A_1337 : vector<16xf32>
        %parallel_loop3A_1339 = arith.index_cast %parallel_loop3A_145 : i32 to index
        %parallel_loop3A_1340 = arith.constant 512 : index
        %parallel_loop3A_1341 = tpu.vector_load %arg9[%parallel_loop3A_1339, %parallel_loop3A_1340] {strides = array<i32>} : memref<64x768xf32, #tpu.memory_space<vmem>>, vector<16xf32>,
        tpu.vector_store %arg9[%parallel_loop3A_1339, %parallel_loop3A_1340], %parallel_loop3A_1338 {strides = array<i32>} : memref<64x768xf32, #tpu.memory_space<vmem>>, vector<16xf32>,
        %parallel_loop3A_1342 = arith.index_cast %parallel_loop3A_145 : i32 to index
        %parallel_loop3A_1343 = arith.constant 528 : index
        %parallel_loop3A_1344 = tpu.vector_load %arg9[%parallel_loop3A_1342, %parallel_loop3A_1343] {strides = array<i32>} : memref<64x768xf32, #tpu.memory_space<vmem>>, vector<16xf32>,
        %parallel_loop3A_1345 = arith.subf %parallel_loop3A_1344, %parallel_loop3A_842 : vector<16xf32>
        %parallel_loop3A_1346 = arith.mulf %parallel_loop3A_1345, %parallel_loop3A_879 : vector<16xf32>
        %parallel_loop3A_1347 = arith.constant 528 : index
        %parallel_loop3A_1348 = tpu.vector_load %arg11[%parallel_loop3A_1347] {strides = array<i32>} : memref<768xf32, #tpu.memory_space<vmem>>, vector<16xf32>,
        %parallel_loop3A_1349 = arith.mulf %parallel_loop3A_1346, %parallel_loop3A_1348 : vector<16xf32>
        %parallel_loop3A_1350 = arith.constant 528 : index
        %parallel_loop3A_1351 = tpu.vector_load %arg12[%parallel_loop3A_1350] {strides = array<i32>} : memref<768xf32, #tpu.memory_space<vmem>>, vector<16xf32>,
        %parallel_loop3A_1352 = arith.addf %parallel_loop3A_1349, %parallel_loop3A_1351 : vector<16xf32>
        %parallel_loop3A_1353 = arith.index_cast %parallel_loop3A_145 : i32 to index
        %parallel_loop3A_1354 = arith.constant 528 : index
        %parallel_loop3A_1355 = tpu.vector_load %arg9[%parallel_loop3A_1353, %parallel_loop3A_1354] {strides = array<i32>} : memref<64x768xf32, #tpu.memory_space<vmem>>, vector<16xf32>,
        tpu.vector_store %arg9[%parallel_loop3A_1353, %parallel_loop3A_1354], %parallel_loop3A_1352 {strides = array<i32>} : memref<64x768xf32, #tpu.memory_space<vmem>>, vector<16xf32>,
        %parallel_loop3A_1356 = arith.index_cast %parallel_loop3A_145 : i32 to index
        %parallel_loop3A_1357 = arith.constant 544 : index
        %parallel_loop3A_1358 = tpu.vector_load %arg9[%parallel_loop3A_1356, %parallel_loop3A_1357] {strides = array<i32>} : memref<64x768xf32, #tpu.memory_space<vmem>>, vector<16xf32>,
        %parallel_loop3A_1359 = arith.subf %parallel_loop3A_1358, %parallel_loop3A_842 : vector<16xf32>
        %parallel_loop3A_1360 = arith.mulf %parallel_loop3A_1359, %parallel_loop3A_879 : vector<16xf32>
        %parallel_loop3A_1361 = arith.constant 544 : index
        %parallel_loop3A_1362 = tpu.vector_load %arg11[%parallel_loop3A_1361] {strides = array<i32>} : memref<768xf32, #tpu.memory_space<vmem>>, vector<16xf32>,
        %parallel_loop3A_1363 = arith.mulf %parallel_loop3A_1360, %parallel_loop3A_1362 : vector<16xf32>
        %parallel_loop3A_1364 = arith.constant 544 : index
        %parallel_loop3A_1365 = tpu.vector_load %arg12[%parallel_loop3A_1364] {strides = array<i32>} : memref<768xf32, #tpu.memory_space<vmem>>, vector<16xf32>,
        %parallel_loop3A_1366 = arith.addf %parallel_loop3A_1363, %parallel_loop3A_1365 : vector<16xf32>
        %parallel_loop3A_1367 = arith.index_cast %parallel_loop3A_145 : i32 to index
        %parallel_loop3A_1368 = arith.constant 544 : index
        %parallel_loop3A_1369 = tpu.vector_load %arg9[%parallel_loop3A_1367, %parallel_loop3A_1368] {strides = array<i32>} : memref<64x768xf32, #tpu.memory_space<vmem>>, vector<16xf32>,
        tpu.vector_store %arg9[%parallel_loop3A_1367, %parallel_loop3A_1368], %parallel_loop3A_1366 {strides = array<i32>} : memref<64x768xf32, #tpu.memory_space<vmem>>, vector<16xf32>,
        %parallel_loop3A_1370 = arith.index_cast %parallel_loop3A_145 : i32 to index
        %parallel_loop3A_1371 = arith.constant 560 : index
        %parallel_loop3A_1372 = tpu.vector_load %arg9[%parallel_loop3A_1370, %parallel_loop3A_1371] {strides = array<i32>} : memref<64x768xf32, #tpu.memory_space<vmem>>, vector<16xf32>,
        %parallel_loop3A_1373 = arith.subf %parallel_loop3A_1372, %parallel_loop3A_842 : vector<16xf32>
        %parallel_loop3A_1374 = arith.mulf %parallel_loop3A_1373, %parallel_loop3A_879 : vector<16xf32>
        %parallel_loop3A_1375 = arith.constant 560 : index
        %parallel_loop3A_1376 = tpu.vector_load %arg11[%parallel_loop3A_1375] {strides = array<i32>} : memref<768xf32, #tpu.memory_space<vmem>>, vector<16xf32>,
        %parallel_loop3A_1377 = arith.mulf %parallel_loop3A_1374, %parallel_loop3A_1376 : vector<16xf32>
        %parallel_loop3A_1378 = arith.constant 560 : index
        %parallel_loop3A_1379 = tpu.vector_load %arg12[%parallel_loop3A_1378] {strides = array<i32>} : memref<768xf32, #tpu.memory_space<vmem>>, vector<16xf32>,
        %parallel_loop3A_1380 = arith.addf %parallel_loop3A_1377, %parallel_loop3A_1379 : vector<16xf32>
        %parallel_loop3A_1381 = arith.index_cast %parallel_loop3A_145 : i32 to index
        %parallel_loop3A_1382 = arith.constant 560 : index
        %parallel_loop3A_1383 = tpu.vector_load %arg9[%parallel_loop3A_1381, %parallel_loop3A_1382] {strides = array<i32>} : memref<64x768xf32, #tpu.memory_space<vmem>>, vector<16xf32>,
        tpu.vector_store %arg9[%parallel_loop3A_1381, %parallel_loop3A_1382], %parallel_loop3A_1380 {strides = array<i32>} : memref<64x768xf32, #tpu.memory_space<vmem>>, vector<16xf32>,
        %parallel_loop3A_1384 = arith.index_cast %parallel_loop3A_145 : i32 to index
        %parallel_loop3A_1385 = arith.constant 576 : index
        %parallel_loop3A_1386 = tpu.vector_load %arg9[%parallel_loop3A_1384, %parallel_loop3A_1385] {strides = array<i32>} : memref<64x768xf32, #tpu.memory_space<vmem>>, vector<16xf32>,
        %parallel_loop3A_1387 = arith.subf %parallel_loop3A_1386, %parallel_loop3A_842 : vector<16xf32>
        %parallel_loop3A_1388 = arith.mulf %parallel_loop3A_1387, %parallel_loop3A_879 : vector<16xf32>
        %parallel_loop3A_1389 = arith.constant 576 : index
        %parallel_loop3A_1390 = tpu.vector_load %arg11[%parallel_loop3A_1389] {strides = array<i32>} : memref<768xf32, #tpu.memory_space<vmem>>, vector<16xf32>,
        %parallel_loop3A_1391 = arith.mulf %parallel_loop3A_1388, %parallel_loop3A_1390 : vector<16xf32>
        %parallel_loop3A_1392 = arith.constant 576 : index
        %parallel_loop3A_1393 = tpu.vector_load %arg12[%parallel_loop3A_1392] {strides = array<i32>} : memref<768xf32, #tpu.memory_space<vmem>>, vector<16xf32>,
        %parallel_loop3A_1394 = arith.addf %parallel_loop3A_1391, %parallel_loop3A_1393 : vector<16xf32>
        %parallel_loop3A_1395 = arith.index_cast %parallel_loop3A_145 : i32 to index
        %parallel_loop3A_1396 = arith.constant 576 : index
        %parallel_loop3A_1397 = tpu.vector_load %arg9[%parallel_loop3A_1395, %parallel_loop3A_1396] {strides = array<i32>} : memref<64x768xf32, #tpu.memory_space<vmem>>, vector<16xf32>,
        tpu.vector_store %arg9[%parallel_loop3A_1395, %parallel_loop3A_1396], %parallel_loop3A_1394 {strides = array<i32>} : memref<64x768xf32, #tpu.memory_space<vmem>>, vector<16xf32>,
        %parallel_loop3A_1398 = arith.index_cast %parallel_loop3A_145 : i32 to index
        %parallel_loop3A_1399 = arith.constant 592 : index
        %parallel_loop3A_1400 = tpu.vector_load %arg9[%parallel_loop3A_1398, %parallel_loop3A_1399] {strides = array<i32>} : memref<64x768xf32, #tpu.memory_space<vmem>>, vector<16xf32>,
        %parallel_loop3A_1401 = arith.subf %parallel_loop3A_1400, %parallel_loop3A_842 : vector<16xf32>
        %parallel_loop3A_1402 = arith.mulf %parallel_loop3A_1401, %parallel_loop3A_879 : vector<16xf32>
        %parallel_loop3A_1403 = arith.constant 592 : index
        %parallel_loop3A_1404 = tpu.vector_load %arg11[%parallel_loop3A_1403] {strides = array<i32>} : memref<768xf32, #tpu.memory_space<vmem>>, vector<16xf32>,
        %parallel_loop3A_1405 = arith.mulf %parallel_loop3A_1402, %parallel_loop3A_1404 : vector<16xf32>
        %parallel_loop3A_1406 = arith.constant 592 : index
        %parallel_loop3A_1407 = tpu.vector_load %arg12[%parallel_loop3A_1406] {strides = array<i32>} : memref<768xf32, #tpu.memory_space<vmem>>, vector<16xf32>,
        %parallel_loop3A_1408 = arith.addf %parallel_loop3A_1405, %parallel_loop3A_1407 : vector<16xf32>
        %parallel_loop3A_1409 = arith.index_cast %parallel_loop3A_145 : i32 to index
        %parallel_loop3A_1410 = arith.constant 592 : index
        %parallel_loop3A_1411 = tpu.vector_load %arg9[%parallel_loop3A_1409, %parallel_loop3A_1410] {strides = array<i32>} : memref<64x768xf32, #tpu.memory_space<vmem>>, vector<16xf32>,
        tpu.vector_store %arg9[%parallel_loop3A_1409, %parallel_loop3A_1410], %parallel_loop3A_1408 {strides = array<i32>} : memref<64x768xf32, #tpu.memory_space<vmem>>, vector<16xf32>,
        %parallel_loop3A_1412 = arith.index_cast %parallel_loop3A_145 : i32 to index
        %parallel_loop3A_1413 = arith.constant 608 : index
        %parallel_loop3A_1414 = tpu.vector_load %arg9[%parallel_loop3A_1412, %parallel_loop3A_1413] {strides = array<i32>} : memref<64x768xf32, #tpu.memory_space<vmem>>, vector<16xf32>,
        %parallel_loop3A_1415 = arith.subf %parallel_loop3A_1414, %parallel_loop3A_842 : vector<16xf32>
        %parallel_loop3A_1416 = arith.mulf %parallel_loop3A_1415, %parallel_loop3A_879 : vector<16xf32>
        %parallel_loop3A_1417 = arith.constant 608 : index
        %parallel_loop3A_1418 = tpu.vector_load %arg11[%parallel_loop3A_1417] {strides = array<i32>} : memref<768xf32, #tpu.memory_space<vmem>>, vector<16xf32>,
        %parallel_loop3A_1419 = arith.mulf %parallel_loop3A_1416, %parallel_loop3A_1418 : vector<16xf32>
        %parallel_loop3A_1420 = arith.constant 608 : index
        %parallel_loop3A_1421 = tpu.vector_load %arg12[%parallel_loop3A_1420] {strides = array<i32>} : memref<768xf32, #tpu.memory_space<vmem>>, vector<16xf32>,
        %parallel_loop3A_1422 = arith.addf %parallel_loop3A_1419, %parallel_loop3A_1421 : vector<16xf32>
        %parallel_loop3A_1423 = arith.index_cast %parallel_loop3A_145 : i32 to index
        %parallel_loop3A_1424 = arith.constant 608 : index
        %parallel_loop3A_1425 = tpu.vector_load %arg9[%parallel_loop3A_1423, %parallel_loop3A_1424] {strides = array<i32>} : memref<64x768xf32, #tpu.memory_space<vmem>>, vector<16xf32>,
        tpu.vector_store %arg9[%parallel_loop3A_1423, %parallel_loop3A_1424], %parallel_loop3A_1422 {strides = array<i32>} : memref<64x768xf32, #tpu.memory_space<vmem>>, vector<16xf32>,
        %parallel_loop3A_1426 = arith.index_cast %parallel_loop3A_145 : i32 to index
        %parallel_loop3A_1427 = arith.constant 624 : index
        %parallel_loop3A_1428 = tpu.vector_load %arg9[%parallel_loop3A_1426, %parallel_loop3A_1427] {strides = array<i32>} : memref<64x768xf32, #tpu.memory_space<vmem>>, vector<16xf32>,
        %parallel_loop3A_1429 = arith.subf %parallel_loop3A_1428, %parallel_loop3A_842 : vector<16xf32>
        %parallel_loop3A_1430 = arith.mulf %parallel_loop3A_1429, %parallel_loop3A_879 : vector<16xf32>
        %parallel_loop3A_1431 = arith.constant 624 : index
        %parallel_loop3A_1432 = tpu.vector_load %arg11[%parallel_loop3A_1431] {strides = array<i32>} : memref<768xf32, #tpu.memory_space<vmem>>, vector<16xf32>,
        %parallel_loop3A_1433 = arith.mulf %parallel_loop3A_1430, %parallel_loop3A_1432 : vector<16xf32>
        %parallel_loop3A_1434 = arith.constant 624 : index
        %parallel_loop3A_1435 = tpu.vector_load %arg12[%parallel_loop3A_1434] {strides = array<i32>} : memref<768xf32, #tpu.memory_space<vmem>>, vector<16xf32>,
        %parallel_loop3A_1436 = arith.addf %parallel_loop3A_1433, %parallel_loop3A_1435 : vector<16xf32>
        %parallel_loop3A_1437 = arith.index_cast %parallel_loop3A_145 : i32 to index
        %parallel_loop3A_1438 = arith.constant 624 : index
        %parallel_loop3A_1439 = tpu.vector_load %arg9[%parallel_loop3A_1437, %parallel_loop3A_1438] {strides = array<i32>} : memref<64x768xf32, #tpu.memory_space<vmem>>, vector<16xf32>,
        tpu.vector_store %arg9[%parallel_loop3A_1437, %parallel_loop3A_1438], %parallel_loop3A_1436 {strides = array<i32>} : memref<64x768xf32, #tpu.memory_space<vmem>>, vector<16xf32>,
        %parallel_loop3A_1440 = arith.index_cast %parallel_loop3A_145 : i32 to index
        %parallel_loop3A_1441 = arith.constant 640 : index
        %parallel_loop3A_1442 = tpu.vector_load %arg9[%parallel_loop3A_1440, %parallel_loop3A_1441] {strides = array<i32>} : memref<64x768xf32, #tpu.memory_space<vmem>>, vector<16xf32>,
        %parallel_loop3A_1443 = arith.subf %parallel_loop3A_1442, %parallel_loop3A_842 : vector<16xf32>
        %parallel_loop3A_1444 = arith.mulf %parallel_loop3A_1443, %parallel_loop3A_879 : vector<16xf32>
        %parallel_loop3A_1445 = arith.constant 640 : index
        %parallel_loop3A_1446 = tpu.vector_load %arg11[%parallel_loop3A_1445] {strides = array<i32>} : memref<768xf32, #tpu.memory_space<vmem>>, vector<16xf32>,
        %parallel_loop3A_1447 = arith.mulf %parallel_loop3A_1444, %parallel_loop3A_1446 : vector<16xf32>
        %parallel_loop3A_1448 = arith.constant 640 : index
        %parallel_loop3A_1449 = tpu.vector_load %arg12[%parallel_loop3A_1448] {strides = array<i32>} : memref<768xf32, #tpu.memory_space<vmem>>, vector<16xf32>,
        %parallel_loop3A_1450 = arith.addf %parallel_loop3A_1447, %parallel_loop3A_1449 : vector<16xf32>
        %parallel_loop3A_1451 = arith.index_cast %parallel_loop3A_145 : i32 to index
        %parallel_loop3A_1452 = arith.constant 640 : index
        %parallel_loop3A_1453 = tpu.vector_load %arg9[%parallel_loop3A_1451, %parallel_loop3A_1452] {strides = array<i32>} : memref<64x768xf32, #tpu.memory_space<vmem>>, vector<16xf32>,
        tpu.vector_store %arg9[%parallel_loop3A_1451, %parallel_loop3A_1452], %parallel_loop3A_1450 {strides = array<i32>} : memref<64x768xf32, #tpu.memory_space<vmem>>, vector<16xf32>,
        %parallel_loop3A_1454 = arith.index_cast %parallel_loop3A_145 : i32 to index
        %parallel_loop3A_1455 = arith.constant 656 : index
        %parallel_loop3A_1456 = tpu.vector_load %arg9[%parallel_loop3A_1454, %parallel_loop3A_1455] {strides = array<i32>} : memref<64x768xf32, #tpu.memory_space<vmem>>, vector<16xf32>,
        %parallel_loop3A_1457 = arith.subf %parallel_loop3A_1456, %parallel_loop3A_842 : vector<16xf32>
        %parallel_loop3A_1458 = arith.mulf %parallel_loop3A_1457, %parallel_loop3A_879 : vector<16xf32>
        %parallel_loop3A_1459 = arith.constant 656 : index
        %parallel_loop3A_1460 = tpu.vector_load %arg11[%parallel_loop3A_1459] {strides = array<i32>} : memref<768xf32, #tpu.memory_space<vmem>>, vector<16xf32>,
        %parallel_loop3A_1461 = arith.mulf %parallel_loop3A_1458, %parallel_loop3A_1460 : vector<16xf32>
        %parallel_loop3A_1462 = arith.constant 656 : index
        %parallel_loop3A_1463 = tpu.vector_load %arg12[%parallel_loop3A_1462] {strides = array<i32>} : memref<768xf32, #tpu.memory_space<vmem>>, vector<16xf32>,
        %parallel_loop3A_1464 = arith.addf %parallel_loop3A_1461, %parallel_loop3A_1463 : vector<16xf32>
        %parallel_loop3A_1465 = arith.index_cast %parallel_loop3A_145 : i32 to index
        %parallel_loop3A_1466 = arith.constant 656 : index
        %parallel_loop3A_1467 = tpu.vector_load %arg9[%parallel_loop3A_1465, %parallel_loop3A_1466] {strides = array<i32>} : memref<64x768xf32, #tpu.memory_space<vmem>>, vector<16xf32>,
        tpu.vector_store %arg9[%parallel_loop3A_1465, %parallel_loop3A_1466], %parallel_loop3A_1464 {strides = array<i32>} : memref<64x768xf32, #tpu.memory_space<vmem>>, vector<16xf32>,
        %parallel_loop3A_1468 = arith.index_cast %parallel_loop3A_145 : i32 to index
        %parallel_loop3A_1469 = arith.constant 672 : index
        %parallel_loop3A_1470 = tpu.vector_load %arg9[%parallel_loop3A_1468, %parallel_loop3A_1469] {strides = array<i32>} : memref<64x768xf32, #tpu.memory_space<vmem>>, vector<16xf32>,
        %parallel_loop3A_1471 = arith.subf %parallel_loop3A_1470, %parallel_loop3A_842 : vector<16xf32>
        %parallel_loop3A_1472 = arith.mulf %parallel_loop3A_1471, %parallel_loop3A_879 : vector<16xf32>
        %parallel_loop3A_1473 = arith.constant 672 : index
        %parallel_loop3A_1474 = tpu.vector_load %arg11[%parallel_loop3A_1473] {strides = array<i32>} : memref<768xf32, #tpu.memory_space<vmem>>, vector<16xf32>,
        %parallel_loop3A_1475 = arith.mulf %parallel_loop3A_1472, %parallel_loop3A_1474 : vector<16xf32>
        %parallel_loop3A_1476 = arith.constant 672 : index
        %parallel_loop3A_1477 = tpu.vector_load %arg12[%parallel_loop3A_1476] {strides = array<i32>} : memref<768xf32, #tpu.memory_space<vmem>>, vector<16xf32>,
        %parallel_loop3A_1478 = arith.addf %parallel_loop3A_1475, %parallel_loop3A_1477 : vector<16xf32>
        %parallel_loop3A_1479 = arith.index_cast %parallel_loop3A_145 : i32 to index
        %parallel_loop3A_1480 = arith.constant 672 : index
        %parallel_loop3A_1481 = tpu.vector_load %arg9[%parallel_loop3A_1479, %parallel_loop3A_1480] {strides = array<i32>} : memref<64x768xf32, #tpu.memory_space<vmem>>, vector<16xf32>,
        tpu.vector_store %arg9[%parallel_loop3A_1479, %parallel_loop3A_1480], %parallel_loop3A_1478 {strides = array<i32>} : memref<64x768xf32, #tpu.memory_space<vmem>>, vector<16xf32>,
        %parallel_loop3A_1482 = arith.index_cast %parallel_loop3A_145 : i32 to index
        %parallel_loop3A_1483 = arith.constant 688 : index
        %parallel_loop3A_1484 = tpu.vector_load %arg9[%parallel_loop3A_1482, %parallel_loop3A_1483] {strides = array<i32>} : memref<64x768xf32, #tpu.memory_space<vmem>>, vector<16xf32>,
        %parallel_loop3A_1485 = arith.subf %parallel_loop3A_1484, %parallel_loop3A_842 : vector<16xf32>
        %parallel_loop3A_1486 = arith.mulf %parallel_loop3A_1485, %parallel_loop3A_879 : vector<16xf32>
        %parallel_loop3A_1487 = arith.constant 688 : index
        %parallel_loop3A_1488 = tpu.vector_load %arg11[%parallel_loop3A_1487] {strides = array<i32>} : memref<768xf32, #tpu.memory_space<vmem>>, vector<16xf32>,
        %parallel_loop3A_1489 = arith.mulf %parallel_loop3A_1486, %parallel_loop3A_1488 : vector<16xf32>
        %parallel_loop3A_1490 = arith.constant 688 : index
        %parallel_loop3A_1491 = tpu.vector_load %arg12[%parallel_loop3A_1490] {strides = array<i32>} : memref<768xf32, #tpu.memory_space<vmem>>, vector<16xf32>,
        %parallel_loop3A_1492 = arith.addf %parallel_loop3A_1489, %parallel_loop3A_1491 : vector<16xf32>
        %parallel_loop3A_1493 = arith.index_cast %parallel_loop3A_145 : i32 to index
        %parallel_loop3A_1494 = arith.constant 688 : index
        %parallel_loop3A_1495 = tpu.vector_load %arg9[%parallel_loop3A_1493, %parallel_loop3A_1494] {strides = array<i32>} : memref<64x768xf32, #tpu.memory_space<vmem>>, vector<16xf32>,
        tpu.vector_store %arg9[%parallel_loop3A_1493, %parallel_loop3A_1494], %parallel_loop3A_1492 {strides = array<i32>} : memref<64x768xf32, #tpu.memory_space<vmem>>, vector<16xf32>,
        %parallel_loop3A_1496 = arith.index_cast %parallel_loop3A_145 : i32 to index
        %parallel_loop3A_1497 = arith.constant 704 : index
        %parallel_loop3A_1498 = tpu.vector_load %arg9[%parallel_loop3A_1496, %parallel_loop3A_1497] {strides = array<i32>} : memref<64x768xf32, #tpu.memory_space<vmem>>, vector<16xf32>,
        %parallel_loop3A_1499 = arith.subf %parallel_loop3A_1498, %parallel_loop3A_842 : vector<16xf32>
        %parallel_loop3A_1500 = arith.mulf %parallel_loop3A_1499, %parallel_loop3A_879 : vector<16xf32>
        %parallel_loop3A_1501 = arith.constant 704 : index
        %parallel_loop3A_1502 = tpu.vector_load %arg11[%parallel_loop3A_1501] {strides = array<i32>} : memref<768xf32, #tpu.memory_space<vmem>>, vector<16xf32>,
        %parallel_loop3A_1503 = arith.mulf %parallel_loop3A_1500, %parallel_loop3A_1502 : vector<16xf32>
        %parallel_loop3A_1504 = arith.constant 704 : index
        %parallel_loop3A_1505 = tpu.vector_load %arg12[%parallel_loop3A_1504] {strides = array<i32>} : memref<768xf32, #tpu.memory_space<vmem>>, vector<16xf32>,
        %parallel_loop3A_1506 = arith.addf %parallel_loop3A_1503, %parallel_loop3A_1505 : vector<16xf32>
        %parallel_loop3A_1507 = arith.index_cast %parallel_loop3A_145 : i32 to index
        %parallel_loop3A_1508 = arith.constant 704 : index
        %parallel_loop3A_1509 = tpu.vector_load %arg9[%parallel_loop3A_1507, %parallel_loop3A_1508] {strides = array<i32>} : memref<64x768xf32, #tpu.memory_space<vmem>>, vector<16xf32>,
        tpu.vector_store %arg9[%parallel_loop3A_1507, %parallel_loop3A_1508], %parallel_loop3A_1506 {strides = array<i32>} : memref<64x768xf32, #tpu.memory_space<vmem>>, vector<16xf32>,
        %parallel_loop3A_1510 = arith.index_cast %parallel_loop3A_145 : i32 to index
        %parallel_loop3A_1511 = arith.constant 720 : index
        %parallel_loop3A_1512 = tpu.vector_load %arg9[%parallel_loop3A_1510, %parallel_loop3A_1511] {strides = array<i32>} : memref<64x768xf32, #tpu.memory_space<vmem>>, vector<16xf32>,
        %parallel_loop3A_1513 = arith.subf %parallel_loop3A_1512, %parallel_loop3A_842 : vector<16xf32>
        %parallel_loop3A_1514 = arith.mulf %parallel_loop3A_1513, %parallel_loop3A_879 : vector<16xf32>
        %parallel_loop3A_1515 = arith.constant 720 : index
        %parallel_loop3A_1516 = tpu.vector_load %arg11[%parallel_loop3A_1515] {strides = array<i32>} : memref<768xf32, #tpu.memory_space<vmem>>, vector<16xf32>,
        %parallel_loop3A_1517 = arith.mulf %parallel_loop3A_1514, %parallel_loop3A_1516 : vector<16xf32>
        %parallel_loop3A_1518 = arith.constant 720 : index
        %parallel_loop3A_1519 = tpu.vector_load %arg12[%parallel_loop3A_1518] {strides = array<i32>} : memref<768xf32, #tpu.memory_space<vmem>>, vector<16xf32>,
        %parallel_loop3A_1520 = arith.addf %parallel_loop3A_1517, %parallel_loop3A_1519 : vector<16xf32>
        %parallel_loop3A_1521 = arith.index_cast %parallel_loop3A_145 : i32 to index
        %parallel_loop3A_1522 = arith.constant 720 : index
        %parallel_loop3A_1523 = tpu.vector_load %arg9[%parallel_loop3A_1521, %parallel_loop3A_1522] {strides = array<i32>} : memref<64x768xf32, #tpu.memory_space<vmem>>, vector<16xf32>,
        tpu.vector_store %arg9[%parallel_loop3A_1521, %parallel_loop3A_1522], %parallel_loop3A_1520 {strides = array<i32>} : memref<64x768xf32, #tpu.memory_space<vmem>>, vector<16xf32>,
        %parallel_loop3A_1524 = arith.index_cast %parallel_loop3A_145 : i32 to index
        %parallel_loop3A_1525 = arith.constant 736 : index
        %parallel_loop3A_1526 = tpu.vector_load %arg9[%parallel_loop3A_1524, %parallel_loop3A_1525] {strides = array<i32>} : memref<64x768xf32, #tpu.memory_space<vmem>>, vector<16xf32>,
        %parallel_loop3A_1527 = arith.subf %parallel_loop3A_1526, %parallel_loop3A_842 : vector<16xf32>
        %parallel_loop3A_1528 = arith.mulf %parallel_loop3A_1527, %parallel_loop3A_879 : vector<16xf32>
        %parallel_loop3A_1529 = arith.constant 736 : index
        %parallel_loop3A_1530 = tpu.vector_load %arg11[%parallel_loop3A_1529] {strides = array<i32>} : memref<768xf32, #tpu.memory_space<vmem>>, vector<16xf32>,
        %parallel_loop3A_1531 = arith.mulf %parallel_loop3A_1528, %parallel_loop3A_1530 : vector<16xf32>
        %parallel_loop3A_1532 = arith.constant 736 : index
        %parallel_loop3A_1533 = tpu.vector_load %arg12[%parallel_loop3A_1532] {strides = array<i32>} : memref<768xf32, #tpu.memory_space<vmem>>, vector<16xf32>,
        %parallel_loop3A_1534 = arith.addf %parallel_loop3A_1531, %parallel_loop3A_1533 : vector<16xf32>
        %parallel_loop3A_1535 = arith.index_cast %parallel_loop3A_145 : i32 to index
        %parallel_loop3A_1536 = arith.constant 736 : index
        %parallel_loop3A_1537 = tpu.vector_load %arg9[%parallel_loop3A_1535, %parallel_loop3A_1536] {strides = array<i32>} : memref<64x768xf32, #tpu.memory_space<vmem>>, vector<16xf32>,
        tpu.vector_store %arg9[%parallel_loop3A_1535, %parallel_loop3A_1536], %parallel_loop3A_1534 {strides = array<i32>} : memref<64x768xf32, #tpu.memory_space<vmem>>, vector<16xf32>,
        %parallel_loop3A_1538 = arith.index_cast %parallel_loop3A_145 : i32 to index
        %parallel_loop3A_1539 = arith.constant 752 : index
        %parallel_loop3A_1540 = tpu.vector_load %arg9[%parallel_loop3A_1538, %parallel_loop3A_1539] {strides = array<i32>} : memref<64x768xf32, #tpu.memory_space<vmem>>, vector<16xf32>,
        %parallel_loop3A_1541 = arith.subf %parallel_loop3A_1540, %parallel_loop3A_842 : vector<16xf32>
        %parallel_loop3A_1542 = arith.mulf %parallel_loop3A_1541, %parallel_loop3A_879 : vector<16xf32>
        %parallel_loop3A_1543 = arith.constant 752 : index
        %parallel_loop3A_1544 = tpu.vector_load %arg11[%parallel_loop3A_1543] {strides = array<i32>} : memref<768xf32, #tpu.memory_space<vmem>>, vector<16xf32>,
        %parallel_loop3A_1545 = arith.mulf %parallel_loop3A_1542, %parallel_loop3A_1544 : vector<16xf32>
        %parallel_loop3A_1546 = arith.constant 752 : index
        %parallel_loop3A_1547 = tpu.vector_load %arg12[%parallel_loop3A_1546] {strides = array<i32>} : memref<768xf32, #tpu.memory_space<vmem>>, vector<16xf32>,
        %parallel_loop3A_1548 = arith.addf %parallel_loop3A_1545, %parallel_loop3A_1547 : vector<16xf32>
        %parallel_loop3A_1549 = arith.index_cast %parallel_loop3A_145 : i32 to index
        %parallel_loop3A_1550 = arith.constant 752 : index
        %parallel_loop3A_1551 = tpu.vector_load %arg9[%parallel_loop3A_1549, %parallel_loop3A_1550] {strides = array<i32>} : memref<64x768xf32, #tpu.memory_space<vmem>>, vector<16xf32>,
        tpu.vector_store %arg9[%parallel_loop3A_1549, %parallel_loop3A_1550], %parallel_loop3A_1548 {strides = array<i32>} : memref<64x768xf32, #tpu.memory_space<vmem>>, vector<16xf32>,
      } {sc.loop_unroll_factor = 1 : i64, sc.parallel_access}
      %jit3A_74 = arith.constant 2 : i32
      %eq3A_75 = arith.constant 0 : i32
      %eq3A_76 = arith.cmpi eq, %jit3A_74, %eq3A_75 : i32
      %jit3A_77 = arith.constant 1 : i32
      %select_n3A_78 = arith.select %eq3A_76, %jit3A_77, %jit3A_74 : i32
      %rem3A_79 = arith.remsi %scan3A_39, %select_n3A_78 : i32
      %ne3A_80 = arith.constant 0 : i32
      %ne3A_81 = arith.cmpi ne, %rem3A_79, %ne3A_80 : i32
      %lt3A_82 = arith.constant 0 : i32
      %lt3A_83 = arith.cmpi slt, %rem3A_79, %lt3A_82 : i32
      %lt3A_84 = arith.constant 0 : i32
      %lt3A_85 = arith.cmpi slt, %select_n3A_78, %lt3A_84 : i32
      %ne3A_86 = arith.xori %lt3A_83, %lt3A_85 : i1
      %and3A_87 = arith.andi %ne3A_86, %ne3A_81 : i1
      %add3A_88 = arith.addi %rem3A_79, %select_n3A_78 : i32
      %select_n3A_89 = arith.select %and3A_87, %add3A_88, %rem3A_79 : i32
      %mul3A_90 = arith.constant 32 : i32
      %mul3A_91 = arith.muli %select_n3A_89, %mul3A_90 : i32
      %jit3A_92 = arith.constant 4 : i32
      %eq3A_93 = arith.constant 0 : i32
      %eq3A_94 = arith.cmpi eq, %jit3A_92, %eq3A_93 : i32
      %jit3A_95 = arith.constant 1 : i32
      %select_n3A_96 = arith.select %eq3A_94, %jit3A_95, %jit3A_92 : i32
      %rem3A_97 = arith.remsi %scan3A_39, %select_n3A_96 : i32
      %ne3A_98 = arith.constant 0 : i32
      %ne3A_99 = arith.cmpi ne, %rem3A_97, %ne3A_98 : i32
      %lt3A_100 = arith.constant 0 : i32
      %lt3A_101 = arith.cmpi slt, %rem3A_97, %lt3A_100 : i32
      %lt3A_102 = arith.constant 0 : i32
      %lt3A_103 = arith.cmpi slt, %select_n3A_96, %lt3A_102 : i32
      %ne3A_104 = arith.xori %lt3A_101, %lt3A_103 : i1
      %and3A_105 = arith.andi %ne3A_104, %ne3A_99 : i1
      %add3A_106 = arith.addi %rem3A_97, %select_n3A_96 : i32
      %select_n3A_107 = arith.select %and3A_105, %add3A_106, %rem3A_97 : i32
      %mul3A_108 = arith.constant 4096 : i32
      %mul3A_109 = arith.muli %select_n3A_107, %mul3A_108 : i32
      %add3A_110 = arith.addi %mul3A_109, %mul3A_2 : i32
      %jit3A_111 = arith.constant 4 : i32
      %div3A = arith.divsi %scan3A_39, %jit3A_111 : i32
      %sign3A = arith.constant 0 : i32
      %sign3A_112 = arith.cmpi sgt, %scan3A_39, %sign3A : i32
      %sign3A_113 = arith.extui %sign3A_112 : i1 to i32
      %sign3A_114 = arith.constant 0 : i32
      %sign3A_115 = arith.cmpi slt, %scan3A_39, %sign3A_114 : i32
      %sign3A_116 = arith.extui %sign3A_115 : i1 to i32
      %sign3A_117 = arith.subi %sign3A_113, %sign3A_116 : i32
      %sign3A_118 = arith.constant 0 : i32
      %sign3A_119 = arith.cmpi sgt, %jit3A_111, %sign3A_118 : i32
      %sign3A_120 = arith.extui %sign3A_119 : i1 to i32
      %sign3A_121 = arith.constant 0 : i32
      %sign3A_122 = arith.cmpi slt, %jit3A_111, %sign3A_121 : i32
      %sign3A_123 = arith.extui %sign3A_122 : i1 to i32
      %sign3A_124 = arith.subi %sign3A_120, %sign3A_123 : i32
      %ne3A_125 = arith.cmpi ne, %sign3A_117, %sign3A_124 : i32
      %rem3A_126 = arith.remsi %scan3A_39, %jit3A_111 : i32
      %ne3A_127 = arith.constant 0 : i32
      %ne3A_128 = arith.cmpi ne, %rem3A_126, %ne3A_127 : i32
      %and3A_129 = arith.andi %ne3A_125, %ne3A_128 : i1
      %sub3A = arith.constant 1 : i32
      %sub3A_130 = arith.subi %div3A, %sub3A : i32
      %select_n3A_131 = arith.select %and3A_129, %sub3A_130, %div3A : i32
      %mul3A_132 = arith.constant 32 : i32
      %mul3A_133 = arith.muli %select_n3A_131, %mul3A_132 : i32
      %add3A_134 = arith.addi %add3A_110, %mul3A_133 : i32
      %dma_start3A_135 = arith.constant 0 : i32
      %dma_start3A_136 = tpu.memref_slice %arg9[%mul3A_91, %dma_start3A_135] : memref<64x768xf32, #tpu.memory_space<vmem>> -> memref<32x768xf32, #tpu.memory_space<vmem>>
      %dma_start3A_137 = arith.constant 0 : i32
      %dma_start3A_138 = tpu.memref_slice %arg7[%add3A_134, %dma_start3A_137] : memref<16384x768xf32, #tpu.memory_space<hbm>> -> memref<32x768xf32, #tpu.memory_space<hbm>>
      %dma_start3A_139 = arith.constant 0 : i32
      %dma_start3A_140 = tpu.memref_slice %arg7[%add3A_134, %dma_start3A_139] : memref<16384x768xf32, #tpu.memory_space<hbm>> -> memref<32x768xf32, #tpu.memory_space<hbm>>
      %dma_start3A_141 = arith.constant 0 : i32
      %dma_start3A_142 = tpu.memref_slice %arg9[%mul3A_91, %dma_start3A_141] : memref<64x768xf32, #tpu.memory_space<vmem>> -> memref<32x768xf32, #tpu.memory_space<vmem>>
      tpu.enqueue_dma source(%dma_start3A_142 : memref<32x768xf32, #tpu.memory_space<vmem>>) target(%dma_start3A_140 : memref<32x768xf32, #tpu.memory_space<hbm>>) target_semaphore(%arg14 : memref<!tpu.dma_semaphore, #tpu.memory_space<semaphore_mem>>)
      %scan3A_143 = arith.constant 0 : i32
      scf.yield %scan3A_143 : i32
    }
    %scan3A_23 = arith.constant 16 : i32
    %dma_wait3A = arith.constant 0 : i32
    %dma_wait3A_24 = arith.constant 0 : i32
    %dma_wait3A_25 = tpu.memref_slice %arg9[%dma_wait3A, %dma_wait3A_24] : memref<64x768xf32, #tpu.memory_space<vmem>> -> memref<32x768xf32, #tpu.memory_space<vmem>>
    %dma_wait3A_26 = arith.constant 0 : i32
    %dma_wait3A_27 = tpu.memref_slice %arg8[%dma_wait3A_26] : memref<512xi32, #tpu.memory_space<vmem>> -> memref<32xi32, #tpu.memory_space<vmem>>
    %dma_wait3A_28 = arith.constant 0 : i32
    %dma_wait3A_29 = arith.constant 0 : i32
    %dma_wait3A_30 = tpu.memref_slice %arg3[%dma_wait3A_28, %dma_wait3A_29] : memref<100000x768xf32, #tpu.memory_space<hbm>> -> memref<100000x768xf32, #tpu.memory_space<hbm>>
    tpu.wait_indirect_dma semaphore(%arg14 : memref<!tpu.dma_semaphore, #tpu.memory_space<semaphore_mem>>) src(%dma_wait3A_30 : memref<100000x768xf32, #tpu.memory_space<hbm>>) dst(%dma_wait3A_25 : memref<32x768xf32, #tpu.memory_space<vmem>>)
    %dma_wait3A_31 = arith.constant 0 : i32
    %dma_wait3A_32 = arith.constant 0 : i32
    %dma_wait3A_33 = tpu.memref_slice %arg9[%dma_wait3A_31, %dma_wait3A_32] : memref<64x768xf32, #tpu.memory_space<vmem>> -> memref<32x768xf32, #tpu.memory_space<vmem>>
    %dma_wait3A_34 = arith.constant 0 : i32
    %dma_wait3A_35 = tpu.memref_slice %arg8[%dma_wait3A_34] : memref<512xi32, #tpu.memory_space<vmem>> -> memref<32xi32, #tpu.memory_space<vmem>>
    %dma_wait3A_36 = arith.constant 0 : i32
    %dma_wait3A_37 = arith.constant 0 : i32
    %dma_wait3A_38 = tpu.memref_slice %arg3[%dma_wait3A_36, %dma_wait3A_37] : memref<100000x768xf32, #tpu.memory_space<hbm>> -> memref<100000x768xf32, #tpu.memory_space<hbm>>
    tpu.wait_indirect_dma semaphore(%arg14 : memref<!tpu.dma_semaphore, #tpu.memory_space<semaphore_mem>>) src(%dma_wait3A_38 : memref<100000x768xf32, #tpu.memory_space<hbm>>) dst(%dma_wait3A_33 : memref<32x768xf32, #tpu.memory_space<vmem>>)
    return
  }
}

</mosaic_0001>

<sc_bundles>
// kernel: _run.3.cloned.1.call-start
scs
__scs_entry_jumppad:
0x0: {  	(pc) =	sbr.rel $0x88, $3  }
0x1: {  	(tag) =	ssettag $0x0;
	lr =	simm.s32 $0x1  }
0x2: {  	[smem:$0x3F9C] =	sst lr;
	_ =	strace $0xD0000000  }
0x3: {  	_ = 	snop  }
0x4: {  	_ = 	snop  }
0x5: {  	_ = 	snop  }
0x6: {  	_ = 	snop  }
0x7: {  	_ = 	snop  }
__scs_overlays_trampoline_lowered:
0x8: {  	[smem:$0x3FAB] =	sst s0  }
0x9: {  	[smem:$0x3FAC] =	sst s1  }
0xa: {  	[smem:$0x3FAD] =	sst s2  }
0xb: {  	[smem:$0x3FAE] =	sst s3  }
0xc: {  	[smem:$0x3FAF] =	sst s4  }
0xd: {  	[smem:$0x3FB0] =	sst s5  }
0xe: {  	[smem:$0x3FB1] =	sst s6  }
0xf: {  	[smem:$0x3FB2] =	sst s7  }
0x10: {  	[smem:$0x3FB3] =	sst s8  }
0x11: {  	[smem:$0x3FB4] =	sst s9;
	s0 =	simm.s32 @!p0 $0x0  }
0x12: {  	s1 =	sld [smem:$0x3F9A];
	s0 =	simm.s32 @p0 $0x1  }
0x13: {  	[smem:$0x3FB5] =	sst s0;
	s0 =	simm.s32 @!p1 $0x0  }
0x14: {  	s2 =	sld [smem:$0x3F99];
	s0 =	simm.s32 @p1 $0x1  }
0x15: {  	[smem:$0x3FB6] =	sst s0;
	s0 =	simm.s32 @!p2 $0x0  }
0x16: {  	s3 =	sld [smem:$0x3FDB];
	s0 =	simm.s32 @p2 $0x1  }
0x17: {  	s4 =	simm.s32 $0x1BF5;
	[smem:$0x3FB8] =	sst s0  }
0x18: {  	s0 =	sld [smem:$0x3F9B];
	_ =	swait.ge [sflag:s4], $0x0  }
0x19: {  	s7 =	sld [smem:$0x3F9C]  }
0x1a: {  	s8 =	sadd.s32 $0xFFFFE003, lr  }
0x1b: {  	s9 =	sadd.s32 $0xFFFFFEF7, lr;
	s5 =	simm.s32 $0xFFFFFFFF;
	p2 =	slt.u32 s8, $0xFFFFF086  }
0x1c: {  	p1 =	slt.u32 s9, $0xF7A;
	s5 =	simm.s32 @!p2 $0x0  }
0x1d: {  	s5 =	simm.s32 @p1 $0x1;
	p0 =	seq.s32 s7, s2  }
0x1e: {  	s7 =	smul.u32 @!p0 $0xF7A, s2;
	p2 =	seq.s32 @!p0 s5, $0x0  }
0x1f: {  	s9 =	smul.u32 $0xF7A, s1;
	s8 =	simm.s32 @!p0 $0x1BF5;
	p2 =	por !p2, p0  }
0x20: {  	[sflag:s8] =	ssyncset.s32 @!p0 $0xFFFFF086;
	s6 =	sadd.s32 @!p0 s3, s7;
	s7 =	simm.s32 @!p0 $0x108  }
0x21: {  	s3 =	sadd.s32 s3, s9;
	s6 =	sadd.s32 @!p0 $0x88, s6;
	s7 =	simm.s32 @p2 $0x1082  }
0x22: {  	[simem:s7], [sflag:s8] =	dma.local @!p0 [hbm:s6], $0xF7A  }
0x23: {  	s9 =	sor.u32 $0xD0000000, s2;
	s6 =	simm.s32 $0x108;
	_ =	swait.ge @!p0 [sflag:s8], $0x0  }
0x24: {  	s3 =	sadd.s32 $0x88, s3;
	s6 =	simm.s32 @!p1 $0x1082;
	[sflag:s4] =	ssyncset.s32 $0xFFFFF086  }
0x25: {  	[simem:s6], [sflag:s4] =	dma.local [hbm:s3], $0xF7A  }
0x26: {  	[smem:$0x3F9C] =	sst s1;
	(tag) =	ssettag s2;
	_ =	strace s9  }
0x27: {  	s1 =	sld [smem:$0x3FAC]  }
0x28: {  	s2 =	sld [smem:$0x3FAD]  }
0x29: {  	s4 =	sld [smem:$0x3FAF]  }
0x2a: {  	p0 =	seq.s32 s5, $0x0;
	s5 =	sld [smem:$0x3FB0]  }
0x2b: {  	s6 =	sld [smem:$0x3FB1]  }
0x2c: {  	s7 =	sld [smem:$0x3FB2]  }
0x2d: {  	s3 =	simm.s32 $0x108;
	s8 =	sld [smem:$0x3FB3]  }
0x2e: {  	s3 =	simm.s32 @!p0 $0x1082;
	s9 =	sld [smem:$0x3FB4]  }
0x2f: {  	lr =	sadd.s32 s0, s3;
	s0 =	sld [smem:$0x3FAB]  }
0x30: {  	s3 =	sld [smem:$0x3FAE]  }
0x31: {  	[smem:$0x3FB7] =	sst s10  }
0x32: {  	s10 =	sld [smem:$0x3FB5];
	_ =	sdelay $0x3  }
0x33: {  	p0 =	seq.s32 s10, $0x1;
	s10 =	sld [smem:$0x3FB7];
	_ =	sdelay $0x3  }
0x34: {  	[smem:$0x3FB7] =	sst s10  }
0x35: {  	s10 =	sld [smem:$0x3FB6];
	_ =	sdelay $0x3  }
0x36: {  	p1 =	seq.s32 s10, $0x1;
	s10 =	sld [smem:$0x3FB7];
	_ =	sdelay $0x3  }
0x37: {  	[smem:$0x3FB7] =	sst s10  }
0x38: {  	s10 =	sld [smem:$0x3FB8]  }
0x39: {  	_ = 	snop;
	(pc) =	sbr.ind lr, $3  }
0x3a: {  	_ = 	snop  }
0x3b: {  	_ = 	snop  }
0x3c: {  	p2 =	seq.s32 s10, $0x1;
	s10 =	sld [smem:$0x3FB7]  }
0x3d: {  	_ =	shalt  }
0x3e: {  	_ =	shalt  }
0x3f: {  	_ =	shalt  }
0x40: {  	_ =	shalt  }
0x41: {  	_ =	shalt  }
0x42: {  	_ =	shalt  }
0x43: {  	_ =	shalt  }
0x44: {  	_ =	shalt  }
0x45: {  	_ =	shalt  }
0x46: {  	_ =	shalt  }
0x47: {  	_ =	shalt  }
0x48: {  	_ =	shalt  }
0x49: {  	_ =	shalt  }
0x4a: {  	_ =	shalt  }
0x4b: {  	_ =	shalt  }
0x4c: {  	_ =	shalt  }
0x4d: {  	_ =	shalt  }
0x4e: {  	_ =	shalt  }
0x4f: {  	_ =	shalt  }
0x50: {  	_ =	shalt  }
0x51: {  	_ =	shalt  }
0x52: {  	_ =	shalt  }
0x53: {  	_ =	shalt  }
0x54: {  	_ =	shalt  }
0x55: {  	_ =	shalt  }
0x56: {  	_ =	shalt  }
0x57: {  	_ =	shalt  }
0x58: {  	_ =	shalt  }
0x59: {  	_ =	shalt  }
0x5a: {  	_ =	shalt  }
0x5b: {  	_ =	shalt  }
0x5c: {  	_ =	shalt  }
0x5d: {  	_ =	shalt  }
0x5e: {  	_ =	shalt  }
0x5f: {  	_ =	shalt  }
0x60: {  	_ =	shalt  }
0x61: {  	_ =	shalt  }
0x62: {  	_ =	shalt  }
0x63: {  	_ =	shalt  }
0x64: {  	_ =	shalt  }
0x65: {  	_ =	shalt  }
0x66: {  	_ =	shalt  }
0x67: {  	_ =	shalt  }
0x68: {  	_ =	shalt  }
0x69: {  	_ =	shalt  }
0x6a: {  	_ =	shalt  }
0x6b: {  	_ =	shalt  }
0x6c: {  	_ =	shalt  }
0x6d: {  	_ =	shalt  }
0x6e: {  	_ =	shalt  }
0x6f: {  	_ =	shalt  }
0x70: {  	_ =	shalt  }
0x71: {  	_ =	shalt  }
0x72: {  	_ =	shalt  }
0x73: {  	_ =	shalt  }
0x74: {  	_ =	shalt  }
0x75: {  	_ =	shalt  }
0x76: {  	_ =	shalt  }
0x77: {  	_ =	shalt  }
0x78: {  	_ =	shalt  }
0x79: {  	_ =	shalt  }
0x7a: {  	_ =	shalt  }
0x7b: {  	_ =	shalt  }
0x7c: {  	_ =	shalt  }
0x7d: {  	_ =	shalt  }
0x7e: {  	_ =	shalt  }
0x7f: {  	_ =	shalt  }
0x80: {  	_ =	shalt  }
0x81: {  	_ =	shalt  }
0x82: {  	_ =	shalt  }
0x83: {  	_ =	shalt  }
0x84: {  	_ =	shalt  }
0x85: {  	_ =	shalt  }
0x86: {  	_ =	shalt  }
0x87: {  	_ =	shalt  }
.Lfunc_end0:
.L_simem_size_0:
called_computation_lowered:
.L_overlay_start_0:
0x88: {  	s2 =	sld [smem:$0x3FD9]  }
0x89: {  	s3 =	sld [smem:$0x3FFE];
	_ =	sdelay $0x1  }
0x8a: {  	s1 =	srdreg.scid  }
0x8b: {  	s0 =	sand.u32 $0x1, s1  }
0x8c: {  	s18 =	sshll.u32 s0, $0xA;
	s2 =	sadd.s32 s3, s2  }
0x8d: {  	s2 =	sadd.s32 s2, s18  }
0x8e: {  	[smem:$0x3FC3] =	sst s2  }
0x8f: {  	_ = 	snop  }
0x90: {  	s2 =	sld [smem:$0x3FC9]  }
0x91: {  	s19 =	sld [smem:$0x3FC8]  }
0x92: {  	s4 =	sld [smem:$0x3FC7]  }
0x93: {  	s5 =	sld [smem:$0x3FC6]  }
0x94: {  	s6 =	sld [smem:$0x3FC5]  }
0x95: {  	s7 =	sld [smem:$0x3FD0];
	(tm) =	ssettm $0x1  }
0x96: {  	s8 =	sld [smem:$0x3FFB];
	_ =	sdelay $0x3  }
0x97: {  	_ =	strace s8  }
0x98: {  	s8 =	sld [smem:$0x3FFC];
	_ =	sdelay $0x3  }
0x99: {  	_ =	strace s8  }
0x9a: {  	s8 =	sld [smem:$0x3FFD];
	_ =	sdelay $0x3  }
0x9b: {  	_ =	strace s8  }
0x9c: {  	_ =	strace $0x8FFFFFFF  }
0x9d: {  	s20 =	sld [smem:$0x3FDB];
	_ =	sdelay $0x1  }
0x9e: {  	s9 =	simm.s32 $_scs_section_size  }
0x9f: {  	s10 =	simm.s32 $_size__tile_overlayer_lowered;
	s11 =	simm.s32 $_tile_overlayer_lowered  }
0xa0: {  	s23 =	simm.s32 $0x1BFF;
	s22 =	sshll.u32 s11, $0x1;
	s8 =	sadd.s32 s9, s20  }
0xa1: {  	s12 =	simm.s32 $0x0;
	s21 =	sshll.u32 s10, $0x1;
	s10 =	sadd.s32 s22, s8  }
0xa2: {  	[timem:s12], [sflag:s23] =	dma.local [hbm:s10], s21  }
0xa3: {  	_ =	swait.ge [sflag:s23], s21  }
0xa4: {  	s9 =	ssub.s32 $0x0, s21;
	[sflag:s23] =	ssyncset.done $0x0  }
0xa5: {  	[sflag:s23] =	ssyncadd.s32 s9;
	_ =	sdelay $0x1  }
0xa6: {  	s24 =	simm.s32 $0x1B8B  }
0xa7: {  	_ =	swait.ge [sflag:s24], $0x1  }
0xa8: {  	[sflag:s24] =	ssyncset.done $0x0  }
0xa9: {  	s25 =	simm.s32 $0x1B8E;
	[sflag:s24] =	ssyncadd.s32 $0xFFFFFFFF  }
0xaa: {  	s26 =	simm.s32 $execute0_lowered;
	[smem:$0x3FD2] =	sst s25  }
0xab: {  	s9 =	sshll.u32 s26, $0x1;
	_ =	strace $0x80000046;
	[dreg:$0x1] =	wrdreg $0xFFFFFFFF  }
0xac: {  	s28 =	simm.s32 $_size_execute0_lowered;
	s8 =	sadd.s32 s8, s9;
	[dreg:$0x0] =	wrdreg $0x0  }
0xad: {  	s9 =	sshll.u32 s28, $0x1;
	[dreg:$0x2] =	wrdreg s8  }
0xae: {  	[dreg:$0x3] =	wrdreg s9  }
0xaf: {  	[dreg:$0x4] =	wrdreg $0xC0  }
0xb0: {  	_ =	task [dreg:s12], $0x5FFFF  }
0xb1: {  	[dreg:$0x1] =	wrdreg $0xFFFFFFFF  }
0xb2: {  	[dreg:$0x0] =	wrdreg $0x60  }
0xb3: {  	[dreg:$0x2] =	wrdreg s2  }
0xb4: {  	[dreg:$0x3] =	wrdreg s19  }
0xb5: {  	[dreg:$0x4] =	wrdreg s4  }
0xb6: {  	[dreg:$0x5] =	wrdreg s5  }
0xb7: {  	[dreg:$0x6] =	wrdreg s6  }
0xb8: {  	[dreg:$0x7] =	wrdreg s7  }
0xb9: {  	[dreg:$0x8] =	wrdreg $0x9  }
0xba: {  	_ =	task.clear_ibuf [dreg:s12], $0x9FFFF;
	_ =	strace $0x90000046  }
0xbb: {  	s29 =	simm.s32 $0x9;
	_ =	strace $0x80000048  }
0xbc: {  	_ =	swait.ge [sflag:s29], $0x1  }
0xbd: {  	[sflag:s29] =	ssyncadd.s32 $0xFFFFFFFF  }
0xbe: {  	_ =	strace $0x90000048  }
0xbf: {  	_ =	sfence  }
0xc0: {  	s30 =	sld [smem:$0x0];
	_ =	sdelay $0x2  }
0xc1: {  	s31 =	sshll.u32 s1, $0xD;
	s1 =	sshrl.u32 s1, $0x2  }
0xc2: {  	s3 =	sand.u32 $0x4000, s31;
	s1 =	sadd.s32 s1, s30  }
0xc3: {  	s0 =	sor.u32 s3, s0;
	s1 =	sshll.u32 s1, $0x11  }
0xc4: {  	s0 =	sor.u32 s1, s0  }
0xc5: {  	s0 =	sadd.s32 $0x8F2B, s0  }
0xc6: {  	[sflag:s0] =	ssyncadd.remote.s32 $0x1  }
0xc7: {  	_ =	sfence.sel $0xFFFF  }
0xc8: {  	[dreg:$0x0] =	wrdreg $0xFFFFFFFF;
	(pc) =	sbr.abs _section_cstart, $3  }
0xc9: {  	[dreg:$0x1] =	wrdreg $0xFFFFFFFF  }
0xca: {  	_ =	task.clear_ibuf [dreg:s12], $0x2FFFF;
	_ =	strace $0x9FFFFFFF  }
0xcb: {  	(tm) =	ssettm $0x7FFFFFFF  }
tec
execute0_lowered:
.L_overlay_start_1:
0x0: {  	(tag) =	ssettag $0x1  }
0x1: {  	v0 =	vimm.s32 $0xBA98FEDC  }
0x2: {  	v1 =	vimm.s32 $0x76543210;
	v2 =	vimm.s32 $0xFEDCBA98;
	v3 =	vimm.s32 $0x32107654  }
0x3: {  	v4 =	vimm.s32 $0xDCFE98BA;
	v5 =	vimm.s32 $0x54761032;
	v6 =	vimm.s32 $0xEFCDAB89  }
0x4: {  	v7 =	vimm.s32 $0x67452301;
	v60 =	vlaneseq.u32;
	v0 =	vunpack.c.l.s4.s8 v0  }
0x5: {  	v1 =	vunpack.c.l.s4.s8 v1;
	v3 =	vunpack.c.l.s4.s8 v3;
	v4 =	vunpack.c.l.s4.s8 v4  }
0x6: {  	s0 =	rddreg [dreg:$0x0];
	v5 =	vunpack.c.l.s4.s8 v5;
	v6 =	vunpack.c.l.s4.s8 v6;
	v7 =	vunpack.c.l.s4.s8 v7  }
0x7: {  	s1 =	rddreg [dreg:$0x1];
	v2 =	vunpack.c.l.s4.s8 v2;
	v61 =	vshrl.u32 v60, $0x3;
	v62 =	vand.u32 $0x7, v60  }
0x8: {  	s2 =	rddreg [dreg:$0x2];
	s3 =	srdreg.scid;
	s8 =	simm.s32 $0x0;
	v0 =	vunpack.c.0.s8.s32 v0;
	v4 =	vunpack.c.0.s8.s32 v4;
	v5 =	vunpack.c.0.s8.s32 v5  }
0x9: {  	s4 =	stileid.u32;
	[smem:$0x7FF] =	sst s8;
	v3 =	vunpack.c.0.s8.s32 v3;
	v58 =	vunpack.c.0.s8.s32 v6;
	v59 =	vunpack.c.0.s8.s32 v7  }
0xa: {  	s6 =	rddreg [dreg:$0x5];
	s3 =	sand.u32 $0x1, s3;
	v63 =	vor.u32 $0x8, v60;
	_ =	strace $0x80000047;
	[tilespmem:$0x1FF90] =	vst v62;
	v4 =	vcombine.low v5, v4;
	v5 =	vmul.u32 $0x8, v61  }
0xb: {  	s18 =	simm.s32 $0x3;
	s4 =	sshll.u32 s4, $0x8;
	s5 =	sshll.u32 s3, $0x7;
	[tilespmem:$0x1FFB0] =	vst v63;
	v2 =	vunpack.c.0.s8.s32 v2;
	v0 =	vcombine.low v3, v0;
	v3 =	vcombine.low v59, v58  }
0xc: {  	s17 =	simm.s32 $0x1;
	s19 =	simm.s32 $0x2;
	s7 =	sor.u32 s5, s4;
	v1 =	vunpack.c.0.s8.s32 v1;
	[tilespmem:$0x1FFA0] =	vst v5;
	v52 =	vand.u32 $0xF, v4  }
0xd: {  	s20 =	simm.s32 $0x0;
	s3 =	ssub.s32 $0x2, s3;
	s9 =	sshrl.u32 s7, $0x3;
	v2 =	vand.u32 $0xF, v2;
	v53 =	vand.u32 $0xF, v3;
	[tilespmem:$0x1FFC0] =	vst v52  }
0xe: {  	s14 =	sadd.s32 $0x100, s1;
	s31 =	sshrl.u32 s3, $0x1;
	s10 =	sadd.s32 s0, s9;
	v50 =	vcombine.low v2, v1;
	v51 =	vand.u32 $0xF, v0;
	[tilespmem:$0x1FFD0] =	vst v53  }
0xf: {  	s15 =	sadd.s32 $0x200, s1;
	s0 =	ssub.s32 s3, s31;
	s11 =	sadd.s32 $0x200, s10;
	[tilespmem:$0x1FFE0] =	vst v51  }
0x10: {  	vm0 =	vmmov $0xffff;
	s12 =	sadd.s32 $0x400, s10;
	s13 =	sadd.s32 $0x600, s10;
	s16 =	smax.u32 s0, $0x1;
	[tilespmem:$0x1FFF0] =	vst v50  }
.LBB2_1:
0x11: {  	s0 =	rddreg [dreg:$0x3];
	s3 =	simm.s32 $0x12200  }
0x12: {  	[tilespmem:s3], [sflag:$0x3] =	stream.linear.gather [hbm4b:s0+s8], $0x300, $0x38;
	[tilespmem:$0x12800] =	vst v63  }
0x13: {  	_ =	swait.ge [sflag:s18], $0x300  }
0x14: {  	[sflag:s18] =	ssyncset.done $0x0  }
0x15: {  	[sflag:s18] =	ssyncadd.s32 $0xFFFFFD00  }
0x16: {  	s29 =	simm.s32 $0x12500;
	s28 =	rddreg [dreg:$0x4]  }
0x17: {  	[tilespmem:s29], [sflag:$0x3] =	stream.linear.gather [hbm4b:s28+s8], $0x300, $0x38;
	[tilespmem:$0x12800] =	vst v63  }
0x18: {  	_ =	swait.ge [sflag:s18], $0x300  }
0x19: {  	[sflag:s18] =	ssyncset.done $0x0  }
0x1a: {  	[sflag:s18] =	ssyncadd.s32 $0xFFFFFD00  }
0x1b: {  	[tilespmem:s8], [sflag:$0x3] =	stream.linear.gather [hbm4b:s10+s8], $0x80, $0x38;
	[tilespmem:$0x12800] =	vst v63  }
0x1c: {  	_ =	swait.ge [sflag:s18], $0x80  }
0x1d: {  	[sflag:s18] =	ssyncset.done $0x0  }
0x1e: {  	s30 =	simm.s32 $0x80;
	[sflag:s18] =	ssyncadd.s32 $0xFFFFFF80  }
0x1f: {  	[tilespmem:s30], [sflag:$0x3] =	stream.linear.gather [hbm4b:s11+s8], $0x80, $0x38;
	[tilespmem:$0x12800] =	vst v63  }
0x20: {  	_ =	swait.ge [sflag:s18], $0x80  }
0x21: {  	[sflag:s18] =	ssyncset.done $0x0  }
0x22: {  	s31 =	simm.s32 $0x100;
	[sflag:s18] =	ssyncadd.s32 $0xFFFFFF80  }
0x23: {  	[tilespmem:s31], [sflag:$0x3] =	stream.linear.gather [hbm4b:s12+s8], $0x80, $0x38;
	[tilespmem:$0x12800] =	vst v63  }
0x24: {  	_ =	swait.ge [sflag:s18], $0x80  }
0x25: {  	[sflag:s18] =	ssyncset.done $0x0  }
0x26: {  	s3 =	simm.s32 $0x180;
	[sflag:s18] =	ssyncadd.s32 $0xFFFFFF80  }
0x27: {  	[tilespmem:s3], [sflag:$0x3] =	stream.linear.gather [hbm4b:s13+s8], $0x80, $0x38;
	[tilespmem:$0x12800] =	vst v63  }
0x28: {  	_ =	swait.ge [sflag:s18], $0x80  }
0x29: {  	[sflag:s18] =	ssyncset.done $0x0  }
0x2a: {  	[sflag:s18] =	ssyncadd.s32 $0xFFFFFF80  }
0x2b: {  	v0 =	vld [tilespmem:$0x0];
	_ =	sdelay $0x3  }
0x2c: {  	v2 =	vld [tilespmem:$0x1FF90]  }
0x2d: {  	v1 =	vshrl.u32 v0, $0x3  }
0x2e: {  	v3 =	vld [tilespmem:$0x1FFA0];
	v1 =	vmul.u32 $0x30, v1  }
0x2f: {  	v0 =	vand.u32 $0x7, v0  }
0x30: {  	v0 =	vor.u32 v0, v1  }
0x31: {  	v1 =	vperm.xlane v0, v2  }
0x32: {  	v4 =	vld [tilespmem:$0x1FFB0]  }
0x33: {  	v1 =	vadd.s32 v3, v1;
	_ =	sdelay $0x3  }
0x34: {  	s4 =	simm.s32 $0x200;
	v0 =	vperm.xlane v0, v4  }
0x35: {  	[tilespmem:s4], [sflag:$0x1] =	stream.indirect_vreg.gather [hbm4b:s1+s8], $0x80, v1, vm0, $0xb8;
	[tilespmem:$0x12800] =	vst v63  }
0x36: {  	s5 =	simm.s32 $0xA00;
	v0 =	vadd.s32 v3, v0  }
0x37: {  	[tilespmem:s5], [sflag:$0x1] =	stream.indirect_vreg.gather [hbm4b:s14+s8], $0x80, v1, vm0, $0xb8;
	[tilespmem:$0x12800] =	vst v63  }
0x38: {  	s21 =	simm.s32 $0x1200  }
0x39: {  	[tilespmem:s21], [sflag:$0x1] =	stream.indirect_vreg.gather [hbm4b:s15+s8], $0x80, v1, vm0, $0xb8;
	[tilespmem:$0x12800] =	vst v63  }
0x3a: {  	s22 =	simm.s32 $0x1A00  }
0x3b: {  	[tilespmem:s22], [sflag:$0x1] =	stream.indirect_vreg.gather [hbm4b:s1+s8], $0x80, v0, vm0, $0xb8;
	[tilespmem:$0x12800] =	vst v63  }
0x3c: {  	s23 =	simm.s32 $0x2200  }
0x3d: {  	[tilespmem:s23], [sflag:$0x1] =	stream.indirect_vreg.gather [hbm4b:s14+s8], $0x80, v0, vm0, $0xb8;
	[tilespmem:$0x12800] =	vst v63  }
0x3e: {  	s24 =	simm.s32 $0x2A00  }
0x3f: {  	[tilespmem:s24], [sflag:$0x1] =	stream.indirect_vreg.gather [hbm4b:s15+s8], $0x80, v0, vm0, $0xb8;
	[tilespmem:$0x12800] =	vst v63  }
0x40: {  	v0 =	vld [tilespmem:$0x10];
	_ =	sdelay $0x4  }
0x41: {  	v63 =	vshrl.u32 v0, $0x3  }
0x42: {  	v1 =	vmul.u32 $0x30, v63  }
0x43: {  	v0 =	vand.u32 $0x7, v0  }
0x44: {  	v0 =	vor.u32 v0, v1  }
0x45: {  	v1 =	vperm.xlane v0, v2;
	_ =	sdelay $0x1  }
0x46: {  	v1 =	vadd.s32 v3, v1;
	_ =	sdelay $0x3  }
0x47: {  	s25 =	simm.s32 $0x3200;
	v0 =	vperm.xlane v0, v4  }
0x48: {  	[tilespmem:s25], [sflag:$0x1] =	stream.indirect_vreg.gather [hbm4b:s1+s8], $0x80, v1, vm0, $0xb8;
	[tilespmem:$0x12800] =	vst v63  }
0x49: {  	s26 =	simm.s32 $0x3A00;
	v0 =	vadd.s32 v3, v0  }
0x4a: {  	[tilespmem:s26], [sflag:$0x1] =	stream.indirect_vreg.gather [hbm4b:s14+s8], $0x80, v1, vm0, $0xb8;
	[tilespmem:$0x12800] =	vst v63  }
0x4b: {  	s28 =	simm.s32 $0x4200  }
0x4c: {  	[tilespmem:s28], [sflag:$0x1] =	stream.indirect_vreg.gather [hbm4b:s15+s8], $0x80, v1, vm0, $0xb8;
	[tilespmem:$0x12800] =	vst v63  }
0x4d: {  	s29 =	simm.s32 $0x4A00  }
0x4e: {  	[tilespmem:s29], [sflag:$0x1] =	stream.indirect_vreg.gather [hbm4b:s1+s8], $0x80, v0, vm0, $0xb8;
	[tilespmem:$0x12800] =	vst v63  }
0x4f: {  	s30 =	simm.s32 $0x5200  }
0x50: {  	[tilespmem:s30], [sflag:$0x1] =	stream.indirect_vreg.gather [hbm4b:s14+s8], $0x80, v0, vm0, $0xb8;
	[tilespmem:$0x12800] =	vst v63  }
0x51: {  	p0 =	por $0x0, $0x0;
	s31 =	simm.s32 $0x5A00;
	s21 =	simm.s32 $0x0  }
0x52: {  	[tilespmem:s31], [sflag:$0x1] =	stream.indirect_vreg.gather [hbm4b:s15+s8], $0x80, v0, vm0, $0xb8;
	[tilespmem:$0x12800] =	vst v63  }
.LBB2_2:
0x53: {  	p1 =	seq.s32 s21, $0x0  }
.Ltmp0:
0x54: {  	_ = 	snop;
	(pc) =	sbr.rel @p1 .LBB2_5-.Ltmp0, $2  }
0x55: {  	_ =	sdelay $0x2  }
0x56: {  	s22 =	sadd.s32 $0x1, s21  }
0x57: {  	p1 =	seq.s32 s21, $0xF  }
.Ltmp1:
0x58: {  	_ = 	snop;
	(pc) =	sbr.rel @p1 .LBB2_6-.Ltmp1, $1  }
0x59: {  	_ =	sdelay $0x3  }
0x5a: {  	_ =	swait.ge [sflag:s19], $0x6000  }
0x5b: {  	[sflag:s19] =	ssyncset.done $0x0  }
0x5c: {  	[sflag:s19] =	ssyncadd.s32 $0xFFFFA000  }
.LBB2_5:
0x5d: {  	s0 =	sshll.u32 s22, $0x7;
	s3 =	sshll.u32 s22, $0x3  }
0x5e: {  	s0 =	sand.u32 $0x180, s0;
	s3 =	sand.u32 $0xE0, s3  }
0x5f: {  	s0 =	sadd.s32 s3, s0  }
0x60: {  	v0 =	vld [tilespmem:s0+$0x0];
	_ =	sdelay $0x3  }
0x61: {  	v2 =	vld [tilespmem:$0x1FF90]  }
0x62: {  	v1 =	vshrl.u32 v0, $0x3  }
0x63: {  	v3 =	vld [tilespmem:$0x1FFA0];
	v1 =	vmul.u32 $0x30, v1  }
0x64: {  	v0 =	vand.u32 $0x7, v0  }
0x65: {  	v0 =	vor.u32 v0, v1  }
0x66: {  	v1 =	vperm.xlane v0, v2  }
0x67: {  	s29 =	sshll.u32 s22, $0x2;
	v4 =	vld [tilespmem:$0x1FFB0]  }
0x68: {  	s3 =	sand.u32 $0x4, s29;
	v1 =	vadd.s32 v3, v1  }
0x69: {  	s3 =	smul.u32 $0x6000, s3;
	_ =	sdelay $0x1  }
0x6a: {  	s3 =	sshrl.u32 s3, $0x2  }
0x6b: {  	s5 =	sor.u32 $0x200, s3;
	v0 =	vperm.xlane v0, v4  }
0x6c: {  	[tilespmem:s5], [sflag:$0x1] =	stream.indirect_vreg.gather [hbm4b:s1+s8], $0x80, v1, vm0, $0xb8;
	[tilespmem:$0x12800] =	vst v63  }
0x6d: {  	s30 =	sor.u32 $0xA00, s3;
	v0 =	vadd.s32 v3, v0  }
0x6e: {  	[tilespmem:s30], [sflag:$0x1] =	stream.indirect_vreg.gather [hbm4b:s14+s8], $0x80, v1, vm0, $0xb8;
	[tilespmem:$0x12800] =	vst v63  }
0x6f: {  	s31 =	sor.u32 $0x1200, s3  }
0x70: {  	[tilespmem:s31], [sflag:$0x1] =	stream.indirect_vreg.gather [hbm4b:s15+s8], $0x80, v1, vm0, $0xb8;
	[tilespmem:$0x12800] =	vst v63  }
0x71: {  	s4 =	sor.u32 $0x1A00, s3  }
0x72: {  	[tilespmem:s4], [sflag:$0x1] =	stream.indirect_vreg.gather [hbm4b:s1+s8], $0x80, v0, vm0, $0xb8;
	[tilespmem:$0x12800] =	vst v63  }
0x73: {  	s23 =	sadd.s32 $0x2200, s3  }
0x74: {  	[tilespmem:s23], [sflag:$0x1] =	stream.indirect_vreg.gather [hbm4b:s14+s8], $0x80, v0, vm0, $0xb8;
	[tilespmem:$0x12800] =	vst v63  }
0x75: {  	s24 =	sadd.s32 $0x2A00, s3  }
0x76: {  	[tilespmem:s24], [sflag:$0x1] =	stream.indirect_vreg.gather [hbm4b:s15+s8], $0x80, v0, vm0, $0xb8;
	[tilespmem:$0x12800] =	vst v63  }
0x77: {  	v0 =	vld [tilespmem:s0+$0x10];
	_ =	sdelay $0x4  }
0x78: {  	v63 =	vshrl.u32 v0, $0x3  }
0x79: {  	v1 =	vmul.u32 $0x30, v63  }
0x7a: {  	v0 =	vand.u32 $0x7, v0  }
0x7b: {  	v0 =	vor.u32 v0, v1  }
0x7c: {  	v1 =	vperm.xlane v0, v2;
	_ =	sdelay $0x1  }
0x7d: {  	v1 =	vadd.s32 v3, v1;
	_ =	sdelay $0x3  }
0x7e: {  	s25 =	sadd.s32 $0x3200, s3;
	v0 =	vperm.xlane v0, v4  }
0x7f: {  	[tilespmem:s25], [sflag:$0x1] =	stream.indirect_vreg.gather [hbm4b:s1+s8], $0x80, v1, vm0, $0xb8;
	[tilespmem:$0x12800] =	vst v63  }
0x80: {  	s26 =	sadd.s32 $0x3A00, s3;
	v0 =	vadd.s32 v3, v0  }
0x81: {  	[tilespmem:s26], [sflag:$0x1] =	stream.indirect_vreg.gather [hbm4b:s14+s8], $0x80, v1, vm0, $0xb8;
	[tilespmem:$0x12800] =	vst v63  }
0x82: {  	s28 =	sadd.s32 $0x4200, s3  }
0x83: {  	[tilespmem:s28], [sflag:$0x1] =	stream.indirect_vreg.gather [hbm4b:s15+s8], $0x80, v1, vm0, $0xb8;
	[tilespmem:$0x12800] =	vst v63  }
0x84: {  	s29 =	sadd.s32 $0x4A00, s3  }
0x85: {  	[tilespmem:s29], [sflag:$0x1] =	stream.indirect_vreg.gather [hbm4b:s1+s8], $0x80, v0, vm0, $0xb8;
	[tilespmem:$0x12800] =	vst v63  }
0x86: {  	s30 =	sadd.s32 $0x5200, s3  }
0x87: {  	[tilespmem:s30], [sflag:$0x1] =	stream.indirect_vreg.gather [hbm4b:s14+s8], $0x80, v0, vm0, $0xb8;
	[tilespmem:$0x12800] =	vst v63  }
0x88: {  	s31 =	sadd.s32 $0x5A00, s3  }
0x89: {  	[tilespmem:s31], [sflag:$0x1] =	stream.indirect_vreg.gather [hbm4b:s15+s8], $0x80, v0, vm0, $0xb8;
	[tilespmem:$0x12800] =	vst v63  }
.LBB2_6:
0x8a: {  	s0 =	sand.u32 $0x3, s21  }
0x8b: {  	_ =	swait.ge [sflag:s17], $0x6000;
	p1 =	sne.s32 s0, $0x0  }
0x8c: {  	s25 =	simm.s32 $0x0;
	s0 =	simm.s32 $0x1;
	s3 =	sadd.s32 @!p1 s9, s21  }
0x8d: {  	[sflag:s17] =	ssyncset.done $0x0;
	s0 =	simm.s32 @!p0 $0x0;
	s3 =	smul.u32 @!p1 $0x300, s3  }
0x8e: {  	[sflag:s17] =	ssyncadd.s32 $0xFFFFA000;
	s5 =	simm.s32 @!p1 $0xC200;
	s29 =	sshll.u32 s0, $0x5  }
0x8f: {  	s26 =	sadd.s32 $0x0, s29;
	s0 =	sadd.s32 @!p1 s2, s3;
	s3 =	simm.s32 @!p1 $0x0  }
0x90: {  	[tilespmem:s5], [sflag:$0x3] =	stream.linear.gather @!p1 [hbm4b:s0+s3], $0x6000, $0x38;
	[tilespmem:$0x12800] =	vst v63  }
0x91: {  	s5 =	simm.s32 @!p1 $0x3;
	s0 =	smul.u32 $0x6000, s25;
	s3 =	sshrl.u32 s26, $0x3  }
0x92: {  	s23 =	simm.s32 $0x0;
	_ =	swait.ge @!p1 [sflag:s5], $0x6000;
	s3 =	smul.u32 $0x6000, s3  }
0x93: {  	s23 =	sand.u32 $0x380, s23;
	[sflag:s5] =	ssyncset.done @!p1 $0x0;
	s0 =	sshra.s32 s0, $0x2  }
0x94: {  	[sflag:s5] =	ssyncadd.s32 @!p1 $0xFFFFA000;
	s5 =	sor.u32 s23, s0;
	s4 =	sshra.s32 s3, $0x2  }
0x95: {  	v0 =	vld [tilespmem:s5+$0xC200];
	s26 =	sor.u32 s23, s4  }
0x96: {  	v1 =	vld [tilespmem:s26+$0x200];
	_ =	sdelay $0x4  }
0x97: {  	v40 =	vadd.f32 v0, v1;
	_ =	sdelay $0x1  }
0x98: {  	v0 =	vld [tilespmem:s26+$0x210];
	[tilespmem:s26+$0x200] =	vst v40  }
0x99: {  	v1 =	vld [tilespmem:s5+$0xC210];
	_ =	sdelay $0x4  }
0x9a: {  	v41 =	vadd.f32 v1, v0;
	_ =	sdelay $0x1  }
0x9b: {  	v0 =	vld [tilespmem:s26+$0x220];
	[tilespmem:s26+$0x210] =	vst v41  }
0x9c: {  	v1 =	vld [tilespmem:s5+$0xC220];
	_ =	sdelay $0x4  }
0x9d: {  	v38 =	vadd.f32 v1, v0;
	_ =	sdelay $0x1  }
0x9e: {  	v0 =	vld [tilespmem:s26+$0x230];
	[tilespmem:s26+$0x220] =	vst v38  }
0x9f: {  	v1 =	vld [tilespmem:s5+$0xC230];
	_ =	sdelay $0x4  }
0xa0: {  	v23 =	vadd.f32 v1, v0;
	_ =	sdelay $0x1  }
0xa1: {  	v0 =	vld [tilespmem:s26+$0x240];
	[tilespmem:s26+$0x230] =	vst v23  }
0xa2: {  	v1 =	vld [tilespmem:s5+$0xC240];
	_ =	sdelay $0x4  }
0xa3: {  	v37 =	vadd.f32 v1, v0;
	_ =	sdelay $0x1  }
0xa4: {  	v0 =	vld [tilespmem:s26+$0x250];
	[tilespmem:s26+$0x240] =	vst v37  }
0xa5: {  	v1 =	vld [tilespmem:s5+$0xC250];
	_ =	sdelay $0x4  }
0xa6: {  	v36 =	vadd.f32 v1, v0;
	_ =	sdelay $0x1  }
0xa7: {  	v0 =	vld [tilespmem:s26+$0x260];
	[tilespmem:s26+$0x250] =	vst v36  }
0xa8: {  	v1 =	vld [tilespmem:s5+$0xC260];
	_ =	sdelay $0x4  }
0xa9: {  	v34 =	vadd.f32 v1, v0;
	_ =	sdelay $0x1  }
0xaa: {  	v0 =	vld [tilespmem:s26+$0x270];
	[tilespmem:s26+$0x260] =	vst v34  }
0xab: {  	v1 =	vld [tilespmem:s5+$0xC270];
	_ =	sdelay $0x4  }
0xac: {  	v25 =	vadd.f32 v1, v0;
	_ =	sdelay $0x1  }
0xad: {  	v0 =	vld [tilespmem:s26+$0x600];
	[tilespmem:s26+$0x270] =	vst v25  }
0xae: {  	v1 =	vld [tilespmem:s5+$0xC600];
	_ =	sdelay $0x4  }
0xaf: {  	v31 =	vadd.f32 v1, v0;
	_ =	sdelay $0x1  }
0xb0: {  	v0 =	vld [tilespmem:s26+$0x610];
	[tilespmem:s26+$0x600] =	vst v31  }
0xb1: {  	v1 =	vld [tilespmem:s5+$0xC610];
	_ =	sdelay $0x4  }
0xb2: {  	v30 =	vadd.f32 v1, v0;
	_ =	sdelay $0x1  }
0xb3: {  	v0 =	vld [tilespmem:s26+$0x620];
	[tilespmem:s26+$0x610] =	vst v30  }
0xb4: {  	v1 =	vld [tilespmem:s5+$0xC620];
	_ =	sdelay $0x4  }
0xb5: {  	v29 =	vadd.f32 v1, v0;
	_ =	sdelay $0x1  }
0xb6: {  	v0 =	vld [tilespmem:s26+$0x630];
	[tilespmem:s26+$0x620] =	vst v29  }
0xb7: {  	v1 =	vld [tilespmem:s5+$0xC630];
	_ =	sdelay $0x4  }
0xb8: {  	v27 =	vadd.f32 v1, v0;
	_ =	sdelay $0x1  }
0xb9: {  	v0 =	vld [tilespmem:s26+$0x640];
	[tilespmem:s26+$0x630] =	vst v27  }
0xba: {  	v1 =	vld [tilespmem:s5+$0xC640];
	_ =	sdelay $0x4  }
0xbb: {  	v28 =	vadd.f32 v1, v0;
	_ =	sdelay $0x1  }
0xbc: {  	v0 =	vld [tilespmem:s26+$0x650];
	[tilespmem:s26+$0x640] =	vst v28  }
0xbd: {  	v1 =	vld [tilespmem:s5+$0xC650];
	_ =	sdelay $0x4  }
0xbe: {  	v26 =	vadd.f32 v1, v0;
	_ =	sdelay $0x1  }
0xbf: {  	v0 =	vld [tilespmem:s26+$0x660];
	[tilespmem:s26+$0x650] =	vst v26  }
0xc0: {  	v1 =	vld [tilespmem:s5+$0xC660];
	_ =	sdelay $0x4  }
0xc1: {  	v22 =	vadd.f32 v1, v0;
	_ =	sdelay $0x1  }
0xc2: {  	v0 =	vld [tilespmem:s26+$0x670];
	[tilespmem:s26+$0x660] =	vst v22  }
0xc3: {  	v1 =	vld [tilespmem:s5+$0xC670];
	_ =	sdelay $0x4  }
0xc4: {  	v19 =	vadd.f32 v1, v0;
	_ =	sdelay $0x1  }
0xc5: {  	v0 =	vld [tilespmem:s26+$0xA00];
	[tilespmem:s26+$0x670] =	vst v19  }
0xc6: {  	v1 =	vld [tilespmem:s5+$0xCA00];
	_ =	sdelay $0x4  }
0xc7: {  	v20 =	vadd.f32 v1, v0;
	_ =	sdelay $0x1  }
0xc8: {  	v0 =	vld [tilespmem:s26+$0xA10];
	[tilespmem:s26+$0xA00] =	vst v20  }
0xc9: {  	v1 =	vld [tilespmem:s5+$0xCA10];
	_ =	sdelay $0x4  }
0xca: {  	v15 =	vadd.f32 v1, v0;
	_ =	sdelay $0x1  }
0xcb: {  	v0 =	vld [tilespmem:s26+$0xA20];
	[tilespmem:s26+$0xA10] =	vst v15  }
0xcc: {  	v1 =	vld [tilespmem:s5+$0xCA20];
	_ =	sdelay $0x4  }
0xcd: {  	v14 =	vadd.f32 v1, v0;
	_ =	sdelay $0x1  }
0xce: {  	v0 =	vld [tilespmem:s26+$0xA30];
	[tilespmem:s26+$0xA20] =	vst v14  }
0xcf: {  	v1 =	vld [tilespmem:s5+$0xCA30];
	_ =	sdelay $0x4  }
0xd0: {  	v12 =	vadd.f32 v1, v0;
	_ =	sdelay $0x1  }
0xd1: {  	v0 =	vld [tilespmem:s26+$0xA40];
	[tilespmem:s26+$0xA30] =	vst v12  }
0xd2: {  	v1 =	vld [tilespmem:s5+$0xCA40];
	_ =	sdelay $0x4  }
0xd3: {  	v13 =	vadd.f32 v1, v0;
	_ =	sdelay $0x1  }
0xd4: {  	v0 =	vld [tilespmem:s26+$0xA50];
	[tilespmem:s26+$0xA40] =	vst v13  }
0xd5: {  	v1 =	vld [tilespmem:s5+$0xCA50];
	_ =	sdelay $0x4  }
0xd6: {  	v11 =	vadd.f32 v1, v0;
	_ =	sdelay $0x1  }
0xd7: {  	v0 =	vld [tilespmem:s26+$0xA60];
	[tilespmem:s26+$0xA50] =	vst v11  }
0xd8: {  	v1 =	vld [tilespmem:s5+$0xCA60];
	_ =	sdelay $0x4  }
0xd9: {  	v6 =	vadd.f32 v1, v0;
	_ =	sdelay $0x1  }
0xda: {  	v0 =	vld [tilespmem:s26+$0xA70];
	[tilespmem:s26+$0xA60] =	vst v6  }
0xdb: {  	v2 =	vld [tilespmem:s5+$0xCA70];
	_ =	sdelay $0x4  }
0xdc: {  	v9 =	vadd.f32 v2, v0;
	_ =	sdelay $0x1  }
0xdd: {  	v0 =	vld [tilespmem:s26+$0xE00];
	[tilespmem:s26+$0xA70] =	vst v9  }
0xde: {  	v2 =	vld [tilespmem:s5+$0xCE00];
	_ =	sdelay $0x4  }
0xdf: {  	v10 =	vadd.f32 v2, v0;
	_ =	sdelay $0x1  }
0xe0: {  	v0 =	vld [tilespmem:s26+$0xE10];
	[tilespmem:s26+$0xE00] =	vst v10  }
0xe1: {  	v2 =	vld [tilespmem:s5+$0xCE10];
	_ =	sdelay $0x4  }
0xe2: {  	v5 =	vadd.f32 v2, v0  }
0xe3: {  	v1 =	vld [tilespmem:s26+$0x1670]  }
0xe4: {  	v0 =	vld [tilespmem:s26+$0xE20];
	[tilespmem:s26+$0xE10] =	vst v5  }
0xe5: {  	v2 =	vld [tilespmem:s5+$0xCE20];
	_ =	sdelay $0x4  }
0xe6: {  	v4 =	vadd.f32 v2, v0;
	_ =	sdelay $0x1  }
0xe7: {  	v0 =	vld [tilespmem:s26+$0xE30];
	[tilespmem:s26+$0xE20] =	vst v4  }
0xe8: {  	v2 =	vld [tilespmem:s5+$0xCE30];
	_ =	sdelay $0x4  }
0xe9: {  	v3 =	vadd.f32 v2, v0;
	_ =	sdelay $0x1  }
0xea: {  	v0 =	vld [tilespmem:s26+$0xE40];
	[tilespmem:s26+$0xE30] =	vst v3  }
0xeb: {  	v2 =	vld [tilespmem:s5+$0xCE40];
	_ =	sdelay $0x4  }
0xec: {  	v2 =	vadd.f32 v2, v0;
	_ =	sdelay $0x1  }
0xed: {  	s24 =	simm.s32 $0x0;
	s25 =	sadd.s32 $0x1, s29;
	v0 =	vld [tilespmem:s26+$0xE50];
	[tilespmem:s26+$0xE40] =	vst v2  }
0xee: {  	s0 =	smul.u32 $0x6000, s24;
	s3 =	sshrl.u32 s25, $0x3;
	v7 =	vld [tilespmem:s5+$0xCE50]  }
0xef: {  	s4 =	simm.s32 $0x80;
	s3 =	smul.u32 $0x6000, s3  }
0xf0: {  	s23 =	sand.u32 $0x380, s4;
	s0 =	sshra.s32 s0, $0x2  }
0xf1: {  	s0 =	sor.u32 s23, s0;
	s3 =	sshra.s32 s3, $0x2  }
0xf2: {  	s23 =	sor.u32 s23, s3;
	v8 =	vld [tilespmem:s0+$0xC200]  }
0xf3: {  	v16 =	vld [tilespmem:s23+$0x200];
	v24 =	vadd.f32 v7, v0;
	_ =	sdelay $0x1  }
0xf4: {  	v7 =	vld [tilespmem:s26+$0xE60];
	[tilespmem:s26+$0xE50] =	vst v24  }
0xf5: {  	v17 =	vld [tilespmem:s5+$0xCE60];
	_ =	sdelay $0x1  }
0xf6: {  	v0 =	vadd.f32 v8, v16;
	_ =	sdelay $0x1  }
0xf7: {  	v8 =	vld [tilespmem:s23+$0x210];
	[tilespmem:s23+$0x200] =	vst v0  }
0xf8: {  	v16 =	vld [tilespmem:s0+$0xC210];
	v32 =	vadd.f32 v17, v7;
	_ =	sdelay $0x1  }
0xf9: {  	v17 =	vld [tilespmem:s26+$0xE70];
	[tilespmem:s26+$0xE60] =	vst v32  }
0xfa: {  	v18 =	vld [tilespmem:s5+$0xCE70];
	_ =	sdelay $0x1  }
0xfb: {  	v7 =	vadd.f32 v16, v8;
	_ =	sdelay $0x1  }
0xfc: {  	v8 =	vld [tilespmem:s23+$0x220];
	[tilespmem:s23+$0x210] =	vst v7  }
0xfd: {  	v16 =	vld [tilespmem:s0+$0xC220];
	v33 =	vadd.f32 v18, v17;
	_ =	sdelay $0x1  }
0xfe: {  	v17 =	vld [tilespmem:s26+$0x1200];
	[tilespmem:s26+$0xE70] =	vst v33  }
0xff: {  	v18 =	vld [tilespmem:s5+$0xD200];
	_ =	sdelay $0x1  }
0x100: {  	v8 =	vadd.f32 v16, v8;
	_ =	sdelay $0x1  }
0x101: {  	v16 =	vld [tilespmem:s23+$0x230];
	[tilespmem:s23+$0x220] =	vst v8  }
0x102: {  	v21 =	vld [tilespmem:s0+$0xC230];
	v35 =	vadd.f32 v18, v17;
	_ =	sdelay $0x1  }
0x103: {  	v17 =	vld [tilespmem:s26+$0x1210];
	[tilespmem:s26+$0x1200] =	vst v35  }
0x104: {  	v18 =	vld [tilespmem:s5+$0xD210];
	_ =	sdelay $0x1  }
0x105: {  	v16 =	vadd.f32 v21, v16;
	_ =	sdelay $0x1  }
0x106: {  	v21 =	vld [tilespmem:s23+$0x240];
	[tilespmem:s23+$0x230] =	vst v16  }
0x107: {  	v42 =	vld [tilespmem:s0+$0xC240];
	v39 =	vadd.f32 v18, v17;
	_ =	sdelay $0x1  }
0x108: {  	v18 =	vld [tilespmem:s26+$0x1220];
	[tilespmem:s26+$0x1210] =	vst v39  }
0x109: {  	v43 =	vld [tilespmem:s5+$0xD220];
	_ =	sdelay $0x1  }
0x10a: {  	v17 =	vadd.f32 v42, v21;
	_ =	sdelay $0x1  }
0x10b: {  	v21 =	vld [tilespmem:s23+$0x250];
	[tilespmem:s23+$0x240] =	vst v17  }
0x10c: {  	v44 =	vld [tilespmem:s0+$0xC250];
	v42 =	vadd.f32 v43, v18;
	_ =	sdelay $0x1  }
0x10d: {  	v55 =	vld [tilespmem:s26+$0x1230];
	[tilespmem:s26+$0x1220] =	vst v42  }
0x10e: {  	v45 =	vld [tilespmem:s5+$0xD230];
	_ =	sdelay $0x1  }
0x10f: {  	v18 =	vadd.f32 v44, v21;
	_ =	sdelay $0x1  }
0x110: {  	v21 =	vld [tilespmem:s23+$0x260];
	[tilespmem:s23+$0x250] =	vst v18  }
0x111: {  	v56 =	vld [tilespmem:s0+$0xC260];
	v43 =	vadd.f32 v45, v55;
	_ =	sdelay $0x1  }
0x112: {  	v57 =	vld [tilespmem:s26+$0x1240];
	[tilespmem:s26+$0x1230] =	vst v43  }
0x113: {  	v46 =	vld [tilespmem:s5+$0xD240]  }
0x114: {  	v47 =	vadd.f32 $0.0e+00, v40  }
0x115: {  	v40 =	vmul.f32 v40, v40;
	v58 =	vmul.f32 v41, v41;
	v21 =	vadd.f32 v56, v21  }
0x116: {  	v41 =	vadd.f32 v41, v47  }
0x117: {  	v59 =	vmul.f32 v38, v38;
	v48 =	vld [tilespmem:s23+$0x270];
	v44 =	vadd.f32 v58, v40;
	[tilespmem:s23+$0x260] =	vst v21  }
0x118: {  	v38 =	vadd.f32 v38, v41;
	v49 =	vld [tilespmem:s0+$0xC270];
	v40 =	vadd.f32 v46, v57  }
0x119: {  	v61 =	vmul.f32 v23, v23;
	v44 =	vadd.f32 v59, v44  }
0x11a: {  	v23 =	vadd.f32 v23, v38;
	v60 =	vld [tilespmem:s26+$0x1250];
	[tilespmem:s26+$0x1240] =	vst v40  }
0x11b: {  	v63 =	vmul.f32 v37, v37;
	v44 =	vadd.f32 v61, v44;
	v62 =	vld [tilespmem:s5+$0xD250]  }
0x11c: {  	v37 =	vadd.f32 v37, v23  }
0x11d: {  	v44 =	vadd.f32 v63, v44;
	v23 =	vadd.f32 v49, v48;
	v49 =	vmul.f32 v36, v36  }
0x11e: {  	v37 =	vadd.f32 v36, v37  }
0x11f: {  	v54 =	vld [tilespmem:s23+$0x600];
	v55 =	vmul.f32 v34, v34;
	[tilespmem:s23+$0x270] =	vst v23;
	v44 =	vadd.f32 v49, v44  }
0x120: {  	v34 =	vadd.f32 v34, v37;
	v56 =	vld [tilespmem:s0+$0xC600];
	v36 =	vadd.f32 v62, v60  }
0x121: {  	v59 =	vmul.f32 v25, v25;
	v58 =	vadd.f32 v55, v44  }
0x122: {  	v25 =	vadd.f32 v25, v34;
	v57 =	vld [tilespmem:s26+$0x1260];
	[tilespmem:s26+$0x1250] =	vst v36  }
0x123: {  	v61 =	vmul.f32 v31, v31;
	v38 =	vadd.f32 v59, v58;
	v60 =	vld [tilespmem:s5+$0xD260]  }
0x124: {  	v31 =	vadd.f32 v31, v25  }
0x125: {  	v25 =	vadd.f32 v56, v54;
	v38 =	vadd.f32 v61, v38;
	v62 =	vmul.f32 v30, v30  }
0x126: {  	v30 =	vadd.f32 v30, v31  }
0x127: {  	v63 =	vld [tilespmem:s23+$0x610];
	v48 =	vmul.f32 v29, v29;
	[tilespmem:s23+$0x600] =	vst v25;
	v31 =	vadd.f32 v62, v38  }
0x128: {  	v29 =	vadd.f32 v29, v30;
	v49 =	vld [tilespmem:s0+$0xC610];
	v37 =	vadd.f32 v60, v57  }
0x129: {  	v54 =	vmul.f32 v27, v27;
	v31 =	vadd.f32 v48, v31  }
0x12a: {  	v30 =	vld [tilespmem:s26+$0x1270];
	v27 =	vadd.f32 v27, v29;
	[tilespmem:s26+$0x1260] =	vst v37  }
0x12b: {  	v55 =	vmul.f32 v28, v28;
	v31 =	vadd.f32 v54, v31;
	v29 =	vld [tilespmem:s5+$0xD270]  }
0x12c: {  	v28 =	vadd.f32 v28, v27  }
0x12d: {  	v56 =	vmul.f32 v26, v26;
	v27 =	vadd.f32 v49, v63;
	v31 =	vadd.f32 v55, v31  }
0x12e: {  	v26 =	vadd.f32 v26, v28  }
0x12f: {  	v57 =	vld [tilespmem:s23+$0x620];
	[tilespmem:s23+$0x610] =	vst v27;
	v28 =	vadd.f32 v56, v31;
	v31 =	vmul.f32 v22, v22  }
0x130: {  	v22 =	vadd.f32 v22, v26;
	v58 =	vld [tilespmem:s0+$0xC620];
	v59 =	vadd.f32 v29, v30  }
0x131: {  	v28 =	vadd.f32 v31, v28;
	v29 =	vmul.f32 v19, v19  }
0x132: {  	v26 =	vld [tilespmem:s26+$0x1600];
	v19 =	vadd.f32 v19, v22;
	[tilespmem:s26+$0x1270] =	vst v59  }
0x133: {  	v30 =	vmul.f32 v20, v20;
	v29 =	vadd.f32 v29, v28;
	v22 =	vld [tilespmem:s5+$0xD600]  }
0x134: {  	v19 =	vadd.f32 v20, v19  }
0x135: {  	v28 =	vadd.f32 v58, v57;
	v20 =	vadd.f32 v30, v29;
	v29 =	vmul.f32 v15, v15  }
0x136: {  	v15 =	vadd.f32 v15, v19  }
0x137: {  	v30 =	vld [tilespmem:s23+$0x630];
	[tilespmem:s23+$0x620] =	vst v28;
	v19 =	vadd.f32 v29, v20;
	v20 =	vmul.f32 v14, v14  }
0x138: {  	v29 =	vld [tilespmem:s0+$0xC630];
	v14 =	vadd.f32 v14, v15;
	v22 =	vadd.f32 v22, v26  }
0x139: {  	v19 =	vadd.f32 v20, v19;
	v20 =	vmul.f32 v12, v12  }
0x13a: {  	v15 =	vld [tilespmem:s26+$0x1610];
	v12 =	vadd.f32 v12, v14;
	[tilespmem:s26+$0x1600] =	vst v22  }
0x13b: {  	v19 =	vadd.f32 v20, v19;
	v20 =	vmul.f32 v13, v13;
	v14 =	vld [tilespmem:s5+$0xD610]  }
0x13c: {  	v12 =	vadd.f32 v13, v12  }
0x13d: {  	v29 =	vadd.f32 v29, v30;
	v13 =	vadd.f32 v20, v19;
	v19 =	vmul.f32 v11, v11  }
0x13e: {  	v11 =	vadd.f32 v11, v12  }
0x13f: {  	v20 =	vld [tilespmem:s23+$0x640];
	[tilespmem:s23+$0x630] =	vst v29;
	v12 =	vadd.f32 v19, v13;
	v13 =	vmul.f32 v6, v6  }
0x140: {  	v19 =	vld [tilespmem:s0+$0xC640];
	v6 =	vadd.f32 v6, v11;
	v14 =	vadd.f32 v14, v15  }
0x141: {  	v12 =	vadd.f32 v13, v12;
	v13 =	vmul.f32 v9, v9  }
0x142: {  	v11 =	vld [tilespmem:s26+$0x1620];
	v6 =	vadd.f32 v9, v6;
	[tilespmem:s26+$0x1610] =	vst v14  }
0x143: {  	v12 =	vadd.f32 v13, v12;
	v13 =	vmul.f32 v10, v10;
	v9 =	vld [tilespmem:s5+$0xD620]  }
0x144: {  	v6 =	vadd.f32 v10, v6  }
0x145: {  	v30 =	vadd.f32 v19, v20;
	v10 =	vadd.f32 v13, v12;
	v12 =	vmul.f32 v5, v5  }
0x146: {  	v5 =	vadd.f32 v5, v6  }
0x147: {  	v13 =	vld [tilespmem:s23+$0x650];
	[tilespmem:s23+$0x640] =	vst v30;
	v6 =	vadd.f32 v12, v10;
	v10 =	vmul.f32 v4, v4  }
0x148: {  	v12 =	vld [tilespmem:s0+$0xC650];
	v4 =	vadd.f32 v4, v5;
	v5 =	vadd.f32 v9, v11  }
0x149: {  	v6 =	vadd.f32 v10, v6;
	v10 =	vmul.f32 v3, v3  }
0x14a: {  	v9 =	vld [tilespmem:s26+$0x1630];
	v3 =	vadd.f32 v3, v4;
	[tilespmem:s26+$0x1620] =	vst v5  }
0x14b: {  	v4 =	vadd.f32 v10, v6;
	v6 =	vmul.f32 v2, v2;
	v10 =	vld [tilespmem:s5+$0xD630]  }
0x14c: {  	v2 =	vadd.f32 v2, v3  }
0x14d: {  	v31 =	vadd.f32 v12, v13;
	v3 =	vadd.f32 v6, v4;
	v4 =	vmul.f32 v24, v24  }
0x14e: {  	v2 =	vadd.f32 v24, v2  }
0x14f: {  	v6 =	vld [tilespmem:s23+$0x660];
	[tilespmem:s23+$0x650] =	vst v31;
	v3 =	vadd.f32 v4, v3;
	v4 =	vmul.f32 v32, v32  }
0x150: {  	v11 =	vld [tilespmem:s0+$0xC660];
	v2 =	vadd.f32 v32, v2;
	v9 =	vadd.f32 v10, v9  }
0x151: {  	v3 =	vadd.f32 v4, v3;
	v4 =	vmul.f32 v33, v33  }
0x152: {  	v10 =	vld [tilespmem:s26+$0x1640];
	v2 =	vadd.f32 v33, v2;
	[tilespmem:s26+$0x1630] =	vst v9  }
0x153: {  	v3 =	vadd.f32 v4, v3;
	v4 =	vmul.f32 v35, v35;
	v12 =	vld [tilespmem:s5+$0xD640]  }
0x154: {  	v2 =	vadd.f32 v35, v2  }
0x155: {  	v32 =	vadd.f32 v11, v6;
	v3 =	vadd.f32 v4, v3;
	v4 =	vmul.f32 v39, v39  }
0x156: {  	v2 =	vadd.f32 v39, v2  }
0x157: {  	v6 =	vld [tilespmem:s23+$0x670];
	[tilespmem:s23+$0x660] =	vst v32;
	v3 =	vadd.f32 v4, v3;
	v4 =	vmul.f32 v42, v42  }
0x158: {  	v11 =	vld [tilespmem:s0+$0xC670];
	v2 =	vadd.f32 v42, v2;
	v10 =	vadd.f32 v12, v10  }
0x159: {  	v3 =	vadd.f32 v4, v3;
	v4 =	vmul.f32 v43, v43  }
0x15a: {  	v12 =	vld [tilespmem:s26+$0x1650];
	v2 =	vadd.f32 v43, v2;
	[tilespmem:s26+$0x1640] =	vst v10  }
0x15b: {  	v3 =	vadd.f32 v4, v3;
	v4 =	vmul.f32 v40, v40;
	v13 =	vld [tilespmem:s5+$0xD650]  }
0x15c: {  	v2 =	vadd.f32 v40, v2  }
0x15d: {  	v34 =	vadd.f32 v11, v6;
	v3 =	vadd.f32 v4, v3;
	v4 =	vmul.f32 v36, v36  }
0x15e: {  	v2 =	vadd.f32 v36, v2  }
0x15f: {  	v6 =	vld [tilespmem:s23+$0xA00];
	[tilespmem:s23+$0x670] =	vst v34;
	v3 =	vadd.f32 v4, v3;
	v4 =	vmul.f32 v37, v37  }
0x160: {  	v11 =	vld [tilespmem:s0+$0xCA00];
	v2 =	vadd.f32 v37, v2;
	v12 =	vadd.f32 v13, v12  }
0x161: {  	v3 =	vadd.f32 v4, v3;
	v4 =	vmul.f32 v59, v59  }
0x162: {  	v13 =	vld [tilespmem:s26+$0x1660];
	v2 =	vadd.f32 v59, v2;
	[tilespmem:s26+$0x1650] =	vst v12  }
0x163: {  	v3 =	vadd.f32 v4, v3;
	v4 =	vmul.f32 v22, v22;
	v15 =	vld [tilespmem:s5+$0xD660]  }
0x164: {  	v2 =	vadd.f32 v22, v2  }
0x165: {  	v35 =	vadd.f32 v11, v6;
	v3 =	vadd.f32 v4, v3;
	v4 =	vmul.f32 v14, v14  }
0x166: {  	v2 =	vadd.f32 v14, v2  }
0x167: {  	v6 =	vld [tilespmem:s23+$0xA10];
	[tilespmem:s23+$0xA00] =	vst v35;
	v3 =	vadd.f32 v4, v3;
	v4 =	vmul.f32 v5, v5  }
0x168: {  	v11 =	vld [tilespmem:s0+$0xCA10];
	v2 =	vadd.f32 v5, v2;
	v5 =	vadd.f32 v15, v13  }
0x169: {  	v3 =	vadd.f32 v4, v3;
	v4 =	vmul.f32 v9, v9  }
0x16a: {  	v2 =	vadd.f32 v9, v2;
	[tilespmem:s26+$0x1660] =	vst v5  }
0x16b: {  	v3 =	vadd.f32 v4, v3;
	v4 =	vmul.f32 v10, v10;
	v9 =	vld [tilespmem:s5+$0xD670]  }
0x16c: {  	v2 =	vadd.f32 v10, v2  }
0x16d: {  	v36 =	vadd.f32 v11, v6;
	v3 =	vadd.f32 v4, v3;
	v4 =	vmul.f32 v12, v12  }
0x16e: {  	v2 =	vadd.f32 v12, v2  }
0x16f: {  	v6 =	vld [tilespmem:s23+$0xA20];
	[tilespmem:s23+$0xA10] =	vst v36;
	v3 =	vadd.f32 v4, v3  }
0x170: {  	v10 =	vmul.f32 v5, v5;
	v4 =	vld [tilespmem:s0+$0xCA20];
	v2 =	vadd.f32 v5, v2;
	v1 =	vadd.f32 v9, v1;
	_ =	sdelay $0x1  }
0x171: {  	v3 =	vadd.f32 v10, v3;
	v2 =	vadd.f32 v1, v2;
	v5 =	vmul.f32 v1, v1;
	_ =	sdelay $0x1  }
0x172: {  	v3 =	vadd.f32 v5, v3;
	v5 =	vperm.xlane v2, v50  }
0x173: {  	v37 =	vadd.f32 v4, v6  }
0x174: {  	v2 =	vadd.f32 v5, v2;
	v5 =	vperm.xlane v3, v50  }
0x175: {  	v4 =	vld [tilespmem:s23+$0xA30];
	[tilespmem:s23+$0xA20] =	vst v37  }
0x176: {  	v6 =	vld [tilespmem:s0+$0xCA30];
	v3 =	vadd.f32 v5, v3;
	v5 =	vperm.xlane v2, v51;
	_ =	sdelay $0x1  }
0x177: {  	v2 =	vadd.f32 v5, v2;
	v5 =	vperm.xlane v3, v51;
	_ =	sdelay $0x1  }
0x178: {  	v3 =	vadd.f32 v5, v3;
	v5 =	vperm.xlane v2, v52  }
0x179: {  	v4 =	vadd.f32 v6, v4  }
0x17a: {  	v2 =	vadd.f32 v5, v2;
	v5 =	vperm.xlane v3, v52  }
0x17b: {  	v6 =	vld [tilespmem:s23+$0xA40];
	[tilespmem:s23+$0xA30] =	vst v4  }
0x17c: {  	v10 =	vld [tilespmem:s0+$0xCA40];
	v3 =	vadd.f32 v5, v3;
	v5 =	vperm.xlane v2, v53;
	_ =	sdelay $0x1  }
0x17d: {  	v2 =	vadd.f32 v5, v2;
	v5 =	vperm.xlane v3, v53;
	_ =	sdelay $0x1  }
0x17e: {  	v3 =	vadd.f32 v5, v3;
	v9 =	vmul.f32 $1.302083370e-03, v2  }
0x17f: {  	v5 =	vadd.f32 v10, v6  }
0x180: {  	v3 =	vmul.f32 $1.302083370e-03, v3;
	v6 =	vmul.f32 v9, v9  }
0x181: {  	v2 =	vld [tilespmem:s23+$0xA50];
	[tilespmem:s23+$0xA40] =	vst v5  }
0x182: {  	v10 =	vld [tilespmem:s0+$0xCA50];
	v3 =	vsub.f32 v3, v6;
	_ =	sdelay $0x1  }
0x183: {  	v3 =	vadd.f32 $9.999999960e-13, v3;
	_ =	sdelay $0x1  }
0x184: {  	v6 =	vshra.s32 v3, $0x1;
	v3 =	vmul.f32 $5.000000000e-01, v3  }
0x185: {  	v40 =	vadd.f32 v10, v2;
	v2 =	vsub.s32 $0x5F3759DF, v6  }
0x186: {  	v6 =	vmul.f32 v2, v3  }
0x187: {  	v10 =	vld [tilespmem:s23+$0xA60];
	[tilespmem:s23+$0xA50] =	vst v40  }
0x188: {  	v11 =	vld [tilespmem:s0+$0xCA60];
	v6 =	vmul.f32 v2, v6;
	_ =	sdelay $0x1  }
0x189: {  	v6 =	vsub.f32 $1.500000000e+00, v6;
	_ =	sdelay $0x1  }
0x18a: {  	v2 =	vmul.f32 v2, v6  }
0x18b: {  	v41 =	vadd.f32 v11, v10  }
0x18c: {  	v6 =	vmul.f32 v2, v3  }
0x18d: {  	v10 =	vld [tilespmem:s23+$0xA70];
	[tilespmem:s23+$0xA60] =	vst v41  }
0x18e: {  	v11 =	vld [tilespmem:s0+$0xCA70];
	v6 =	vmul.f32 v6, v2;
	_ =	sdelay $0x1  }
0x18f: {  	v6 =	vsub.f32 $1.500000000e+00, v6;
	_ =	sdelay $0x1  }
0x190: {  	v2 =	vmul.f32 v6, v2  }
0x191: {  	v42 =	vadd.f32 v11, v10  }
0x192: {  	v6 =	vld [tilespmem:s26+$0x200];
	v3 =	vmul.f32 v2, v3  }
0x193: {  	v11 =	vld [tilespmem:s23+$0xE00];
	[tilespmem:s23+$0xA70] =	vst v42  }
0x194: {  	v12 =	vld [tilespmem:s0+$0xCE00];
	v3 =	vmul.f32 v3, v2  }
0x195: {  	s24 =	sadd.s32 $0x2, s29;
	s5 =	simm.s32 $0x0  }
0x196: {  	s3 =	smul.u32 $0x6000, s5;
	s5 =	sshrl.u32 s24, $0x3;
	[tilespmem:s26+$0x1670] =	vst v1;
	v1 =	vsub.f32 $1.500000000e+00, v3  }
0x197: {  	s5 =	smul.u32 $0x6000, s5;
	v3 =	vld [tilespmem:$0x12200]  }
0x198: {  	s24 =	simm.s32 $0x100;
	v10 =	vmul.f32 v1, v2;
	v1 =	vsub.f32 v6, v9  }
0x199: {  	s24 =	sand.u32 $0x380, s24;
	s3 =	sshra.s32 s3, $0x2;
	s25 =	sshra.s32 s5, $0x2;
	v2 =	vld [tilespmem:$0x12500];
	v43 =	vadd.f32 v12, v11  }
0x19a: {  	s30 =	sor.u32 s24, s3;
	s24 =	sor.u32 s24, s25;
	v6 =	vld [tilespmem:s23+$0xE10];
	v1 =	vmul.f32 v10, v1  }
0x19b: {  	v12 =	vld [tilespmem:s24+$0x200];
	[tilespmem:s23+$0xE00] =	vst v43  }
0x19c: {  	v11 =	vld [tilespmem:s0+$0xCE10];
	v1 =	vmul.f32 v1, v3  }
0x19d: {  	v3 =	vld [tilespmem:s26+$0x210]  }
0x19e: {  	v1 =	vadd.f32 v1, v2;
	v2 =	vld [tilespmem:s30+$0xC200];
	_ =	sdelay $0x1  }
0x19f: {  	v33 =	vld [tilespmem:s23+$0x1670];
	[tilespmem:s26+$0x200] =	vst v1  }
0x1a0: {  	v1 =	vld [tilespmem:$0x12210]  }
0x1a1: {  	v44 =	vadd.f32 v11, v6;
	v11 =	vld [tilespmem:s23+$0xE20];
	v3 =	vsub.f32 v3, v9  }
0x1a2: {  	v6 =	vld [tilespmem:$0x12510];
	v13 =	vadd.f32 v2, v12  }
0x1a3: {  	[tilespmem:s23+$0xE10] =	vst v44;
	v3 =	vmul.f32 v10, v3;
	v2 =	vld [tilespmem:s24+$0x210]  }
0x1a4: {  	v12 =	vld [tilespmem:s0+$0xCE20];
	[tilespmem:$0x1FE00] =	vst v13  }
0x1a5: {  	v1 =	vmul.f32 v3, v1;
	[tilespmem:s24+$0x200] =	vst v13;
	v3 =	vld [tilespmem:s26+$0x220]  }
0x1a6: {  	v13 =	vld [tilespmem:s30+$0xC210]  }
0x1a7: {  	v1 =	vadd.f32 v1, v6;
	_ =	sdelay $0x1  }
0x1a8: {  	v6 =	vld [tilespmem:s24+$0x220];
	[tilespmem:s26+$0x210] =	vst v1  }
0x1a9: {  	v26 =	vadd.f32 v12, v11;
	v1 =	vld [tilespmem:$0x12220]  }
0x1aa: {  	v11 =	vld [tilespmem:s23+$0xE30];
	v3 =	vsub.f32 v3, v9;
	v38 =	vadd.f32 v13, v2  }
0x1ab: {  	[tilespmem:s23+$0xE20] =	vst v26;
	v2 =	vld [tilespmem:$0x12520]  }
0x1ac: {  	v12 =	vld [tilespmem:s0+$0xCE30];
	v3 =	vmul.f32 v10, v3;
	[tilespmem:s24+$0x210] =	vst v38  }
0x1ad: {  	v13 =	vld [tilespmem:s30+$0xC220]  }
0x1ae: {  	v1 =	vmul.f32 v3, v1  }
0x1af: {  	v3 =	vld [tilespmem:s26+$0x230]  }
0x1b0: {  	v1 =	vadd.f32 v1, v2  }
0x1b1: {  	v45 =	vadd.f32 v12, v11;
	v11 =	vld [tilespmem:s23+$0xE40]  }
0x1b2: {  	v2 =	vld [tilespmem:s24+$0x230];
	[tilespmem:s26+$0x220] =	vst v1;
	v39 =	vadd.f32 v13, v6  }
0x1b3: {  	v1 =	vld [tilespmem:$0x12230]  }
0x1b4: {  	v3 =	vsub.f32 v3, v9;
	v12 =	vld [tilespmem:$0x12530];
	[tilespmem:s24+$0x220] =	vst v39  }
0x1b5: {  	[tilespmem:s23+$0xE30] =	vst v45;
	v13 =	vld [tilespmem:s30+$0xC230]  }
0x1b6: {  	v6 =	vld [tilespmem:s0+$0xCE40];
	v3 =	vmul.f32 v10, v3;
	_ =	sdelay $0x1  }
0x1b7: {  	v1 =	vmul.f32 v3, v1;
	_ =	sdelay $0x1  }
0x1b8: {  	v1 =	vadd.f32 v1, v12;
	v12 =	vadd.f32 v13, v2  }
0x1b9: {  	v60 =	vadd.f32 v6, v11;
	v6 =	vld [tilespmem:s23+$0xE50]  }
0x1ba: {  	v3 =	vld [tilespmem:s26+$0x240];
	[tilespmem:$0x1FE90] =	vst v12  }
0x1bb: {  	v2 =	vld [tilespmem:s24+$0x240];
	[tilespmem:s23+$0xE40] =	vst v60  }
0x1bc: {  	[tilespmem:s24+$0x230] =	vst v12;
	v11 =	vld [tilespmem:s0+$0xCE50]  }
0x1bd: {  	v12 =	vld [tilespmem:s30+$0xC240];
	_ =	sdelay $0x2  }
0x1be: {  	[tilespmem:s26+$0x230] =	vst v1  }
0x1bf: {  	v3 =	vsub.f32 v3, v9;
	v1 =	vld [tilespmem:$0x12240]  }
0x1c0: {  	v14 =	vld [tilespmem:s24+$0x250];
	v22 =	vadd.f32 v11, v6;
	v11 =	vadd.f32 v12, v2  }
0x1c1: {  	v13 =	vld [tilespmem:$0x12540]  }
0x1c2: {  	v3 =	vmul.f32 v10, v3;
	v6 =	vld [tilespmem:s23+$0xE60];
	[tilespmem:$0x1FE80] =	vst v11  }
0x1c3: {  	v2 =	vld [tilespmem:s26+$0x250];
	[tilespmem:s24+$0x240] =	vst v11  }
0x1c4: {  	v1 =	vmul.f32 v3, v1;
	[tilespmem:s23+$0xE50] =	vst v22;
	v11 =	vld [tilespmem:s30+$0xC250]  }
0x1c5: {  	v3 =	vld [tilespmem:s0+$0xCE60]  }
0x1c6: {  	v1 =	vadd.f32 v1, v13;
	_ =	sdelay $0x1  }
0x1c7: {  	[tilespmem:s26+$0x240] =	vst v1  }
0x1c8: {  	v1 =	vld [tilespmem:$0x12250];
	v13 =	vadd.f32 v11, v14  }
0x1c9: {  	v2 =	vsub.f32 v2, v9;
	v61 =	vadd.f32 v3, v6;
	v3 =	vld [tilespmem:$0x12550]  }
0x1ca: {  	v6 =	vld [tilespmem:s23+$0xE70];
	[tilespmem:$0x1FE70] =	vst v13  }
0x1cb: {  	v2 =	vmul.f32 v2, v10;
	v11 =	vld [tilespmem:s24+$0x260];
	[tilespmem:s24+$0x250] =	vst v13  }
0x1cc: {  	[tilespmem:s23+$0xE60] =	vst v61;
	v13 =	vld [tilespmem:s30+$0xC260]  }
0x1cd: {  	v1 =	vmul.f32 v2, v1;
	v12 =	vld [tilespmem:s0+$0xCE70];
	_ =	sdelay $0x1  }
0x1ce: {  	v2 =	vld [tilespmem:s26+$0x260];
	v1 =	vadd.f32 v1, v3;
	_ =	sdelay $0x1  }
0x1cf: {  	v3 =	vld [tilespmem:s24+$0x270];
	[tilespmem:s26+$0x250] =	vst v1;
	v13 =	vadd.f32 v13, v11  }
0x1d0: {  	v1 =	vld [tilespmem:$0x12260];
	v20 =	vadd.f32 v12, v6  }
0x1d1: {  	v6 =	vld [tilespmem:s23+$0x1200];
	[tilespmem:$0x1FE60] =	vst v13  }
0x1d2: {  	v2 =	vsub.f32 v2, v9;
	[tilespmem:s23+$0xE70] =	vst v20;
	v11 =	vld [tilespmem:$0x12560]  }
0x1d3: {  	[tilespmem:s24+$0x260] =	vst v13;
	v12 =	vld [tilespmem:s0+$0xD200]  }
0x1d4: {  	v2 =	vmul.f32 v2, v10;
	v13 =	vld [tilespmem:s30+$0xC270];
	_ =	sdelay $0x1  }
0x1d5: {  	v1 =	vmul.f32 v2, v1;
	_ =	sdelay $0x1  }
0x1d6: {  	v1 =	vadd.f32 v1, v11  }
0x1d7: {  	v2 =	vld [tilespmem:s26+$0x270];
	v19 =	vadd.f32 v12, v6;
	v12 =	vadd.f32 v13, v3  }
0x1d8: {  	v11 =	vld [tilespmem:s24+$0x600];
	[tilespmem:s26+$0x260] =	vst v1  }
0x1d9: {  	v6 =	vld [tilespmem:s23+$0x1210];
	[tilespmem:$0x1FE50] =	vst v12  }
0x1da: {  	v1 =	vld [tilespmem:$0x12270];
	[tilespmem:s24+$0x270] =	vst v12  }
0x1db: {  	[tilespmem:s23+$0x1200] =	vst v19;
	v13 =	vld [tilespmem:s30+$0xC600]  }
0x1dc: {  	v2 =	vsub.f32 v2, v9;
	v3 =	vld [tilespmem:s0+$0xD210]  }
0x1dd: {  	v12 =	vld [tilespmem:$0x12570]  }
0x1de: {  	v2 =	vmul.f32 v2, v10;
	_ =	sdelay $0x1  }
0x1df: {  	v1 =	vmul.f32 v2, v1;
	v2 =	vld [tilespmem:s26+$0x600];
	v54 =	vadd.f32 v13, v11  }
0x1e0: {  	v62 =	vadd.f32 v3, v6;
	v3 =	vld [tilespmem:s23+$0x1220]  }
0x1e1: {  	v6 =	vld [tilespmem:s24+$0x610];
	v1 =	vadd.f32 v1, v12;
	[tilespmem:s24+$0x600] =	vst v54  }
0x1e2: {  	[tilespmem:s23+$0x1210] =	vst v62;
	v12 =	vld [tilespmem:s30+$0xC610]  }
0x1e3: {  	v11 =	vld [tilespmem:s0+$0xD220];
	[tilespmem:s26+$0x270] =	vst v1  }
0x1e4: {  	v1 =	vld [tilespmem:$0x12280]  }
0x1e5: {  	v2 =	vsub.f32 v2, v9  }
0x1e6: {  	v13 =	vld [tilespmem:$0x12580]  }
0x1e7: {  	v14 =	vld [tilespmem:s24+$0x620];
	v2 =	vmul.f32 v2, v10;
	v55 =	vadd.f32 v12, v6  }
0x1e8: {  	v3 =	vadd.f32 v11, v3;
	v11 =	vld [tilespmem:s23+$0x1230]  }
0x1e9: {  	v1 =	vmul.f32 v2, v1;
	v2 =	vld [tilespmem:s26+$0x610];
	[tilespmem:s24+$0x610] =	vst v55  }
0x1ea: {  	[tilespmem:s23+$0x1220] =	vst v3;
	v12 =	vld [tilespmem:s30+$0xC620]  }
0x1eb: {  	v6 =	vld [tilespmem:s0+$0xD230];
	v1 =	vadd.f32 v1, v13;
	_ =	sdelay $0x1  }
0x1ec: {  	[tilespmem:s26+$0x600] =	vst v1  }
0x1ed: {  	v1 =	vld [tilespmem:$0x12290]  }
0x1ee: {  	v2 =	vsub.f32 v2, v9;
	v14 =	vadd.f32 v12, v14  }
0x1ef: {  	v63 =	vadd.f32 v6, v11;
	v6 =	vld [tilespmem:$0x12590]  }
0x1f0: {  	v11 =	vld [tilespmem:s23+$0x1240];
	v2 =	vmul.f32 v2, v10;
	[tilespmem:$0x1FF20] =	vst v14  }
0x1f1: {  	v12 =	vld [tilespmem:s24+$0x630];
	[tilespmem:s23+$0x1230] =	vst v63  }
0x1f2: {  	v1 =	vmul.f32 v2, v1;
	v2 =	vadd.f32 $0.0e+00, v0;
	v13 =	vld [tilespmem:s0+$0xD240]  }
0x1f3: {  	v24 =	vmul.f32 v7, v7;
	[tilespmem:s24+$0x620] =	vst v14;
	v14 =	vld [tilespmem:s26+$0x620];
	v0 =	vmul.f32 v0, v0  }
0x1f4: {  	v15 =	vld [tilespmem:s30+$0xC630];
	v1 =	vadd.f32 v1, v6;
	v2 =	vadd.f32 v7, v2  }
0x1f5: {  	v7 =	vadd.f32 v24, v0;
	v24 =	vmul.f32 v8, v8  }
0x1f6: {  	[tilespmem:s26+$0x610] =	vst v1;
	v1 =	vadd.f32 v8, v2  }
0x1f7: {  	v7 =	vadd.f32 v24, v7;
	v2 =	vld [tilespmem:$0x122A0];
	v0 =	vadd.f32 v13, v11;
	v11 =	vmul.f32 v16, v16  }
0x1f8: {  	v8 =	vld [tilespmem:s23+$0x1250];
	v13 =	vsub.f32 v14, v9;
	v1 =	vadd.f32 v16, v1  }
0x1f9: {  	v56 =	vadd.f32 v15, v12;
	v12 =	vld [tilespmem:$0x125A0];
	[tilespmem:s23+$0x1240] =	vst v0;
	v7 =	vadd.f32 v11, v7;
	v11 =	vmul.f32 v17, v17  }
0x1fa: {  	v13 =	vmul.f32 v13, v10;
	v1 =	vadd.f32 v17, v1;
	v14 =	vld [tilespmem:s0+$0xD250]  }
0x1fb: {  	v6 =	vld [tilespmem:s24+$0x640];
	[tilespmem:s24+$0x630] =	vst v56;
	v7 =	vadd.f32 v11, v7;
	v11 =	vmul.f32 v18, v18  }
0x1fc: {  	v15 =	vld [tilespmem:s30+$0xC640];
	v2 =	vmul.f32 v13, v2;
	v1 =	vadd.f32 v18, v1  }
0x1fd: {  	v13 =	vld [tilespmem:s26+$0x630];
	v7 =	vadd.f32 v11, v7;
	v11 =	vmul.f32 v21, v21  }
0x1fe: {  	v12 =	vadd.f32 v2, v12;
	v1 =	vadd.f32 v21, v1  }
0x1ff: {  	v16 =	vld [tilespmem:s24+$0x650];
	v2 =	vadd.f32 v14, v8;
	v7 =	vadd.f32 v11, v7;
	v11 =	vmul.f32 v23, v23  }
0x200: {  	v8 =	vld [tilespmem:s23+$0x1260];
	[tilespmem:s26+$0x620] =	vst v12;
	v1 =	vadd.f32 v23, v1  }
0x201: {  	v57 =	vadd.f32 v15, v6;
	v6 =	vld [tilespmem:$0x122B0];
	[tilespmem:s23+$0x1250] =	vst v2;
	v7 =	vadd.f32 v11, v7;
	v11 =	vmul.f32 v25, v25  }
0x202: {  	v13 =	vsub.f32 v13, v9;
	v1 =	vadd.f32 v25, v1;
	v12 =	vld [tilespmem:s0+$0xD260]  }
0x203: {  	v14 =	vld [tilespmem:$0x125B0];
	[tilespmem:s24+$0x640] =	vst v57;
	v7 =	vadd.f32 v11, v7;
	v11 =	vmul.f32 v27, v27  }
0x204: {  	v15 =	vld [tilespmem:s30+$0xC650];
	v13 =	vmul.f32 v13, v10;
	v1 =	vadd.f32 v27, v1  }
0x205: {  	v17 =	vmul.f32 v28, v28;
	v11 =	vadd.f32 v11, v7  }
0x206: {  	v6 =	vmul.f32 v13, v6;
	v1 =	vadd.f32 v28, v1  }
0x207: {  	v7 =	vadd.f32 v12, v8;
	v8 =	vld [tilespmem:s26+$0x640];
	v11 =	vadd.f32 v17, v11  }
0x208: {  	v13 =	vmul.f32 v29, v29;
	v12 =	vld [tilespmem:s23+$0x1270];
	v14 =	vadd.f32 v6, v14;
	v1 =	vadd.f32 v29, v1  }
0x209: {  	v28 =	vadd.f32 v15, v16;
	v15 =	vld [tilespmem:s24+$0x660];
	[tilespmem:s23+$0x1260] =	vst v7  }
0x20a: {  	v11 =	vadd.f32 v13, v11;
	v13 =	vmul.f32 v30, v30;
	[tilespmem:s26+$0x630] =	vst v14;
	v1 =	vadd.f32 v30, v1;
	v16 =	vld [tilespmem:s0+$0xD270]  }
0x20b: {  	[tilespmem:s24+$0x650] =	vst v28;
	v14 =	vld [tilespmem:$0x122C0]  }
0x20c: {  	v17 =	vld [tilespmem:s30+$0xC660];
	v11 =	vadd.f32 v13, v11;
	v13 =	vmul.f32 v31, v31;
	v1 =	vadd.f32 v31, v1  }
0x20d: {  	v8 =	vsub.f32 v8, v9  }
0x20e: {  	v18 =	vld [tilespmem:$0x125C0];
	v11 =	vadd.f32 v13, v11;
	v13 =	vmul.f32 v32, v32;
	v1 =	vadd.f32 v32, v1  }
0x20f: {  	v23 =	vmul.f32 v8, v10;
	v8 =	vadd.f32 v16, v12  }
0x210: {  	v12 =	vld [tilespmem:s23+$0x1600];
	v11 =	vadd.f32 v13, v11;
	v13 =	vmul.f32 v34, v34;
	v1 =	vadd.f32 v34, v1  }
0x211: {  	v6 =	vmov v39;
	v39 =	vadd.f32 v17, v15;
	v15 =	vld [tilespmem:s26+$0x650];
	v14 =	vmul.f32 v23, v14;
	[tilespmem:s23+$0x1270] =	vst v8  }
0x212: {  	v11 =	vadd.f32 v13, v11;
	v13 =	vmul.f32 v35, v35;
	v1 =	vadd.f32 v35, v1;
	v16 =	vld [tilespmem:s0+$0xD600]  }
0x213: {  	v24 =	vld [tilespmem:s24+$0x670];
	[tilespmem:s24+$0x660] =	vst v39;
	v14 =	vadd.f32 v14, v18  }
0x214: {  	v17 =	vld [tilespmem:s30+$0xC670];
	v11 =	vadd.f32 v13, v11;
	v13 =	vmul.f32 v36, v36;
	v1 =	vadd.f32 v36, v1  }
0x215: {  	[tilespmem:s26+$0x640] =	vst v14  }
0x216: {  	v14 =	vld [tilespmem:$0x122D0];
	v11 =	vadd.f32 v13, v11;
	v13 =	vmul.f32 v37, v37;
	v1 =	vadd.f32 v37, v1  }
0x217: {  	v18 =	vsub.f32 v15, v9;
	v15 =	vadd.f32 v16, v12;
	v12 =	vld [tilespmem:$0x125D0]  }
0x218: {  	v16 =	vld [tilespmem:s23+$0x1610];
	v11 =	vadd.f32 v13, v11;
	v13 =	vmul.f32 v4, v4;
	v1 =	vadd.f32 v4, v1  }
0x219: {  	v21 =	vmov v38;
	v18 =	vmul.f32 v18, v10;
	v38 =	vadd.f32 v17, v24;
	v17 =	vld [tilespmem:s24+$0xA00]  }
0x21a: {  	[tilespmem:s23+$0x1600] =	vst v15;
	v11 =	vadd.f32 v13, v11;
	v13 =	vmul.f32 v5, v5;
	v1 =	vadd.f32 v5, v1;
	v5 =	vld [tilespmem:s26+$0x660]  }
0x21b: {  	[tilespmem:s24+$0x670] =	vst v38;
	v4 =	vld [tilespmem:s0+$0xD610];
	v14 =	vmul.f32 v18, v14  }
0x21c: {  	v18 =	vld [tilespmem:s30+$0xCA00]  }
0x21d: {  	v11 =	vadd.f32 v13, v11;
	v13 =	vmul.f32 v40, v40;
	v12 =	vadd.f32 v14, v12  }
0x21e: {  	v1 =	vadd.f32 v40, v1  }
0x21f: {  	v14 =	vld [tilespmem:s24+$0xA10];
	v11 =	vadd.f32 v13, v11;
	[tilespmem:s26+$0x650] =	vst v12  }
0x220: {  	v13 =	vmul.f32 v41, v41;
	v1 =	vadd.f32 v41, v1;
	v4 =	vadd.f32 v4, v16;
	v12 =	vld [tilespmem:$0x122E0]  }
0x221: {  	v5 =	vsub.f32 v5, v9;
	v16 =	vld [tilespmem:s23+$0x1620];
	v24 =	vadd.f32 v18, v17  }
0x222: {  	v11 =	vadd.f32 v13, v11;
	v13 =	vmul.f32 v42, v42;
	v17 =	vld [tilespmem:$0x125E0];
	[tilespmem:s23+$0x1610] =	vst v4  }
0x223: {  	v1 =	vadd.f32 v42, v1;
	v5 =	vmul.f32 v5, v10;
	[tilespmem:s24+$0xA00] =	vst v24;
	v18 =	vld [tilespmem:s0+$0xD620]  }
0x224: {  	v11 =	vadd.f32 v13, v11;
	v13 =	vmul.f32 v43, v43;
	v23 =	vld [tilespmem:s30+$0xCA10]  }
0x225: {  	v1 =	vadd.f32 v43, v1;
	v5 =	vmul.f32 v5, v12  }
0x226: {  	v11 =	vadd.f32 v13, v11;
	v13 =	vmul.f32 v44, v44;
	v12 =	vld [tilespmem:s26+$0x670]  }
0x227: {  	v1 =	vadd.f32 v44, v1;
	v5 =	vadd.f32 v5, v17  }
0x228: {  	v11 =	vadd.f32 v13, v11;
	v13 =	vmul.f32 v26, v26;
	v17 =	vld [tilespmem:s24+$0xA20];
	v16 =	vadd.f32 v18, v16  }
0x229: {  	v1 =	vadd.f32 v26, v1;
	v18 =	vld [tilespmem:s23+$0x1630];
	v23 =	vadd.f32 v23, v14;
	[tilespmem:s26+$0x660] =	vst v5  }
0x22a: {  	v11 =	vadd.f32 v13, v11;
	v13 =	vmul.f32 v45, v45;
	[tilespmem:s23+$0x1620] =	vst v16;
	v5 =	vld [tilespmem:$0x122F0]  }
0x22b: {  	v1 =	vadd.f32 v45, v1;
	v12 =	vsub.f32 v12, v9;
	v14 =	vld [tilespmem:s0+$0xD630];
	[tilespmem:$0x1FE10] =	vst v23  }
0x22c: {  	v11 =	vadd.f32 v13, v11;
	v13 =	vmul.f32 v60, v60;
	[tilespmem:s24+$0xA10] =	vst v23;
	v23 =	vld [tilespmem:$0x125F0]  }
0x22d: {  	v46 =	vmov v24;
	v1 =	vadd.f32 v60, v1;
	v12 =	vmul.f32 v12, v10;
	v24 =	vld [tilespmem:s30+$0xCA20]  }
0x22e: {  	v11 =	vadd.f32 v13, v11;
	v13 =	vmul.f32 v22, v22  }
0x22f: {  	v1 =	vadd.f32 v22, v1;
	v5 =	vmul.f32 v12, v5  }
0x230: {  	v11 =	vadd.f32 v13, v11;
	v13 =	vmul.f32 v61, v61;
	v12 =	vadd.f32 v14, v18  }
0x231: {  	v1 =	vadd.f32 v61, v1;
	v14 =	vld [tilespmem:s26+$0xA00];
	v5 =	vadd.f32 v5, v23  }
0x232: {  	v18 =	vld [tilespmem:s23+$0x1640];
	v11 =	vadd.f32 v13, v11;
	v13 =	vmul.f32 v20, v20;
	v22 =	vadd.f32 v24, v17;
	[tilespmem:s23+$0x1630] =	vst v12  }
0x233: {  	v1 =	vadd.f32 v20, v1;
	v17 =	vld [tilespmem:s24+$0xA30];
	[tilespmem:s26+$0x670] =	vst v5  }
0x234: {  	v11 =	vadd.f32 v13, v11;
	v13 =	vmul.f32 v19, v19;
	v20 =	vld [tilespmem:s0+$0xD640];
	[tilespmem:$0x1FE20] =	vst v22  }
0x235: {  	v1 =	vadd.f32 v19, v1;
	[tilespmem:s24+$0xA20] =	vst v22;
	v5 =	vld [tilespmem:$0x12300]  }
0x236: {  	v11 =	vadd.f32 v13, v11;
	v13 =	vmul.f32 v62, v62;
	v19 =	vld [tilespmem:s30+$0xCA30]  }
0x237: {  	v1 =	vadd.f32 v62, v1;
	v14 =	vsub.f32 v14, v9  }
0x238: {  	v11 =	vadd.f32 v13, v11;
	v13 =	vmul.f32 v3, v3  }
0x239: {  	v22 =	vld [tilespmem:$0x12600];
	v1 =	vadd.f32 v3, v1;
	v14 =	vmul.f32 v14, v10  }
0x23a: {  	v3 =	vadd.f32 v20, v18;
	v11 =	vadd.f32 v13, v11  }
0x23b: {  	v23 =	vld [tilespmem:s24+$0xA40];
	v13 =	vmul.f32 v63, v63;
	v5 =	vmul.f32 v14, v5;
	v14 =	vadd.f32 v19, v17  }
0x23c: {  	v18 =	vld [tilespmem:s23+$0x1650];
	v1 =	vadd.f32 v63, v1  }
0x23d: {  	[tilespmem:s23+$0x1640] =	vst v3;
	v11 =	vadd.f32 v13, v11;
	v13 =	vmul.f32 v0, v0;
	v49 =	vmov v14;
	v14 =	vld [tilespmem:s26+$0xA10]  }
0x23e: {  	v0 =	vadd.f32 v0, v1;
	v17 =	vld [tilespmem:s0+$0xD650];
	v5 =	vadd.f32 v5, v22;
	[tilespmem:s24+$0xA30] =	vst v49  }
0x23f: {  	v11 =	vadd.f32 v13, v11;
	v13 =	vmul.f32 v2, v2;
	v1 =	vld [tilespmem:s30+$0xCA40]  }
0x240: {  	v0 =	vadd.f32 v2, v0;
	[tilespmem:s26+$0xA00] =	vst v5  }
0x241: {  	v5 =	vadd.f32 v13, v11;
	v11 =	vmul.f32 v7, v7;
	v2 =	vld [tilespmem:$0x12310]  }
0x242: {  	v0 =	vadd.f32 v7, v0;
	v13 =	vsub.f32 v14, v9  }
0x243: {  	v7 =	vld [tilespmem:$0x12610];
	v5 =	vadd.f32 v11, v5;
	v14 =	vadd.f32 v17, v18  }
0x244: {  	v11 =	vmul.f32 v8, v8;
	v17 =	vld [tilespmem:s23+$0x1660];
	v13 =	vmul.f32 v13, v10;
	v18 =	vadd.f32 v1, v23  }
0x245: {  	v0 =	vadd.f32 v8, v0;
	v1 =	vld [tilespmem:s24+$0xA50];
	[tilespmem:s23+$0x1650] =	vst v14  }
0x246: {  	v5 =	vadd.f32 v11, v5;
	v11 =	vld [tilespmem:s0+$0xD660];
	v2 =	vmul.f32 v13, v2;
	[tilespmem:$0x1FE30] =	vst v18  }
0x247: {  	v8 =	vmul.f32 v15, v15;
	v0 =	vadd.f32 v15, v0;
	[tilespmem:s24+$0xA40] =	vst v18;
	v13 =	vld [tilespmem:s26+$0xA20]  }
0x248: {  	v15 =	vld [tilespmem:s30+$0xCA50];
	v2 =	vadd.f32 v2, v7  }
0x249: {  	v5 =	vadd.f32 v8, v5;
	v0 =	vadd.f32 v4, v0;
	v7 =	vmul.f32 v4, v4  }
0x24a: {  	[tilespmem:s26+$0xA10] =	vst v2  }
0x24b: {  	v0 =	vadd.f32 v16, v0;
	v4 =	vmul.f32 v16, v16;
	v2 =	vadd.f32 v7, v5;
	v5 =	vld [tilespmem:$0x12320]  }
0x24c: {  	v7 =	vadd.f32 v11, v17;
	v8 =	vsub.f32 v13, v9  }
0x24d: {  	v2 =	vadd.f32 v4, v2;
	v4 =	vmul.f32 v12, v12;
	v32 =	vadd.f32 v15, v1;
	v1 =	vld [tilespmem:$0x12620]  }
0x24e: {  	v0 =	vadd.f32 v12, v0;
	[tilespmem:s23+$0x1660] =	vst v7;
	v8 =	vmul.f32 v8, v10  }
0x24f: {  	v11 =	vld [tilespmem:s0+$0xD670];
	v2 =	vadd.f32 v4, v2;
	v4 =	vmul.f32 v3, v3  }
0x250: {  	v0 =	vadd.f32 v3, v0;
	v3 =	vld [tilespmem:s24+$0xA60];
	v5 =	vmul.f32 v8, v5  }
0x251: {  	[tilespmem:s24+$0xA50] =	vst v32;
	v2 =	vadd.f32 v4, v2;
	v4 =	vmul.f32 v14, v14;
	v8 =	vld [tilespmem:s26+$0xA30]  }
0x252: {  	v0 =	vadd.f32 v14, v0;
	v12 =	vld [tilespmem:s30+$0xCA60];
	v1 =	vadd.f32 v5, v1  }
0x253: {  	v2 =	vadd.f32 v4, v2;
	v4 =	vmul.f32 v7, v7  }
0x254: {  	v5 =	vadd.f32 v7, v0;
	v0 =	vadd.f32 v11, v33;
	[tilespmem:s26+$0xA20] =	vst v1  }
0x255: {  	v1 =	vadd.f32 v4, v2;
	v2 =	vld [tilespmem:$0x12330]  }
0x256: {  	v4 =	vadd.f32 v0, v5;
	v5 =	vmul.f32 v0, v0;
	v7 =	vsub.f32 v8, v9  }
0x257: {  	v35 =	vadd.f32 v12, v3;
	v3 =	vld [tilespmem:$0x12630]  }
0x258: {  	v1 =	vadd.f32 v5, v1;
	v5 =	vperm.xlane v4, v50;
	v7 =	vmul.f32 v7, v10  }
0x259: {  	s3 =	simm.s32 $0x0  }
0x25a: {  	s0 =	smul.u32 $0x6000, s3;
	v8 =	vld [tilespmem:s24+$0xA70];
	v4 =	vadd.f32 v5, v4;
	v5 =	vperm.xlane v1, v50;
	v2 =	vmul.f32 v7, v2  }
0x25b: {  	s5 =	simm.s32 $0x180;
	[tilespmem:s24+$0xA60] =	vst v35;
	v7 =	vld [tilespmem:s26+$0xA40]  }
0x25c: {  	s4 =	sand.u32 $0x380, s5;
	s25 =	sadd.s32 $0x3, s29;
	s0 =	sshra.s32 s0, $0x2;
	v11 =	vld [tilespmem:s30+$0xCA70];
	v1 =	vadd.f32 v5, v1;
	v5 =	vperm.xlane v4, v51;
	v2 =	vadd.f32 v2, v3  }
0x25d: {  	s31 =	sor.u32 s4, s0;
	s0 =	sshrl.u32 s25, $0x3  }
0x25e: {  	s0 =	smul.u32 $0x6000, s0;
	v4 =	vadd.f32 v5, v4;
	v5 =	vperm.xlane v1, v51;
	[tilespmem:s26+$0xA30] =	vst v2  }
0x25f: {  	v2 =	vld [tilespmem:$0x12340]  }
0x260: {  	s0 =	sshra.s32 s0, $0x2;
	v3 =	vld [tilespmem:s31+$0xC200];
	v1 =	vadd.f32 v5, v1;
	v5 =	vperm.xlane v4, v52;
	v7 =	vsub.f32 v7, v9  }
0x261: {  	s25 =	sor.u32 s4, s0;
	v37 =	vadd.f32 v11, v8;
	v8 =	vld [tilespmem:$0x12640]  }
0x262: {  	v11 =	vld [tilespmem:s25+$0x200];
	v4 =	vadd.f32 v5, v4;
	v5 =	vperm.xlane v1, v52;
	v7 =	vmul.f32 v7, v10;
	_ =	sdelay $0x1  }
0x263: {  	v12 =	vld [tilespmem:s24+$0xE00];
	[tilespmem:s24+$0xA70] =	vst v37;
	v1 =	vadd.f32 v5, v1;
	v5 =	vperm.xlane v4, v53;
	v2 =	vmul.f32 v7, v2  }
0x264: {  	v13 =	vld [tilespmem:s30+$0xCE00]  }
0x265: {  	v14 =	vld [tilespmem:s26+$0xA50];
	v4 =	vadd.f32 v5, v4;
	v5 =	vperm.xlane v1, v53;
	v2 =	vadd.f32 v2, v8  }
0x266: {  	v44 =	vld [tilespmem:s24+$0x1670];
	v8 =	vadd.f32 v3, v11  }
0x267: {  	v3 =	vld [tilespmem:s24+$0xE10];
	v1 =	vadd.f32 v5, v1;
	v7 =	vmul.f32 $1.302083370e-03, v4;
	[tilespmem:s26+$0xA40] =	vst v2  }
0x268: {  	v4 =	vld [tilespmem:s25+$0x210];
	[tilespmem:$0x1FE40] =	vst v8  }
0x269: {  	v45 =	vadd.f32 v13, v12;
	v1 =	vmul.f32 $1.302083370e-03, v1;
	v5 =	vmul.f32 v7, v7;
	[tilespmem:s25+$0x200] =	vst v8;
	v2 =	vld [tilespmem:$0x12350]  }
0x26a: {  	v11 =	vsub.f32 v14, v9;
	v8 =	vld [tilespmem:s31+$0xC210]  }
0x26b: {  	[tilespmem:s24+$0xE00] =	vst v45;
	v12 =	vld [tilespmem:$0x12650];
	v1 =	vsub.f32 v1, v5  }
0x26c: {  	v11 =	vmul.f32 v11, v10;
	v5 =	vld [tilespmem:s30+$0xCE10]  }
0x26d: {  	v1 =	vadd.f32 $9.999999960e-13, v1  }
0x26e: {  	v2 =	vmul.f32 v11, v2  }
0x26f: {  	v30 =	vmovc v55;
	v55 =	vadd.f32 v8, v4;
	v4 =	vld [tilespmem:s26+$0xA60];
	v8 =	vshra.s32 v1, $0x1;
	v1 =	vmul.f32 $5.000000000e-01, v1  }
0x270: {  	v11 =	vld [tilespmem:s25+$0x220];
	v2 =	vadd.f32 v2, v12;
	v8 =	vsub.s32 $0x5F3759DF, v8  }
0x271: {  	v53 =	vadd.f32 v5, v3;
	v12 =	vld [tilespmem:s24+$0xE20];
	[tilespmem:s25+$0x210] =	vst v55;
	v3 =	vmul.f32 v8, v1  }
0x272: {  	v5 =	vld [tilespmem:s31+$0xC220];
	[tilespmem:s26+$0xA50] =	vst v2  }
0x273: {  	[tilespmem:s24+$0xE10] =	vst v53;
	v2 =	vld [tilespmem:$0x12360];
	v3 =	vmul.f32 v8, v3  }
0x274: {  	v13 =	vld [tilespmem:s30+$0xCE20];
	v4 =	vsub.f32 v4, v9  }
0x275: {  	v14 =	vld [tilespmem:$0x12660];
	v3 =	vsub.f32 $1.500000000e+00, v3  }
0x276: {  	v4 =	vmul.f32 v4, v10  }
0x277: {  	v3 =	vmul.f32 v8, v3  }
0x278: {  	v48 =	vmov v57;
	v57 =	vadd.f32 v5, v11;
	v5 =	vld [tilespmem:s25+$0x230];
	v2 =	vmul.f32 v4, v2  }
0x279: {  	v47 =	vmov v56;
	v56 =	vadd.f32 v13, v12;
	v4 =	vld [tilespmem:s26+$0xA70];
	v8 =	vmul.f32 v3, v1  }
0x27a: {  	v11 =	vld [tilespmem:s24+$0xE30];
	[tilespmem:s25+$0x220] =	vst v57;
	v2 =	vadd.f32 v2, v14  }
0x27b: {  	[tilespmem:s24+$0xE20] =	vst v56;
	v12 =	vld [tilespmem:s31+$0xC230];
	v8 =	vmul.f32 v8, v3  }
0x27c: {  	v13 =	vld [tilespmem:s30+$0xCE30];
	[tilespmem:s26+$0xA60] =	vst v2  }
0x27d: {  	v2 =	vld [tilespmem:$0x12370];
	v8 =	vsub.f32 $1.500000000e+00, v8  }
0x27e: {  	v4 =	vsub.f32 v4, v9  }
0x27f: {  	v14 =	vld [tilespmem:$0x12670];
	v3 =	vmul.f32 v8, v3  }
0x280: {  	v15 =	vld [tilespmem:s24+$0xE40];
	v4 =	vmul.f32 v4, v10  }
0x281: {  	v59 =	vadd.f32 v12, v5;
	v5 =	vld [tilespmem:s25+$0x240];
	v1 =	vmul.f32 v3, v1  }
0x282: {  	v58 =	vadd.f32 v13, v11;
	v2 =	vmul.f32 v4, v2;
	v4 =	vld [tilespmem:s23+$0x200]  }
0x283: {  	v11 =	vld [tilespmem:s26+$0xE00];
	[tilespmem:s25+$0x230] =	vst v59;
	v1 =	vmul.f32 v1, v3  }
0x284: {  	[tilespmem:s24+$0xE30] =	vst v58;
	v12 =	vld [tilespmem:s31+$0xC240];
	v2 =	vadd.f32 v2, v14  }
0x285: {  	[tilespmem:s23+$0x1670] =	vst v0;
	v0 =	vld [tilespmem:s30+$0xCE40];
	v1 =	vsub.f32 $1.500000000e+00, v1  }
0x286: {  	[tilespmem:s26+$0xA70] =	vst v2;
	v2 =	vld [tilespmem:$0x12200]  }
0x287: {  	v8 =	vmul.f32 v1, v3;
	v1 =	vsub.f32 v4, v7;
	v3 =	vld [tilespmem:$0x12380]  }
0x288: {  	v11 =	vsub.f32 v11, v9;
	v4 =	vld [tilespmem:$0x12500]  }
0x289: {  	v14 =	vld [tilespmem:s24+$0xE50];
	v1 =	vmul.f32 v8, v1  }
0x28a: {  	v11 =	vmul.f32 v11, v10;
	v13 =	vld [tilespmem:$0x12680]  }
0x28b: {  	v62 =	vadd.f32 v12, v5;
	v5 =	vld [tilespmem:s25+$0x250];
	v60 =	vadd.f32 v0, v15;
	v1 =	vmul.f32 v1, v2  }
0x28c: {  	v0 =	vld [tilespmem:s23+$0x210]  }
0x28d: {  	[tilespmem:s24+$0xE40] =	vst v60;
	v2 =	vmul.f32 v11, v3;
	v3 =	vld [tilespmem:s26+$0xE10];
	v1 =	vadd.f32 v1, v4  }
0x28e: {  	[tilespmem:s25+$0x240] =	vst v62;
	v11 =	vld [tilespmem:s30+$0xCE50]  }
0x28f: {  	v4 =	vld [tilespmem:s31+$0xC250];
	v2 =	vadd.f32 v2, v13;
	[tilespmem:s23+$0x200] =	vst v1  }
0x290: {  	v1 =	vld [tilespmem:$0x12210]  }
0x291: {  	v0 =	vsub.f32 v0, v7;
	[tilespmem:s26+$0xE00] =	vst v2;
	v12 =	vld [tilespmem:$0x12510]  }
0x292: {  	v2 =	vld [tilespmem:$0x12390]  }
0x293: {  	v15 =	vld [tilespmem:s24+$0xE60];
	v0 =	vmul.f32 v8, v0;
	v3 =	vsub.f32 v3, v9  }
0x294: {  	v13 =	vld [tilespmem:$0x12690];
	v61 =	vadd.f32 v11, v14  }
0x295: {  	v16 =	vadd.f32 v4, v5;
	v4 =	vld [tilespmem:s25+$0x260];
	v3 =	vmul.f32 v3, v10;
	v0 =	vmul.f32 v0, v1  }
0x296: {  	[tilespmem:s24+$0xE50] =	vst v61;
	v1 =	vld [tilespmem:s23+$0x220]  }
0x297: {  	v11 =	vld [tilespmem:s30+$0xCE60];
	v2 =	vmul.f32 v3, v2;
	v0 =	vadd.f32 v0, v12  }
0x298: {  	[tilespmem:s25+$0x250] =	vst v16;
	v3 =	vld [tilespmem:s26+$0xE20]  }
0x299: {  	v5 =	vld [tilespmem:s31+$0xC260];
	v2 =	vadd.f32 v2, v13;
	[tilespmem:s23+$0x210] =	vst v0  }
0x29a: {  	v0 =	vld [tilespmem:$0x12220]  }
0x29b: {  	[tilespmem:s26+$0xE10] =	vst v2;
	v1 =	vsub.f32 v1, v7;
	v12 =	vld [tilespmem:$0x12520]  }
0x29c: {  	v2 =	vld [tilespmem:$0x123A0]  }
0x29d: {  	v19 =	vld [tilespmem:s24+$0xE70];
	v3 =	vsub.f32 v3, v9;
	v1 =	vmul.f32 v8, v1  }
0x29e: {  	v17 =	vadd.f32 v5, v4;
	v13 =	vld [tilespmem:$0x126A0]  }
0x29f: {  	v4 =	vld [tilespmem:s25+$0x270];
	v3 =	vmul.f32 v3, v10;
	v0 =	vmul.f32 v1, v0  }
0x2a0: {  	v63 =	vadd.f32 v11, v15;
	[tilespmem:s25+$0x260] =	vst v17;
	v1 =	vld [tilespmem:s23+$0x230]  }
0x2a1: {  	v5 =	vld [tilespmem:s31+$0xC270];
	v2 =	vmul.f32 v3, v2;
	v0 =	vadd.f32 v0, v12  }
0x2a2: {  	[tilespmem:s24+$0xE60] =	vst v63;
	v3 =	vld [tilespmem:s26+$0xE30]  }
0x2a3: {  	v11 =	vld [tilespmem:s30+$0xCE70];
	v2 =	vadd.f32 v2, v13;
	[tilespmem:s23+$0x220] =	vst v0  }
0x2a4: {  	v0 =	vld [tilespmem:$0x12230]  }
0x2a5: {  	[tilespmem:s26+$0xE20] =	vst v2;
	v1 =	vsub.f32 v1, v7;
	v12 =	vld [tilespmem:$0x12530]  }
0x2a6: {  	v2 =	vld [tilespmem:$0x123B0]  }
0x2a7: {  	v14 =	vld [tilespmem:s25+$0x600];
	v18 =	vadd.f32 v5, v4;
	v3 =	vsub.f32 v3, v9;
	v13 =	vmul.f32 v8, v1  }
0x2a8: {  	v15 =	vld [tilespmem:$0x126B0]  }
0x2a9: {  	v5 =	vld [tilespmem:s23+$0x240];
	[tilespmem:s25+$0x270] =	vst v18;
	v3 =	vmul.f32 v3, v10;
	v4 =	vmul.f32 v13, v0  }
0x2aa: {  	v23 =	vld [tilespmem:s31+$0xC600];
	v0 =	vadd.f32 v11, v19  }
0x2ab: {  	v1 =	vld [tilespmem:s24+$0x1200];
	v2 =	vmul.f32 v3, v2;
	v3 =	vadd.f32 v4, v12  }
0x2ac: {  	v4 =	vld [tilespmem:s26+$0xE40];
	[tilespmem:s24+$0xE70] =	vst v0  }
0x2ad: {  	v2 =	vadd.f32 v2, v15;
	v13 =	vld [tilespmem:s30+$0xD200];
	[tilespmem:s23+$0x230] =	vst v3  }
0x2ae: {  	v33 =	vld [tilespmem:$0x12240]  }
0x2af: {  	[tilespmem:s26+$0xE30] =	vst v2;
	v25 =	vld [tilespmem:$0x12540]  }
0x2b0: {  	v12 =	vld [tilespmem:$0x123C0]  }
0x2b1: {  	v11 =	vld [tilespmem:$0x126C0];
	[tilespmem:$0x1FEA0] =	vst v6  }
0x2b2: {  	[tilespmem:$0x1FF10] =	vst v30  }
0x2b3: {  	[tilespmem:$0x1FF40] =	vst v47  }
0x2b4: {  	v2 =	vsub.f32 v5, v7;
	v5 =	vld [tilespmem:$0x1FE90];
	[tilespmem:$0x1FF50] =	vst v48  }
0x2b5: {  	v40 =	vld [tilespmem:$0x1FE80];
	[tilespmem:$0x1FF60] =	vst v28  }
0x2b6: {  	v41 =	vld [tilespmem:$0x1FE70];
	[tilespmem:$0x1FF70] =	vst v39  }
0x2b7: {  	v42 =	vld [tilespmem:$0x1FE60];
	[tilespmem:$0x1FF80] =	vst v38;
	v24 =	vsub.f32 v4, v9;
	v4 =	vmov v54  }
0x2b8: {  	v43 =	vld [tilespmem:$0x1FE50];
	[tilespmem:$0x1FF00] =	vst v4  }
0x2b9: {  	v27 =	vmul.f32 v8, v2;
	v2 =	vld [tilespmem:$0x1FF20];
	[tilespmem:$0x1FEB0] =	vst v5  }
0x2ba: {  	[tilespmem:$0x1FEC0] =	vst v40  }
0x2bb: {  	[tilespmem:$0x1FED0] =	vst v41  }
0x2bc: {  	[tilespmem:$0x1FEE0] =	vst v42  }
0x2bd: {  	s4 =	sshll.u32 s21, $0x5;
	[tilespmem:$0x1FEF0] =	vst v43  }
0x2be: {  	v36 =	vmovc v46;
	s0 =	simm.s32 $0x4;
	s28 =	sand.u32 $0x20, s4;
	v52 =	vmov v6;
	v54 =	vmov v21;
	v29 =	vmov v2;
	[tilespmem:$0x1FF30] =	vst v2  }
.LBB2_7:
0x2bf: {  	[tilespmem:$0x1FDE0] =	vst v44;
	v31 =	vmov v39;
	v3 =	vmov v43;
	v43 =	vmov v18  }
0x2c0: {  	v39 =	vmovc v42;
	v42 =	vmovc v17;
	v15 =	vmov v40;
	v17 =	vld [tilespmem:s24+$0x1210];
	v44 =	vadd.f32 v23, v14;
	v18 =	vmul.f32 v24, v10  }
0x2c1: {  	v40 =	vmovc v62;
	v62 =	vmovc v5;
	v5 =	vmov v59;
	v14 =	vld [tilespmem:s25+$0x610];
	v59 =	vmov v21;
	v21 =	vmul.f32 v27, v33  }
0x2c2: {  	v2 =	vmovc v41;
	v41 =	vmov v16;
	v16 =	vadd.f32 v13, v1;
	v1 =	vld [tilespmem:s23+$0x250];
	[tilespmem:s25+$0x600] =	vst v44;
	v12 =	vmul.f32 v18, v12  }
0x2c3: {  	v18 =	vld [tilespmem:s26+$0xE50];
	v13 =	vadd.f32 v21, v25  }
0x2c4: {  	v21 =	vld [tilespmem:s31+$0xC610];
	[tilespmem:s24+$0x1200] =	vst v16;
	v11 =	vadd.f32 v12, v11  }
0x2c5: {  	v12 =	vld [tilespmem:s30+$0xD210];
	[tilespmem:s23+$0x240] =	vst v13  }
0x2c6: {  	v13 =	vld [tilespmem:$0x12250];
	[tilespmem:s26+$0xE40] =	vst v11  }
0x2c7: {  	v1 =	vsub.f32 v1, v7;
	v11 =	vld [tilespmem:$0x123D0]  }
0x2c8: {  	v18 =	vsub.f32 v18, v9;
	v23 =	vld [tilespmem:$0x12550]  }
0x2c9: {  	v1 =	vmul.f32 v1, v8;
	v24 =	vld [tilespmem:$0x126D0]  }
0x2ca: {  	v20 =	vmov v30;
	v25 =	vld [tilespmem:s24+$0x1220];
	v18 =	vmul.f32 v18, v10;
	v30 =	vadd.f32 v21, v14  }
0x2cb: {  	v14 =	vld [tilespmem:s25+$0x620];
	v1 =	vmul.f32 v1, v13  }
0x2cc: {  	v17 =	vadd.f32 v12, v17;
	v12 =	vld [tilespmem:s23+$0x260];
	[tilespmem:s25+$0x610] =	vst v30;
	v11 =	vmul.f32 v18, v11  }
0x2cd: {  	v13 =	vld [tilespmem:s26+$0xE60];
	v1 =	vadd.f32 v1, v23  }
0x2ce: {  	v18 =	vld [tilespmem:s31+$0xC620];
	[tilespmem:s24+$0x1210] =	vst v17;
	v11 =	vadd.f32 v11, v24  }
0x2cf: {  	v21 =	vld [tilespmem:s30+$0xD220];
	[tilespmem:s23+$0x250] =	vst v1  }
0x2d0: {  	v1 =	vld [tilespmem:$0x12260];
	[tilespmem:s26+$0xE50] =	vst v11  }
0x2d1: {  	v11 =	vsub.f32 v12, v7;
	v12 =	vld [tilespmem:$0x123E0]  }
0x2d2: {  	v13 =	vsub.f32 v13, v9;
	v23 =	vld [tilespmem:$0x12560]  }
0x2d3: {  	v24 =	vld [tilespmem:$0x126E0];
	v11 =	vmul.f32 v11, v8  }
0x2d4: {  	v50 =	vmovc v49;
	v49 =	vmov v46;
	v27 =	vld [tilespmem:s24+$0x1230];
	v46 =	vadd.f32 v18, v14;
	v13 =	vmul.f32 v13, v10  }
0x2d5: {  	v14 =	vld [tilespmem:s25+$0x630];
	v1 =	vmul.f32 v11, v1  }
0x2d6: {  	v18 =	vadd.f32 v21, v25;
	[tilespmem:s25+$0x620] =	vst v46;
	v11 =	vld [tilespmem:s23+$0x270];
	v12 =	vmul.f32 v13, v12  }
0x2d7: {  	v13 =	vld [tilespmem:s26+$0xE70];
	v1 =	vadd.f32 v1, v23  }
0x2d8: {  	v21 =	vld [tilespmem:s31+$0xC630];
	[tilespmem:s24+$0x1220] =	vst v18;
	v12 =	vadd.f32 v12, v24  }
0x2d9: {  	v23 =	vld [tilespmem:s30+$0xD230];
	[tilespmem:s23+$0x260] =	vst v1  }
0x2da: {  	v1 =	vld [tilespmem:$0x12270];
	[tilespmem:s26+$0xE60] =	vst v12  }
0x2db: {  	v11 =	vsub.f32 v11, v7;
	v12 =	vld [tilespmem:$0x123F0]  }
0x2dc: {  	v24 =	vld [tilespmem:$0x12570];
	v13 =	vsub.f32 v13, v9  }
0x2dd: {  	v25 =	vld [tilespmem:$0x126F0];
	v11 =	vmul.f32 v11, v8  }
0x2de: {  	v34 =	vmovc v38;
	v38 =	vmov v47;
	v47 =	vadd.f32 v21, v14;
	v33 =	vld [tilespmem:s24+$0x1240];
	v13 =	vmul.f32 v13, v10  }
0x2df: {  	v14 =	vld [tilespmem:s25+$0x640];
	v1 =	vmul.f32 v11, v1  }
0x2e0: {  	v51 =	vadd.f32 v23, v27;
	v11 =	vld [tilespmem:s23+$0x600];
	[tilespmem:s25+$0x630] =	vst v47;
	v12 =	vmul.f32 v13, v12  }
0x2e1: {  	v13 =	vld [tilespmem:s26+$0x1200];
	v1 =	vadd.f32 v1, v24  }
0x2e2: {  	v21 =	vld [tilespmem:s31+$0xC640];
	[tilespmem:s24+$0x1230] =	vst v51;
	v12 =	vadd.f32 v12, v25  }
0x2e3: {  	v23 =	vld [tilespmem:s30+$0xD240];
	[tilespmem:s23+$0x270] =	vst v1  }
0x2e4: {  	v1 =	vld [tilespmem:$0x12280];
	[tilespmem:s26+$0xE70] =	vst v12  }
0x2e5: {  	v12 =	vld [tilespmem:$0x12400]  }
0x2e6: {  	v11 =	vsub.f32 v11, v7;
	v24 =	vld [tilespmem:$0x12580]  }
0x2e7: {  	v25 =	vld [tilespmem:$0x12700]  }
0x2e8: {  	v13 =	vsub.f32 v13, v9;
	v27 =	vld [tilespmem:s24+$0x1250];
	v11 =	vmul.f32 v11, v8  }
0x2e9: {  	v26 =	vmov v48;
	v48 =	vadd.f32 v21, v14;
	v14 =	vld [tilespmem:s25+$0x650]  }
0x2ea: {  	v21 =	vld [tilespmem:$0x1FE00];
	v13 =	vmul.f32 v13, v10;
	v1 =	vmul.f32 v11, v1  }
0x2eb: {  	v19 =	vmov v4;
	v4 =	vadd.f32 v23, v33;
	v11 =	vld [tilespmem:s23+$0x610];
	[tilespmem:s25+$0x640] =	vst v48  }
0x2ec: {  	v12 =	vmul.f32 v13, v12;
	v13 =	vld [tilespmem:s26+$0x1210];
	v1 =	vadd.f32 v1, v24  }
0x2ed: {  	v23 =	vld [tilespmem:s31+$0xC650];
	[tilespmem:s24+$0x1240] =	vst v4  }
0x2ee: {  	v24 =	vld [tilespmem:s30+$0xD250];
	[tilespmem:s23+$0x600] =	vst v1  }
0x2ef: {  	v12 =	vadd.f32 v12, v25;
	v25 =	vld [tilespmem:$0x12290]  }
0x2f0: {  	v11 =	vsub.f32 v11, v7;
	_ =	sdelay $0x1  }
0x2f1: {  	v6 =	vld [tilespmem:$0x1FEA0];
	v11 =	vmul.f32 v11, v8;
	_ =	sdelay $0x1  }
0x2f2: {  	v1 =	vadd.f32 $0.0e+00, v21;
	v11 =	vmul.f32 v11, v25;
	v25 =	vld [tilespmem:$0x1FEB0]  }
0x2f3: {  	v33 =	vmul.f32 v59, v54;
	[tilespmem:s26+$0x1200] =	vst v12;
	v12 =	vmul.f32 v21, v21  }
0x2f4: {  	v22 =	vmov v29;
	v29 =	vld [tilespmem:$0x1FE40];
	v1 =	vadd.f32 v54, v1  }
0x2f5: {  	v12 =	vadd.f32 v33, v12;
	v33 =	vmul.f32 v6, v52  }
0x2f6: {  	[tilespmem:$0x1FEA0] =	vst v57;
	v1 =	vadd.f32 v52, v1  }
0x2f7: {  	v52 =	vmovc v57;
	v57 =	vadd.f32 v23, v14;
	v12 =	vadd.f32 v33, v12;
	v23 =	vmul.f32 v62, v25  }
0x2f8: {  	v59 =	vld [tilespmem:$0x12410]  }
0x2f9: {  	v21 =	vmov v29;
	v12 =	vadd.f32 v23, v12;
	v23 =	vld [tilespmem:$0x1FEC0]  }
0x2fa: {  	[tilespmem:$0x1FE00] =	vst v21;
	v21 =	vld [tilespmem:$0x12590]  }
0x2fb: {  	v13 =	vsub.f32 v13, v9;
	v29 =	vld [tilespmem:$0x12710]  }
0x2fc: {  	v6 =	vld [tilespmem:s24+$0x1260]  }
0x2fd: {  	[tilespmem:$0x1FDF0] =	vst v55;
	v54 =	vmov v55;
	v55 =	vadd.f32 v24, v27;
	v24 =	vld [tilespmem:s23+$0x620];
	v13 =	vmul.f32 v13, v10  }
0x2fe: {  	v14 =	vld [tilespmem:s25+$0x660];
	[tilespmem:s25+$0x650] =	vst v57;
	v15 =	vmul.f32 v15, v23  }
0x2ff: {  	v13 =	vmul.f32 v13, v59;
	v27 =	vadd.f32 v11, v21;
	v21 =	vld [tilespmem:s26+$0x1220];
	v11 =	vmov v40  }
0x300: {  	v1 =	vadd.f32 v25, v1;
	v25 =	vmov v5;
	[tilespmem:$0x1FEC0] =	vst v11;
	v11 =	vadd.f32 v15, v12;
	v15 =	vld [tilespmem:$0x1FED0]  }
0x301: {  	v13 =	vadd.f32 v13, v29;
	v29 =	vld [tilespmem:$0x1FEE0];
	[tilespmem:$0x1FEB0] =	vst v25  }
0x302: {  	v25 =	vld [tilespmem:s31+$0xC660];
	[tilespmem:s24+$0x1250] =	vst v55  }
0x303: {  	v1 =	vadd.f32 v23, v1;
	v23 =	vld [tilespmem:s30+$0xD260];
	[tilespmem:s23+$0x610] =	vst v27  }
0x304: {  	v21 =	vsub.f32 v21, v9;
	v12 =	vld [tilespmem:$0x122A0];
	[tilespmem:s26+$0x1210] =	vst v13  }
0x305: {  	v13 =	vsub.f32 v24, v7;
	v2 =	vmul.f32 v2, v15;
	v1 =	vadd.f32 v15, v1;
	v15 =	vld [tilespmem:$0x12420];
	_ =	sdelay $0x1  }
0x306: {  	v21 =	vmul.f32 v21, v10;
	v13 =	vmul.f32 v13, v8  }
0x307: {  	v2 =	vadd.f32 v2, v11;
	v11 =	vmul.f32 v39, v29;
	v39 =	vadd.f32 v25, v14;
	v25 =	vld [tilespmem:$0x1FEF0];
	_ =	sdelay $0x1  }
0x308: {  	v12 =	vmul.f32 v13, v12;
	v13 =	vmul.f32 v21, v15;
	v21 =	vld [tilespmem:$0x1FF00]  }
0x309: {  	v1 =	vadd.f32 v29, v1;
	_ =	sdelay $0x1  }
0x30a: {  	v2 =	vadd.f32 v11, v2;
	v3 =	vmul.f32 v3, v25;
	v1 =	vadd.f32 v25, v1;
	_ =	sdelay $0x1  }
0x30b: {  	v2 =	vadd.f32 v3, v2;
	v3 =	vmul.f32 v19, v21;
	v1 =	vadd.f32 v21, v1;
	v21 =	vmovc v44  }
0x30c: {  	[tilespmem:$0x1FF00] =	vst v21;
	v21 =	vld [tilespmem:$0x1FF10];
	_ =	sdelay $0x2  }
0x30d: {  	v24 =	vmov v41  }
0x30e: {  	[tilespmem:$0x1FED0] =	vst v24;
	v24 =	vld [tilespmem:$0x125A0]  }
0x30f: {  	v2 =	vadd.f32 v3, v2;
	v3 =	vmul.f32 v20, v21;
	v1 =	vadd.f32 v21, v1;
	v21 =	vld [tilespmem:$0x1FF30]  }
0x310: {  	v27 =	vld [tilespmem:$0x12720]  }
0x311: {  	v62 =	vadd.f32 v23, v6;
	v6 =	vld [tilespmem:s23+$0x630]  }
0x312: {  	v14 =	vld [tilespmem:s25+$0x670]  }
0x313: {  	v11 =	vld [tilespmem:s24+$0x1270];
	[tilespmem:s25+$0x660] =	vst v39  }
0x314: {  	v19 =	vld [tilespmem:s31+$0xC670];
	v2 =	vadd.f32 v3, v2;
	v3 =	vmul.f32 v22, v21;
	v22 =	vmov v46  }
0x315: {  	v15 =	vmov v43;
	[tilespmem:$0x1FF30] =	vst v22;
	v22 =	vld [tilespmem:$0x1FF40]  }
0x316: {  	v12 =	vadd.f32 v12, v24;
	[tilespmem:$0x1FEF0] =	vst v15  }
0x317: {  	v15 =	vld [tilespmem:s26+$0x1230];
	[tilespmem:s24+$0x1260] =	vst v62  }
0x318: {  	v23 =	vadd.f32 v13, v27;
	v20 =	vld [tilespmem:s30+$0xD270];
	[tilespmem:s23+$0x620] =	vst v12  }
0x319: {  	v13 =	vmov v30;
	v12 =	vld [tilespmem:$0x122B0]  }
0x31a: {  	[tilespmem:s26+$0x1220] =	vst v23;
	v2 =	vadd.f32 v3, v2;
	v3 =	vmul.f32 v38, v22;
	v38 =	vadd.f32 v19, v14;
	v19 =	vld [tilespmem:$0x1FF50]  }
0x31b: {  	v6 =	vsub.f32 v6, v7;
	[tilespmem:$0x1FF10] =	vst v13;
	v13 =	vld [tilespmem:$0x12430];
	v1 =	vadd.f32 v21, v1  }
0x31c: {  	v23 =	vld [tilespmem:$0x12730]  }
0x31d: {  	v6 =	vmul.f32 v6, v8;
	v15 =	vsub.f32 v15, v9;
	v24 =	vld [tilespmem:s24+$0x1600];
	v1 =	vadd.f32 v22, v1  }
0x31e: {  	v21 =	vld [tilespmem:$0x125B0];
	v2 =	vadd.f32 v3, v2  }
0x31f: {  	v22 =	vmovc v47;
	v3 =	vmul.f32 v6, v12;
	v6 =	vmul.f32 v26, v19;
	v1 =	vadd.f32 v19, v1;
	v19 =	vld [tilespmem:$0x1FF60]  }
0x320: {  	v25 =	vmul.f32 v15, v10;
	v14 =	vld [tilespmem:s25+$0xA00];
	[tilespmem:$0x1FF40] =	vst v22  }
0x321: {  	v15 =	vmov v48;
	v22 =	vadd.f32 v20, v11;
	v11 =	vld [tilespmem:s23+$0x640];
	[tilespmem:s25+$0x670] =	vst v38  }
0x322: {  	[tilespmem:$0x1FF50] =	vst v15;
	v12 =	vmul.f32 v25, v13;
	v13 =	vld [tilespmem:s26+$0x1240]  }
0x323: {  	v15 =	vld [tilespmem:s31+$0xCA00];
	[tilespmem:s24+$0x1270] =	vst v22;
	v20 =	vadd.f32 v3, v21  }
0x324: {  	v2 =	vadd.f32 v6, v2;
	v6 =	vmul.f32 v28, v19;
	v1 =	vadd.f32 v19, v1;
	v19 =	vld [tilespmem:s30+$0xD600]  }
0x325: {  	[tilespmem:s23+$0x630] =	vst v20;
	v20 =	vld [tilespmem:$0x1FF70];
	_ =	sdelay $0x2  }
0x326: {  	v12 =	vadd.f32 v12, v23;
	v3 =	vmov v57  }
0x327: {  	v23 =	vld [tilespmem:$0x1FF80];
	[tilespmem:$0x1FF60] =	vst v3  }
0x328: {  	v2 =	vadd.f32 v6, v2;
	v6 =	vld [tilespmem:$0x122C0];
	[tilespmem:s26+$0x1230] =	vst v12;
	v3 =	vmul.f32 v31, v20  }
0x329: {  	v11 =	vsub.f32 v11, v7;
	v12 =	vld [tilespmem:$0x12440];
	v1 =	vadd.f32 v20, v1;
	v20 =	vmov v39  }
0x32a: {  	[tilespmem:$0x1FF70] =	vst v20;
	v20 =	vld [tilespmem:$0x125C0]  }
0x32b: {  	v26 =	vmul.f32 v36, v49;
	v13 =	vsub.f32 v13, v9;
	v11 =	vmul.f32 v11, v8;
	v21 =	vld [tilespmem:$0x12740]  }
0x32c: {  	v25 =	vmul.f32 v34, v23;
	v2 =	vadd.f32 v3, v2;
	v1 =	vadd.f32 v23, v1;
	v23 =	vld [tilespmem:s24+$0x1610];
	v3 =	vmovc v38  }
0x32d: {  	v36 =	vadd.f32 v15, v14;
	v6 =	vmul.f32 v11, v6;
	[tilespmem:$0x1FF80] =	vst v3;
	v3 =	vadd.f32 v19, v24;
	v19 =	vld [tilespmem:$0x1FE10]  }
0x32e: {  	v11 =	vld [tilespmem:s23+$0x650]  }
0x32f: {  	v13 =	vmul.f32 v13, v10;
	[tilespmem:s25+$0xA00] =	vst v36;
	v6 =	vadd.f32 v6, v20;
	v20 =	vld [tilespmem:$0x1FE20]  }
0x330: {  	v14 =	vld [tilespmem:s26+$0x1250];
	v2 =	vadd.f32 v25, v2  }
0x331: {  	v12 =	vmul.f32 v13, v12;
	v15 =	vld [tilespmem:s31+$0xCA10];
	v1 =	vadd.f32 v49, v1  }
0x332: {  	v25 =	vld [tilespmem:s25+$0xA10];
	v2 =	vadd.f32 v26, v2;
	v13 =	vmul.f32 v19, v19  }
0x333: {  	v12 =	vadd.f32 v12, v21;
	v24 =	vld [tilespmem:$0x1FE30];
	[tilespmem:s24+$0x1600] =	vst v3;
	v1 =	vadd.f32 v19, v1  }
0x334: {  	v19 =	vld [tilespmem:s30+$0xD610];
	[tilespmem:s23+$0x640] =	vst v6;
	v2 =	vadd.f32 v13, v2;
	v13 =	vmul.f32 v20, v20  }
0x335: {  	v6 =	vld [tilespmem:$0x122D0];
	[tilespmem:s26+$0x1240] =	vst v12;
	v1 =	vadd.f32 v20, v1  }
0x336: {  	v11 =	vsub.f32 v11, v7;
	v12 =	vmul.f32 v50, v50;
	v2 =	vadd.f32 v13, v2;
	v13 =	vld [tilespmem:$0x12450]  }
0x337: {  	v14 =	vsub.f32 v14, v9;
	v20 =	vld [tilespmem:$0x125D0];
	v1 =	vadd.f32 v50, v1  }
0x338: {  	v11 =	vmul.f32 v11, v8;
	v21 =	vld [tilespmem:$0x12750];
	v2 =	vadd.f32 v12, v2;
	v12 =	vmul.f32 v24, v24  }
0x339: {  	v26 =	vadd.f32 v15, v25;
	v14 =	vmul.f32 v14, v10;
	v15 =	vld [tilespmem:s24+$0x1620];
	v1 =	vadd.f32 v24, v1  }
0x33a: {  	v25 =	vmul.f32 v32, v32;
	v6 =	vmul.f32 v11, v6;
	v11 =	vld [tilespmem:s23+$0x660];
	v12 =	vadd.f32 v12, v2  }
0x33b: {  	v24 =	vld [tilespmem:s25+$0xA20];
	[tilespmem:s25+$0xA10] =	vst v26;
	v1 =	vadd.f32 v32, v1;
	v2 =	vadd.f32 v19, v23;
	v13 =	vmul.f32 v14, v13  }
0x33c: {  	v6 =	vadd.f32 v6, v20;
	v19 =	vld [tilespmem:s26+$0x1260];
	v14 =	vmul.f32 v35, v35;
	v12 =	vadd.f32 v25, v12  }
0x33d: {  	v20 =	vld [tilespmem:s31+$0xCA20];
	[tilespmem:s24+$0x1610] =	vst v2;
	v13 =	vadd.f32 v13, v21  }
0x33e: {  	v1 =	vadd.f32 v35, v1;
	v21 =	vld [tilespmem:s30+$0xD620];
	[tilespmem:s23+$0x650] =	vst v6;
	v12 =	vadd.f32 v14, v12;
	v14 =	vmul.f32 v37, v37  }
0x33f: {  	v11 =	vsub.f32 v11, v7;
	v6 =	vld [tilespmem:$0x122E0];
	[tilespmem:s26+$0x1250] =	vst v13  }
0x340: {  	v1 =	vadd.f32 v37, v1;
	v12 =	vadd.f32 v14, v12;
	v14 =	vld [tilespmem:$0x12460]  }
0x341: {  	v13 =	vmul.f32 v45, v45;
	v19 =	vsub.f32 v19, v9;
	v23 =	vld [tilespmem:$0x125E0]  }
0x342: {  	[tilespmem:$0x1FE10] =	vst v26;
	v11 =	vmul.f32 v11, v8;
	v26 =	vadd.f32 v20, v24;
	v1 =	vadd.f32 v45, v1;
	v25 =	vld [tilespmem:$0x12760]  }
0x343: {  	v20 =	vld [tilespmem:s24+$0x1630];
	v19 =	vmul.f32 v19, v10;
	v12 =	vadd.f32 v13, v12;
	v13 =	vmul.f32 v53, v53  }
0x344: {  	v24 =	vld [tilespmem:s25+$0xA30];
	v1 =	vadd.f32 v53, v1;
	v15 =	vadd.f32 v21, v15;
	v6 =	vmul.f32 v11, v6  }
0x345: {  	v11 =	vld [tilespmem:s23+$0x670];
	[tilespmem:s25+$0xA20] =	vst v26;
	v12 =	vadd.f32 v13, v12;
	v13 =	vmul.f32 v56, v56;
	v14 =	vmul.f32 v19, v14  }
0x346: {  	v1 =	vadd.f32 v56, v1;
	v21 =	vld [tilespmem:s31+$0xCA30];
	v6 =	vadd.f32 v6, v23  }
0x347: {  	v19 =	vld [tilespmem:s26+$0x1270];
	[tilespmem:s24+$0x1620] =	vst v15;
	v12 =	vadd.f32 v13, v12;
	v13 =	vmul.f32 v58, v58;
	v14 =	vadd.f32 v14, v25  }
0x348: {  	v1 =	vadd.f32 v58, v1;
	v23 =	vld [tilespmem:s30+$0xD630];
	[tilespmem:s23+$0x660] =	vst v6  }
0x349: {  	v12 =	vadd.f32 v13, v12;
	v13 =	vmul.f32 v60, v60;
	v6 =	vld [tilespmem:$0x122F0];
	[tilespmem:s26+$0x1260] =	vst v14  }
0x34a: {  	v1 =	vadd.f32 v60, v1;
	v11 =	vsub.f32 v11, v7;
	v14 =	vld [tilespmem:$0x12470]  }
0x34b: {  	v12 =	vadd.f32 v13, v12;
	v13 =	vmul.f32 v61, v61;
	v25 =	vld [tilespmem:$0x125F0]  }
0x34c: {  	[tilespmem:$0x1FE20] =	vst v26;
	v1 =	vadd.f32 v61, v1;
	v19 =	vsub.f32 v19, v9;
	v11 =	vmul.f32 v11, v8;
	v26 =	vld [tilespmem:$0x12770]  }
0x34d: {  	v49 =	vadd.f32 v21, v24;
	v21 =	vld [tilespmem:s24+$0x1640];
	v12 =	vadd.f32 v13, v12;
	v13 =	vmul.f32 v63, v63  }
0x34e: {  	v27 =	vld [tilespmem:s25+$0xA40];
	v24 =	vmul.f32 v19, v10;
	v1 =	vadd.f32 v63, v1;
	v6 =	vmul.f32 v11, v6  }
0x34f: {  	v19 =	vadd.f32 v23, v20;
	v11 =	vmul.f32 v0, v0;
	v12 =	vadd.f32 v13, v12;
	v13 =	vld [tilespmem:s23+$0xA00];
	[tilespmem:s25+$0xA30] =	vst v49  }
0x350: {  	v0 =	vadd.f32 v0, v1;
	v14 =	vmul.f32 v24, v14;
	v1 =	vadd.f32 v6, v25;
	v6 =	vld [tilespmem:s26+$0x1600]  }
0x351: {  	v20 =	vld [tilespmem:s31+$0xCA40];
	[tilespmem:s24+$0x1630] =	vst v19;
	v11 =	vadd.f32 v11, v12;
	v12 =	vmul.f32 v16, v16  }
0x352: {  	v0 =	vadd.f32 v16, v0;
	v16 =	vld [tilespmem:s30+$0xD640];
	v14 =	vadd.f32 v14, v26  }
0x353: {  	[tilespmem:s23+$0x670] =	vst v1;
	v1 =	vadd.f32 v12, v11;
	v11 =	vmul.f32 v17, v17  }
0x354: {  	v12 =	vld [tilespmem:$0x12300];
	v0 =	vadd.f32 v17, v0;
	[tilespmem:s26+$0x1270] =	vst v14  }
0x355: {  	v13 =	vsub.f32 v13, v7;
	v14 =	vld [tilespmem:$0x12480];
	v1 =	vadd.f32 v11, v1  }
0x356: {  	v11 =	vmul.f32 v18, v18;
	v17 =	vld [tilespmem:$0x12600];
	v6 =	vsub.f32 v6, v9;
	v0 =	vadd.f32 v18, v0  }
0x357: {  	v24 =	vadd.f32 v20, v27;
	v18 =	vld [tilespmem:$0x12780];
	v13 =	vmul.f32 v13, v8;
	v16 =	vadd.f32 v16, v21  }
0x358: {  	v20 =	vld [tilespmem:s24+$0x1650];
	v1 =	vadd.f32 v11, v1;
	v11 =	vmul.f32 v51, v51;
	v0 =	vadd.f32 v51, v0  }
0x359: {  	v23 =	vld [tilespmem:s25+$0xA50];
	v6 =	vmul.f32 v6, v10;
	v12 =	vmul.f32 v13, v12  }
0x35a: {  	v13 =	vld [tilespmem:s23+$0xA10];
	[tilespmem:s24+$0x1640] =	vst v16;
	v1 =	vadd.f32 v11, v1;
	v11 =	vmul.f32 v4, v4;
	v0 =	vadd.f32 v4, v0  }
0x35b: {  	v6 =	vmul.f32 v6, v14;
	v12 =	vadd.f32 v12, v17;
	v14 =	vld [tilespmem:s26+$0x1610];
	[tilespmem:s25+$0xA40] =	vst v24  }
0x35c: {  	v1 =	vadd.f32 v11, v1;
	v11 =	vmul.f32 v55, v55;
	v17 =	vld [tilespmem:s30+$0xD650];
	v0 =	vadd.f32 v55, v0  }
0x35d: {  	v6 =	vadd.f32 v6, v18;
	v18 =	vld [tilespmem:s31+$0xCA50];
	[tilespmem:s23+$0xA00] =	vst v12  }
0x35e: {  	v1 =	vadd.f32 v11, v1;
	v11 =	vmul.f32 v62, v62;
	v12 =	vld [tilespmem:$0x12310];
	v0 =	vadd.f32 v62, v0  }
0x35f: {  	[tilespmem:s26+$0x1600] =	vst v6;
	v6 =	vsub.f32 v13, v7  }
0x360: {  	v21 =	vmul.f32 v22, v22;
	v13 =	vld [tilespmem:$0x12490];
	v1 =	vadd.f32 v11, v1;
	v0 =	vadd.f32 v22, v0  }
0x361: {  	v11 =	vld [tilespmem:$0x12610];
	v14 =	vsub.f32 v14, v9;
	v17 =	vadd.f32 v17, v20;
	v6 =	vmul.f32 v6, v8  }
0x362: {  	v20 =	vld [tilespmem:$0x12790];
	v1 =	vadd.f32 v21, v1;
	v21 =	vmul.f32 v3, v3;
	v0 =	vadd.f32 v3, v0  }
0x363: {  	v22 =	vld [tilespmem:s24+$0x1660];
	v14 =	vmul.f32 v14, v10;
	[tilespmem:s24+$0x1650] =	vst v17;
	v6 =	vmul.f32 v6, v12  }
0x364: {  	v3 =	vld [tilespmem:s30+$0xD660];
	v1 =	vadd.f32 v21, v1;
	v0 =	vadd.f32 v2, v0;
	v2 =	vmul.f32 v2, v2  }
0x365: {  	v32 =	vadd.f32 v18, v23;
	v12 =	vld [tilespmem:s23+$0xA20];
	v13 =	vmul.f32 v14, v13  }
0x366: {  	v6 =	vadd.f32 v6, v11;
	v11 =	vld [tilespmem:s26+$0x1620];
	v1 =	vadd.f32 v2, v1;
	v2 =	vmul.f32 v15, v15  }
0x367: {  	[tilespmem:s25+$0xA50] =	vst v32;
	v14 =	vld [tilespmem:s25+$0xA60];
	v0 =	vadd.f32 v15, v0;
	v13 =	vadd.f32 v13, v20  }
0x368: {  	v18 =	vld [tilespmem:s31+$0xCA60];
	[tilespmem:s23+$0xA10] =	vst v6;
	v1 =	vadd.f32 v2, v1  }
0x369: {  	v6 =	vld [tilespmem:$0x12320];
	v2 =	vmul.f32 v19, v19;
	v0 =	vadd.f32 v19, v0;
	[tilespmem:s26+$0x1610] =	vst v13;
	v3 =	vadd.f32 v3, v22  }
0x36a: {  	v13 =	vld [tilespmem:$0x124A0]  }
0x36b: {  	s3 =	sshrl.u32 s0, $0x3;
	v15 =	vld [tilespmem:$0x12620];
	v1 =	vadd.f32 v2, v1;
	v2 =	vmul.f32 v16, v16;
	v0 =	vadd.f32 v16, v0;
	[tilespmem:s24+$0x1660] =	vst v3  }
0x36c: {  	s4 =	smul.u32 $0x6000, s3;
	v12 =	vsub.f32 v12, v7;
	v11 =	vsub.f32 v11, v9;
	v19 =	vld [tilespmem:$0x127A0]  }
0x36d: {  	s5 =	sadd.s32 $0x80, s5;
	v20 =	vld [tilespmem:s30+$0xD670];
	v1 =	vadd.f32 v2, v1;
	v2 =	vmul.f32 v17, v17;
	v0 =	vadd.f32 v17, v0  }
0x36e: {  	s3 =	sand.u32 $0x380, s5;
	s4 =	sshra.s32 s4, $0x2;
	v12 =	vmul.f32 v12, v8;
	v35 =	vadd.f32 v18, v14;
	v11 =	vmul.f32 v11, v10;
	v14 =	vld [tilespmem:s25+$0xA70]  }
0x36f: {  	s30 =	smov.u32 s31;
	s31 =	sor.u32 s3, s4;
	v1 =	vadd.f32 v2, v1;
	v2 =	vmul.f32 v3, v3;
	v3 =	vadd.f32 v3, v0;
	v0 =	vld [tilespmem:$0x1FDE0]  }
0x370: {  	v21 =	vld [tilespmem:s31+$0xC200];
	v6 =	vmul.f32 v12, v6  }
0x371: {  	v12 =	vld [tilespmem:s23+$0xA30];
	v11 =	vmul.f32 v11, v13  }
0x372: {  	v6 =	vadd.f32 v6, v15;
	v13 =	vld [tilespmem:s26+$0x1630]  }
0x373: {  	[tilespmem:s25+$0xA60] =	vst v35;
	v11 =	vadd.f32 v11, v19;
	v19 =	vld [tilespmem:$0x1FFF0]  }
0x374: {  	v15 =	vld [tilespmem:s30+$0xCA70];
	[tilespmem:s23+$0xA20] =	vst v6;
	v0 =	vadd.f32 v20, v0  }
0x375: {  	v1 =	vadd.f32 v2, v1;
	v2 =	vld [tilespmem:$0x12330]  }
0x376: {  	v4 =	vmov v44;
	v44 =	vld [tilespmem:s25+$0x1670];
	[tilespmem:s26+$0x1620] =	vst v11;
	v3 =	vadd.f32 v0, v3;
	v6 =	vmul.f32 v0, v0  }
0x377: {  	v11 =	vsub.f32 v12, v7;
	v12 =	vld [tilespmem:$0x124B0]  }
0x378: {  	v16 =	vld [tilespmem:$0x12630];
	v13 =	vsub.f32 v13, v9;
	v1 =	vadd.f32 v6, v1;
	v6 =	vperm.xlane v3, v19  }
0x379: {  	v17 =	vld [tilespmem:$0x127B0]  }
0x37a: {  	s4 =	sadd.s32 s0, s29;
	v13 =	vmul.f32 v13, v10;
	v3 =	vadd.f32 v6, v3;
	v6 =	vperm.xlane v1, v19;
	v19 =	vld [tilespmem:$0x1FFE0]  }
0x37b: {  	s4 =	sshrl.u32 s4, $0x3;
	v20 =	vld [tilespmem:$0x1FFD0];
	v11 =	vmul.f32 v11, v8  }
0x37c: {  	s4 =	smul.u32 $0x6000, s4;
	v18 =	vld [tilespmem:s25+$0xE00];
	v12 =	vmul.f32 v13, v12  }
0x37d: {  	v2 =	vmul.f32 v11, v2;
	v11 =	vld [tilespmem:s23+$0xA40]  }
0x37e: {  	s4 =	sshra.s32 s4, $0x2;
	v37 =	vadd.f32 v15, v14;
	v12 =	vadd.f32 v12, v17;
	v17 =	vld [tilespmem:$0x1FFC0]  }
0x37f: {  	s3 =	sor.u32 s3, s4;
	v2 =	vadd.f32 v2, v16;
	v13 =	vld [tilespmem:s26+$0x1640];
	v1 =	vadd.f32 v6, v1;
	v6 =	vperm.xlane v3, v19  }
0x380: {  	v14 =	vld [tilespmem:s3+$0x200];
	[tilespmem:s25+$0xA70] =	vst v37  }
0x381: {  	v15 =	vld [tilespmem:s30+$0xCE00];
	[tilespmem:s23+$0xA30] =	vst v2;
	v3 =	vadd.f32 v6, v3;
	v6 =	vperm.xlane v1, v19  }
0x382: {  	v2 =	vld [tilespmem:$0x12340];
	[tilespmem:s26+$0x1630] =	vst v12  }
0x383: {  	v11 =	vsub.f32 v11, v7;
	v12 =	vld [tilespmem:$0x124C0];
	v1 =	vadd.f32 v6, v1;
	v6 =	vperm.xlane v3, v17  }
0x384: {  	v16 =	vld [tilespmem:$0x12640];
	v13 =	vsub.f32 v13, v9  }
0x385: {  	v11 =	vmul.f32 v11, v8;
	v3 =	vadd.f32 v6, v3;
	v6 =	vperm.xlane v1, v17;
	v17 =	vld [tilespmem:$0x127C0]  }
0x386: {  	v21 =	vadd.f32 v21, v14;
	v14 =	vld [tilespmem:s25+$0xE10];
	v13 =	vmul.f32 v13, v10  }
0x387: {  	v19 =	vld [tilespmem:s3+$0x210];
	v2 =	vmul.f32 v11, v2;
	v1 =	vadd.f32 v6, v1;
	v6 =	vperm.xlane v3, v20  }
0x388: {  	v45 =	vadd.f32 v15, v18;
	v11 =	vld [tilespmem:s23+$0xA50];
	v12 =	vmul.f32 v13, v12;
	[tilespmem:s3+$0x200] =	vst v21  }
0x389: {  	v2 =	vadd.f32 v2, v16;
	v13 =	vld [tilespmem:s26+$0x1650];
	v3 =	vadd.f32 v6, v3;
	v6 =	vperm.xlane v1, v20  }
0x38a: {  	v15 =	vld [tilespmem:s31+$0xC210];
	[tilespmem:s25+$0xE00] =	vst v45;
	v12 =	vadd.f32 v12, v17  }
0x38b: {  	v16 =	vld [tilespmem:s30+$0xCE10];
	[tilespmem:s23+$0xA40] =	vst v2;
	v1 =	vadd.f32 v6, v1;
	v3 =	vmul.f32 $1.302083370e-03, v3  }
0x38c: {  	v2 =	vld [tilespmem:$0x12350];
	[tilespmem:s26+$0x1640] =	vst v12  }
0x38d: {  	v11 =	vsub.f32 v11, v7;
	v1 =	vmul.f32 $1.302083370e-03, v1;
	v6 =	vmul.f32 v3, v3;
	v12 =	vld [tilespmem:$0x124D0]  }
0x38e: {  	v13 =	vsub.f32 v13, v9;
	v17 =	vld [tilespmem:$0x12650]  }
0x38f: {  	v1 =	vsub.f32 v1, v6;
	v6 =	vmul.f32 v11, v8;
	v11 =	vld [tilespmem:$0x127D0]  }
0x390: {  	v55 =	vadd.f32 v15, v19;
	v18 =	vld [tilespmem:s25+$0xE20];
	v13 =	vmul.f32 v13, v10  }
0x391: {  	v15 =	vld [tilespmem:s3+$0x220];
	v1 =	vadd.f32 $9.999999960e-13, v1;
	v2 =	vmul.f32 v6, v2  }
0x392: {  	v53 =	vadd.f32 v16, v14;
	v6 =	vld [tilespmem:s23+$0xA60];
	[tilespmem:s3+$0x210] =	vst v55;
	v12 =	vmul.f32 v13, v12  }
0x393: {  	v14 =	vld [tilespmem:s26+$0x1660];
	v13 =	vshra.s32 v1, $0x1;
	v1 =	vmul.f32 $5.000000000e-01, v1;
	v2 =	vadd.f32 v2, v17  }
0x394: {  	v16 =	vld [tilespmem:s31+$0xC220];
	[tilespmem:s25+$0xE10] =	vst v53;
	v13 =	vsub.s32 $0x5F3759DF, v13;
	v11 =	vadd.f32 v12, v11  }
0x395: {  	v12 =	vld [tilespmem:s30+$0xCE20];
	v17 =	vmul.f32 v13, v1;
	[tilespmem:s23+$0xA50] =	vst v2  }
0x396: {  	v2 =	vld [tilespmem:$0x12360];
	[tilespmem:s26+$0x1650] =	vst v11  }
0x397: {  	v6 =	vsub.f32 v6, v7;
	v11 =	vmul.f32 v13, v17;
	v17 =	vld [tilespmem:$0x124E0]  }
0x398: {  	v19 =	vld [tilespmem:$0x12660];
	v14 =	vsub.f32 v14, v9  }
0x399: {  	v20 =	vld [tilespmem:$0x127E0];
	v6 =	vmul.f32 v6, v8;
	v11 =	vsub.f32 $1.500000000e+00, v11  }
0x39a: {  	v28 =	vmov v57;
	[tilespmem:$0x1FE40] =	vst v21;
	v21 =	vld [tilespmem:s25+$0xE30];
	v57 =	vadd.f32 v16, v15;
	v14 =	vmul.f32 v14, v10  }
0x39b: {  	v15 =	vld [tilespmem:s3+$0x230];
	v11 =	vmul.f32 v13, v11;
	v2 =	vmul.f32 v6, v2  }
0x39c: {  	v56 =	vadd.f32 v12, v18;
	v6 =	vld [tilespmem:s23+$0xA70];
	[tilespmem:s3+$0x220] =	vst v57;
	v12 =	vmul.f32 v14, v17  }
0x39d: {  	v14 =	vld [tilespmem:s26+$0x1670];
	v13 =	vmul.f32 v11, v1;
	v2 =	vadd.f32 v2, v19  }
0x39e: {  	v16 =	vld [tilespmem:s31+$0xC230];
	[tilespmem:s25+$0xE20] =	vst v56;
	v12 =	vadd.f32 v12, v20  }
0x39f: {  	v17 =	vld [tilespmem:s30+$0xCE30];
	v13 =	vmul.f32 v13, v11;
	[tilespmem:s23+$0xA60] =	vst v2  }
0x3a0: {  	v2 =	vld [tilespmem:$0x12370];
	[tilespmem:s26+$0x1660] =	vst v12  }
0x3a1: {  	v12 =	vsub.f32 $1.500000000e+00, v13;
	v13 =	vld [tilespmem:$0x124F0]  }
0x3a2: {  	v6 =	vsub.f32 v6, v7;
	v18 =	vld [tilespmem:$0x12670]  }
0x3a3: {  	v14 =	vsub.f32 v14, v9;
	v59 =	vadd.f32 v16, v15;
	v15 =	vld [tilespmem:s3+$0x240]  }
0x3a4: {  	v9 =	vmovc v7;
	v7 =	vmov v3;
	v6 =	vmul.f32 v6, v8;
	v3 =	vmul.f32 v12, v11;
	v11 =	vld [tilespmem:$0x127F0]  }
0x3a5: {  	v58 =	vadd.f32 v17, v21;
	v21 =	vld [tilespmem:$0x1FDF0];
	v14 =	vmul.f32 v14, v10  }
0x3a6: {  	v12 =	vld [tilespmem:s25+$0xE40];
	[tilespmem:s3+$0x230] =	vst v59;
	v1 =	vmul.f32 v3, v1;
	v2 =	vmul.f32 v6, v2  }
0x3a7: {  	v10 =	vmov v8;
	v6 =	vld [tilespmem:s24+$0x200];
	[tilespmem:s25+$0xE30] =	vst v58;
	v8 =	vmul.f32 v14, v13  }
0x3a8: {  	v13 =	vld [tilespmem:s23+$0xE00];
	v1 =	vmul.f32 v1, v3;
	v2 =	vadd.f32 v2, v18  }
0x3a9: {  	v14 =	vld [tilespmem:s31+$0xC240];
	[tilespmem:s24+$0x1670] =	vst v0;
	v0 =	vadd.f32 v8, v11  }
0x3aa: {  	v11 =	vld [tilespmem:s30+$0xCE40];
	v1 =	vsub.f32 $1.500000000e+00, v1;
	[tilespmem:s23+$0xA70] =	vst v2  }
0x3ab: {  	v2 =	vld [tilespmem:$0x12200];
	[tilespmem:s26+$0x1670] =	vst v0  }
0x3ac: {  	v0 =	vsub.f32 v6, v7;
	v8 =	vmul.f32 v1, v3;
	v1 =	vld [tilespmem:$0x12380]  }
0x3ad: {  	v3 =	vld [tilespmem:$0x12500];
	v6 =	vsub.f32 v13, v9  }
0x3ae: {  	s26 =	smov.u32 s23;
	s23 =	smov.u32 s24;
	s24 =	smov.u32 s25;
	v13 =	vld [tilespmem:$0x12680];
	v0 =	vmul.f32 v8, v0  }
0x3af: {  	s25 =	smov.u32 s3;
	v17 =	vld [tilespmem:s24+$0xE50];
	v62 =	vadd.f32 v14, v15;
	v6 =	vmul.f32 v6, v10  }
0x3b0: {  	v14 =	vld [tilespmem:s25+$0x250];
	v0 =	vmul.f32 v0, v2  }
0x3b1: {  	v60 =	vadd.f32 v11, v12;
	v2 =	vld [tilespmem:s23+$0x210];
	[tilespmem:s25+$0x240] =	vst v62;
	v1 =	vmul.f32 v6, v1  }
0x3b2: {  	v0 =	vadd.f32 v0, v3;
	v3 =	vld [tilespmem:s26+$0xE10]  }
0x3b3: {  	v6 =	vld [tilespmem:s31+$0xC250];
	[tilespmem:s24+$0xE40] =	vst v60;
	v1 =	vadd.f32 v1, v13  }
0x3b4: {  	v11 =	vld [tilespmem:s30+$0xCE50];
	[tilespmem:s23+$0x200] =	vst v0  }
0x3b5: {  	v0 =	vld [tilespmem:$0x12210];
	[tilespmem:s26+$0xE00] =	vst v1  }
0x3b6: {  	v1 =	vsub.f32 v2, v7;
	v2 =	vld [tilespmem:$0x12390]  }
0x3b7: {  	v12 =	vld [tilespmem:$0x12510];
	v3 =	vsub.f32 v3, v9  }
0x3b8: {  	v13 =	vld [tilespmem:$0x12690];
	v1 =	vmul.f32 v8, v1  }
0x3b9: {  	v15 =	vld [tilespmem:s24+$0xE60];
	v16 =	vadd.f32 v6, v14;
	v3 =	vmul.f32 v3, v10  }
0x3ba: {  	v6 =	vld [tilespmem:s25+$0x260];
	v0 =	vmul.f32 v1, v0  }
0x3bb: {  	v61 =	vadd.f32 v11, v17;
	v1 =	vld [tilespmem:s23+$0x220];
	[tilespmem:s25+$0x250] =	vst v16;
	v2 =	vmul.f32 v3, v2  }
0x3bc: {  	v3 =	vld [tilespmem:s26+$0xE20];
	v0 =	vadd.f32 v0, v12  }
0x3bd: {  	v11 =	vld [tilespmem:s31+$0xC260];
	[tilespmem:s24+$0xE50] =	vst v61;
	v2 =	vadd.f32 v2, v13  }
0x3be: {  	v12 =	vld [tilespmem:s30+$0xCE60];
	[tilespmem:s23+$0x210] =	vst v0  }
0x3bf: {  	v0 =	vld [tilespmem:$0x12220];
	[tilespmem:s26+$0xE10] =	vst v2  }
0x3c0: {  	v1 =	vsub.f32 v1, v7;
	v2 =	vld [tilespmem:$0x123A0]  }
0x3c1: {  	v13 =	vld [tilespmem:$0x12520];
	v3 =	vsub.f32 v3, v9  }
0x3c2: {  	v14 =	vld [tilespmem:$0x126A0];
	v1 =	vmul.f32 v8, v1  }
0x3c3: {  	v19 =	vld [tilespmem:s24+$0xE70];
	v17 =	vadd.f32 v11, v6;
	v3 =	vmul.f32 v3, v10  }
0x3c4: {  	v6 =	vld [tilespmem:s25+$0x270];
	v0 =	vmul.f32 v1, v0  }
0x3c5: {  	v63 =	vadd.f32 v12, v15;
	v1 =	vld [tilespmem:s23+$0x230];
	[tilespmem:s25+$0x260] =	vst v17;
	v2 =	vmul.f32 v3, v2  }
0x3c6: {  	v3 =	vld [tilespmem:s26+$0xE30];
	v0 =	vadd.f32 v0, v13  }
0x3c7: {  	v11 =	vld [tilespmem:s31+$0xC270];
	[tilespmem:s24+$0xE60] =	vst v63;
	v2 =	vadd.f32 v2, v14  }
0x3c8: {  	v12 =	vld [tilespmem:s30+$0xCE70];
	[tilespmem:s23+$0x220] =	vst v0  }
0x3c9: {  	v0 =	vld [tilespmem:$0x12230];
	[tilespmem:s26+$0xE20] =	vst v2  }
0x3ca: {  	v1 =	vsub.f32 v1, v7;
	v2 =	vld [tilespmem:$0x123B0]  }
0x3cb: {  	v13 =	vld [tilespmem:$0x12530];
	v3 =	vsub.f32 v3, v9  }
0x3cc: {  	v20 =	vld [tilespmem:$0x126B0];
	v15 =	vmul.f32 v8, v1  }
0x3cd: {  	v18 =	vadd.f32 v11, v6;
	v14 =	vld [tilespmem:s25+$0x600];
	v3 =	vmul.f32 v3, v10  }
0x3ce: {  	v11 =	vld [tilespmem:s23+$0x240];
	v6 =	vmul.f32 v15, v0  }
0x3cf: {  	v1 =	vld [tilespmem:s24+$0x1200];
	[tilespmem:s25+$0x270] =	vst v18;
	v0 =	vadd.f32 v12, v19;
	v2 =	vmul.f32 v3, v2  }
0x3d0: {  	v23 =	vld [tilespmem:s31+$0xC600];
	v3 =	vadd.f32 v6, v13  }
0x3d1: {  	p1 =	sne.s32 s0, $0x1F;
	v6 =	vld [tilespmem:s26+$0xE40];
	[tilespmem:s24+$0xE70] =	vst v0;
	v2 =	vadd.f32 v2, v20  }
.Ltmp2:
0x3d2: {  	v13 =	vld [tilespmem:s30+$0xD200];
	[tilespmem:s23+$0x230] =	vst v3;
	(pc) =	sbr.rel @p1 .LBB2_7-.Ltmp2, $4  }
0x3d3: {  	v29 =	vmov v42;
	v33 =	vld [tilespmem:$0x12240];
	[tilespmem:s26+$0xE30] =	vst v2  }
0x3d4: {  	v2 =	vsub.f32 v11, v7;
	v12 =	vld [tilespmem:$0x123C0]  }
0x3d5: {  	[tilespmem:$0x1FEE0] =	vst v29;
	v25 =	vld [tilespmem:$0x12540]  }
0x3d6: {  	v29 =	vmovc v46;
	v46 =	vmov v36;
	[tilespmem:$0x1FE30] =	vst v24;
	s0 =	sadd.s32 $0x1, s0;
	v11 =	vld [tilespmem:$0x126C0];
	v24 =	vsub.f32 v6, v9;
	v27 =	vmul.f32 v8, v2  }
0x3d7: {  	_ = 	snop  }
0x3d8: {  	v2 =	vmul.f32 v27, v33  }
0x3d9: {  	v3 =	vld [tilespmem:s23+$0x250]  }
0x3da: {  	v2 =	vadd.f32 v2, v25  }
0x3db: {  	v19 =	vadd.f32 v23, v14  }
0x3dc: {  	[tilespmem:s23+$0x240] =	vst v2;
	v2 =	vld [tilespmem:s24+$0x1210]  }
0x3dd: {  	v6 =	vmul.f32 v24, v10;
	v15 =	vld [tilespmem:$0x12250];
	[tilespmem:$0x1FDA0] =	vst v19  }
0x3de: {  	v3 =	vsub.f32 v3, v7;
	v24 =	vld [tilespmem:s25+$0x610]  }
0x3df: {  	v25 =	vmul.f32 v6, v12;
	v26 =	vld [tilespmem:$0x12550];
	[tilespmem:s25+$0x600] =	vst v19  }
0x3e0: {  	v51 =	vadd.f32 v13, v1;
	v3 =	vmul.f32 v3, v8;
	v31 =	vld [tilespmem:s31+$0xC610]  }
0x3e1: {  	v1 =	vadd.f32 v25, v11;
	v27 =	vld [tilespmem:s26+$0xE50]  }
0x3e2: {  	[tilespmem:s24+$0x1200] =	vst v51;
	v34 =	vld [tilespmem:s23+$0x260];
	v3 =	vmul.f32 v3, v15  }
0x3e3: {  	[tilespmem:s26+$0xE40] =	vst v1;
	v33 =	vld [tilespmem:s30+$0xD210]  }
0x3e4: {  	v50 =	vld [tilespmem:$0x123D0];
	v3 =	vadd.f32 v3, v26  }
0x3e5: {  	v22 =	vld [tilespmem:$0x126D0];
	v14 =	vadd.f32 v31, v24  }
0x3e6: {  	v12 =	vsub.f32 v27, v9;
	[tilespmem:s23+$0x250] =	vst v3;
	v3 =	vld [tilespmem:s24+$0x1220]  }
0x3e7: {  	v23 =	vld [tilespmem:$0x12260];
	[tilespmem:$0x1FDB0] =	vst v14  }
0x3e8: {  	v12 =	vmul.f32 v12, v10;
	v11 =	vld [tilespmem:s25+$0x620]  }
0x3e9: {  	v1 =	vsub.f32 v34, v7;
	v25 =	vld [tilespmem:$0x12560]  }
0x3ea: {  	v24 =	vmul.f32 v12, v50;
	[tilespmem:s25+$0x610] =	vst v14;
	v26 =	vld [tilespmem:s26+$0xE60]  }
0x3eb: {  	v31 =	vadd.f32 v33, v2;
	v1 =	vmul.f32 v1, v8;
	v27 =	vld [tilespmem:s31+$0xC620]  }
0x3ec: {  	v2 =	vadd.f32 v24, v22  }
0x3ed: {  	[tilespmem:s24+$0x1210] =	vst v31;
	v34 =	vld [tilespmem:s23+$0x270];
	v1 =	vmul.f32 v1, v23  }
0x3ee: {  	v33 =	vld [tilespmem:s30+$0xD220];
	[tilespmem:s26+$0xE50] =	vst v2  }
0x3ef: {  	v50 =	vld [tilespmem:$0x123E0];
	v1 =	vadd.f32 v1, v25  }
0x3f0: {  	v22 =	vld [tilespmem:$0x126E0];
	v12 =	vsub.f32 v26, v9;
	v13 =	vadd.f32 v27, v11  }
0x3f1: {  	[tilespmem:s23+$0x260] =	vst v1;
	v1 =	vld [tilespmem:s24+$0x1230]  }
0x3f2: {  	v12 =	vmul.f32 v12, v10;
	v23 =	vld [tilespmem:$0x12270];
	[tilespmem:$0x1FDC0] =	vst v13  }
0x3f3: {  	v11 =	vld [tilespmem:s25+$0x630]  }
0x3f4: {  	v2 =	vsub.f32 v34, v7;
	v24 =	vmul.f32 v12, v50;
	v25 =	vld [tilespmem:$0x12570]  }
0x3f5: {  	[tilespmem:s25+$0x620] =	vst v13;
	v26 =	vld [tilespmem:s26+$0xE70]  }
0x3f6: {  	v27 =	vmovc v28;
	v28 =	vadd.f32 v33, v3;
	v2 =	vmul.f32 v2, v8;
	v3 =	vadd.f32 v24, v22;
	v13 =	vld [tilespmem:s31+$0xC630];
	_ =	sdelay $0x1  }
0x3f7: {  	v50 =	vld [tilespmem:s23+$0x600];
	[tilespmem:s26+$0xE60] =	vst v3;
	v2 =	vmul.f32 v2, v23  }
0x3f8: {  	[tilespmem:s24+$0x1220] =	vst v28;
	v22 =	vld [tilespmem:$0x123F0]  }
0x3f9: {  	v33 =	vld [tilespmem:s30+$0xD230];
	v12 =	vsub.f32 v26, v9;
	v2 =	vadd.f32 v2, v25  }
0x3fa: {  	v23 =	vld [tilespmem:$0x126F0];
	v13 =	vadd.f32 v13, v11  }
0x3fb: {  	v12 =	vmul.f32 v12, v10;
	[tilespmem:s23+$0x270] =	vst v2;
	v2 =	vld [tilespmem:s24+$0x1240]  }
0x3fc: {  	v34 =	vld [tilespmem:$0x12280];
	[tilespmem:$0x1FDD0] =	vst v13  }
0x3fd: {  	v3 =	vsub.f32 v50, v7;
	v24 =	vmul.f32 v12, v22;
	v25 =	vld [tilespmem:$0x12580]  }
0x3fe: {  	v26 =	vadd.f32 v33, v1;
	v33 =	vld [tilespmem:s26+$0x1200]  }
0x3ff: {  	v3 =	vmul.f32 v3, v8;
	v50 =	vld [tilespmem:s25+$0x640];
	v1 =	vadd.f32 v24, v23  }
0x400: {  	[tilespmem:s25+$0x630] =	vst v13;
	v22 =	vld [tilespmem:s23+$0x610]  }
0x401: {  	v13 =	vld [tilespmem:s31+$0xC640];
	[tilespmem:s26+$0xE70] =	vst v1;
	v3 =	vmul.f32 v3, v34  }
0x402: {  	[tilespmem:s24+$0x1230] =	vst v26;
	v23 =	vld [tilespmem:$0x12400]  }
0x403: {  	v34 =	vld [tilespmem:s30+$0xD240];
	v12 =	vsub.f32 v33, v9;
	v3 =	vadd.f32 v3, v25  }
0x404: {  	v24 =	vld [tilespmem:$0x12700]  }
0x405: {  	v12 =	vmul.f32 v12, v10;
	[tilespmem:s23+$0x600] =	vst v3  }
0x406: {  	v25 =	vld [tilespmem:$0x12290]  }
0x407: {  	v1 =	vsub.f32 v22, v7;
	v50 =	vadd.f32 v13, v50;
	v20 =	vmul.f32 v12, v23  }
0x408: {  	v34 =	vadd.f32 v34, v2;
	v22 =	vld [tilespmem:$0x12590]  }
0x409: {  	v1 =	vmul.f32 v1, v8;
	[tilespmem:s25+$0x640] =	vst v50;
	v2 =	vadd.f32 v20, v24  }
0x40a: {  	[tilespmem:s24+$0x1240] =	vst v34  }
0x40b: {  	[tilespmem:s26+$0x1200] =	vst v2;
	v1 =	vmul.f32 v1, v25  }
0x40c: {  	v23 =	vld [tilespmem:$0x1FE00]  }
0x40d: {  	v11 =	vld [tilespmem:s25+$0x650];
	v1 =	vadd.f32 v1, v22  }
0x40e: {  	v12 =	vld [tilespmem:s26+$0x1210]  }
0x40f: {  	v13 =	vld [tilespmem:s31+$0xC650];
	[tilespmem:s23+$0x610] =	vst v1  }
0x410: {  	v1 =	vld [tilespmem:$0x1FEA0]  }
0x411: {  	v24 =	vadd.f32 $0.0e+00, v23  }
0x412: {  	v15 =	vld [tilespmem:s23+$0x620]  }
0x413: {  	v20 =	vld [tilespmem:$0x12410];
	v2 =	vadd.f32 v54, v24  }
0x414: {  	v33 =	vmul.f32 v21, v54;
	v3 =	vld [tilespmem:s24+$0x1250];
	v12 =	vsub.f32 v12, v9;
	v25 =	vmul.f32 v23, v23  }
0x415: {  	v14 =	vld [tilespmem:s30+$0xD250];
	v2 =	vadd.f32 v52, v2;
	v1 =	vmul.f32 v1, v52;
	v52 =	vadd.f32 v13, v11  }
0x416: {  	v6 =	vadd.f32 v33, v25;
	v24 =	vmul.f32 v12, v10;
	v25 =	vld [tilespmem:$0x1FEB0]  }
0x417: {  	v12 =	vld [tilespmem:$0x122A0];
	[tilespmem:s25+$0x650] =	vst v52  }
0x418: {  	v20 =	vmul.f32 v24, v20;
	v24 =	vld [tilespmem:$0x1FEC0]  }
0x419: {  	v21 =	vld [tilespmem:$0x12710];
	v54 =	vsub.f32 v15, v7  }
0x41a: {  	v11 =	vld [tilespmem:$0x125A0]  }
0x41b: {  	v13 =	vmul.f32 v54, v8;
	v1 =	vadd.f32 v1, v6;
	v33 =	vmul.f32 v5, v25  }
0x41c: {  	v22 =	vadd.f32 v14, v3;
	v2 =	vadd.f32 v25, v2  }
0x41d: {  	v1 =	vadd.f32 v33, v1;
	v33 =	vld [tilespmem:s26+$0x1220];
	v25 =	vmul.f32 v40, v24;
	v40 =	vmul.f32 v13, v12  }
0x41e: {  	v19 =	vld [tilespmem:s24+$0x1260];
	v3 =	vadd.f32 v20, v21  }
0x41f: {  	v15 =	vld [tilespmem:s25+$0x660];
	[tilespmem:s24+$0x1250] =	vst v22;
	v6 =	vadd.f32 v40, v11  }
0x420: {  	v54 =	vld [tilespmem:$0x1FED0];
	[tilespmem:s26+$0x1210] =	vst v3  }
0x421: {  	v23 =	vld [tilespmem:$0x1FEE0];
	[tilespmem:s23+$0x620] =	vst v6  }
0x422: {  	v14 =	vsub.f32 v33, v9;
	v33 =	vld [tilespmem:$0x1FEF0]  }
0x423: {  	v20 =	vld [tilespmem:s31+$0xC660]  }
0x424: {  	v3 =	vld [tilespmem:s23+$0x630];
	v2 =	vadd.f32 v24, v2  }
0x425: {  	v13 =	vld [tilespmem:s30+$0xD260];
	v21 =	vmul.f32 v41, v54;
	v1 =	vadd.f32 v25, v1  }
0x426: {  	v12 =	vld [tilespmem:$0x12420];
	v2 =	vadd.f32 v54, v2  }
0x427: {  	v24 =	vmul.f32 v42, v23;
	v1 =	vadd.f32 v21, v1;
	v40 =	vmul.f32 v43, v33;
	v43 =	vld [tilespmem:$0x1FF00]  }
0x428: {  	v11 =	vld [tilespmem:s24+$0x1270];
	v25 =	vadd.f32 v23, v2  }
0x429: {  	v23 =	vld [tilespmem:$0x12720];
	v2 =	vadd.f32 v20, v15;
	v1 =	vadd.f32 v24, v1  }
0x42a: {  	v3 =	vsub.f32 v3, v7;
	v42 =	vld [tilespmem:$0x122B0];
	v41 =	vadd.f32 v33, v25  }
0x42b: {  	[tilespmem:s25+$0x660] =	vst v2;
	v25 =	vld [tilespmem:s26+$0x1230];
	v6 =	vadd.f32 v40, v1;
	v1 =	vadd.f32 v13, v19  }
0x42c: {  	v14 =	vmul.f32 v14, v10;
	v54 =	vmul.f32 v4, v43;
	v33 =	vadd.f32 v43, v41;
	v43 =	vld [tilespmem:$0x1FF10]  }
0x42d: {  	v40 =	vld [tilespmem:$0x125B0];
	[tilespmem:s24+$0x1260] =	vst v1  }
0x42e: {  	v3 =	vmul.f32 v3, v8;
	v12 =	vmul.f32 v14, v12;
	v41 =	vld [tilespmem:$0x1FF30]  }
0x42f: {  	v24 =	vld [tilespmem:s25+$0x670]  }
0x430: {  	v12 =	vadd.f32 v12, v23;
	v3 =	vmul.f32 v3, v42;
	v21 =	vld [tilespmem:s31+$0xC670]  }
0x431: {  	v19 =	vsub.f32 v25, v9;
	v25 =	vld [tilespmem:s24+$0x1600];
	v6 =	vadd.f32 v54, v6;
	v54 =	vmul.f32 v30, v43  }
0x432: {  	v20 =	vld [tilespmem:s30+$0xD270];
	[tilespmem:s26+$0x1220] =	vst v12;
	v3 =	vadd.f32 v3, v40  }
0x433: {  	v13 =	vadd.f32 v43, v33;
	v33 =	vld [tilespmem:$0x1FF40];
	v42 =	vmul.f32 v29, v41;
	v6 =	vadd.f32 v54, v6  }
0x434: {  	[tilespmem:s23+$0x630] =	vst v3;
	v54 =	vld [tilespmem:s23+$0x640]  }
0x435: {  	v6 =	vadd.f32 v42, v6;
	v42 =	vld [tilespmem:$0x1FF50]  }
0x436: {  	v30 =	vld [tilespmem:$0x12430]  }
0x437: {  	v29 =	vld [tilespmem:$0x125C0]  }
0x438: {  	v43 =	vadd.f32 v41, v13;
	v40 =	vmul.f32 v47, v33;
	v47 =	vld [tilespmem:$0x122C0]  }
0x439: {  	v14 =	vadd.f32 v21, v24;
	v19 =	vmul.f32 v19, v10;
	v41 =	vld [tilespmem:$0x12730];
	v13 =	vsub.f32 v54, v7  }
0x43a: {  	v3 =	vadd.f32 v20, v11;
	v12 =	vadd.f32 v33, v43;
	v43 =	vmul.f32 v48, v42;
	v48 =	vld [tilespmem:$0x1FF60]  }
0x43b: {  	v24 =	vld [tilespmem:s25+$0xA00];
	[tilespmem:s25+$0x670] =	vst v14;
	v13 =	vmul.f32 v13, v8  }
0x43c: {  	v54 =	vmul.f32 v19, v30;
	v33 =	vld [tilespmem:$0x1FF70];
	[tilespmem:s24+$0x1270] =	vst v3  }
0x43d: {  	v12 =	vadd.f32 v42, v12;
	v13 =	vmul.f32 v13, v47;
	v42 =	vld [tilespmem:$0x1FF80]  }
0x43e: {  	v6 =	vadd.f32 v40, v6;
	v30 =	vld [tilespmem:s26+$0x1240];
	v11 =	vadd.f32 v54, v41  }
0x43f: {  	v41 =	vld [tilespmem:s31+$0xCA00];
	v27 =	vmul.f32 v27, v48;
	v12 =	vadd.f32 v48, v12;
	v48 =	vadd.f32 v13, v29  }
0x440: {  	v6 =	vadd.f32 v43, v6;
	v20 =	vld [tilespmem:s30+$0xD600];
	[tilespmem:s26+$0x1230] =	vst v11  }
0x441: {  	v47 =	vld [tilespmem:s23+$0x650];
	v40 =	vadd.f32 v33, v12;
	[tilespmem:s23+$0x640] =	vst v48  }
0x442: {  	v39 =	vmul.f32 v39, v33;
	v6 =	vadd.f32 v27, v6;
	v43 =	vmul.f32 v38, v42;
	v38 =	vld [tilespmem:$0x1FE10]  }
0x443: {  	v54 =	vld [tilespmem:$0x12440];
	v4 =	vadd.f32 v42, v40  }
0x444: {  	v19 =	vsub.f32 v30, v9;
	v33 =	vmul.f32 v36, v46;
	v36 =	vld [tilespmem:$0x12740];
	v6 =	vadd.f32 v39, v6  }
0x445: {  	v15 =	vadd.f32 v41, v24;
	v41 =	vld [tilespmem:$0x122D0];
	v4 =	vadd.f32 v46, v4  }
0x446: {  	v19 =	vmul.f32 v19, v10;
	v5 =	vsub.f32 v47, v7;
	v42 =	vld [tilespmem:$0x1FE20];
	v6 =	vadd.f32 v43, v6  }
0x447: {  	v23 =	vld [tilespmem:s24+$0x1610];
	v40 =	vadd.f32 v38, v4;
	v4 =	vadd.f32 v20, v25  }
0x448: {  	v13 =	vmul.f32 v19, v54;
	[tilespmem:s25+$0xA00] =	vst v15;
	v46 =	vld [tilespmem:$0x125D0]  }
0x449: {  	v47 =	vld [tilespmem:s26+$0x1250];
	v5 =	vmul.f32 v5, v8;
	v6 =	vadd.f32 v33, v6;
	v39 =	vmul.f32 v38, v38;
	[tilespmem:s24+$0x1600] =	vst v4  }
0x44a: {  	v13 =	vadd.f32 v13, v36;
	v29 =	vld [tilespmem:$0x1FE30]  }
0x44b: {  	v27 =	vld [tilespmem:s25+$0xA10];
	v5 =	vmul.f32 v5, v41;
	v43 =	vmul.f32 v42, v42;
	v6 =	vadd.f32 v39, v6  }
0x44c: {  	v33 =	vld [tilespmem:s23+$0x660];
	v12 =	vadd.f32 v42, v40  }
0x44d: {  	v48 =	vmul.f32 v49, v49;
	v54 =	vld [tilespmem:s30+$0xD610];
	[tilespmem:s26+$0x1240] =	vst v13;
	v5 =	vadd.f32 v5, v46;
	v6 =	vadd.f32 v43, v6  }
0x44e: {  	v12 =	vadd.f32 v49, v12;
	v36 =	vld [tilespmem:$0x12450]  }
0x44f: {  	v20 =	vsub.f32 v47, v9;
	v39 =	vld [tilespmem:$0x12750];
	[tilespmem:s23+$0x650] =	vst v5;
	v6 =	vadd.f32 v48, v6;
	v30 =	vmul.f32 v29, v29  }
0x450: {  	v38 =	vmul.f32 v32, v32;
	v42 =	vld [tilespmem:$0x122E0];
	v12 =	vadd.f32 v29, v12  }
0x451: {  	v20 =	vmul.f32 v20, v10;
	v49 =	vld [tilespmem:s31+$0xCA10];
	v13 =	vsub.f32 v33, v7;
	v6 =	vadd.f32 v30, v6  }
0x452: {  	v40 =	vmul.f32 v35, v35;
	v47 =	vld [tilespmem:$0x125E0];
	v5 =	vadd.f32 v54, v23;
	v12 =	vadd.f32 v32, v12  }
0x453: {  	v43 =	vld [tilespmem:s24+$0x1620];
	v13 =	vmul.f32 v13, v8;
	v20 =	vmul.f32 v20, v36;
	v6 =	vadd.f32 v38, v6  }
0x454: {  	v46 =	vmul.f32 v37, v37;
	v33 =	vld [tilespmem:s26+$0x1260];
	[tilespmem:s24+$0x1610] =	vst v5;
	v41 =	vadd.f32 v35, v12  }
0x455: {  	v48 =	vld [tilespmem:s30+$0xD620];
	v20 =	vadd.f32 v20, v39;
	v12 =	vmul.f32 v13, v42;
	v6 =	vadd.f32 v40, v6  }
0x456: {  	v19 =	vadd.f32 v49, v27;
	v36 =	vld [tilespmem:s23+$0x670];
	v11 =	vadd.f32 v37, v41  }
0x457: {  	v54 =	vld [tilespmem:s25+$0xA20];
	v49 =	vmul.f32 v45, v45;
	[tilespmem:s26+$0x1250] =	vst v20;
	v12 =	vadd.f32 v12, v47;
	v6 =	vadd.f32 v46, v6  }
0x458: {  	v39 =	vld [tilespmem:$0x12460];
	v11 =	vadd.f32 v45, v11  }
0x459: {  	v29 =	vsub.f32 v33, v9;
	v35 =	vmul.f32 v53, v53;
	v40 =	vld [tilespmem:s24+$0x1630];
	[tilespmem:s23+$0x660] =	vst v12;
	v6 =	vadd.f32 v49, v6  }
0x45a: {  	v23 =	vadd.f32 v48, v43;
	v12 =	vld [tilespmem:$0x122F0];
	v11 =	vadd.f32 v53, v11  }
0x45b: {  	v38 =	vmul.f32 v56, v56;
	v13 =	vsub.f32 v36, v7;
	v46 =	vld [tilespmem:$0x12760];
	v6 =	vadd.f32 v35, v6  }
0x45c: {  	v48 =	vmul.f32 v29, v10;
	v45 =	vld [tilespmem:$0x125F0];
	[tilespmem:s24+$0x1620] =	vst v23;
	v11 =	vadd.f32 v56, v11  }
0x45d: {  	[tilespmem:s25+$0xA10] =	vst v19;
	v41 =	vmul.f32 v58, v58;
	v13 =	vmul.f32 v13, v8;
	v43 =	vld [tilespmem:s30+$0xD630];
	v6 =	vadd.f32 v38, v6  }
0x45e: {  	v37 =	vld [tilespmem:s31+$0xCA20];
	v56 =	vmul.f32 v48, v39;
	v11 =	vadd.f32 v58, v11  }
0x45f: {  	v42 =	vmul.f32 v60, v60;
	v49 =	vld [tilespmem:s25+$0xA30];
	v12 =	vmul.f32 v13, v12;
	v6 =	vadd.f32 v41, v6  }
0x460: {  	v58 =	vld [tilespmem:s23+$0xA00];
	v13 =	vadd.f32 v56, v46;
	v11 =	vadd.f32 v60, v11  }
0x461: {  	v47 =	vmul.f32 v61, v61;
	v53 =	vld [tilespmem:s26+$0x1270];
	v12 =	vadd.f32 v12, v45;
	v6 =	vadd.f32 v42, v6  }
0x462: {  	v21 =	vadd.f32 v43, v40;
	v60 =	vld [tilespmem:s24+$0x1640];
	[tilespmem:s26+$0x1260] =	vst v13;
	v11 =	vadd.f32 v61, v11  }
0x463: {  	v20 =	vadd.f32 v37, v54;
	v54 =	vmul.f32 v63, v63;
	v13 =	vld [tilespmem:$0x12470];
	[tilespmem:s23+$0x670] =	vst v12;
	v6 =	vadd.f32 v47, v6  }
0x464: {  	[tilespmem:s24+$0x1630] =	vst v21;
	v12 =	vld [tilespmem:$0x12300];
	v11 =	vadd.f32 v63, v11  }
0x465: {  	v61 =	vmul.f32 v0, v0;
	v36 =	vld [tilespmem:s30+$0xD640];
	v24 =	vsub.f32 v58, v7;
	v6 =	vadd.f32 v54, v6  }
0x466: {  	[tilespmem:s25+$0xA20] =	vst v20;
	v38 =	vld [tilespmem:$0x12600];
	v33 =	vadd.f32 v0, v11  }
0x467: {  	v35 =	vmul.f32 v51, v51;
	v63 =	vld [tilespmem:s31+$0xCA30];
	v24 =	vmul.f32 v24, v8;
	v6 =	vadd.f32 v61, v6  }
0x468: {  	v46 =	vld [tilespmem:s23+$0xA10];
	v30 =	vsub.f32 v53, v9;
	v0 =	vadd.f32 v51, v33  }
0x469: {  	v37 =	vmul.f32 v31, v31;
	v39 =	vld [tilespmem:$0x12770];
	v12 =	vmul.f32 v24, v12;
	v6 =	vadd.f32 v35, v6  }
0x46a: {  	v41 =	vld [tilespmem:s25+$0xA40];
	v30 =	vmul.f32 v30, v10;
	v25 =	vadd.f32 v36, v60;
	v0 =	vadd.f32 v31, v0  }
0x46b: {  	v40 =	vmul.f32 v28, v28;
	v43 =	vld [tilespmem:s24+$0x1650];
	v12 =	vadd.f32 v12, v38;
	v6 =	vadd.f32 v37, v6  }
0x46c: {  	v13 =	vmul.f32 v30, v13;
	v36 =	vld [tilespmem:s24+$0x1660];
	[tilespmem:s24+$0x1640] =	vst v25;
	v28 =	vadd.f32 v28, v0;
	v0 =	vadd.f32 v63, v49  }
0x46d: {  	v42 =	vmul.f32 v26, v26;
	v48 =	vld [tilespmem:s30+$0xD650];
	[tilespmem:s23+$0xA00] =	vst v12;
	v6 =	vadd.f32 v40, v6  }
0x46e: {  	v13 =	vadd.f32 v13, v39;
	v56 =	vld [tilespmem:$0x12310];
	v45 =	vadd.f32 v26, v28;
	[tilespmem:s25+$0xA30] =	vst v0  }
0x46f: {  	v47 =	vmul.f32 v34, v34;
	v61 =	vsub.f32 v46, v7;
	v51 =	vld [tilespmem:s31+$0xCA40];
	v6 =	vadd.f32 v42, v6  }
0x470: {  	[tilespmem:s26+$0x1270] =	vst v13;
	v63 =	vld [tilespmem:$0x12610];
	v24 =	vadd.f32 v34, v45  }
0x471: {  	v53 =	vmul.f32 v22, v22;
	v58 =	vld [tilespmem:$0x12480];
	v34 =	vmul.f32 v61, v8;
	v6 =	vadd.f32 v47, v6  }
0x472: {  	v49 =	vld [tilespmem:s26+$0x1600];
	v54 =	vadd.f32 v22, v24  }
0x473: {  	v37 =	vld [tilespmem:s25+$0xA50];
	v26 =	vadd.f32 v48, v43;
	v40 =	vmul.f32 v34, v56;
	v6 =	vadd.f32 v53, v6  }
0x474: {  	v60 =	vmul.f32 v1, v1;
	v42 =	vld [tilespmem:s23+$0xA20];
	v1 =	vadd.f32 v1, v54;
	v22 =	vadd.f32 v51, v41  }
0x475: {  	v48 =	vld [tilespmem:$0x12780];
	[tilespmem:s24+$0x1650] =	vst v26;
	v45 =	vadd.f32 v40, v63  }
0x476: {  	v33 =	vmul.f32 v3, v3;
	v41 =	vld [tilespmem:s30+$0xD660];
	v6 =	vadd.f32 v60, v6;
	v1 =	vadd.f32 v3, v1;
	[tilespmem:s25+$0xA40] =	vst v22  }
0x477: {  	v47 =	vsub.f32 v49, v9;
	[tilespmem:s23+$0xA10] =	vst v45;
	v43 =	vld [tilespmem:s31+$0xCA50]  }
0x478: {  	v39 =	vmul.f32 v4, v4;
	v53 =	vld [tilespmem:$0x12320];
	v38 =	vadd.f32 v33, v6;
	v1 =	vadd.f32 v4, v1  }
0x479: {  	v51 =	vmul.f32 v47, v10;
	v27 =	vsub.f32 v42, v7  }
0x47a: {  	v46 =	vmul.f32 v5, v5;
	v56 =	vld [tilespmem:$0x12620];
	v3 =	vadd.f32 v39, v38;
	v1 =	vadd.f32 v5, v1  }
0x47b: {  	v29 =	vld [tilespmem:s25+$0xA60];
	v11 =	vmul.f32 v51, v58;
	v58 =	vmul.f32 v27, v8;
	v13 =	vadd.f32 v41, v36  }
0x47c: {  	v49 =	vmul.f32 v23, v23;
	v63 =	vld [tilespmem:s26+$0x1610];
	v3 =	vadd.f32 v46, v3;
	v1 =	vadd.f32 v23, v1  }
0x47d: {  	v31 =	vld [tilespmem:s23+$0xA30];
	v5 =	vadd.f32 v11, v48;
	v23 =	vadd.f32 v43, v37;
	v12 =	vmul.f32 v58, v53  }
0x47e: {  	v54 =	vmul.f32 v21, v21;
	v47 =	vld [tilespmem:s23+$0xA40];
	[tilespmem:s24+$0x1660] =	vst v13;
	v3 =	vadd.f32 v49, v3;
	v1 =	vadd.f32 v21, v1  }
0x47f: {  	v61 =	vld [tilespmem:s30+$0xD670];
	[tilespmem:s25+$0xA50] =	vst v23;
	v4 =	vadd.f32 v12, v56  }
0x480: {  	v60 =	vmul.f32 v25, v25;
	[tilespmem:s26+$0x1600] =	vst v5;
	v32 =	vld [tilespmem:s31+$0xCA60];
	v3 =	vadd.f32 v54, v3;
	v1 =	vadd.f32 v25, v1  }
0x481: {  	v35 =	vsub.f32 v63, v9;
	v33 =	vld [tilespmem:$0x12490];
	[tilespmem:s23+$0xA20] =	vst v4  }
0x482: {  	v30 =	vmul.f32 v26, v26;
	v37 =	vld [tilespmem:$0x12330];
	v3 =	vadd.f32 v60, v3;
	v1 =	vadd.f32 v26, v1  }
0x483: {  	v34 =	vmul.f32 v13, v13;
	v36 =	vld [tilespmem:$0x12790];
	v21 =	vsub.f32 v31, v7  }
0x484: {  	v24 =	vmul.f32 v35, v10;
	v39 =	vld [tilespmem:$0x12630];
	v3 =	vadd.f32 v30, v3;
	v13 =	vadd.f32 v13, v1  }
0x485: {  	v21 =	vmul.f32 v21, v8;
	v43 =	vld [tilespmem:$0x1FFF0];
	v1 =	vadd.f32 v61, v44;
	v4 =	vadd.f32 v32, v29  }
0x486: {  	v46 =	vld [tilespmem:s25+$0xA70];
	v6 =	vmul.f32 v24, v33  }
0x487: {  	v44 =	vld [tilespmem:s26+$0x1620];
	v3 =	vadd.f32 v34, v3;
	v38 =	vmul.f32 v1, v1;
	[tilespmem:s25+$0xA60] =	vst v4;
	v12 =	vmul.f32 v21, v37  }
0x488: {  	v6 =	vadd.f32 v6, v36;
	v13 =	vadd.f32 v1, v13;
	v51 =	vld [tilespmem:$0x1FFE0]  }
0x489: {  	v49 =	vld [tilespmem:s31+$0xCA70];
	v3 =	vadd.f32 v38, v3;
	v5 =	vadd.f32 v12, v39  }
0x48a: {  	[tilespmem:s26+$0x1610] =	vst v6;
	v42 =	vperm.xlane v13, v43  }
0x48b: {  	v53 =	vld [tilespmem:$0x124A0];
	v45 =	vperm.xlane v3, v43;
	[tilespmem:s23+$0xA30] =	vst v5  }
0x48c: {  	v11 =	vadd.f32 v42, v13;
	v60 =	vld [tilespmem:$0x12340]  }
0x48d: {  	v56 =	vsub.f32 v44, v9;
	v42 =	vld [tilespmem:$0x1FFC0];
	v3 =	vadd.f32 v45, v3  }
0x48e: {  	v26 =	vsub.f32 v47, v7;
	v34 =	vld [tilespmem:s25+$0xE00];
	v48 =	vperm.xlane v11, v51;
	v5 =	vadd.f32 v49, v46  }
0x48f: {  	v63 =	vmul.f32 v56, v10;
	v32 =	vld [tilespmem:$0x12640];
	v54 =	vperm.xlane v3, v51  }
0x490: {  	v26 =	vmul.f32 v26, v8;
	v58 =	vld [tilespmem:$0x127A0];
	v11 =	vadd.f32 v48, v11;
	[tilespmem:s25+$0xA70] =	vst v5  }
0x491: {  	v12 =	vmul.f32 v63, v53;
	v53 =	vld [tilespmem:$0x1FFD0];
	v3 =	vadd.f32 v54, v3  }
0x492: {  	v37 =	vld [tilespmem:s31+$0xCE00];
	v61 =	vperm.xlane v11, v42;
	v26 =	vmul.f32 v26, v60  }
0x493: {  	v38 =	vld [tilespmem:s23+$0xA50];
	v33 =	vperm.xlane v3, v42  }
0x494: {  	v11 =	vadd.f32 v61, v11;
	v6 =	vadd.f32 v26, v32  }
0x495: {  	v35 =	vld [tilespmem:s26+$0x1630];
	v12 =	vadd.f32 v12, v58;
	v3 =	vadd.f32 v33, v3  }
0x496: {  	v45 =	vld [tilespmem:s25+$0xE10];
	v36 =	vperm.xlane v11, v53;
	[tilespmem:s23+$0xA40] =	vst v6  }
0x497: {  	[tilespmem:s26+$0x1620] =	vst v12;
	v25 =	vadd.f32 v37, v34;
	v6 =	vld [tilespmem:$0x12350];
	v39 =	vperm.xlane v3, v53  }
0x498: {  	v27 =	vsub.f32 v38, v7;
	v12 =	vld [tilespmem:$0x124B0];
	v11 =	vadd.f32 v36, v11  }
0x499: {  	v46 =	vld [tilespmem:$0x12650];
	[tilespmem:s25+$0xE00] =	vst v25;
	v3 =	vadd.f32 v39, v3  }
0x49a: {  	v48 =	vmul.f32 v27, v8;
	v47 =	vld [tilespmem:s31+$0xCE10];
	v11 =	vmul.f32 $1.302083370e-03, v11  }
0x49b: {  	v40 =	vsub.f32 v35, v9;
	v3 =	vmul.f32 $1.302083370e-03, v3  }
0x49c: {  	v44 =	vmul.f32 v11, v11;
	v6 =	vmul.f32 v48, v6  }
0x49d: {  	v13 =	vmul.f32 v40, v10;
	v41 =	vld [tilespmem:$0x127B0]  }
0x49e: {  	v54 =	vld [tilespmem:s23+$0xA60];
	v3 =	vsub.f32 v3, v44;
	v6 =	vadd.f32 v6, v46  }
0x49f: {  	v49 =	vld [tilespmem:s26+$0x1640];
	v12 =	vmul.f32 v13, v12;
	v13 =	vadd.f32 v47, v45  }
0x4a0: {  	v63 =	vld [tilespmem:s25+$0xE20];
	v3 =	vadd.f32 $9.999999960e-13, v3;
	[tilespmem:s23+$0xA50] =	vst v6  }
0x4a1: {  	[tilespmem:s25+$0xE10] =	vst v13;
	v6 =	vld [tilespmem:$0x12360]  }
0x4a2: {  	v12 =	vadd.f32 v12, v41;
	v36 =	vld [tilespmem:s31+$0xCE20];
	v56 =	vshra.s32 v3, $0x1;
	v3 =	vmul.f32 $5.000000000e-01, v3  }
0x4a3: {  	v24 =	vsub.f32 v54, v7;
	v58 =	vsub.s32 $0x5F3759DF, v56  }
0x4a4: {  	[tilespmem:s26+$0x1630] =	vst v12;
	v37 =	vld [tilespmem:$0x12660];
	v61 =	vmul.f32 v58, v3  }
0x4a5: {  	v24 =	vmul.f32 v24, v8;
	v60 =	vld [tilespmem:$0x124C0]  }
0x4a6: {  	v40 =	vld [tilespmem:s23+$0xA70];
	v27 =	vsub.f32 v49, v9;
	v28 =	vmul.f32 v58, v61  }
0x4a7: {  	v38 =	vld [tilespmem:$0x127C0];
	v6 =	vmul.f32 v24, v6;
	v26 =	vadd.f32 v36, v63  }
0x4a8: {  	v27 =	vmul.f32 v27, v10;
	v41 =	vld [tilespmem:s25+$0xE30];
	v28 =	vsub.f32 $1.500000000e+00, v28  }
0x4a9: {  	v44 =	vld [tilespmem:s26+$0x1650];
	v6 =	vadd.f32 v6, v37;
	[tilespmem:s25+$0xE20] =	vst v26  }
0x4aa: {  	v39 =	vmul.f32 v27, v60;
	v45 =	vld [tilespmem:s31+$0xCE30];
	v12 =	vmul.f32 v58, v28  }
0x4ab: {  	v56 =	vld [tilespmem:s25+$0xE40];
	[tilespmem:s23+$0xA60] =	vst v6  }
0x4ac: {  	v24 =	vadd.f32 v39, v38;
	v6 =	vld [tilespmem:$0x12370];
	v28 =	vmul.f32 v12, v3  }
0x4ad: {  	v27 =	vsub.f32 v40, v7;
	v60 =	vld [tilespmem:s23+$0xE00]  }
0x4ae: {  	[tilespmem:s26+$0x1640] =	vst v24;
	v48 =	vld [tilespmem:$0x12670];
	v28 =	vmul.f32 v28, v12  }
0x4af: {  	v54 =	vmul.f32 v27, v8;
	v47 =	vld [tilespmem:$0x124D0];
	v27 =	vadd.f32 v45, v41  }
0x4b0: {  	v30 =	vsub.f32 v44, v9;
	v61 =	vld [tilespmem:s26+$0x1660];
	v46 =	vsub.f32 $1.500000000e+00, v28  }
0x4b1: {  	v49 =	vld [tilespmem:$0x127D0];
	v6 =	vmul.f32 v54, v6;
	[tilespmem:s25+$0xE30] =	vst v27  }
0x4b2: {  	[tilespmem:s24+$0x1670] =	vst v1;
	v30 =	vmul.f32 v30, v10;
	v63 =	vld [tilespmem:s31+$0xCE40];
	v12 =	vmul.f32 v46, v12  }
0x4b3: {  	v36 =	vld [tilespmem:$0x12200];
	v6 =	vadd.f32 v6, v48  }
0x4b4: {  	v58 =	vld [tilespmem:s24+$0x200];
	v28 =	vmul.f32 v30, v47;
	v3 =	vmul.f32 v12, v3  }
0x4b5: {  	v46 =	vld [tilespmem:s25+$0xE50];
	[tilespmem:s23+$0xA70] =	vst v6  }
0x4b6: {  	v24 =	vadd.f32 v28, v49;
	v38 =	vld [tilespmem:$0x12380];
	v3 =	vmul.f32 v3, v12  }
0x4b7: {  	v40 =	vsub.f32 v60, v7;
	v49 =	vld [tilespmem:s23+$0xE10];
	v28 =	vadd.f32 v63, v56  }
0x4b8: {  	[tilespmem:s26+$0x1650] =	vst v24;
	v41 =	vld [tilespmem:$0x12680];
	v3 =	vsub.f32 $1.500000000e+00, v3  }
0x4b9: {  	v45 =	vmul.f32 v40, v8;
	v44 =	vld [tilespmem:$0x124E0];
	[tilespmem:s25+$0xE40] =	vst v28  }
0x4ba: {  	v37 =	vsub.f32 v58, v11;
	v58 =	vld [tilespmem:s31+$0xCE50];
	v12 =	vmul.f32 v3, v12  }
0x4bb: {  	v56 =	vsub.f32 v61, v9;
	v48 =	vmul.f32 v45, v38  }
0x4bc: {  	v39 =	vld [tilespmem:$0x12500];
	v3 =	vmul.f32 v12, v37  }
0x4bd: {  	v29 =	vsub.f32 v49, v7;
	v60 =	vmul.f32 v56, v10;
	v6 =	vadd.f32 v48, v41  }
0x4be: {  	v21 =	vld [tilespmem:s25+$0x1670];
	v3 =	vmul.f32 v3, v36  }
0x4bf: {  	v47 =	vld [tilespmem:s24+$0x210];
	[tilespmem:s23+$0xE00] =	vst v6;
	v6 =	vmul.f32 v60, v44;
	v44 =	vmul.f32 v29, v8;
	v29 =	vadd.f32 v58, v46  }
0x4c0: {  	v54 =	vld [tilespmem:$0x127E0]  }
0x4c1: {  	v45 =	vld [tilespmem:s25+$0xE60];
	v3 =	vadd.f32 v3, v39;
	[tilespmem:s25+$0xE50] =	vst v29  }
0x4c2: {  	v49 =	vld [tilespmem:s31+$0xCE60]  }
0x4c3: {  	v61 =	vld [tilespmem:$0x12390];
	[tilespmem:s24+$0x200] =	vst v3  }
0x4c4: {  	v3 =	vld [tilespmem:$0x12210]  }
0x4c5: {  	v1 =	vsub.f32 v47, v11;
	v40 =	vld [tilespmem:$0x12690]  }
0x4c6: {  	v63 =	vld [tilespmem:$0x12510]  }
0x4c7: {  	v47 =	vld [tilespmem:s23+$0xE20];
	v1 =	vmul.f32 v12, v1;
	v30 =	vadd.f32 v49, v45  }
0x4c8: {  	v38 =	vld [tilespmem:s25+$0x1200];
	v24 =	vmul.f32 v44, v61  }
0x4c9: {  	v46 =	vld [tilespmem:s24+$0x220];
	v1 =	vmul.f32 v1, v3;
	[tilespmem:s25+$0xE60] =	vst v30  }
0x4ca: {  	v24 =	vadd.f32 v24, v40;
	v36 =	vld [tilespmem:s31+$0xCE70]  }
0x4cb: {  	v6 =	vadd.f32 v6, v54;
	v1 =	vadd.f32 v1, v63;
	v63 =	vld [tilespmem:s25+$0xE70]  }
0x4cc: {  	v41 =	vld [tilespmem:s26+$0x1670];
	[tilespmem:s23+$0xE10] =	vst v24  }
0x4cd: {  	[tilespmem:s26+$0x1660] =	vst v6;
	v24 =	vld [tilespmem:$0x123A0]  }
0x4ce: {  	v6 =	vsub.f32 v47, v7;
	v56 =	vld [tilespmem:$0x126A0];
	[tilespmem:s24+$0x210] =	vst v1  }
0x4cf: {  	v1 =	vld [tilespmem:$0x12220]  }
0x4d0: {  	v48 =	vld [tilespmem:$0x124F0];
	v6 =	vmul.f32 v6, v8;
	v3 =	vsub.f32 v46, v11;
	v35 =	vadd.f32 v36, v63  }
0x4d1: {  	v58 =	vsub.f32 v41, v9;
	v54 =	vld [tilespmem:$0x12520]  }
0x4d2: {  	v60 =	vld [tilespmem:$0x127F0];
	v3 =	vmul.f32 v12, v3;
	v24 =	vmul.f32 v6, v24;
	[tilespmem:s25+$0xE70] =	vst v35  }
0x4d3: {  	v61 =	vmul.f32 v58, v10;
	v39 =	vld [tilespmem:s31+$0xD200]  }
0x4d4: {  	v9 =	vld [tilespmem:s23+$0xE30];
	v24 =	vadd.f32 v24, v56;
	v1 =	vmul.f32 v3, v1  }
0x4d5: {  	v40 =	vld [tilespmem:s25+$0x1210];
	v3 =	vmul.f32 v61, v48  }
0x4d6: {  	v6 =	vld [tilespmem:s24+$0x230];
	[tilespmem:s23+$0xE20] =	vst v24;
	v1 =	vadd.f32 v1, v54  }
0x4d7: {  	v37 =	vadd.f32 v3, v60;
	v3 =	vld [tilespmem:$0x123B0]  }
0x4d8: {  	[tilespmem:s24+$0x220] =	vst v1;
	v1 =	vld [tilespmem:$0x126B0];
	v31 =	vadd.f32 v39, v38  }
0x4d9: {  	[tilespmem:s26+$0x1670] =	vst v37;
	v10 =	vld [tilespmem:$0x12230]  }
0x4da: {  	v24 =	vld [tilespmem:$0x12530];
	[tilespmem:s25+$0x1200] =	vst v31  }
0x4db: {  	v41 =	vld [tilespmem:s31+$0xD210];
	_ =	sdelay $0x4  }
0x4dc: {  	v32 =	vadd.f32 v41, v40;
	_ =	sdelay $0x1  }
0x4dd: {  	v44 =	vld [tilespmem:s25+$0x1220];
	[tilespmem:s25+$0x1210] =	vst v32  }
0x4de: {  	v45 =	vld [tilespmem:s31+$0xD220];
	_ =	sdelay $0x4  }
0x4df: {  	v36 =	vadd.f32 v45, v44;
	_ =	sdelay $0x1  }
0x4e0: {  	v46 =	vld [tilespmem:s25+$0x1230];
	[tilespmem:s25+$0x1220] =	vst v36  }
0x4e1: {  	v47 =	vld [tilespmem:s31+$0xD230];
	_ =	sdelay $0x4  }
0x4e2: {  	v34 =	vadd.f32 v47, v46;
	_ =	sdelay $0x1  }
0x4e3: {  	v48 =	vld [tilespmem:s25+$0x1240];
	[tilespmem:s25+$0x1230] =	vst v34  }
0x4e4: {  	v49 =	vld [tilespmem:s31+$0xD240]  }
0x4e5: {  	v54 =	vld [tilespmem:$0x1FE40];
	_ =	sdelay $0x4  }
0x4e6: {  	v56 =	vadd.f32 $0.0e+00, v54;
	v33 =	vadd.f32 v49, v48  }
0x4e7: {  	v58 =	vmul.f32 v55, v55;
	v39 =	vmul.f32 v54, v54  }
0x4e8: {  	v63 =	vld [tilespmem:s25+$0x1250];
	v38 =	vadd.f32 v55, v56;
	[tilespmem:s25+$0x1240] =	vst v33  }
0x4e9: {  	v60 =	vmul.f32 v57, v57;
	v39 =	vadd.f32 v58, v39;
	v45 =	vld [tilespmem:s31+$0xD250]  }
0x4ea: {  	v61 =	vadd.f32 v57, v38  }
0x4eb: {  	v44 =	vmul.f32 v59, v59;
	v39 =	vadd.f32 v60, v39  }
0x4ec: {  	v37 =	vadd.f32 v59, v61  }
0x4ed: {  	v39 =	vadd.f32 v44, v39  }
0x4ee: {  	v46 =	vmul.f32 v62, v62;
	v37 =	vadd.f32 v62, v37;
	v38 =	vadd.f32 v45, v63;
	_ =	sdelay $0x1  }
0x4ef: {  	v47 =	vmul.f32 v16, v16;
	v39 =	vadd.f32 v46, v39;
	v48 =	vadd.f32 v16, v37;
	[tilespmem:s25+$0x1250] =	vst v38  }
0x4f0: {  	v58 =	vld [tilespmem:$0x1FDA0]  }
0x4f1: {  	v54 =	vmul.f32 v17, v17;
	v55 =	vld [tilespmem:s25+$0x1260];
	v49 =	vadd.f32 v47, v39;
	v16 =	vadd.f32 v17, v48  }
0x4f2: {  	v60 =	vld [tilespmem:$0x1FDB0]  }
0x4f3: {  	v56 =	vmul.f32 v18, v18;
	v57 =	vld [tilespmem:s31+$0xD260];
	v37 =	vadd.f32 v54, v49;
	v16 =	vadd.f32 v18, v16  }
0x4f4: {  	v62 =	vld [tilespmem:$0x1FDC0]  }
0x4f5: {  	v37 =	vadd.f32 v56, v37;
	v59 =	vmul.f32 v58, v58;
	v16 =	vadd.f32 v58, v16  }
0x4f6: {  	v45 =	vld [tilespmem:$0x1FDD0]  }
0x4f7: {  	v61 =	vmul.f32 v60, v60;
	v37 =	vadd.f32 v59, v37;
	v16 =	vadd.f32 v60, v16  }
0x4f8: {  	v17 =	vadd.f32 v57, v55  }
0x4f9: {  	v63 =	vmul.f32 v62, v62;
	v37 =	vadd.f32 v61, v37;
	v16 =	vadd.f32 v62, v16  }
0x4fa: {  	v44 =	vld [tilespmem:s25+$0x1270];
	[tilespmem:s25+$0x1260] =	vst v17  }
0x4fb: {  	v46 =	vmul.f32 v45, v45;
	v47 =	vld [tilespmem:s31+$0xD270];
	v37 =	vadd.f32 v63, v37;
	v16 =	vadd.f32 v45, v16;
	_ =	sdelay $0x1  }
0x4fc: {  	v48 =	vmul.f32 v50, v50;
	v37 =	vadd.f32 v46, v37;
	v16 =	vadd.f32 v50, v16;
	_ =	sdelay $0x1  }
0x4fd: {  	v49 =	vmul.f32 v52, v52;
	v37 =	vadd.f32 v48, v37;
	v16 =	vadd.f32 v52, v16  }
0x4fe: {  	v18 =	vadd.f32 v47, v44  }
0x4ff: {  	v50 =	vmul.f32 v2, v2;
	v37 =	vadd.f32 v49, v37;
	v2 =	vadd.f32 v2, v16  }
0x500: {  	v52 =	vld [tilespmem:s25+$0x1600];
	[tilespmem:s25+$0x1270] =	vst v18  }
0x501: {  	v54 =	vmul.f32 v14, v14;
	v55 =	vld [tilespmem:s31+$0xD600];
	v37 =	vadd.f32 v50, v37;
	v2 =	vadd.f32 v14, v2;
	_ =	sdelay $0x1  }
0x502: {  	v56 =	vmul.f32 v15, v15;
	v37 =	vadd.f32 v54, v37;
	v2 =	vadd.f32 v15, v2;
	_ =	sdelay $0x1  }
0x503: {  	v58 =	vmul.f32 v19, v19;
	v57 =	vadd.f32 v56, v37;
	v2 =	vadd.f32 v19, v2  }
0x504: {  	v14 =	vadd.f32 v55, v52  }
0x505: {  	v59 =	vmul.f32 v20, v20;
	v15 =	vadd.f32 v58, v57;
	v2 =	vadd.f32 v20, v2  }
0x506: {  	v60 =	vld [tilespmem:s25+$0x1610];
	[tilespmem:s25+$0x1600] =	vst v14  }
0x507: {  	v61 =	vmul.f32 v0, v0;
	v62 =	vld [tilespmem:s31+$0xD610];
	v15 =	vadd.f32 v59, v15;
	v0 =	vadd.f32 v0, v2;
	_ =	sdelay $0x1  }
0x508: {  	v63 =	vmul.f32 v22, v22;
	v15 =	vadd.f32 v61, v15;
	v0 =	vadd.f32 v22, v0;
	_ =	sdelay $0x1  }
0x509: {  	v22 =	vmul.f32 v23, v23;
	v15 =	vadd.f32 v63, v15;
	v0 =	vadd.f32 v23, v0  }
0x50a: {  	v2 =	vadd.f32 v62, v60  }
0x50b: {  	v37 =	vmul.f32 v4, v4;
	v15 =	vadd.f32 v22, v15;
	v0 =	vadd.f32 v4, v0  }
0x50c: {  	v39 =	vld [tilespmem:s25+$0x1620];
	[tilespmem:s25+$0x1610] =	vst v2  }
0x50d: {  	v40 =	vmul.f32 v5, v5;
	v41 =	vld [tilespmem:s31+$0xD620];
	v15 =	vadd.f32 v37, v15;
	v0 =	vadd.f32 v5, v0;
	_ =	sdelay $0x1  }
0x50e: {  	v44 =	vmul.f32 v25, v25;
	v15 =	vadd.f32 v40, v15;
	v0 =	vadd.f32 v25, v0;
	_ =	sdelay $0x1  }
0x50f: {  	v45 =	vmul.f32 v13, v13;
	v15 =	vadd.f32 v44, v15;
	v0 =	vadd.f32 v13, v0  }
0x510: {  	v4 =	vadd.f32 v41, v39  }
0x511: {  	v47 =	vmul.f32 v26, v26;
	v46 =	vadd.f32 v45, v15;
	v0 =	vadd.f32 v26, v0  }
0x512: {  	v48 =	vld [tilespmem:s25+$0x1630];
	[tilespmem:s25+$0x1620] =	vst v4  }
0x513: {  	v49 =	vmul.f32 v27, v27;
	v52 =	vld [tilespmem:s31+$0xD630];
	v13 =	vadd.f32 v47, v46;
	v0 =	vadd.f32 v27, v0;
	_ =	sdelay $0x1  }
0x514: {  	v50 =	vmul.f32 v28, v28;
	v13 =	vadd.f32 v49, v13;
	v0 =	vadd.f32 v28, v0;
	_ =	sdelay $0x1  }
0x515: {  	v54 =	vmul.f32 v29, v29;
	v13 =	vadd.f32 v50, v13;
	v0 =	vadd.f32 v29, v0  }
0x516: {  	v5 =	vadd.f32 v52, v48  }
0x517: {  	v55 =	vmul.f32 v30, v30;
	v13 =	vadd.f32 v54, v13;
	v0 =	vadd.f32 v30, v0  }
0x518: {  	v56 =	vld [tilespmem:s25+$0x1640];
	[tilespmem:s25+$0x1630] =	vst v5  }
0x519: {  	v57 =	vmul.f32 v35, v35;
	v59 =	vld [tilespmem:s31+$0xD640];
	v13 =	vadd.f32 v55, v13;
	v0 =	vadd.f32 v35, v0;
	_ =	sdelay $0x1  }
0x51a: {  	v58 =	vmul.f32 v31, v31;
	v13 =	vadd.f32 v57, v13;
	v0 =	vadd.f32 v31, v0;
	_ =	sdelay $0x1  }
0x51b: {  	v60 =	vmul.f32 v32, v32;
	v13 =	vadd.f32 v58, v13;
	v0 =	vadd.f32 v32, v0  }
0x51c: {  	v16 =	vadd.f32 v59, v56  }
0x51d: {  	v61 =	vmul.f32 v36, v36;
	v13 =	vadd.f32 v60, v13;
	v0 =	vadd.f32 v36, v0  }
0x51e: {  	v63 =	vld [tilespmem:s25+$0x1650];
	[tilespmem:s25+$0x1640] =	vst v16  }
0x51f: {  	v62 =	vmul.f32 v34, v34;
	v26 =	vld [tilespmem:s31+$0xD650];
	v13 =	vadd.f32 v61, v13;
	v0 =	vadd.f32 v34, v0;
	_ =	sdelay $0x1  }
0x520: {  	v25 =	vmul.f32 v33, v33;
	v13 =	vadd.f32 v62, v13;
	v0 =	vadd.f32 v33, v0;
	_ =	sdelay $0x1  }
0x521: {  	v27 =	vmul.f32 v38, v38;
	v13 =	vadd.f32 v25, v13;
	v0 =	vadd.f32 v38, v0  }
0x522: {  	v29 =	vadd.f32 v26, v63  }
0x523: {  	v28 =	vmul.f32 v17, v17;
	v13 =	vadd.f32 v27, v13;
	v0 =	vadd.f32 v17, v0  }
0x524: {  	v31 =	vld [tilespmem:s25+$0x1660];
	[tilespmem:s25+$0x1650] =	vst v29  }
0x525: {  	v30 =	vmul.f32 v18, v18;
	v33 =	vld [tilespmem:s31+$0xD660];
	v13 =	vadd.f32 v28, v13;
	v0 =	vadd.f32 v18, v0;
	_ =	sdelay $0x1  }
0x526: {  	v32 =	vmul.f32 v14, v14;
	v13 =	vadd.f32 v30, v13;
	v0 =	vadd.f32 v14, v0;
	_ =	sdelay $0x1  }
0x527: {  	v34 =	vmul.f32 v2, v2;
	v13 =	vadd.f32 v32, v13;
	v0 =	vadd.f32 v2, v0  }
0x528: {  	v37 =	vadd.f32 v33, v31  }
0x529: {  	v36 =	vmul.f32 v4, v4;
	v35 =	vadd.f32 v34, v13;
	v0 =	vadd.f32 v4, v0  }
0x52a: {  	[tilespmem:s25+$0x1660] =	vst v37  }
0x52b: {  	v38 =	vmul.f32 v5, v5;
	v40 =	vld [tilespmem:s31+$0xD670];
	v2 =	vadd.f32 v36, v35;
	v0 =	vadd.f32 v5, v0;
	_ =	sdelay $0x1  }
0x52c: {  	v39 =	vmul.f32 v16, v16;
	v2 =	vadd.f32 v38, v2;
	v0 =	vadd.f32 v16, v0;
	_ =	sdelay $0x1  }
0x52d: {  	v41 =	vmul.f32 v29, v29;
	v2 =	vadd.f32 v39, v2;
	v0 =	vadd.f32 v29, v0  }
0x52e: {  	v44 =	vadd.f32 v40, v21  }
0x52f: {  	v4 =	vmul.f32 v37, v37;
	v2 =	vadd.f32 v41, v2;
	v0 =	vadd.f32 v37, v0;
	_ =	sdelay $0x1  }
0x530: {  	v45 =	vmul.f32 v44, v44;
	v2 =	vadd.f32 v4, v2;
	v0 =	vadd.f32 v44, v0;
	_ =	sdelay $0x1  }
0x531: {  	v2 =	vadd.f32 v45, v2;
	v46 =	vperm.xlane v0, v43;
	_ =	sdelay $0x1  }
0x532: {  	v0 =	vadd.f32 v46, v0;
	v47 =	vperm.xlane v2, v43;
	_ =	sdelay $0x1  }
0x533: {  	v2 =	vadd.f32 v47, v2;
	v48 =	vperm.xlane v0, v51;
	_ =	sdelay $0x1  }
0x534: {  	v0 =	vadd.f32 v48, v0;
	v49 =	vperm.xlane v2, v51;
	_ =	sdelay $0x1  }
0x535: {  	v2 =	vadd.f32 v49, v2;
	v50 =	vperm.xlane v0, v42;
	_ =	sdelay $0x1  }
0x536: {  	v0 =	vadd.f32 v50, v0;
	v52 =	vperm.xlane v2, v42;
	_ =	sdelay $0x1  }
0x537: {  	v2 =	vadd.f32 v52, v2;
	v54 =	vperm.xlane v0, v53;
	_ =	sdelay $0x1  }
0x538: {  	v0 =	vadd.f32 v54, v0;
	v55 =	vperm.xlane v2, v53;
	_ =	sdelay $0x1  }
0x539: {  	v2 =	vadd.f32 v55, v2;
	v0 =	vmul.f32 $1.302083370e-03, v0;
	_ =	sdelay $0x1  }
0x53a: {  	v2 =	vmul.f32 $1.302083370e-03, v2;
	v56 =	vmul.f32 v0, v0;
	_ =	sdelay $0x1  }
0x53b: {  	v2 =	vsub.f32 v2, v56;
	_ =	sdelay $0x1  }
0x53c: {  	v2 =	vadd.f32 $9.999999960e-13, v2;
	_ =	sdelay $0x1  }
0x53d: {  	v57 =	vshra.s32 v2, $0x1;
	v2 =	vmul.f32 $5.000000000e-01, v2  }
0x53e: {  	v4 =	vsub.s32 $0x5F3759DF, v57  }
0x53f: {  	v58 =	vmul.f32 v4, v2;
	_ =	sdelay $0x1  }
0x540: {  	v13 =	vmul.f32 v4, v58;
	_ =	sdelay $0x1  }
0x541: {  	v13 =	vsub.f32 $1.500000000e+00, v13;
	_ =	sdelay $0x1  }
0x542: {  	v4 =	vmul.f32 v4, v13;
	_ =	sdelay $0x1  }
0x543: {  	v13 =	vmul.f32 v4, v2;
	_ =	sdelay $0x1  }
0x544: {  	v13 =	vmul.f32 v13, v4;
	_ =	sdelay $0x1  }
0x545: {  	v13 =	vsub.f32 $1.500000000e+00, v13;
	_ =	sdelay $0x1  }
0x546: {  	v4 =	vmul.f32 v13, v4;
	_ =	sdelay $0x1  }
0x547: {  	v2 =	vmul.f32 v4, v2  }
0x548: {  	v59 =	vld [tilespmem:s25+$0x200]  }
0x549: {  	v2 =	vmul.f32 v2, v4;
	_ =	sdelay $0x1  }
0x54a: {  	[tilespmem:s25+$0x1670] =	vst v44;
	v2 =	vsub.f32 $1.500000000e+00, v2  }
0x54b: {  	v5 =	vld [tilespmem:$0x12200]  }
0x54c: {  	v60 =	vsub.f32 v59, v0;
	v2 =	vmul.f32 v2, v4  }
0x54d: {  	v61 =	vld [tilespmem:$0x12500]  }
0x54e: {  	v4 =	vmul.f32 v2, v60;
	_ =	sdelay $0x1  }
0x54f: {  	v4 =	vmul.f32 v4, v5  }
0x550: {  	v62 =	vld [tilespmem:s25+$0x210]  }
0x551: {  	v4 =	vadd.f32 v4, v61;
	_ =	sdelay $0x1  }
0x552: {  	[tilespmem:s25+$0x200] =	vst v4  }
0x553: {  	v4 =	vld [tilespmem:$0x12210]  }
0x554: {  	v5 =	vsub.f32 v62, v0  }
0x555: {  	v63 =	vld [tilespmem:$0x12510]  }
0x556: {  	v5 =	vmul.f32 v2, v5;
	_ =	sdelay $0x1  }
0x557: {  	v4 =	vmul.f32 v5, v4  }
0x558: {  	v16 =	vld [tilespmem:s25+$0x220]  }
0x559: {  	v4 =	vadd.f32 v4, v63;
	_ =	sdelay $0x1  }
0x55a: {  	[tilespmem:s25+$0x210] =	vst v4  }
0x55b: {  	v4 =	vld [tilespmem:$0x12220]  }
0x55c: {  	v5 =	vsub.f32 v16, v0  }
0x55d: {  	v17 =	vld [tilespmem:$0x12520]  }
0x55e: {  	v5 =	vmul.f32 v2, v5;
	_ =	sdelay $0x1  }
0x55f: {  	v4 =	vmul.f32 v5, v4  }
0x560: {  	v18 =	vld [tilespmem:s25+$0x230]  }
0x561: {  	v4 =	vadd.f32 v4, v17;
	_ =	sdelay $0x1  }
0x562: {  	[tilespmem:s25+$0x220] =	vst v4  }
0x563: {  	v19 =	vsub.f32 v6, v11;
	v20 =	vld [tilespmem:$0x12230]  }
0x564: {  	v5 =	vsub.f32 v18, v0  }
0x565: {  	v4 =	vmul.f32 v12, v19;
	v21 =	vld [tilespmem:$0x12530]  }
0x566: {  	v5 =	vmul.f32 v2, v5  }
0x567: {  	v4 =	vmul.f32 v4, v10  }
0x568: {  	v22 =	vld [tilespmem:s24+$0x240];
	v5 =	vmul.f32 v5, v20  }
0x569: {  	v23 =	vld [tilespmem:s25+$0x240];
	v4 =	vadd.f32 v4, v24  }
0x56a: {  	v5 =	vadd.f32 v5, v21  }
0x56b: {  	[tilespmem:s24+$0x230] =	vst v4  }
0x56c: {  	v4 =	vld [tilespmem:$0x12240];
	[tilespmem:s25+$0x230] =	vst v5  }
0x56d: {  	v24 =	vsub.f32 v22, v11;
	v25 =	vld [tilespmem:$0x12240]  }
0x56e: {  	v6 =	vsub.f32 v23, v0;
	v26 =	vld [tilespmem:$0x12540]  }
0x56f: {  	v5 =	vmul.f32 v12, v24;
	v27 =	vld [tilespmem:$0x12540]  }
0x570: {  	v6 =	vmul.f32 v2, v6  }
0x571: {  	v4 =	vmul.f32 v5, v4  }
0x572: {  	v28 =	vld [tilespmem:s24+$0x250];
	v6 =	vmul.f32 v6, v25  }
0x573: {  	v29 =	vld [tilespmem:s25+$0x250];
	v4 =	vadd.f32 v4, v26  }
0x574: {  	v6 =	vadd.f32 v6, v27  }
0x575: {  	[tilespmem:s24+$0x240] =	vst v4  }
0x576: {  	v4 =	vld [tilespmem:$0x12250];
	[tilespmem:s25+$0x240] =	vst v6  }
0x577: {  	v5 =	vsub.f32 v28, v11;
	v6 =	vld [tilespmem:$0x12250]  }
0x578: {  	v10 =	vsub.f32 v29, v0;
	v30 =	vld [tilespmem:$0x12550]  }
0x579: {  	v5 =	vmul.f32 v5, v12;
	v31 =	vld [tilespmem:$0x12550]  }
0x57a: {  	v10 =	vmul.f32 v10, v2  }
0x57b: {  	v4 =	vmul.f32 v5, v4  }
0x57c: {  	v32 =	vld [tilespmem:s24+$0x260];
	v6 =	vmul.f32 v10, v6  }
0x57d: {  	v33 =	vld [tilespmem:s25+$0x260];
	v4 =	vadd.f32 v4, v30  }
0x57e: {  	v6 =	vadd.f32 v6, v31  }
0x57f: {  	[tilespmem:s24+$0x250] =	vst v4  }
0x580: {  	v4 =	vld [tilespmem:$0x12260];
	[tilespmem:s25+$0x250] =	vst v6  }
0x581: {  	v5 =	vsub.f32 v32, v11;
	v6 =	vld [tilespmem:$0x12260]  }
0x582: {  	v10 =	vsub.f32 v33, v0;
	v34 =	vld [tilespmem:$0x12560]  }
0x583: {  	v5 =	vmul.f32 v5, v12;
	v35 =	vld [tilespmem:$0x12560]  }
0x584: {  	v10 =	vmul.f32 v10, v2  }
0x585: {  	v4 =	vmul.f32 v5, v4  }
0x586: {  	v36 =	vld [tilespmem:s24+$0x270];
	v6 =	vmul.f32 v10, v6  }
0x587: {  	v37 =	vld [tilespmem:s25+$0x270];
	v4 =	vadd.f32 v4, v34  }
0x588: {  	v6 =	vadd.f32 v6, v35  }
0x589: {  	[tilespmem:s24+$0x260] =	vst v4  }
0x58a: {  	v4 =	vld [tilespmem:$0x12270];
	[tilespmem:s25+$0x260] =	vst v6  }
0x58b: {  	v5 =	vsub.f32 v36, v11;
	v6 =	vld [tilespmem:$0x12270]  }
0x58c: {  	v10 =	vsub.f32 v37, v0;
	v38 =	vld [tilespmem:$0x12570]  }
0x58d: {  	v5 =	vmul.f32 v5, v12;
	v39 =	vld [tilespmem:$0x12570]  }
0x58e: {  	v10 =	vmul.f32 v10, v2  }
0x58f: {  	v4 =	vmul.f32 v5, v4  }
0x590: {  	v40 =	vld [tilespmem:s24+$0x600];
	v6 =	vmul.f32 v10, v6  }
0x591: {  	v41 =	vld [tilespmem:s25+$0x600];
	v4 =	vadd.f32 v4, v38  }
0x592: {  	v6 =	vadd.f32 v6, v39  }
0x593: {  	[tilespmem:s24+$0x270] =	vst v4  }
0x594: {  	v4 =	vld [tilespmem:$0x12280];
	[tilespmem:s25+$0x270] =	vst v6  }
0x595: {  	v5 =	vsub.f32 v40, v11;
	v6 =	vld [tilespmem:$0x12280]  }
0x596: {  	v10 =	vsub.f32 v41, v0;
	v44 =	vld [tilespmem:$0x12580]  }
0x597: {  	v5 =	vmul.f32 v5, v12;
	v45 =	vld [tilespmem:$0x12580]  }
0x598: {  	v10 =	vmul.f32 v10, v2  }
0x599: {  	v4 =	vmul.f32 v5, v4  }
0x59a: {  	v46 =	vld [tilespmem:s24+$0x610];
	v6 =	vmul.f32 v10, v6  }
0x59b: {  	v47 =	vld [tilespmem:s25+$0x610];
	v4 =	vadd.f32 v4, v44  }
0x59c: {  	v6 =	vadd.f32 v6, v45  }
0x59d: {  	[tilespmem:s24+$0x600] =	vst v4  }
0x59e: {  	v4 =	vld [tilespmem:$0x12290];
	[tilespmem:s25+$0x600] =	vst v6  }
0x59f: {  	v5 =	vsub.f32 v46, v11;
	v6 =	vld [tilespmem:$0x12290]  }
0x5a0: {  	v10 =	vsub.f32 v47, v0;
	v48 =	vld [tilespmem:$0x12590]  }
0x5a1: {  	v5 =	vmul.f32 v5, v12;
	v49 =	vld [tilespmem:$0x12590]  }
0x5a2: {  	v10 =	vmul.f32 v10, v2  }
0x5a3: {  	v4 =	vmul.f32 v5, v4  }
0x5a4: {  	v50 =	vld [tilespmem:s24+$0x620];
	v6 =	vmul.f32 v10, v6  }
0x5a5: {  	v52 =	vld [tilespmem:s25+$0x620];
	v4 =	vadd.f32 v4, v48  }
0x5a6: {  	v6 =	vadd.f32 v6, v49  }
0x5a7: {  	[tilespmem:s24+$0x610] =	vst v4  }
0x5a8: {  	v4 =	vld [tilespmem:$0x122A0];
	[tilespmem:s25+$0x610] =	vst v6  }
0x5a9: {  	v5 =	vsub.f32 v50, v11;
	v6 =	vld [tilespmem:$0x122A0]  }
0x5aa: {  	v10 =	vsub.f32 v52, v0;
	v54 =	vld [tilespmem:$0x125A0]  }
0x5ab: {  	v5 =	vmul.f32 v5, v12;
	v55 =	vld [tilespmem:$0x125A0]  }
0x5ac: {  	v10 =	vmul.f32 v10, v2  }
0x5ad: {  	v4 =	vmul.f32 v5, v4  }
0x5ae: {  	v56 =	vld [tilespmem:s24+$0x630];
	v6 =	vmul.f32 v10, v6  }
0x5af: {  	v57 =	vld [tilespmem:s25+$0x630];
	v4 =	vadd.f32 v4, v54  }
0x5b0: {  	v6 =	vadd.f32 v6, v55  }
0x5b1: {  	[tilespmem:s24+$0x620] =	vst v4  }
0x5b2: {  	v4 =	vld [tilespmem:$0x122B0];
	[tilespmem:s25+$0x620] =	vst v6  }
0x5b3: {  	v5 =	vsub.f32 v56, v11;
	v6 =	vld [tilespmem:$0x122B0]  }
0x5b4: {  	v10 =	vsub.f32 v57, v0;
	v58 =	vld [tilespmem:$0x125B0]  }
0x5b5: {  	v5 =	vmul.f32 v5, v12;
	v59 =	vld [tilespmem:$0x125B0]  }
0x5b6: {  	v10 =	vmul.f32 v10, v2  }
0x5b7: {  	v4 =	vmul.f32 v5, v4  }
0x5b8: {  	v60 =	vld [tilespmem:s24+$0x640];
	v6 =	vmul.f32 v10, v6  }
0x5b9: {  	v61 =	vld [tilespmem:s25+$0x640];
	v4 =	vadd.f32 v4, v58  }
0x5ba: {  	v6 =	vadd.f32 v6, v59  }
0x5bb: {  	[tilespmem:s24+$0x630] =	vst v4  }
0x5bc: {  	v4 =	vld [tilespmem:$0x122C0];
	[tilespmem:s25+$0x630] =	vst v6  }
0x5bd: {  	v5 =	vsub.f32 v60, v11;
	v6 =	vld [tilespmem:$0x122C0]  }
0x5be: {  	v10 =	vsub.f32 v61, v0;
	v62 =	vld [tilespmem:$0x125C0]  }
0x5bf: {  	v5 =	vmul.f32 v5, v12;
	v63 =	vld [tilespmem:$0x125C0]  }
0x5c0: {  	v10 =	vmul.f32 v10, v2  }
0x5c1: {  	v4 =	vmul.f32 v5, v4  }
0x5c2: {  	v16 =	vld [tilespmem:s24+$0x650];
	v6 =	vmul.f32 v10, v6  }
0x5c3: {  	v17 =	vld [tilespmem:s25+$0x650];
	v4 =	vadd.f32 v4, v62  }
0x5c4: {  	v6 =	vadd.f32 v6, v63  }
0x5c5: {  	[tilespmem:s24+$0x640] =	vst v4  }
0x5c6: {  	v4 =	vld [tilespmem:$0x122D0];
	[tilespmem:s25+$0x640] =	vst v6  }
0x5c7: {  	v5 =	vsub.f32 v16, v11;
	v6 =	vld [tilespmem:$0x122D0]  }
0x5c8: {  	v10 =	vsub.f32 v17, v0;
	v18 =	vld [tilespmem:$0x125D0]  }
0x5c9: {  	v5 =	vmul.f32 v5, v12;
	v19 =	vld [tilespmem:$0x125D0]  }
0x5ca: {  	v10 =	vmul.f32 v10, v2  }
0x5cb: {  	v4 =	vmul.f32 v5, v4  }
0x5cc: {  	v20 =	vld [tilespmem:s24+$0x660];
	v6 =	vmul.f32 v10, v6  }
0x5cd: {  	v21 =	vld [tilespmem:s25+$0x660];
	v4 =	vadd.f32 v4, v18  }
0x5ce: {  	v6 =	vadd.f32 v6, v19  }
0x5cf: {  	[tilespmem:s24+$0x650] =	vst v4  }
0x5d0: {  	v4 =	vld [tilespmem:$0x122E0];
	[tilespmem:s25+$0x650] =	vst v6  }
0x5d1: {  	v5 =	vsub.f32 v20, v11;
	v6 =	vld [tilespmem:$0x122E0]  }
0x5d2: {  	v10 =	vsub.f32 v21, v0;
	v22 =	vld [tilespmem:$0x125E0]  }
0x5d3: {  	v5 =	vmul.f32 v5, v12;
	v23 =	vld [tilespmem:$0x125E0]  }
0x5d4: {  	v10 =	vmul.f32 v10, v2  }
0x5d5: {  	v4 =	vmul.f32 v5, v4  }
0x5d6: {  	v24 =	vld [tilespmem:s24+$0x670];
	v6 =	vmul.f32 v10, v6  }
0x5d7: {  	v25 =	vld [tilespmem:s25+$0x670];
	v4 =	vadd.f32 v4, v22  }
0x5d8: {  	v6 =	vadd.f32 v6, v23  }
0x5d9: {  	[tilespmem:s24+$0x660] =	vst v4  }
0x5da: {  	v4 =	vld [tilespmem:$0x122F0];
	[tilespmem:s25+$0x660] =	vst v6  }
0x5db: {  	v5 =	vsub.f32 v24, v11;
	v6 =	vld [tilespmem:$0x122F0]  }
0x5dc: {  	v10 =	vsub.f32 v25, v0;
	v26 =	vld [tilespmem:$0x125F0]  }
0x5dd: {  	v5 =	vmul.f32 v5, v12;
	v27 =	vld [tilespmem:$0x125F0]  }
0x5de: {  	v10 =	vmul.f32 v10, v2  }
0x5df: {  	v4 =	vmul.f32 v5, v4  }
0x5e0: {  	v28 =	vld [tilespmem:s24+$0xA00];
	v6 =	vmul.f32 v10, v6  }
0x5e1: {  	v29 =	vld [tilespmem:s25+$0xA00];
	v4 =	vadd.f32 v4, v26  }
0x5e2: {  	v6 =	vadd.f32 v6, v27  }
0x5e3: {  	[tilespmem:s24+$0x670] =	vst v4  }
0x5e4: {  	v4 =	vld [tilespmem:$0x12300];
	[tilespmem:s25+$0x670] =	vst v6  }
0x5e5: {  	v5 =	vsub.f32 v28, v11;
	v6 =	vld [tilespmem:$0x12300]  }
0x5e6: {  	v10 =	vsub.f32 v29, v0;
	v30 =	vld [tilespmem:$0x12600]  }
0x5e7: {  	v5 =	vmul.f32 v5, v12;
	v31 =	vld [tilespmem:$0x12600]  }
0x5e8: {  	v10 =	vmul.f32 v10, v2  }
0x5e9: {  	v4 =	vmul.f32 v5, v4  }
0x5ea: {  	v32 =	vld [tilespmem:s24+$0xA10];
	v6 =	vmul.f32 v10, v6  }
0x5eb: {  	v33 =	vld [tilespmem:s25+$0xA10];
	v4 =	vadd.f32 v4, v30  }
0x5ec: {  	v6 =	vadd.f32 v6, v31  }
0x5ed: {  	[tilespmem:s24+$0xA00] =	vst v4  }
0x5ee: {  	v4 =	vld [tilespmem:$0x12310];
	[tilespmem:s25+$0xA00] =	vst v6  }
0x5ef: {  	v5 =	vsub.f32 v32, v11;
	v6 =	vld [tilespmem:$0x12310]  }
0x5f0: {  	v10 =	vsub.f32 v33, v0;
	v34 =	vld [tilespmem:$0x12610]  }
0x5f1: {  	v5 =	vmul.f32 v5, v12;
	v35 =	vld [tilespmem:$0x12610]  }
0x5f2: {  	v10 =	vmul.f32 v10, v2  }
0x5f3: {  	v4 =	vmul.f32 v5, v4  }
0x5f4: {  	v36 =	vld [tilespmem:s24+$0xA20];
	v6 =	vmul.f32 v10, v6  }
0x5f5: {  	v37 =	vld [tilespmem:s25+$0xA20];
	v4 =	vadd.f32 v4, v34  }
0x5f6: {  	v6 =	vadd.f32 v6, v35  }
0x5f7: {  	[tilespmem:s24+$0xA10] =	vst v4  }
0x5f8: {  	v4 =	vld [tilespmem:$0x12320];
	[tilespmem:s25+$0xA10] =	vst v6  }
0x5f9: {  	v5 =	vsub.f32 v36, v11;
	v6 =	vld [tilespmem:$0x12320]  }
0x5fa: {  	v10 =	vsub.f32 v37, v0;
	v38 =	vld [tilespmem:$0x12620]  }
0x5fb: {  	v5 =	vmul.f32 v5, v12;
	v39 =	vld [tilespmem:$0x12620]  }
0x5fc: {  	v10 =	vmul.f32 v10, v2  }
0x5fd: {  	v4 =	vmul.f32 v5, v4  }
0x5fe: {  	v40 =	vld [tilespmem:s24+$0xA30];
	v6 =	vmul.f32 v10, v6  }
0x5ff: {  	v41 =	vld [tilespmem:s25+$0xA30];
	v4 =	vadd.f32 v4, v38  }
0x600: {  	v6 =	vadd.f32 v6, v39  }
0x601: {  	[tilespmem:s24+$0xA20] =	vst v4  }
0x602: {  	v4 =	vld [tilespmem:$0x12330];
	[tilespmem:s25+$0xA20] =	vst v6  }
0x603: {  	v5 =	vsub.f32 v40, v11;
	v6 =	vld [tilespmem:$0x12330]  }
0x604: {  	v10 =	vsub.f32 v41, v0;
	v44 =	vld [tilespmem:$0x12630]  }
0x605: {  	v5 =	vmul.f32 v5, v12;
	v45 =	vld [tilespmem:$0x12630]  }
0x606: {  	v10 =	vmul.f32 v10, v2  }
0x607: {  	v4 =	vmul.f32 v5, v4  }
0x608: {  	v46 =	vld [tilespmem:s24+$0xA40];
	v6 =	vmul.f32 v10, v6  }
0x609: {  	v47 =	vld [tilespmem:s25+$0xA40];
	v4 =	vadd.f32 v4, v44  }
0x60a: {  	v6 =	vadd.f32 v6, v45  }
0x60b: {  	[tilespmem:s24+$0xA30] =	vst v4  }
0x60c: {  	v4 =	vld [tilespmem:$0x12340];
	[tilespmem:s25+$0xA30] =	vst v6  }
0x60d: {  	v5 =	vsub.f32 v46, v11;
	v6 =	vld [tilespmem:$0x12340]  }
0x60e: {  	v10 =	vsub.f32 v47, v0;
	v48 =	vld [tilespmem:$0x12640]  }
0x60f: {  	v5 =	vmul.f32 v5, v12;
	v49 =	vld [tilespmem:$0x12640]  }
0x610: {  	v10 =	vmul.f32 v10, v2  }
0x611: {  	v4 =	vmul.f32 v5, v4  }
0x612: {  	v50 =	vld [tilespmem:s24+$0xA50];
	v6 =	vmul.f32 v10, v6  }
0x613: {  	v52 =	vld [tilespmem:s25+$0xA50];
	v4 =	vadd.f32 v4, v48  }
0x614: {  	v6 =	vadd.f32 v6, v49  }
0x615: {  	[tilespmem:s24+$0xA40] =	vst v4  }
0x616: {  	v4 =	vld [tilespmem:$0x12350];
	[tilespmem:s25+$0xA40] =	vst v6  }
0x617: {  	v5 =	vsub.f32 v50, v11;
	v6 =	vld [tilespmem:$0x12350]  }
0x618: {  	v10 =	vsub.f32 v52, v0;
	v54 =	vld [tilespmem:$0x12650]  }
0x619: {  	v5 =	vmul.f32 v5, v12;
	v55 =	vld [tilespmem:$0x12650]  }
0x61a: {  	v10 =	vmul.f32 v10, v2  }
0x61b: {  	v4 =	vmul.f32 v5, v4  }
0x61c: {  	v56 =	vld [tilespmem:s24+$0xA60];
	v6 =	vmul.f32 v10, v6  }
0x61d: {  	v57 =	vld [tilespmem:s25+$0xA60];
	v4 =	vadd.f32 v4, v54  }
0x61e: {  	v6 =	vadd.f32 v6, v55  }
0x61f: {  	[tilespmem:s24+$0xA50] =	vst v4  }
0x620: {  	v4 =	vld [tilespmem:$0x12360];
	[tilespmem:s25+$0xA50] =	vst v6  }
0x621: {  	v5 =	vsub.f32 v56, v11;
	v6 =	vld [tilespmem:$0x12360]  }
0x622: {  	v10 =	vsub.f32 v57, v0;
	v58 =	vld [tilespmem:$0x12660]  }
0x623: {  	v5 =	vmul.f32 v5, v12;
	v59 =	vld [tilespmem:$0x12660]  }
0x624: {  	v10 =	vmul.f32 v10, v2  }
0x625: {  	v4 =	vmul.f32 v5, v4  }
0x626: {  	v60 =	vld [tilespmem:s24+$0xA70];
	v6 =	vmul.f32 v10, v6  }
0x627: {  	v61 =	vld [tilespmem:s25+$0xA70];
	v4 =	vadd.f32 v4, v58  }
0x628: {  	v6 =	vadd.f32 v6, v59  }
0x629: {  	[tilespmem:s24+$0xA60] =	vst v4  }
0x62a: {  	v4 =	vld [tilespmem:$0x12370];
	[tilespmem:s25+$0xA60] =	vst v6  }
0x62b: {  	v5 =	vsub.f32 v60, v11;
	v6 =	vld [tilespmem:$0x12370]  }
0x62c: {  	v10 =	vsub.f32 v61, v0;
	v62 =	vld [tilespmem:$0x12670]  }
0x62d: {  	v5 =	vmul.f32 v5, v12;
	v63 =	vld [tilespmem:$0x12670]  }
0x62e: {  	v10 =	vmul.f32 v10, v2  }
0x62f: {  	v4 =	vmul.f32 v5, v4  }
0x630: {  	v16 =	vld [tilespmem:s24+$0xE00];
	v6 =	vmul.f32 v10, v6  }
0x631: {  	v17 =	vld [tilespmem:s25+$0xE00];
	v4 =	vadd.f32 v4, v62  }
0x632: {  	v6 =	vadd.f32 v6, v63  }
0x633: {  	[tilespmem:s24+$0xA70] =	vst v4  }
0x634: {  	v4 =	vld [tilespmem:$0x12380];
	[tilespmem:s25+$0xA70] =	vst v6  }
0x635: {  	v5 =	vsub.f32 v16, v11;
	v6 =	vld [tilespmem:$0x12380]  }
0x636: {  	v10 =	vsub.f32 v17, v0;
	v18 =	vld [tilespmem:$0x12680]  }
0x637: {  	v5 =	vmul.f32 v5, v12;
	v19 =	vld [tilespmem:$0x12680]  }
0x638: {  	v10 =	vmul.f32 v10, v2  }
0x639: {  	v4 =	vmul.f32 v5, v4  }
0x63a: {  	v20 =	vld [tilespmem:s24+$0xE10];
	v6 =	vmul.f32 v10, v6  }
0x63b: {  	v21 =	vld [tilespmem:s25+$0xE10];
	v4 =	vadd.f32 v4, v18  }
0x63c: {  	v6 =	vadd.f32 v6, v19  }
0x63d: {  	[tilespmem:s24+$0xE00] =	vst v4  }
0x63e: {  	v4 =	vld [tilespmem:$0x12390];
	[tilespmem:s25+$0xE00] =	vst v6  }
0x63f: {  	v5 =	vsub.f32 v20, v11;
	v6 =	vld [tilespmem:$0x12390]  }
0x640: {  	v10 =	vsub.f32 v21, v0;
	v22 =	vld [tilespmem:$0x12690]  }
0x641: {  	v5 =	vmul.f32 v5, v12;
	v23 =	vld [tilespmem:$0x12690]  }
0x642: {  	v10 =	vmul.f32 v10, v2  }
0x643: {  	v4 =	vmul.f32 v5, v4  }
0x644: {  	v24 =	vld [tilespmem:s24+$0xE20];
	v6 =	vmul.f32 v10, v6  }
0x645: {  	v25 =	vld [tilespmem:s25+$0xE20];
	v4 =	vadd.f32 v4, v22  }
0x646: {  	v6 =	vadd.f32 v6, v23  }
0x647: {  	[tilespmem:s24+$0xE10] =	vst v4  }
0x648: {  	v4 =	vld [tilespmem:$0x123A0];
	[tilespmem:s25+$0xE10] =	vst v6  }
0x649: {  	v5 =	vsub.f32 v24, v11;
	v6 =	vld [tilespmem:$0x123A0]  }
0x64a: {  	v10 =	vsub.f32 v25, v0;
	v26 =	vld [tilespmem:$0x126A0]  }
0x64b: {  	v5 =	vmul.f32 v5, v12;
	v27 =	vld [tilespmem:$0x126A0]  }
0x64c: {  	v10 =	vmul.f32 v10, v2  }
0x64d: {  	v4 =	vmul.f32 v5, v4  }
0x64e: {  	v28 =	vld [tilespmem:s24+$0xE30];
	v6 =	vmul.f32 v10, v6  }
0x64f: {  	v29 =	vld [tilespmem:s25+$0xE30];
	v4 =	vadd.f32 v4, v26  }
0x650: {  	v6 =	vadd.f32 v6, v27  }
0x651: {  	v9 =	vsub.f32 v9, v7;
	[tilespmem:s24+$0xE20] =	vst v4  }
0x652: {  	v4 =	vld [tilespmem:$0x123B0];
	[tilespmem:s25+$0xE20] =	vst v6  }
0x653: {  	v30 =	vmul.f32 v9, v8;
	v5 =	vsub.f32 v28, v11;
	v31 =	vld [tilespmem:$0x123B0]  }
0x654: {  	v10 =	vsub.f32 v29, v0;
	v32 =	vld [tilespmem:$0x126B0]  }
0x655: {  	v3 =	vmul.f32 v30, v3;
	v5 =	vmul.f32 v5, v12;
	v33 =	vld [tilespmem:$0x126B0]  }
0x656: {  	v34 =	vld [tilespmem:s23+$0xE40];
	v10 =	vmul.f32 v10, v2  }
0x657: {  	v1 =	vadd.f32 v3, v1;
	v35 =	vmul.f32 v5, v4  }
0x658: {  	v36 =	vld [tilespmem:s24+$0xE40];
	v37 =	vmul.f32 v10, v31  }
0x659: {  	[tilespmem:s23+$0xE30] =	vst v1;
	v39 =	vld [tilespmem:s25+$0xE40];
	v38 =	vadd.f32 v35, v32  }
0x65a: {  	v40 =	vld [tilespmem:$0x123C0];
	v5 =	vadd.f32 v37, v33  }
0x65b: {  	v41 =	vsub.f32 v34, v7;
	v44 =	vld [tilespmem:$0x126C0];
	[tilespmem:s24+$0xE30] =	vst v38  }
0x65c: {  	v1 =	vld [tilespmem:$0x123C0];
	[tilespmem:s25+$0xE30] =	vst v5  }
0x65d: {  	v45 =	vmul.f32 v41, v8;
	v4 =	vsub.f32 v36, v11;
	v46 =	vld [tilespmem:$0x123C0]  }
0x65e: {  	v3 =	vsub.f32 v39, v0;
	v47 =	vld [tilespmem:$0x126C0]  }
0x65f: {  	v4 =	vmul.f32 v4, v12;
	v5 =	vmul.f32 v45, v40;
	v48 =	vld [tilespmem:$0x126C0]  }
0x660: {  	v3 =	vmul.f32 v3, v2;
	v49 =	vld [tilespmem:s23+$0xE50]  }
0x661: {  	v5 =	vadd.f32 v5, v44;
	v1 =	vmul.f32 v4, v1  }
0x662: {  	v50 =	vld [tilespmem:s24+$0xE50];
	v3 =	vmul.f32 v3, v46  }
0x663: {  	v52 =	vld [tilespmem:s25+$0xE50];
	[tilespmem:s23+$0xE40] =	vst v5;
	v1 =	vadd.f32 v1, v47  }
0x664: {  	v54 =	vld [tilespmem:$0x123D0];
	v3 =	vadd.f32 v3, v48  }
0x665: {  	v55 =	vsub.f32 v49, v7;
	v56 =	vld [tilespmem:$0x126D0];
	[tilespmem:s24+$0xE40] =	vst v1  }
0x666: {  	v1 =	vld [tilespmem:$0x123D0];
	[tilespmem:s25+$0xE40] =	vst v3  }
0x667: {  	v57 =	vmul.f32 v55, v8;
	v4 =	vsub.f32 v50, v11;
	v58 =	vld [tilespmem:$0x123D0]  }
0x668: {  	v5 =	vsub.f32 v52, v0;
	v59 =	vld [tilespmem:$0x126D0]  }
0x669: {  	v4 =	vmul.f32 v4, v12;
	v3 =	vmul.f32 v57, v54;
	v60 =	vld [tilespmem:$0x126D0]  }
0x66a: {  	v61 =	vld [tilespmem:s23+$0xE60];
	v5 =	vmul.f32 v5, v2  }
0x66b: {  	v3 =	vadd.f32 v3, v56;
	v1 =	vmul.f32 v4, v1  }
0x66c: {  	v62 =	vld [tilespmem:s24+$0xE60];
	v5 =	vmul.f32 v5, v58  }
0x66d: {  	v63 =	vld [tilespmem:s25+$0xE60];
	[tilespmem:s23+$0xE50] =	vst v3;
	v1 =	vadd.f32 v1, v59  }
0x66e: {  	v16 =	vld [tilespmem:$0x123E0];
	v5 =	vadd.f32 v5, v60  }
0x66f: {  	v17 =	vsub.f32 v61, v7;
	v18 =	vld [tilespmem:$0x126E0];
	[tilespmem:s24+$0xE50] =	vst v1  }
0x670: {  	v1 =	vld [tilespmem:$0x123E0];
	[tilespmem:s25+$0xE50] =	vst v5  }
0x671: {  	v19 =	vmul.f32 v17, v8;
	v4 =	vsub.f32 v62, v11;
	v20 =	vld [tilespmem:$0x123E0]  }
0x672: {  	v3 =	vsub.f32 v63, v0;
	v21 =	vld [tilespmem:$0x126E0]  }
0x673: {  	v4 =	vmul.f32 v4, v12;
	v5 =	vmul.f32 v19, v16;
	v22 =	vld [tilespmem:$0x126E0]  }
0x674: {  	v23 =	vld [tilespmem:s23+$0xE70];
	v3 =	vmul.f32 v3, v2  }
0x675: {  	v5 =	vadd.f32 v5, v18;
	v1 =	vmul.f32 v4, v1  }
0x676: {  	v24 =	vld [tilespmem:s24+$0xE70];
	v3 =	vmul.f32 v3, v20  }
0x677: {  	v25 =	vld [tilespmem:s25+$0xE70];
	[tilespmem:s23+$0xE60] =	vst v5;
	v1 =	vadd.f32 v1, v21  }
0x678: {  	v26 =	vld [tilespmem:$0x123F0];
	v3 =	vadd.f32 v3, v22  }
0x679: {  	v27 =	vsub.f32 v23, v7;
	v28 =	vld [tilespmem:$0x126F0];
	[tilespmem:s24+$0xE60] =	vst v1  }
0x67a: {  	v1 =	vld [tilespmem:$0x123F0];
	[tilespmem:s25+$0xE60] =	vst v3  }
0x67b: {  	v29 =	vmul.f32 v27, v8;
	v4 =	vsub.f32 v24, v11;
	v30 =	vld [tilespmem:$0x123F0]  }
0x67c: {  	v5 =	vsub.f32 v25, v0;
	v31 =	vld [tilespmem:$0x126F0]  }
0x67d: {  	v4 =	vmul.f32 v4, v12;
	v3 =	vmul.f32 v29, v26;
	v32 =	vld [tilespmem:$0x126F0]  }
0x67e: {  	v33 =	vld [tilespmem:s23+$0x1200];
	v5 =	vmul.f32 v5, v2  }
0x67f: {  	v3 =	vadd.f32 v3, v28;
	v1 =	vmul.f32 v4, v1  }
0x680: {  	v34 =	vld [tilespmem:s24+$0x1200];
	v5 =	vmul.f32 v5, v30  }
0x681: {  	v35 =	vld [tilespmem:s25+$0x1200];
	[tilespmem:s23+$0xE70] =	vst v3;
	v1 =	vadd.f32 v1, v31  }
0x682: {  	v36 =	vld [tilespmem:$0x12400];
	v5 =	vadd.f32 v5, v32  }
0x683: {  	v37 =	vsub.f32 v33, v7;
	v38 =	vld [tilespmem:$0x12700];
	[tilespmem:s24+$0xE70] =	vst v1  }
0x684: {  	v1 =	vld [tilespmem:$0x12400];
	[tilespmem:s25+$0xE70] =	vst v5  }
0x685: {  	v39 =	vmul.f32 v37, v8;
	v4 =	vsub.f32 v34, v11;
	v40 =	vld [tilespmem:$0x12400]  }
0x686: {  	v3 =	vsub.f32 v35, v0;
	v41 =	vld [tilespmem:$0x12700]  }
0x687: {  	v4 =	vmul.f32 v4, v12;
	v5 =	vmul.f32 v39, v36;
	v44 =	vld [tilespmem:$0x12700]  }
0x688: {  	v45 =	vld [tilespmem:s23+$0x1210];
	v3 =	vmul.f32 v3, v2  }
0x689: {  	v5 =	vadd.f32 v5, v38;
	v1 =	vmul.f32 v4, v1  }
0x68a: {  	v46 =	vld [tilespmem:s24+$0x1210];
	v3 =	vmul.f32 v3, v40  }
0x68b: {  	v47 =	vld [tilespmem:s25+$0x1210];
	[tilespmem:s23+$0x1200] =	vst v5;
	v1 =	vadd.f32 v1, v41  }
0x68c: {  	v48 =	vld [tilespmem:$0x12410];
	v3 =	vadd.f32 v3, v44  }
0x68d: {  	v49 =	vsub.f32 v45, v7;
	v50 =	vld [tilespmem:$0x12710];
	[tilespmem:s24+$0x1200] =	vst v1  }
0x68e: {  	v1 =	vld [tilespmem:$0x12410];
	[tilespmem:s25+$0x1200] =	vst v3  }
0x68f: {  	v52 =	vmul.f32 v49, v8;
	v4 =	vsub.f32 v46, v11;
	v54 =	vld [tilespmem:$0x12410]  }
0x690: {  	v5 =	vsub.f32 v47, v0;
	v55 =	vld [tilespmem:$0x12710]  }
0x691: {  	v4 =	vmul.f32 v4, v12;
	v3 =	vmul.f32 v52, v48;
	v56 =	vld [tilespmem:$0x12710]  }
0x692: {  	v57 =	vld [tilespmem:s23+$0x1220];
	v5 =	vmul.f32 v5, v2  }
0x693: {  	v3 =	vadd.f32 v3, v50;
	v1 =	vmul.f32 v4, v1  }
0x694: {  	v58 =	vld [tilespmem:s24+$0x1220];
	v5 =	vmul.f32 v5, v54  }
0x695: {  	v59 =	vld [tilespmem:s25+$0x1220];
	[tilespmem:s23+$0x1210] =	vst v3;
	v1 =	vadd.f32 v1, v55  }
0x696: {  	v60 =	vld [tilespmem:$0x12420];
	v5 =	vadd.f32 v5, v56  }
0x697: {  	v61 =	vsub.f32 v57, v7;
	v62 =	vld [tilespmem:$0x12720];
	[tilespmem:s24+$0x1210] =	vst v1  }
0x698: {  	v1 =	vld [tilespmem:$0x12420];
	[tilespmem:s25+$0x1210] =	vst v5  }
0x699: {  	v63 =	vmul.f32 v61, v8;
	v4 =	vsub.f32 v58, v11;
	v16 =	vld [tilespmem:$0x12420]  }
0x69a: {  	v3 =	vsub.f32 v59, v0;
	v17 =	vld [tilespmem:$0x12720]  }
0x69b: {  	v4 =	vmul.f32 v4, v12;
	v5 =	vmul.f32 v63, v60;
	v18 =	vld [tilespmem:$0x12720]  }
0x69c: {  	v19 =	vld [tilespmem:s23+$0x1230];
	v3 =	vmul.f32 v3, v2  }
0x69d: {  	v5 =	vadd.f32 v5, v62;
	v1 =	vmul.f32 v4, v1  }
0x69e: {  	v20 =	vld [tilespmem:s24+$0x1230];
	v3 =	vmul.f32 v3, v16  }
0x69f: {  	v21 =	vld [tilespmem:s25+$0x1230];
	[tilespmem:s23+$0x1220] =	vst v5;
	v1 =	vadd.f32 v1, v17  }
0x6a0: {  	v22 =	vld [tilespmem:$0x12430];
	v3 =	vadd.f32 v3, v18  }
0x6a1: {  	v23 =	vsub.f32 v19, v7;
	v24 =	vld [tilespmem:$0x12730];
	[tilespmem:s24+$0x1220] =	vst v1  }
0x6a2: {  	v1 =	vld [tilespmem:$0x12430];
	[tilespmem:s25+$0x1220] =	vst v3  }
0x6a3: {  	v25 =	vmul.f32 v23, v8;
	v4 =	vsub.f32 v20, v11;
	v26 =	vld [tilespmem:$0x12430]  }
0x6a4: {  	v5 =	vsub.f32 v21, v0;
	v27 =	vld [tilespmem:$0x12730]  }
0x6a5: {  	v4 =	vmul.f32 v4, v12;
	v3 =	vmul.f32 v25, v22;
	v28 =	vld [tilespmem:$0x12730]  }
0x6a6: {  	v29 =	vld [tilespmem:s23+$0x1240];
	v5 =	vmul.f32 v5, v2  }
0x6a7: {  	v3 =	vadd.f32 v3, v24;
	v1 =	vmul.f32 v4, v1  }
0x6a8: {  	v30 =	vld [tilespmem:s24+$0x1240];
	v5 =	vmul.f32 v5, v26  }
0x6a9: {  	v31 =	vld [tilespmem:s25+$0x1240];
	[tilespmem:s23+$0x1230] =	vst v3;
	v1 =	vadd.f32 v1, v27  }
0x6aa: {  	v32 =	vld [tilespmem:$0x12440];
	v5 =	vadd.f32 v5, v28  }
0x6ab: {  	v33 =	vsub.f32 v29, v7;
	v34 =	vld [tilespmem:$0x12740];
	[tilespmem:s24+$0x1230] =	vst v1  }
0x6ac: {  	v1 =	vld [tilespmem:$0x12440];
	[tilespmem:s25+$0x1230] =	vst v5  }
0x6ad: {  	v35 =	vmul.f32 v33, v8;
	v4 =	vsub.f32 v30, v11;
	v36 =	vld [tilespmem:$0x12440]  }
0x6ae: {  	v3 =	vsub.f32 v31, v0;
	v37 =	vld [tilespmem:$0x12740]  }
0x6af: {  	v4 =	vmul.f32 v4, v12;
	v5 =	vmul.f32 v35, v32;
	v38 =	vld [tilespmem:$0x12740]  }
0x6b0: {  	v39 =	vld [tilespmem:s23+$0x1250];
	v3 =	vmul.f32 v3, v2  }
0x6b1: {  	v5 =	vadd.f32 v5, v34;
	v1 =	vmul.f32 v4, v1  }
0x6b2: {  	v40 =	vld [tilespmem:s24+$0x1250];
	v3 =	vmul.f32 v3, v36  }
0x6b3: {  	v41 =	vld [tilespmem:s25+$0x1250];
	[tilespmem:s23+$0x1240] =	vst v5;
	v1 =	vadd.f32 v1, v37  }
0x6b4: {  	v44 =	vld [tilespmem:$0x12450];
	v3 =	vadd.f32 v3, v38  }
0x6b5: {  	v45 =	vsub.f32 v39, v7;
	v46 =	vld [tilespmem:$0x12750];
	[tilespmem:s24+$0x1240] =	vst v1  }
0x6b6: {  	v1 =	vld [tilespmem:$0x12450];
	[tilespmem:s25+$0x1240] =	vst v3  }
0x6b7: {  	v47 =	vmul.f32 v45, v8;
	v4 =	vsub.f32 v40, v11;
	v48 =	vld [tilespmem:$0x12450]  }
0x6b8: {  	v5 =	vsub.f32 v41, v0;
	v49 =	vld [tilespmem:$0x12750]  }
0x6b9: {  	v4 =	vmul.f32 v4, v12;
	v3 =	vmul.f32 v47, v44;
	v50 =	vld [tilespmem:$0x12750]  }
0x6ba: {  	v52 =	vld [tilespmem:s23+$0x1260];
	v5 =	vmul.f32 v5, v2  }
0x6bb: {  	v3 =	vadd.f32 v3, v46;
	v1 =	vmul.f32 v4, v1  }
0x6bc: {  	v54 =	vld [tilespmem:s24+$0x1260];
	v5 =	vmul.f32 v5, v48  }
0x6bd: {  	v55 =	vld [tilespmem:s25+$0x1260];
	[tilespmem:s23+$0x1250] =	vst v3;
	v1 =	vadd.f32 v1, v49  }
0x6be: {  	v56 =	vld [tilespmem:$0x12460];
	v5 =	vadd.f32 v5, v50  }
0x6bf: {  	v57 =	vsub.f32 v52, v7;
	v58 =	vld [tilespmem:$0x12760];
	[tilespmem:s24+$0x1250] =	vst v1  }
0x6c0: {  	v1 =	vld [tilespmem:$0x12460];
	[tilespmem:s25+$0x1250] =	vst v5  }
0x6c1: {  	v59 =	vmul.f32 v57, v8;
	v4 =	vsub.f32 v54, v11;
	v60 =	vld [tilespmem:$0x12460]  }
0x6c2: {  	v3 =	vsub.f32 v55, v0;
	v61 =	vld [tilespmem:$0x12760]  }
0x6c3: {  	v4 =	vmul.f32 v4, v12;
	v5 =	vmul.f32 v59, v56;
	v62 =	vld [tilespmem:$0x12760]  }
0x6c4: {  	v63 =	vld [tilespmem:s23+$0x1270];
	v3 =	vmul.f32 v3, v2  }
0x6c5: {  	v5 =	vadd.f32 v5, v58;
	v1 =	vmul.f32 v4, v1  }
0x6c6: {  	v15 =	vld [tilespmem:s24+$0x1270];
	v3 =	vmul.f32 v3, v60  }
0x6c7: {  	v16 =	vld [tilespmem:s25+$0x1270];
	[tilespmem:s23+$0x1260] =	vst v5;
	v1 =	vadd.f32 v1, v61  }
0x6c8: {  	v17 =	vld [tilespmem:$0x12470];
	v3 =	vadd.f32 v3, v62  }
0x6c9: {  	v18 =	vsub.f32 v63, v7;
	v19 =	vld [tilespmem:$0x12770];
	[tilespmem:s24+$0x1260] =	vst v1  }
0x6ca: {  	v1 =	vld [tilespmem:$0x12470];
	[tilespmem:s25+$0x1260] =	vst v3  }
0x6cb: {  	v20 =	vmul.f32 v18, v8;
	v4 =	vsub.f32 v15, v11;
	v21 =	vld [tilespmem:$0x12470]  }
0x6cc: {  	v5 =	vsub.f32 v16, v0;
	v22 =	vld [tilespmem:$0x12770]  }
0x6cd: {  	v4 =	vmul.f32 v4, v12;
	v3 =	vmul.f32 v20, v17;
	v23 =	vld [tilespmem:$0x12770]  }
0x6ce: {  	v24 =	vld [tilespmem:s23+$0x1600];
	v5 =	vmul.f32 v5, v2  }
0x6cf: {  	v3 =	vadd.f32 v3, v19;
	v1 =	vmul.f32 v4, v1  }
0x6d0: {  	v25 =	vld [tilespmem:s24+$0x1600];
	v5 =	vmul.f32 v5, v21  }
0x6d1: {  	v26 =	vld [tilespmem:s25+$0x1600];
	[tilespmem:s23+$0x1270] =	vst v3;
	v1 =	vadd.f32 v1, v22  }
0x6d2: {  	v27 =	vld [tilespmem:$0x12480];
	v5 =	vadd.f32 v5, v23  }
0x6d3: {  	v28 =	vsub.f32 v24, v7;
	v29 =	vld [tilespmem:$0x12780];
	[tilespmem:s24+$0x1270] =	vst v1  }
0x6d4: {  	v1 =	vld [tilespmem:$0x12480];
	[tilespmem:s25+$0x1270] =	vst v5  }
0x6d5: {  	v30 =	vmul.f32 v28, v8;
	v4 =	vsub.f32 v25, v11;
	v31 =	vld [tilespmem:$0x12480]  }
0x6d6: {  	v3 =	vsub.f32 v26, v0;
	v32 =	vld [tilespmem:$0x12780]  }
0x6d7: {  	v4 =	vmul.f32 v4, v12;
	v5 =	vmul.f32 v30, v27;
	v33 =	vld [tilespmem:$0x12780]  }
0x6d8: {  	v34 =	vld [tilespmem:s23+$0x1610];
	v3 =	vmul.f32 v3, v2  }
0x6d9: {  	v5 =	vadd.f32 v5, v29;
	v1 =	vmul.f32 v4, v1  }
0x6da: {  	v35 =	vld [tilespmem:s24+$0x1610];
	v3 =	vmul.f32 v3, v31  }
0x6db: {  	v36 =	vld [tilespmem:s25+$0x1610];
	[tilespmem:s23+$0x1600] =	vst v5;
	v1 =	vadd.f32 v1, v32  }
0x6dc: {  	v37 =	vld [tilespmem:$0x12490];
	v3 =	vadd.f32 v3, v33  }
0x6dd: {  	v38 =	vsub.f32 v34, v7;
	v39 =	vld [tilespmem:$0x12790];
	[tilespmem:s24+$0x1600] =	vst v1  }
0x6de: {  	v1 =	vld [tilespmem:$0x12490];
	[tilespmem:s25+$0x1600] =	vst v3  }
0x6df: {  	v40 =	vmul.f32 v38, v8;
	v4 =	vsub.f32 v35, v11;
	v41 =	vld [tilespmem:$0x12490]  }
0x6e0: {  	v5 =	vsub.f32 v36, v0;
	v44 =	vld [tilespmem:$0x12790]  }
0x6e1: {  	v4 =	vmul.f32 v4, v12;
	v3 =	vmul.f32 v40, v37;
	v45 =	vld [tilespmem:$0x12790]  }
0x6e2: {  	v46 =	vld [tilespmem:s23+$0x1620];
	v5 =	vmul.f32 v5, v2  }
0x6e3: {  	v3 =	vadd.f32 v3, v39;
	v1 =	vmul.f32 v4, v1  }
0x6e4: {  	v47 =	vld [tilespmem:s24+$0x1620];
	v5 =	vmul.f32 v5, v41  }
0x6e5: {  	v48 =	vld [tilespmem:s25+$0x1620];
	[tilespmem:s23+$0x1610] =	vst v3;
	v1 =	vadd.f32 v1, v44  }
0x6e6: {  	v49 =	vld [tilespmem:$0x124A0];
	v5 =	vadd.f32 v5, v45  }
0x6e7: {  	v50 =	vsub.f32 v46, v7;
	v52 =	vld [tilespmem:$0x127A0];
	[tilespmem:s24+$0x1610] =	vst v1  }
0x6e8: {  	v1 =	vld [tilespmem:$0x124A0];
	[tilespmem:s25+$0x1610] =	vst v5  }
0x6e9: {  	v54 =	vmul.f32 v50, v8;
	v4 =	vsub.f32 v47, v11;
	v55 =	vld [tilespmem:$0x124A0]  }
0x6ea: {  	v3 =	vsub.f32 v48, v0;
	v56 =	vld [tilespmem:$0x127A0]  }
0x6eb: {  	v4 =	vmul.f32 v4, v12;
	v5 =	vmul.f32 v54, v49;
	v57 =	vld [tilespmem:$0x127A0]  }
0x6ec: {  	v58 =	vld [tilespmem:s23+$0x1630];
	v3 =	vmul.f32 v3, v2  }
0x6ed: {  	v5 =	vadd.f32 v5, v52;
	v1 =	vmul.f32 v4, v1  }
0x6ee: {  	v59 =	vld [tilespmem:s24+$0x1630];
	v3 =	vmul.f32 v3, v55  }
0x6ef: {  	v60 =	vld [tilespmem:s25+$0x1630];
	[tilespmem:s23+$0x1620] =	vst v5;
	v1 =	vadd.f32 v1, v56  }
0x6f0: {  	v61 =	vld [tilespmem:$0x124B0];
	v3 =	vadd.f32 v3, v57  }
0x6f1: {  	v62 =	vsub.f32 v58, v7;
	v63 =	vld [tilespmem:$0x127B0];
	[tilespmem:s24+$0x1620] =	vst v1  }
0x6f2: {  	v1 =	vld [tilespmem:$0x124B0];
	[tilespmem:s25+$0x1620] =	vst v3  }
0x6f3: {  	v16 =	vmul.f32 v62, v8;
	v4 =	vsub.f32 v59, v11;
	v17 =	vld [tilespmem:$0x124B0]  }
0x6f4: {  	v5 =	vsub.f32 v60, v0;
	v18 =	vld [tilespmem:$0x127B0]  }
0x6f5: {  	v4 =	vmul.f32 v4, v12;
	v3 =	vmul.f32 v16, v61;
	v19 =	vld [tilespmem:$0x127B0]  }
0x6f6: {  	v20 =	vld [tilespmem:s23+$0x1640];
	v5 =	vmul.f32 v5, v2  }
0x6f7: {  	v3 =	vadd.f32 v3, v63;
	v1 =	vmul.f32 v4, v1  }
0x6f8: {  	v21 =	vld [tilespmem:s24+$0x1640];
	v5 =	vmul.f32 v5, v17  }
0x6f9: {  	v22 =	vld [tilespmem:s25+$0x1640];
	[tilespmem:s23+$0x1630] =	vst v3;
	v1 =	vadd.f32 v1, v18  }
0x6fa: {  	v23 =	vld [tilespmem:$0x124C0];
	v5 =	vadd.f32 v5, v19  }
0x6fb: {  	v24 =	vsub.f32 v20, v7;
	v25 =	vld [tilespmem:$0x127C0];
	[tilespmem:s24+$0x1630] =	vst v1  }
0x6fc: {  	v1 =	vld [tilespmem:$0x124C0];
	[tilespmem:s25+$0x1630] =	vst v5  }
0x6fd: {  	v26 =	vmul.f32 v24, v8;
	v4 =	vsub.f32 v21, v11;
	v27 =	vld [tilespmem:$0x124C0]  }
0x6fe: {  	v3 =	vsub.f32 v22, v0;
	v28 =	vld [tilespmem:$0x127C0]  }
0x6ff: {  	v4 =	vmul.f32 v4, v12;
	v5 =	vmul.f32 v26, v23;
	v29 =	vld [tilespmem:$0x127C0]  }
0x700: {  	v30 =	vld [tilespmem:s23+$0x1650];
	v3 =	vmul.f32 v3, v2  }
0x701: {  	v5 =	vadd.f32 v5, v25;
	v1 =	vmul.f32 v4, v1  }
0x702: {  	v31 =	vld [tilespmem:s24+$0x1650];
	v3 =	vmul.f32 v3, v27  }
0x703: {  	v32 =	vld [tilespmem:s25+$0x1650];
	[tilespmem:s23+$0x1640] =	vst v5;
	v1 =	vadd.f32 v1, v28  }
0x704: {  	v33 =	vld [tilespmem:$0x124D0];
	v3 =	vadd.f32 v3, v29  }
0x705: {  	v34 =	vsub.f32 v30, v7;
	v35 =	vld [tilespmem:$0x127D0];
	[tilespmem:s24+$0x1640] =	vst v1  }
0x706: {  	v1 =	vld [tilespmem:$0x124D0];
	[tilespmem:s25+$0x1640] =	vst v3  }
0x707: {  	v36 =	vmul.f32 v34, v8;
	v4 =	vsub.f32 v31, v11;
	v37 =	vld [tilespmem:$0x124D0]  }
0x708: {  	v5 =	vsub.f32 v32, v0;
	v38 =	vld [tilespmem:$0x127D0]  }
0x709: {  	v4 =	vmul.f32 v4, v12;
	v3 =	vmul.f32 v36, v33;
	v39 =	vld [tilespmem:$0x127D0]  }
0x70a: {  	v40 =	vld [tilespmem:s23+$0x1660];
	v5 =	vmul.f32 v5, v2  }
0x70b: {  	v3 =	vadd.f32 v3, v35;
	v1 =	vmul.f32 v4, v1  }
0x70c: {  	v41 =	vld [tilespmem:s24+$0x1660];
	v5 =	vmul.f32 v5, v37  }
0x70d: {  	v44 =	vld [tilespmem:s25+$0x1660];
	[tilespmem:s23+$0x1650] =	vst v3;
	v1 =	vadd.f32 v1, v38  }
0x70e: {  	v45 =	vld [tilespmem:$0x124E0];
	v5 =	vadd.f32 v5, v39  }
0x70f: {  	v46 =	vsub.f32 v40, v7;
	v47 =	vld [tilespmem:$0x127E0];
	[tilespmem:s24+$0x1650] =	vst v1  }
0x710: {  	v1 =	vld [tilespmem:$0x124E0];
	[tilespmem:s25+$0x1650] =	vst v5  }
0x711: {  	v48 =	vmul.f32 v46, v8;
	v4 =	vsub.f32 v41, v11;
	v49 =	vld [tilespmem:$0x124E0]  }
0x712: {  	v3 =	vsub.f32 v44, v0;
	v50 =	vld [tilespmem:$0x127E0]  }
0x713: {  	v4 =	vmul.f32 v4, v12;
	v5 =	vmul.f32 v48, v45;
	v52 =	vld [tilespmem:$0x127E0]  }
0x714: {  	v3 =	vmul.f32 v3, v2  }
0x715: {  	v54 =	vld [tilespmem:s23+$0x1670];
	v5 =	vadd.f32 v5, v47;
	v1 =	vmul.f32 v4, v1  }
0x716: {  	v55 =	vld [tilespmem:s24+$0x1670];
	v3 =	vmul.f32 v3, v49  }
0x717: {  	v56 =	vld [tilespmem:s25+$0x1670];
	[tilespmem:s23+$0x1660] =	vst v5;
	v1 =	vadd.f32 v1, v50  }
0x718: {  	v57 =	vld [tilespmem:$0x124F0];
	v3 =	vadd.f32 v3, v52  }
0x719: {  	v58 =	vld [tilespmem:$0x127F0];
	[tilespmem:s24+$0x1660] =	vst v1  }
0x71a: {  	v4 =	vsub.f32 v54, v7;
	v59 =	vld [tilespmem:$0x124F0];
	[tilespmem:s25+$0x1660] =	vst v3  }
0x71b: {  	v6 =	vsub.f32 v55, v11;
	v60 =	vld [tilespmem:$0x124F0]  }
0x71c: {  	v0 =	vsub.f32 v56, v0;
	v4 =	vmul.f32 v4, v8;
	v61 =	vld [tilespmem:$0x127F0]  }
0x71d: {  	s0 =	sshll.u32 s21, $0xC;
	s3 =	sshll.u32 s21, $0x3;
	v6 =	vmul.f32 v6, v12;
	v62 =	vld [tilespmem:$0x127F0]  }
0x71e: {  	s0 =	sand.u32 $0x3000, s0;
	s3 =	sand.u32 $0x60, s3;
	v0 =	vmul.f32 v0, v2;
	v4 =	vmul.f32 v4, v57  }
0x71f: {  	s0 =	sor.u32 s0, s3;
	s31 =	sshrl.u32 s28, $0x3;
	v63 =	vmul.f32 v6, v59  }
0x720: {  	p1 =	sne.s32 s22, $0x10;
	s0 =	sor.u32 s7, s0;
	s3 =	smul.u32 $0x6000, s31;
	v1 =	vadd.f32 v4, v58;
	v0 =	vmul.f32 v0, v60  }
.Ltmp3:
0x721: {  	s0 =	sshrl.u32 s0, $0x3;
	v2 =	vadd.f32 v63, v61;
	(pc) =	sbr.rel @p1 .LBB2_2-.Ltmp3, $4  }
0x722: {  	s0 =	smul.u32 $0x300, s0;
	[tilespmem:s23+$0x1670] =	vst v1;
	v0 =	vadd.f32 v0, v62  }
0x723: {  	p0 =	por !p0, !p0;
	s3 =	sshrl.u32 s3, $0x2;
	[tilespmem:s24+$0x1670] =	vst v2  }
0x724: {  	s21 =	smov.u32 s22;
	s0 =	sadd.s32 s6, s0;
	s3 =	sor.u32 $0x200, s3;
	[tilespmem:s25+$0x1670] =	vst v0  }
0x725: {  	v50 =	vmov v43;
	v52 =	vmov v42;
	[hbm4b:s0+s8] =	stream.linear.scatter [tilespmem:s3], [sflag:$0x2], $0x6000, $0x38;
	[tilespmem:$0x12800] =	vst v63  }
0x726: {  	s20 =	sadd.s32 $0x1, s20  }
0x727: {  	_ =	swait.ge [sflag:s19], $0x6000;
	p0 =	sne.s32 s20, s16  }
.Ltmp4:
0x728: {  	[sflag:s19] =	ssyncset.done $0x0;
	(pc) =	sbr.rel @p0 .LBB2_1-.Ltmp4, $4  }
0x729: {  	[sflag:s19] =	ssyncadd.s32 $0xFFFFA000  }
0x72a: {  	_ =	swait.ge [sflag:s19], $0x6000  }
0x72b: {  	[sflag:s19] =	ssyncset.done $0x0  }
0x72c: {  	[sflag:s19] =	ssyncadd.s32 $0xFFFFA000  }
0x72d: {  	_ =	sfence.sel $0x180000  }
0x72e: {  	[bflag:$0x0] =	sbarrier.arrive $0xFFFF  }
0x72f: {  	_ =	strace $0x90000047  }
0x730: {  	s0 =	stileid.u32;
	[bflag:$0x2] =	sbarrier.arrive $0xFFFF  }
0x731: {  	p0 =	sne.s32 s0, $0x0;
	s0 =	rddreg [dreg:$0x6]  }
0x732: {  	s0 =	sadd.s32 @!p0 $0x100000, s0  }
0x733: {  	[sflag:s0] =	ssyncadd.tile.s32 @!p0 $0x1;
	_ =	shalt  }
.Lfunc_end2:
_tile_overlayer_lowered:
.L_overlay_start_2:
0x734: {  	(tag) =	ssettag $0x2  }
0x735: {  	s0 =	rddreg [dreg:$0x0];
	s2 =	stileid.u32  }
0x736: {  	s1 =	rddreg [dreg:$0x1];
	p0 =	sne.s32 s2, $0x0  }
0x737: {  	s3 =	rddreg [dreg:$0x2];
	[bflag:$0x3] =	sbarrier.arrive $0xFFFF;
	s2 =	simm.s32 @!p0 $0x1C03  }
0x738: {  	[timem:s3], [sflag:s2] =	dma.local @!p0 [hbm:s0], s1  }
0x739: {  	s0 =	simm.s32 @!p0 $0x3  }
0x73a: {  	_ =	swait.ge @!p0 [sflag:s0], s1  }
0x73b: {  	s1 =	ssub.s32 @!p0 $0x0, s1;
	[sflag:s0] =	ssyncset.done @!p0 $0x0  }
0x73c: {  	[sflag:s0] =	ssyncadd.s32 @!p0 s1  }
0x73d: {  	[bflag:$0x3] =	sbarrier.arrive $0xFFFF  }
0x73e: {  	_ =	shalt  }

</sc_bundles>
